<compile_context>
chip_gen: v7x
topology: tpu7x:2x2x1
jax: 0.10.2.dev20260603
libtpu: 0.0.44.dev20260713+nightly
codegen_flags: <defaults>
</compile_context>

<pallas_src>
import functools

import jax
import jax.numpy as jnp
from jax import lax
from jax.experimental import pallas as pl
from jax.experimental.pallas import tpu as pltpu
from jax.experimental.pallas import tpu_sc as plsc

VOCAB = 49408
SEQ = 77
DIM = 768
BATCH = 1024
LANES = 16

NC = 2
NS = 16
NW = NC * NS
ROWS = BATCH * SEQ
RPW = ROWS // NW
CH = 16
NCH = RPW // CH
NBUF = 3
CVEC = DIM // LANES


def _body(table_hbm, idx_hbm, pos_hbm, out_hbm,
          idx_v, pos_v, buf0, buf1, buf2,
          gs0, gs1, gs2, ws0, ws1, ws2):
    bufs = [buf0, buf1, buf2]
    gsems = [gs0, gs1, gs2]
    wsems = [ws0, ws1, ws2]

    wid = lax.axis_index("s") * NC + lax.axis_index("c")
    base = wid * RPW

    pltpu.sync_copy(idx_hbm.at[wid], idx_v)
    pltpu.sync_copy(pos_hbm, pos_v)

    pltpu.async_copy(table_hbm.at[idx_v.at[0]], buf0, gs0)
    pltpu.async_copy(table_hbm.at[idx_v.at[1]], buf1, gs1)

    def step(g, b):
        buf, gsem, wsem = bufs[b], gsems[b], wsems[b]
        pltpu.make_async_copy(table_hbm.at[idx_v.at[g]], buf, gsem).wait()

        def row_body(r, carry):
            pr = lax.rem(g * CH + r, SEQ)
            for c in range(CVEC):
                sl = pl.ds(c * LANES, LANES)
                buf[r, sl] = buf[r, sl] + pos_v[pr, sl]
            return carry

        lax.fori_loop(0, CH, row_body, 0)

        out_ref = out_hbm.at[pl.ds(base + g * CH, CH)]
        pltpu.async_copy(buf, out_ref, wsem)

        bn = (b + 2) % NBUF
        gp = g - 1

        @pl.when(g >= 1)
        def _():
            prev_out = out_hbm.at[pl.ds(base + gp * CH, CH)]
            pltpu.make_async_copy(bufs[bn], prev_out, wsems[bn]).wait()

        @pl.when(g + 2 <= NCH - 1)
        def _():
            gn = jnp.minimum(g + 2, NCH - 1)
            pltpu.async_copy(table_hbm.at[idx_v.at[gn]], bufs[bn], gsems[bn])

    def outer(t, carry):
        for b in range(NBUF):
            step(t * NBUF + b, b)
        return carry

    lax.fori_loop(0, NCH // NBUF, outer, 0)
    step(jnp.int32(NCH - 1), (NCH - 1) % NBUF)

    gl = NCH - 1
    last_out = out_hbm.at[pl.ds(base + gl * CH, CH)]
    pltpu.make_async_copy(bufs[gl % NBUF], last_out, wsems[gl % NBUF]).wait()


@functools.partial(jax.jit, donate_argnums=())
def _run(table, idx, pos):
    mesh = plsc.VectorSubcoreMesh(core_axis_name="c", subcore_axis_name="s")
    f = pl.kernel(
        _body,
        out_type=jax.ShapeDtypeStruct((ROWS, DIM), jnp.float32),
        mesh=mesh,
        scratch_types=[
            pltpu.VMEM((NCH, CH), jnp.int32),
            pltpu.VMEM((SEQ, DIM), jnp.float32),
            pltpu.VMEM((CH, DIM), jnp.float32),
            pltpu.VMEM((CH, DIM), jnp.float32),
            pltpu.VMEM((CH, DIM), jnp.float32),
            pltpu.SemaphoreType.DMA,
            pltpu.SemaphoreType.DMA,
            pltpu.SemaphoreType.DMA,
            pltpu.SemaphoreType.DMA,
            pltpu.SemaphoreType.DMA,
            pltpu.SemaphoreType.DMA,
        ],
    )
    return f(table, idx, pos)


def kernel(input, embed_table, pos_table):
    idx = jnp.reshape(input.astype(jnp.int32), (NW, NCH, CH))
    out = _run(embed_table, idx, pos_table)
    return jnp.reshape(out, (BATCH, SEQ, DIM))

# --- scband reference (transcript-rebuilt; emitter-appended) ---
"""Pipeline reference for scband-text-embedding-12197707121128 (READ-ONLY COPY).

The authoritative reference and input builder live on the scoring server;
editing this copy changes nothing except your own understanding.
"""

import jax, jax.numpy as jnp
import numpy as np

VOCAB = 49408
SEQ = 77
DIM = 768

def setup_inputs(seed: int = 0) -> dict:
    key = jax.random.key(seed)
    k1, k2, k3 = jax.random.split(key, 3)
    input = jax.random.randint(k1, (1024, SEQ), 0, VOCAB, dtype=jnp.int64 if jax.config.jax_enable_x64 else jnp.int32)
    embed_table = jax.random.normal(k2, (VOCAB, DIM), dtype=jnp.float32) * 0.02
    pos_table = jax.random.normal(k3, (SEQ, DIM), dtype=jnp.float32) * 0.02
    return {"input": input, "embed_table": embed_table, "pos_table": pos_table}

def reference(input, embed_table, pos_table):
    # token embedding lookup: gather rows
    embed = jnp.take(embed_table, input, axis=0)           # [B, 77, 768]
    pos_ids = jnp.arange(SEQ)[None, :]                     # [1, 77]
    pos_embed = jnp.take(pos_table, pos_ids, axis=0)       # [1, 77, 768]
    return embed + pos_embed

if __name__ == "__main__":
    import jax
    _d = setup_inputs()
    print(jax.jit(kernel)(*tuple(_d.values())))

</pallas_src>

<mosaic_0001>
#map = affine_map<(d0, d1) -> (0, 0)>
#map1 = affine_map<(d0, d1) -> (0, 0, 0)>
module attributes {stable_mosaic.version = 14 : i64} {
  func.func @_body(%arg0: i32, %arg1: i32, %arg2: memref<49408x768xf32, #tpu.memory_space<hbm>>, %arg3: memref<32x154x16xi32, #tpu.memory_space<hbm>>, %arg4: memref<77x768xf32, #tpu.memory_space<hbm>>, %arg5: memref<78848x768xf32, #tpu.memory_space<hbm>>, %arg6: memref<154x16xi32, #tpu.memory_space<vmem>>, %arg7: memref<77x768xf32, #tpu.memory_space<vmem>>, %arg8: memref<16x768xf32, #tpu.memory_space<vmem>>, %arg9: memref<16x768xf32, #tpu.memory_space<vmem>>, %arg10: memref<16x768xf32, #tpu.memory_space<vmem>>, %arg11: memref<!tpu.dma_semaphore, #tpu.memory_space<semaphore_mem>>, %arg12: memref<!tpu.dma_semaphore, #tpu.memory_space<semaphore_mem>>, %arg13: memref<!tpu.dma_semaphore, #tpu.memory_space<semaphore_mem>>, %arg14: memref<!tpu.dma_semaphore, #tpu.memory_space<semaphore_mem>>, %arg15: memref<!tpu.dma_semaphore, #tpu.memory_space<semaphore_mem>>, %arg16: memref<!tpu.dma_semaphore, #tpu.memory_space<semaphore_mem>>) attributes {dimension_semantics = [#tpu.dimension_semantics<core_parallel>, #tpu.dimension_semantics<subcore_parallel>], iteration_bounds = array<i64: 2, 16>, scalar_prefetch = 0 : i64, scratch_operands = 11 : i64, tpu.core_type = #tpu.core_type<sc_vector_subcore>, window_params = [{transform_indices = #map}, {transform_indices = #map1}, {transform_indices = #map}, {transform_indices = #map}]} {
    %mul3A = arith.constant 2 : i32
    %mul3A_0 = arith.muli %arg1, %mul3A : i32
    %add3A = arith.addi %mul3A_0, %arg0 : i32
    %mul3A_1 = arith.constant 2464 : i32
    %mul3A_2 = arith.muli %add3A, %mul3A_1 : i32
    "tpu.region"() ({
      %run_scoped3A = tpu.sem_alloc : memref<!tpu.dma_semaphore, #tpu.memory_space<semaphore_mem>>
      %dma_start3A_61 = arith.constant 0 : i32
      %dma_start3A_62 = arith.constant 0 : i32
      %dma_start3A_63 = tpu.memref_slice %arg3[%add3A, %dma_start3A_61, %dma_start3A_62] : memref<32x154x16xi32, #tpu.memory_space<hbm>> -> memref<1x154x16xi32, #tpu.memory_space<hbm>>
      %dma_start3A_64 = tpu.memref_squeeze %dma_start3A_63 : memref<1x154x16xi32, #tpu.memory_space<hbm>> -> memref<154x16xi32, #tpu.memory_space<hbm>>
      %dma_start3A_65 = arith.constant 0 : i32
      %dma_start3A_66 = arith.constant 0 : i32
      %dma_start3A_67 = tpu.memref_slice %arg3[%add3A, %dma_start3A_65, %dma_start3A_66] : memref<32x154x16xi32, #tpu.memory_space<hbm>> -> memref<1x154x16xi32, #tpu.memory_space<hbm>>
      %dma_start3A_68 = tpu.memref_squeeze %dma_start3A_67 : memref<1x154x16xi32, #tpu.memory_space<hbm>> -> memref<154x16xi32, #tpu.memory_space<hbm>>
      tpu.enqueue_dma source(%dma_start3A_68 : memref<154x16xi32, #tpu.memory_space<hbm>>) target(%arg6 : memref<154x16xi32, #tpu.memory_space<vmem>>) target_semaphore(%run_scoped3A : memref<!tpu.dma_semaphore, #tpu.memory_space<semaphore_mem>>)
      %dma_wait3A_69 = arith.constant 0 : i32
      %dma_wait3A_70 = arith.constant 0 : i32
      %dma_wait3A_71 = tpu.memref_slice %arg3[%add3A, %dma_wait3A_69, %dma_wait3A_70] : memref<32x154x16xi32, #tpu.memory_space<hbm>> -> memref<1x154x16xi32, #tpu.memory_space<hbm>>
      %dma_wait3A_72 = tpu.memref_squeeze %dma_wait3A_71 : memref<1x154x16xi32, #tpu.memory_space<hbm>> -> memref<154x16xi32, #tpu.memory_space<hbm>>
      %dma_wait3A_73 = arith.constant 0 : i32
      %dma_wait3A_74 = arith.constant 0 : i32
      %dma_wait3A_75 = tpu.memref_slice %arg3[%add3A, %dma_wait3A_73, %dma_wait3A_74] : memref<32x154x16xi32, #tpu.memory_space<hbm>> -> memref<1x154x16xi32, #tpu.memory_space<hbm>>
      %dma_wait3A_76 = tpu.memref_squeeze %dma_wait3A_75 : memref<1x154x16xi32, #tpu.memory_space<hbm>> -> memref<154x16xi32, #tpu.memory_space<hbm>>
      tpu.wait_dma2 semaphore(%run_scoped3A : memref<!tpu.dma_semaphore, #tpu.memory_space<semaphore_mem>>) src(%dma_wait3A_76 : memref<154x16xi32, #tpu.memory_space<hbm>>) dst(%arg6 : memref<154x16xi32, #tpu.memory_space<vmem>>)
      tpu.yield
    }) : () -> ()
    "tpu.region"() ({
      %run_scoped3A = tpu.sem_alloc : memref<!tpu.dma_semaphore, #tpu.memory_space<semaphore_mem>>
      tpu.enqueue_dma source(%arg4 : memref<77x768xf32, #tpu.memory_space<hbm>>) target(%arg7 : memref<77x768xf32, #tpu.memory_space<vmem>>) target_semaphore(%run_scoped3A : memref<!tpu.dma_semaphore, #tpu.memory_space<semaphore_mem>>)
      tpu.wait_dma2 semaphore(%run_scoped3A : memref<!tpu.dma_semaphore, #tpu.memory_space<semaphore_mem>>) src(%arg4 : memref<77x768xf32, #tpu.memory_space<hbm>>) dst(%arg7 : memref<77x768xf32, #tpu.memory_space<vmem>>)
      tpu.yield
    }) : () -> ()
    %dma_start3A = arith.constant 0 : i32
    %dma_start3A_3 = arith.constant 0 : i32
    %dma_start3A_4 = tpu.memref_slice %arg6[%dma_start3A, %dma_start3A_3] : memref<154x16xi32, #tpu.memory_space<vmem>> -> memref<1x16xi32, #tpu.memory_space<vmem>>
    %dma_start3A_5 = tpu.memref_squeeze %dma_start3A_4 : memref<1x16xi32, #tpu.memory_space<vmem>> -> memref<16xi32, #tpu.memory_space<vmem>>
    %dma_start3A_6 = arith.constant 0 : i32
    %dma_start3A_7 = arith.constant 0 : i32
    %dma_start3A_8 = tpu.memref_slice %arg2[%dma_start3A_6, %dma_start3A_7] : memref<49408x768xf32, #tpu.memory_space<hbm>> -> memref<49408x768xf32, #tpu.memory_space<hbm>>
    tpu.enqueue_indirect_dma source(%dma_start3A_8 : memref<49408x768xf32, #tpu.memory_space<hbm>>) target(%arg8 : memref<16x768xf32, #tpu.memory_space<vmem>>) offsets(%dma_start3A_5 : memref<16xi32, #tpu.memory_space<vmem>>) semaphore(%arg11 : memref<!tpu.dma_semaphore, #tpu.memory_space<semaphore_mem>>)
    %dma_start3A_9 = arith.constant 1 : i32
    %dma_start3A_10 = arith.constant 0 : i32
    %dma_start3A_11 = tpu.memref_slice %arg6[%dma_start3A_9, %dma_start3A_10] : memref<154x16xi32, #tpu.memory_space<vmem>> -> memref<1x16xi32, #tpu.memory_space<vmem>>
    %dma_start3A_12 = tpu.memref_squeeze %dma_start3A_11 : memref<1x16xi32, #tpu.memory_space<vmem>> -> memref<16xi32, #tpu.memory_space<vmem>>
    %dma_start3A_13 = arith.constant 0 : i32
    %dma_start3A_14 = arith.constant 0 : i32
    %dma_start3A_15 = tpu.memref_slice %arg2[%dma_start3A_13, %dma_start3A_14] : memref<49408x768xf32, #tpu.memory_space<hbm>> -> memref<49408x768xf32, #tpu.memory_space<hbm>>
    tpu.enqueue_indirect_dma source(%dma_start3A_15 : memref<49408x768xf32, #tpu.memory_space<hbm>>) target(%arg9 : memref<16x768xf32, #tpu.memory_space<vmem>>) offsets(%dma_start3A_12 : memref<16xi32, #tpu.memory_space<vmem>>) semaphore(%arg12 : memref<!tpu.dma_semaphore, #tpu.memory_space<semaphore_mem>>)
    %scan3A = arith.constant 0 : i32
    %scan3A_16 = arith.constant 0 : i32
    %scan3A_17 = arith.constant 51 : i32
    %scan3A_18 = arith.addi %scan3A_16, %scan3A_17 : i32
    %scan3A_19 = arith.constant 1 : i32
    scf.for %scan3A_61 = %scan3A_16 to %scan3A_18 step %scan3A_19  : i32 {
      %mul3A_62 = arith.constant 3 : i32
      %mul3A_63 = arith.muli %scan3A_61, %mul3A_62 : i32
      %add3A_64 = arith.constant 0 : i32
      %add3A_65 = arith.addi %mul3A_63, %add3A_64 : i32
      %dma_wait3A_66 = arith.constant 0 : i32
      %dma_wait3A_67 = tpu.memref_slice %arg6[%add3A_65, %dma_wait3A_66] : memref<154x16xi32, #tpu.memory_space<vmem>> -> memref<1x16xi32, #tpu.memory_space<vmem>>
      %dma_wait3A_68 = tpu.memref_squeeze %dma_wait3A_67 : memref<1x16xi32, #tpu.memory_space<vmem>> -> memref<16xi32, #tpu.memory_space<vmem>>
      %dma_wait3A_69 = arith.constant 0 : i32
      %dma_wait3A_70 = arith.constant 0 : i32
      %dma_wait3A_71 = tpu.memref_slice %arg2[%dma_wait3A_69, %dma_wait3A_70] : memref<49408x768xf32, #tpu.memory_space<hbm>> -> memref<49408x768xf32, #tpu.memory_space<hbm>>
      tpu.wait_indirect_dma semaphore(%arg11 : memref<!tpu.dma_semaphore, #tpu.memory_space<semaphore_mem>>) src(%dma_wait3A_71 : memref<49408x768xf32, #tpu.memory_space<hbm>>) dst(%arg8 : memref<16x768xf32, #tpu.memory_space<vmem>>)
      %scan3A_72 = arith.constant 0 : i32
      %scan3A_73 = arith.constant 0 : i32
      %scan3A_74 = arith.constant 16 : i32
      %scan3A_75 = arith.addi %scan3A_73, %scan3A_74 : i32
      %scan3A_76 = arith.constant 1 : i32
      scf.for %scan3A_173 = %scan3A_73 to %scan3A_75 step %scan3A_76  : i32 {
        %mul3A_174 = arith.constant 16 : i32
        %mul3A_175 = arith.muli %add3A_65, %mul3A_174 : i32
        %add3A_176 = arith.addi %mul3A_175, %scan3A_173 : i32
        %rem3A = arith.constant 77 : i32
        %rem3A_177 = arith.remsi %add3A_176, %rem3A : i32
        %get3A = arith.index_cast %scan3A_173 : i32 to index
        %get3A_178 = arith.constant 0 : index
        %get3A_179 = tpu.vector_load %arg8[%get3A, %get3A_178] {strides = array<i32>} : memref<16x768xf32, #tpu.memory_space<vmem>>, vector<1x16xf32>,
        %get3A_180 = vector.shape_cast %get3A_179 : vector<1x16xf32> to vector<16xf32>
        %get3A_181 = arith.index_cast %rem3A_177 : i32 to index
        %get3A_182 = arith.constant 0 : index
        %get3A_183 = tpu.vector_load %arg7[%get3A_181, %get3A_182] {strides = array<i32>} : memref<77x768xf32, #tpu.memory_space<vmem>>, vector<1x16xf32>,
        %get3A_184 = vector.shape_cast %get3A_183 : vector<1x16xf32> to vector<16xf32>
        %add3A_185 = arith.addf %get3A_180, %get3A_184 : vector<16xf32>
        %swap3A = arith.index_cast %scan3A_173 : i32 to index
        %swap3A_186 = arith.constant 0 : index
        %swap3A_187 = tpu.vector_load %arg8[%swap3A, %swap3A_186] {strides = array<i32>} : memref<16x768xf32, #tpu.memory_space<vmem>>, vector<1x16xf32>,
        %swap3A_188 = vector.shape_cast %swap3A_187 : vector<1x16xf32> to vector<16xf32>
        %swap3A_189 = vector.shape_cast %add3A_185 : vector<16xf32> to vector<1x16xf32>
        tpu.vector_store %arg8[%swap3A, %swap3A_186], %swap3A_189 {strides = array<i32>} : memref<16x768xf32, #tpu.memory_space<vmem>>, vector<1x16xf32>,
        %get3A_190 = arith.index_cast %scan3A_173 : i32 to index
        %get3A_191 = arith.constant 16 : index
        %get3A_192 = tpu.vector_load %arg8[%get3A_190, %get3A_191] {strides = array<i32>} : memref<16x768xf32, #tpu.memory_space<vmem>>, vector<1x16xf32>,
        %get3A_193 = vector.shape_cast %get3A_192 : vector<1x16xf32> to vector<16xf32>
        %get3A_194 = arith.index_cast %rem3A_177 : i32 to index
        %get3A_195 = arith.constant 16 : index
        %get3A_196 = tpu.vector_load %arg7[%get3A_194, %get3A_195] {strides = array<i32>} : memref<77x768xf32, #tpu.memory_space<vmem>>, vector<1x16xf32>,
        %get3A_197 = vector.shape_cast %get3A_196 : vector<1x16xf32> to vector<16xf32>
        %add3A_198 = arith.addf %get3A_193, %get3A_197 : vector<16xf32>
        %swap3A_199 = arith.index_cast %scan3A_173 : i32 to index
        %swap3A_200 = arith.constant 16 : index
        %swap3A_201 = tpu.vector_load %arg8[%swap3A_199, %swap3A_200] {strides = array<i32>} : memref<16x768xf32, #tpu.memory_space<vmem>>, vector<1x16xf32>,
        %swap3A_202 = vector.shape_cast %swap3A_201 : vector<1x16xf32> to vector<16xf32>
        %swap3A_203 = vector.shape_cast %add3A_198 : vector<16xf32> to vector<1x16xf32>
        tpu.vector_store %arg8[%swap3A_199, %swap3A_200], %swap3A_203 {strides = array<i32>} : memref<16x768xf32, #tpu.memory_space<vmem>>, vector<1x16xf32>,
        %get3A_204 = arith.index_cast %scan3A_173 : i32 to index
        %get3A_205 = arith.constant 32 : index
        %get3A_206 = tpu.vector_load %arg8[%get3A_204, %get3A_205] {strides = array<i32>} : memref<16x768xf32, #tpu.memory_space<vmem>>, vector<1x16xf32>,
        %get3A_207 = vector.shape_cast %get3A_206 : vector<1x16xf32> to vector<16xf32>
        %get3A_208 = arith.index_cast %rem3A_177 : i32 to index
        %get3A_209 = arith.constant 32 : index
        %get3A_210 = tpu.vector_load %arg7[%get3A_208, %get3A_209] {strides = array<i32>} : memref<77x768xf32, #tpu.memory_space<vmem>>, vector<1x16xf32>,
        %get3A_211 = vector.shape_cast %get3A_210 : vector<1x16xf32> to vector<16xf32>
        %add3A_212 = arith.addf %get3A_207, %get3A_211 : vector<16xf32>
        %swap3A_213 = arith.index_cast %scan3A_173 : i32 to index
        %swap3A_214 = arith.constant 32 : index
        %swap3A_215 = tpu.vector_load %arg8[%swap3A_213, %swap3A_214] {strides = array<i32>} : memref<16x768xf32, #tpu.memory_space<vmem>>, vector<1x16xf32>,
        %swap3A_216 = vector.shape_cast %swap3A_215 : vector<1x16xf32> to vector<16xf32>
        %swap3A_217 = vector.shape_cast %add3A_212 : vector<16xf32> to vector<1x16xf32>
        tpu.vector_store %arg8[%swap3A_213, %swap3A_214], %swap3A_217 {strides = array<i32>} : memref<16x768xf32, #tpu.memory_space<vmem>>, vector<1x16xf32>,
        %get3A_218 = arith.index_cast %scan3A_173 : i32 to index
        %get3A_219 = arith.constant 48 : index
        %get3A_220 = tpu.vector_load %arg8[%get3A_218, %get3A_219] {strides = array<i32>} : memref<16x768xf32, #tpu.memory_space<vmem>>, vector<1x16xf32>,
        %get3A_221 = vector.shape_cast %get3A_220 : vector<1x16xf32> to vector<16xf32>
        %get3A_222 = arith.index_cast %rem3A_177 : i32 to index
        %get3A_223 = arith.constant 48 : index
        %get3A_224 = tpu.vector_load %arg7[%get3A_222, %get3A_223] {strides = array<i32>} : memref<77x768xf32, #tpu.memory_space<vmem>>, vector<1x16xf32>,
        %get3A_225 = vector.shape_cast %get3A_224 : vector<1x16xf32> to vector<16xf32>
        %add3A_226 = arith.addf %get3A_221, %get3A_225 : vector<16xf32>
        %swap3A_227 = arith.index_cast %scan3A_173 : i32 to index
        %swap3A_228 = arith.constant 48 : index
        %swap3A_229 = tpu.vector_load %arg8[%swap3A_227, %swap3A_228] {strides = array<i32>} : memref<16x768xf32, #tpu.memory_space<vmem>>, vector<1x16xf32>,
        %swap3A_230 = vector.shape_cast %swap3A_229 : vector<1x16xf32> to vector<16xf32>
        %swap3A_231 = vector.shape_cast %add3A_226 : vector<16xf32> to vector<1x16xf32>
        tpu.vector_store %arg8[%swap3A_227, %swap3A_228], %swap3A_231 {strides = array<i32>} : memref<16x768xf32, #tpu.memory_space<vmem>>, vector<1x16xf32>,
        %get3A_232 = arith.index_cast %scan3A_173 : i32 to index
        %get3A_233 = arith.constant 64 : index
        %get3A_234 = tpu.vector_load %arg8[%get3A_232, %get3A_233] {strides = array<i32>} : memref<16x768xf32, #tpu.memory_space<vmem>>, vector<1x16xf32>,
        %get3A_235 = vector.shape_cast %get3A_234 : vector<1x16xf32> to vector<16xf32>
        %get3A_236 = arith.index_cast %rem3A_177 : i32 to index
        %get3A_237 = arith.constant 64 : index
        %get3A_238 = tpu.vector_load %arg7[%get3A_236, %get3A_237] {strides = array<i32>} : memref<77x768xf32, #tpu.memory_space<vmem>>, vector<1x16xf32>,
        %get3A_239 = vector.shape_cast %get3A_238 : vector<1x16xf32> to vector<16xf32>
        %add3A_240 = arith.addf %get3A_235, %get3A_239 : vector<16xf32>
        %swap3A_241 = arith.index_cast %scan3A_173 : i32 to index
        %swap3A_242 = arith.constant 64 : index
        %swap3A_243 = tpu.vector_load %arg8[%swap3A_241, %swap3A_242] {strides = array<i32>} : memref<16x768xf32, #tpu.memory_space<vmem>>, vector<1x16xf32>,
        %swap3A_244 = vector.shape_cast %swap3A_243 : vector<1x16xf32> to vector<16xf32>
        %swap3A_245 = vector.shape_cast %add3A_240 : vector<16xf32> to vector<1x16xf32>
        tpu.vector_store %arg8[%swap3A_241, %swap3A_242], %swap3A_245 {strides = array<i32>} : memref<16x768xf32, #tpu.memory_space<vmem>>, vector<1x16xf32>,
        %get3A_246 = arith.index_cast %scan3A_173 : i32 to index
        %get3A_247 = arith.constant 80 : index
        %get3A_248 = tpu.vector_load %arg8[%get3A_246, %get3A_247] {strides = array<i32>} : memref<16x768xf32, #tpu.memory_space<vmem>>, vector<1x16xf32>,
        %get3A_249 = vector.shape_cast %get3A_248 : vector<1x16xf32> to vector<16xf32>
        %get3A_250 = arith.index_cast %rem3A_177 : i32 to index
        %get3A_251 = arith.constant 80 : index
        %get3A_252 = tpu.vector_load %arg7[%get3A_250, %get3A_251] {strides = array<i32>} : memref<77x768xf32, #tpu.memory_space<vmem>>, vector<1x16xf32>,
        %get3A_253 = vector.shape_cast %get3A_252 : vector<1x16xf32> to vector<16xf32>
        %add3A_254 = arith.addf %get3A_249, %get3A_253 : vector<16xf32>
        %swap3A_255 = arith.index_cast %scan3A_173 : i32 to index
        %swap3A_256 = arith.constant 80 : index
        %swap3A_257 = tpu.vector_load %arg8[%swap3A_255, %swap3A_256] {strides = array<i32>} : memref<16x768xf32, #tpu.memory_space<vmem>>, vector<1x16xf32>,
        %swap3A_258 = vector.shape_cast %swap3A_257 : vector<1x16xf32> to vector<16xf32>
        %swap3A_259 = vector.shape_cast %add3A_254 : vector<16xf32> to vector<1x16xf32>
        tpu.vector_store %arg8[%swap3A_255, %swap3A_256], %swap3A_259 {strides = array<i32>} : memref<16x768xf32, #tpu.memory_space<vmem>>, vector<1x16xf32>,
        %get3A_260 = arith.index_cast %scan3A_173 : i32 to index
        %get3A_261 = arith.constant 96 : index
        %get3A_262 = tpu.vector_load %arg8[%get3A_260, %get3A_261] {strides = array<i32>} : memref<16x768xf32, #tpu.memory_space<vmem>>, vector<1x16xf32>,
        %get3A_263 = vector.shape_cast %get3A_262 : vector<1x16xf32> to vector<16xf32>
        %get3A_264 = arith.index_cast %rem3A_177 : i32 to index
        %get3A_265 = arith.constant 96 : index
        %get3A_266 = tpu.vector_load %arg7[%get3A_264, %get3A_265] {strides = array<i32>} : memref<77x768xf32, #tpu.memory_space<vmem>>, vector<1x16xf32>,
        %get3A_267 = vector.shape_cast %get3A_266 : vector<1x16xf32> to vector<16xf32>
        %add3A_268 = arith.addf %get3A_263, %get3A_267 : vector<16xf32>
        %swap3A_269 = arith.index_cast %scan3A_173 : i32 to index
        %swap3A_270 = arith.constant 96 : index
        %swap3A_271 = tpu.vector_load %arg8[%swap3A_269, %swap3A_270] {strides = array<i32>} : memref<16x768xf32, #tpu.memory_space<vmem>>, vector<1x16xf32>,
        %swap3A_272 = vector.shape_cast %swap3A_271 : vector<1x16xf32> to vector<16xf32>
        %swap3A_273 = vector.shape_cast %add3A_268 : vector<16xf32> to vector<1x16xf32>
        tpu.vector_store %arg8[%swap3A_269, %swap3A_270], %swap3A_273 {strides = array<i32>} : memref<16x768xf32, #tpu.memory_space<vmem>>, vector<1x16xf32>,
        %get3A_274 = arith.index_cast %scan3A_173 : i32 to index
        %get3A_275 = arith.constant 112 : index
        %get3A_276 = tpu.vector_load %arg8[%get3A_274, %get3A_275] {strides = array<i32>} : memref<16x768xf32, #tpu.memory_space<vmem>>, vector<1x16xf32>,
        %get3A_277 = vector.shape_cast %get3A_276 : vector<1x16xf32> to vector<16xf32>
        %get3A_278 = arith.index_cast %rem3A_177 : i32 to index
        %get3A_279 = arith.constant 112 : index
        %get3A_280 = tpu.vector_load %arg7[%get3A_278, %get3A_279] {strides = array<i32>} : memref<77x768xf32, #tpu.memory_space<vmem>>, vector<1x16xf32>,
        %get3A_281 = vector.shape_cast %get3A_280 : vector<1x16xf32> to vector<16xf32>
        %add3A_282 = arith.addf %get3A_277, %get3A_281 : vector<16xf32>
        %swap3A_283 = arith.index_cast %scan3A_173 : i32 to index
        %swap3A_284 = arith.constant 112 : index
        %swap3A_285 = tpu.vector_load %arg8[%swap3A_283, %swap3A_284] {strides = array<i32>} : memref<16x768xf32, #tpu.memory_space<vmem>>, vector<1x16xf32>,
        %swap3A_286 = vector.shape_cast %swap3A_285 : vector<1x16xf32> to vector<16xf32>
        %swap3A_287 = vector.shape_cast %add3A_282 : vector<16xf32> to vector<1x16xf32>
        tpu.vector_store %arg8[%swap3A_283, %swap3A_284], %swap3A_287 {strides = array<i32>} : memref<16x768xf32, #tpu.memory_space<vmem>>, vector<1x16xf32>,
        %get3A_288 = arith.index_cast %scan3A_173 : i32 to index
        %get3A_289 = arith.constant 128 : index
        %get3A_290 = tpu.vector_load %arg8[%get3A_288, %get3A_289] {strides = array<i32>} : memref<16x768xf32, #tpu.memory_space<vmem>>, vector<1x16xf32>,
        %get3A_291 = vector.shape_cast %get3A_290 : vector<1x16xf32> to vector<16xf32>
        %get3A_292 = arith.index_cast %rem3A_177 : i32 to index
        %get3A_293 = arith.constant 128 : index
        %get3A_294 = tpu.vector_load %arg7[%get3A_292, %get3A_293] {strides = array<i32>} : memref<77x768xf32, #tpu.memory_space<vmem>>, vector<1x16xf32>,
        %get3A_295 = vector.shape_cast %get3A_294 : vector<1x16xf32> to vector<16xf32>
        %add3A_296 = arith.addf %get3A_291, %get3A_295 : vector<16xf32>
        %swap3A_297 = arith.index_cast %scan3A_173 : i32 to index
        %swap3A_298 = arith.constant 128 : index
        %swap3A_299 = tpu.vector_load %arg8[%swap3A_297, %swap3A_298] {strides = array<i32>} : memref<16x768xf32, #tpu.memory_space<vmem>>, vector<1x16xf32>,
        %swap3A_300 = vector.shape_cast %swap3A_299 : vector<1x16xf32> to vector<16xf32>
        %swap3A_301 = vector.shape_cast %add3A_296 : vector<16xf32> to vector<1x16xf32>
        tpu.vector_store %arg8[%swap3A_297, %swap3A_298], %swap3A_301 {strides = array<i32>} : memref<16x768xf32, #tpu.memory_space<vmem>>, vector<1x16xf32>,
        %get3A_302 = arith.index_cast %scan3A_173 : i32 to index
        %get3A_303 = arith.constant 144 : index
        %get3A_304 = tpu.vector_load %arg8[%get3A_302, %get3A_303] {strides = array<i32>} : memref<16x768xf32, #tpu.memory_space<vmem>>, vector<1x16xf32>,
        %get3A_305 = vector.shape_cast %get3A_304 : vector<1x16xf32> to vector<16xf32>
        %get3A_306 = arith.index_cast %rem3A_177 : i32 to index
        %get3A_307 = arith.constant 144 : index
        %get3A_308 = tpu.vector_load %arg7[%get3A_306, %get3A_307] {strides = array<i32>} : memref<77x768xf32, #tpu.memory_space<vmem>>, vector<1x16xf32>,
        %get3A_309 = vector.shape_cast %get3A_308 : vector<1x16xf32> to vector<16xf32>
        %add3A_310 = arith.addf %get3A_305, %get3A_309 : vector<16xf32>
        %swap3A_311 = arith.index_cast %scan3A_173 : i32 to index
        %swap3A_312 = arith.constant 144 : index
        %swap3A_313 = tpu.vector_load %arg8[%swap3A_311, %swap3A_312] {strides = array<i32>} : memref<16x768xf32, #tpu.memory_space<vmem>>, vector<1x16xf32>,
        %swap3A_314 = vector.shape_cast %swap3A_313 : vector<1x16xf32> to vector<16xf32>
        %swap3A_315 = vector.shape_cast %add3A_310 : vector<16xf32> to vector<1x16xf32>
        tpu.vector_store %arg8[%swap3A_311, %swap3A_312], %swap3A_315 {strides = array<i32>} : memref<16x768xf32, #tpu.memory_space<vmem>>, vector<1x16xf32>,
        %get3A_316 = arith.index_cast %scan3A_173 : i32 to index
        %get3A_317 = arith.constant 160 : index
        %get3A_318 = tpu.vector_load %arg8[%get3A_316, %get3A_317] {strides = array<i32>} : memref<16x768xf32, #tpu.memory_space<vmem>>, vector<1x16xf32>,
        %get3A_319 = vector.shape_cast %get3A_318 : vector<1x16xf32> to vector<16xf32>
        %get3A_320 = arith.index_cast %rem3A_177 : i32 to index
        %get3A_321 = arith.constant 160 : index
        %get3A_322 = tpu.vector_load %arg7[%get3A_320, %get3A_321] {strides = array<i32>} : memref<77x768xf32, #tpu.memory_space<vmem>>, vector<1x16xf32>,
        %get3A_323 = vector.shape_cast %get3A_322 : vector<1x16xf32> to vector<16xf32>
        %add3A_324 = arith.addf %get3A_319, %get3A_323 : vector<16xf32>
        %swap3A_325 = arith.index_cast %scan3A_173 : i32 to index
        %swap3A_326 = arith.constant 160 : index
        %swap3A_327 = tpu.vector_load %arg8[%swap3A_325, %swap3A_326] {strides = array<i32>} : memref<16x768xf32, #tpu.memory_space<vmem>>, vector<1x16xf32>,
        %swap3A_328 = vector.shape_cast %swap3A_327 : vector<1x16xf32> to vector<16xf32>
        %swap3A_329 = vector.shape_cast %add3A_324 : vector<16xf32> to vector<1x16xf32>
        tpu.vector_store %arg8[%swap3A_325, %swap3A_326], %swap3A_329 {strides = array<i32>} : memref<16x768xf32, #tpu.memory_space<vmem>>, vector<1x16xf32>,
        %get3A_330 = arith.index_cast %scan3A_173 : i32 to index
        %get3A_331 = arith.constant 176 : index
        %get3A_332 = tpu.vector_load %arg8[%get3A_330, %get3A_331] {strides = array<i32>} : memref<16x768xf32, #tpu.memory_space<vmem>>, vector<1x16xf32>,
        %get3A_333 = vector.shape_cast %get3A_332 : vector<1x16xf32> to vector<16xf32>
        %get3A_334 = arith.index_cast %rem3A_177 : i32 to index
        %get3A_335 = arith.constant 176 : index
        %get3A_336 = tpu.vector_load %arg7[%get3A_334, %get3A_335] {strides = array<i32>} : memref<77x768xf32, #tpu.memory_space<vmem>>, vector<1x16xf32>,
        %get3A_337 = vector.shape_cast %get3A_336 : vector<1x16xf32> to vector<16xf32>
        %add3A_338 = arith.addf %get3A_333, %get3A_337 : vector<16xf32>
        %swap3A_339 = arith.index_cast %scan3A_173 : i32 to index
        %swap3A_340 = arith.constant 176 : index
        %swap3A_341 = tpu.vector_load %arg8[%swap3A_339, %swap3A_340] {strides = array<i32>} : memref<16x768xf32, #tpu.memory_space<vmem>>, vector<1x16xf32>,
        %swap3A_342 = vector.shape_cast %swap3A_341 : vector<1x16xf32> to vector<16xf32>
        %swap3A_343 = vector.shape_cast %add3A_338 : vector<16xf32> to vector<1x16xf32>
        tpu.vector_store %arg8[%swap3A_339, %swap3A_340], %swap3A_343 {strides = array<i32>} : memref<16x768xf32, #tpu.memory_space<vmem>>, vector<1x16xf32>,
        %get3A_344 = arith.index_cast %scan3A_173 : i32 to index
        %get3A_345 = arith.constant 192 : index
        %get3A_346 = tpu.vector_load %arg8[%get3A_344, %get3A_345] {strides = array<i32>} : memref<16x768xf32, #tpu.memory_space<vmem>>, vector<1x16xf32>,
        %get3A_347 = vector.shape_cast %get3A_346 : vector<1x16xf32> to vector<16xf32>
        %get3A_348 = arith.index_cast %rem3A_177 : i32 to index
        %get3A_349 = arith.constant 192 : index
        %get3A_350 = tpu.vector_load %arg7[%get3A_348, %get3A_349] {strides = array<i32>} : memref<77x768xf32, #tpu.memory_space<vmem>>, vector<1x16xf32>,
        %get3A_351 = vector.shape_cast %get3A_350 : vector<1x16xf32> to vector<16xf32>
        %add3A_352 = arith.addf %get3A_347, %get3A_351 : vector<16xf32>
        %swap3A_353 = arith.index_cast %scan3A_173 : i32 to index
        %swap3A_354 = arith.constant 192 : index
        %swap3A_355 = tpu.vector_load %arg8[%swap3A_353, %swap3A_354] {strides = array<i32>} : memref<16x768xf32, #tpu.memory_space<vmem>>, vector<1x16xf32>,
        %swap3A_356 = vector.shape_cast %swap3A_355 : vector<1x16xf32> to vector<16xf32>
        %swap3A_357 = vector.shape_cast %add3A_352 : vector<16xf32> to vector<1x16xf32>
        tpu.vector_store %arg8[%swap3A_353, %swap3A_354], %swap3A_357 {strides = array<i32>} : memref<16x768xf32, #tpu.memory_space<vmem>>, vector<1x16xf32>,
        %get3A_358 = arith.index_cast %scan3A_173 : i32 to index
        %get3A_359 = arith.constant 208 : index
        %get3A_360 = tpu.vector_load %arg8[%get3A_358, %get3A_359] {strides = array<i32>} : memref<16x768xf32, #tpu.memory_space<vmem>>, vector<1x16xf32>,
        %get3A_361 = vector.shape_cast %get3A_360 : vector<1x16xf32> to vector<16xf32>
        %get3A_362 = arith.index_cast %rem3A_177 : i32 to index
        %get3A_363 = arith.constant 208 : index
        %get3A_364 = tpu.vector_load %arg7[%get3A_362, %get3A_363] {strides = array<i32>} : memref<77x768xf32, #tpu.memory_space<vmem>>, vector<1x16xf32>,
        %get3A_365 = vector.shape_cast %get3A_364 : vector<1x16xf32> to vector<16xf32>
        %add3A_366 = arith.addf %get3A_361, %get3A_365 : vector<16xf32>
        %swap3A_367 = arith.index_cast %scan3A_173 : i32 to index
        %swap3A_368 = arith.constant 208 : index
        %swap3A_369 = tpu.vector_load %arg8[%swap3A_367, %swap3A_368] {strides = array<i32>} : memref<16x768xf32, #tpu.memory_space<vmem>>, vector<1x16xf32>,
        %swap3A_370 = vector.shape_cast %swap3A_369 : vector<1x16xf32> to vector<16xf32>
        %swap3A_371 = vector.shape_cast %add3A_366 : vector<16xf32> to vector<1x16xf32>
        tpu.vector_store %arg8[%swap3A_367, %swap3A_368], %swap3A_371 {strides = array<i32>} : memref<16x768xf32, #tpu.memory_space<vmem>>, vector<1x16xf32>,
        %get3A_372 = arith.index_cast %scan3A_173 : i32 to index
        %get3A_373 = arith.constant 224 : index
        %get3A_374 = tpu.vector_load %arg8[%get3A_372, %get3A_373] {strides = array<i32>} : memref<16x768xf32, #tpu.memory_space<vmem>>, vector<1x16xf32>,
        %get3A_375 = vector.shape_cast %get3A_374 : vector<1x16xf32> to vector<16xf32>
        %get3A_376 = arith.index_cast %rem3A_177 : i32 to index
        %get3A_377 = arith.constant 224 : index
        %get3A_378 = tpu.vector_load %arg7[%get3A_376, %get3A_377] {strides = array<i32>} : memref<77x768xf32, #tpu.memory_space<vmem>>, vector<1x16xf32>,
        %get3A_379 = vector.shape_cast %get3A_378 : vector<1x16xf32> to vector<16xf32>
        %add3A_380 = arith.addf %get3A_375, %get3A_379 : vector<16xf32>
        %swap3A_381 = arith.index_cast %scan3A_173 : i32 to index
        %swap3A_382 = arith.constant 224 : index
        %swap3A_383 = tpu.vector_load %arg8[%swap3A_381, %swap3A_382] {strides = array<i32>} : memref<16x768xf32, #tpu.memory_space<vmem>>, vector<1x16xf32>,
        %swap3A_384 = vector.shape_cast %swap3A_383 : vector<1x16xf32> to vector<16xf32>
        %swap3A_385 = vector.shape_cast %add3A_380 : vector<16xf32> to vector<1x16xf32>
        tpu.vector_store %arg8[%swap3A_381, %swap3A_382], %swap3A_385 {strides = array<i32>} : memref<16x768xf32, #tpu.memory_space<vmem>>, vector<1x16xf32>,
        %get3A_386 = arith.index_cast %scan3A_173 : i32 to index
        %get3A_387 = arith.constant 240 : index
        %get3A_388 = tpu.vector_load %arg8[%get3A_386, %get3A_387] {strides = array<i32>} : memref<16x768xf32, #tpu.memory_space<vmem>>, vector<1x16xf32>,
        %get3A_389 = vector.shape_cast %get3A_388 : vector<1x16xf32> to vector<16xf32>
        %get3A_390 = arith.index_cast %rem3A_177 : i32 to index
        %get3A_391 = arith.constant 240 : index
        %get3A_392 = tpu.vector_load %arg7[%get3A_390, %get3A_391] {strides = array<i32>} : memref<77x768xf32, #tpu.memory_space<vmem>>, vector<1x16xf32>,
        %get3A_393 = vector.shape_cast %get3A_392 : vector<1x16xf32> to vector<16xf32>
        %add3A_394 = arith.addf %get3A_389, %get3A_393 : vector<16xf32>
        %swap3A_395 = arith.index_cast %scan3A_173 : i32 to index
        %swap3A_396 = arith.constant 240 : index
        %swap3A_397 = tpu.vector_load %arg8[%swap3A_395, %swap3A_396] {strides = array<i32>} : memref<16x768xf32, #tpu.memory_space<vmem>>, vector<1x16xf32>,
        %swap3A_398 = vector.shape_cast %swap3A_397 : vector<1x16xf32> to vector<16xf32>
        %swap3A_399 = vector.shape_cast %add3A_394 : vector<16xf32> to vector<1x16xf32>
        tpu.vector_store %arg8[%swap3A_395, %swap3A_396], %swap3A_399 {strides = array<i32>} : memref<16x768xf32, #tpu.memory_space<vmem>>, vector<1x16xf32>,
        %get3A_400 = arith.index_cast %scan3A_173 : i32 to index
        %get3A_401 = arith.constant 256 : index
        %get3A_402 = tpu.vector_load %arg8[%get3A_400, %get3A_401] {strides = array<i32>} : memref<16x768xf32, #tpu.memory_space<vmem>>, vector<1x16xf32>,
        %get3A_403 = vector.shape_cast %get3A_402 : vector<1x16xf32> to vector<16xf32>
        %get3A_404 = arith.index_cast %rem3A_177 : i32 to index
        %get3A_405 = arith.constant 256 : index
        %get3A_406 = tpu.vector_load %arg7[%get3A_404, %get3A_405] {strides = array<i32>} : memref<77x768xf32, #tpu.memory_space<vmem>>, vector<1x16xf32>,
        %get3A_407 = vector.shape_cast %get3A_406 : vector<1x16xf32> to vector<16xf32>
        %add3A_408 = arith.addf %get3A_403, %get3A_407 : vector<16xf32>
        %swap3A_409 = arith.index_cast %scan3A_173 : i32 to index
        %swap3A_410 = arith.constant 256 : index
        %swap3A_411 = tpu.vector_load %arg8[%swap3A_409, %swap3A_410] {strides = array<i32>} : memref<16x768xf32, #tpu.memory_space<vmem>>, vector<1x16xf32>,
        %swap3A_412 = vector.shape_cast %swap3A_411 : vector<1x16xf32> to vector<16xf32>
        %swap3A_413 = vector.shape_cast %add3A_408 : vector<16xf32> to vector<1x16xf32>
        tpu.vector_store %arg8[%swap3A_409, %swap3A_410], %swap3A_413 {strides = array<i32>} : memref<16x768xf32, #tpu.memory_space<vmem>>, vector<1x16xf32>,
        %get3A_414 = arith.index_cast %scan3A_173 : i32 to index
        %get3A_415 = arith.constant 272 : index
        %get3A_416 = tpu.vector_load %arg8[%get3A_414, %get3A_415] {strides = array<i32>} : memref<16x768xf32, #tpu.memory_space<vmem>>, vector<1x16xf32>,
        %get3A_417 = vector.shape_cast %get3A_416 : vector<1x16xf32> to vector<16xf32>
        %get3A_418 = arith.index_cast %rem3A_177 : i32 to index
        %get3A_419 = arith.constant 272 : index
        %get3A_420 = tpu.vector_load %arg7[%get3A_418, %get3A_419] {strides = array<i32>} : memref<77x768xf32, #tpu.memory_space<vmem>>, vector<1x16xf32>,
        %get3A_421 = vector.shape_cast %get3A_420 : vector<1x16xf32> to vector<16xf32>
        %add3A_422 = arith.addf %get3A_417, %get3A_421 : vector<16xf32>
        %swap3A_423 = arith.index_cast %scan3A_173 : i32 to index
        %swap3A_424 = arith.constant 272 : index
        %swap3A_425 = tpu.vector_load %arg8[%swap3A_423, %swap3A_424] {strides = array<i32>} : memref<16x768xf32, #tpu.memory_space<vmem>>, vector<1x16xf32>,
        %swap3A_426 = vector.shape_cast %swap3A_425 : vector<1x16xf32> to vector<16xf32>
        %swap3A_427 = vector.shape_cast %add3A_422 : vector<16xf32> to vector<1x16xf32>
        tpu.vector_store %arg8[%swap3A_423, %swap3A_424], %swap3A_427 {strides = array<i32>} : memref<16x768xf32, #tpu.memory_space<vmem>>, vector<1x16xf32>,
        %get3A_428 = arith.index_cast %scan3A_173 : i32 to index
        %get3A_429 = arith.constant 288 : index
        %get3A_430 = tpu.vector_load %arg8[%get3A_428, %get3A_429] {strides = array<i32>} : memref<16x768xf32, #tpu.memory_space<vmem>>, vector<1x16xf32>,
        %get3A_431 = vector.shape_cast %get3A_430 : vector<1x16xf32> to vector<16xf32>
        %get3A_432 = arith.index_cast %rem3A_177 : i32 to index
        %get3A_433 = arith.constant 288 : index
        %get3A_434 = tpu.vector_load %arg7[%get3A_432, %get3A_433] {strides = array<i32>} : memref<77x768xf32, #tpu.memory_space<vmem>>, vector<1x16xf32>,
        %get3A_435 = vector.shape_cast %get3A_434 : vector<1x16xf32> to vector<16xf32>
        %add3A_436 = arith.addf %get3A_431, %get3A_435 : vector<16xf32>
        %swap3A_437 = arith.index_cast %scan3A_173 : i32 to index
        %swap3A_438 = arith.constant 288 : index
        %swap3A_439 = tpu.vector_load %arg8[%swap3A_437, %swap3A_438] {strides = array<i32>} : memref<16x768xf32, #tpu.memory_space<vmem>>, vector<1x16xf32>,
        %swap3A_440 = vector.shape_cast %swap3A_439 : vector<1x16xf32> to vector<16xf32>
        %swap3A_441 = vector.shape_cast %add3A_436 : vector<16xf32> to vector<1x16xf32>
        tpu.vector_store %arg8[%swap3A_437, %swap3A_438], %swap3A_441 {strides = array<i32>} : memref<16x768xf32, #tpu.memory_space<vmem>>, vector<1x16xf32>,
        %get3A_442 = arith.index_cast %scan3A_173 : i32 to index
        %get3A_443 = arith.constant 304 : index
        %get3A_444 = tpu.vector_load %arg8[%get3A_442, %get3A_443] {strides = array<i32>} : memref<16x768xf32, #tpu.memory_space<vmem>>, vector<1x16xf32>,
        %get3A_445 = vector.shape_cast %get3A_444 : vector<1x16xf32> to vector<16xf32>
        %get3A_446 = arith.index_cast %rem3A_177 : i32 to index
        %get3A_447 = arith.constant 304 : index
        %get3A_448 = tpu.vector_load %arg7[%get3A_446, %get3A_447] {strides = array<i32>} : memref<77x768xf32, #tpu.memory_space<vmem>>, vector<1x16xf32>,
        %get3A_449 = vector.shape_cast %get3A_448 : vector<1x16xf32> to vector<16xf32>
        %add3A_450 = arith.addf %get3A_445, %get3A_449 : vector<16xf32>
        %swap3A_451 = arith.index_cast %scan3A_173 : i32 to index
        %swap3A_452 = arith.constant 304 : index
        %swap3A_453 = tpu.vector_load %arg8[%swap3A_451, %swap3A_452] {strides = array<i32>} : memref<16x768xf32, #tpu.memory_space<vmem>>, vector<1x16xf32>,
        %swap3A_454 = vector.shape_cast %swap3A_453 : vector<1x16xf32> to vector<16xf32>
        %swap3A_455 = vector.shape_cast %add3A_450 : vector<16xf32> to vector<1x16xf32>
        tpu.vector_store %arg8[%swap3A_451, %swap3A_452], %swap3A_455 {strides = array<i32>} : memref<16x768xf32, #tpu.memory_space<vmem>>, vector<1x16xf32>,
        %get3A_456 = arith.index_cast %scan3A_173 : i32 to index
        %get3A_457 = arith.constant 320 : index
        %get3A_458 = tpu.vector_load %arg8[%get3A_456, %get3A_457] {strides = array<i32>} : memref<16x768xf32, #tpu.memory_space<vmem>>, vector<1x16xf32>,
        %get3A_459 = vector.shape_cast %get3A_458 : vector<1x16xf32> to vector<16xf32>
        %get3A_460 = arith.index_cast %rem3A_177 : i32 to index
        %get3A_461 = arith.constant 320 : index
        %get3A_462 = tpu.vector_load %arg7[%get3A_460, %get3A_461] {strides = array<i32>} : memref<77x768xf32, #tpu.memory_space<vmem>>, vector<1x16xf32>,
        %get3A_463 = vector.shape_cast %get3A_462 : vector<1x16xf32> to vector<16xf32>
        %add3A_464 = arith.addf %get3A_459, %get3A_463 : vector<16xf32>
        %swap3A_465 = arith.index_cast %scan3A_173 : i32 to index
        %swap3A_466 = arith.constant 320 : index
        %swap3A_467 = tpu.vector_load %arg8[%swap3A_465, %swap3A_466] {strides = array<i32>} : memref<16x768xf32, #tpu.memory_space<vmem>>, vector<1x16xf32>,
        %swap3A_468 = vector.shape_cast %swap3A_467 : vector<1x16xf32> to vector<16xf32>
        %swap3A_469 = vector.shape_cast %add3A_464 : vector<16xf32> to vector<1x16xf32>
        tpu.vector_store %arg8[%swap3A_465, %swap3A_466], %swap3A_469 {strides = array<i32>} : memref<16x768xf32, #tpu.memory_space<vmem>>, vector<1x16xf32>,
        %get3A_470 = arith.index_cast %scan3A_173 : i32 to index
        %get3A_471 = arith.constant 336 : index
        %get3A_472 = tpu.vector_load %arg8[%get3A_470, %get3A_471] {strides = array<i32>} : memref<16x768xf32, #tpu.memory_space<vmem>>, vector<1x16xf32>,
        %get3A_473 = vector.shape_cast %get3A_472 : vector<1x16xf32> to vector<16xf32>
        %get3A_474 = arith.index_cast %rem3A_177 : i32 to index
        %get3A_475 = arith.constant 336 : index
        %get3A_476 = tpu.vector_load %arg7[%get3A_474, %get3A_475] {strides = array<i32>} : memref<77x768xf32, #tpu.memory_space<vmem>>, vector<1x16xf32>,
        %get3A_477 = vector.shape_cast %get3A_476 : vector<1x16xf32> to vector<16xf32>
        %add3A_478 = arith.addf %get3A_473, %get3A_477 : vector<16xf32>
        %swap3A_479 = arith.index_cast %scan3A_173 : i32 to index
        %swap3A_480 = arith.constant 336 : index
        %swap3A_481 = tpu.vector_load %arg8[%swap3A_479, %swap3A_480] {strides = array<i32>} : memref<16x768xf32, #tpu.memory_space<vmem>>, vector<1x16xf32>,
        %swap3A_482 = vector.shape_cast %swap3A_481 : vector<1x16xf32> to vector<16xf32>
        %swap3A_483 = vector.shape_cast %add3A_478 : vector<16xf32> to vector<1x16xf32>
        tpu.vector_store %arg8[%swap3A_479, %swap3A_480], %swap3A_483 {strides = array<i32>} : memref<16x768xf32, #tpu.memory_space<vmem>>, vector<1x16xf32>,
        %get3A_484 = arith.index_cast %scan3A_173 : i32 to index
        %get3A_485 = arith.constant 352 : index
        %get3A_486 = tpu.vector_load %arg8[%get3A_484, %get3A_485] {strides = array<i32>} : memref<16x768xf32, #tpu.memory_space<vmem>>, vector<1x16xf32>,
        %get3A_487 = vector.shape_cast %get3A_486 : vector<1x16xf32> to vector<16xf32>
        %get3A_488 = arith.index_cast %rem3A_177 : i32 to index
        %get3A_489 = arith.constant 352 : index
        %get3A_490 = tpu.vector_load %arg7[%get3A_488, %get3A_489] {strides = array<i32>} : memref<77x768xf32, #tpu.memory_space<vmem>>, vector<1x16xf32>,
        %get3A_491 = vector.shape_cast %get3A_490 : vector<1x16xf32> to vector<16xf32>
        %add3A_492 = arith.addf %get3A_487, %get3A_491 : vector<16xf32>
        %swap3A_493 = arith.index_cast %scan3A_173 : i32 to index
        %swap3A_494 = arith.constant 352 : index
        %swap3A_495 = tpu.vector_load %arg8[%swap3A_493, %swap3A_494] {strides = array<i32>} : memref<16x768xf32, #tpu.memory_space<vmem>>, vector<1x16xf32>,
        %swap3A_496 = vector.shape_cast %swap3A_495 : vector<1x16xf32> to vector<16xf32>
        %swap3A_497 = vector.shape_cast %add3A_492 : vector<16xf32> to vector<1x16xf32>
        tpu.vector_store %arg8[%swap3A_493, %swap3A_494], %swap3A_497 {strides = array<i32>} : memref<16x768xf32, #tpu.memory_space<vmem>>, vector<1x16xf32>,
        %get3A_498 = arith.index_cast %scan3A_173 : i32 to index
        %get3A_499 = arith.constant 368 : index
        %get3A_500 = tpu.vector_load %arg8[%get3A_498, %get3A_499] {strides = array<i32>} : memref<16x768xf32, #tpu.memory_space<vmem>>, vector<1x16xf32>,
        %get3A_501 = vector.shape_cast %get3A_500 : vector<1x16xf32> to vector<16xf32>
        %get3A_502 = arith.index_cast %rem3A_177 : i32 to index
        %get3A_503 = arith.constant 368 : index
        %get3A_504 = tpu.vector_load %arg7[%get3A_502, %get3A_503] {strides = array<i32>} : memref<77x768xf32, #tpu.memory_space<vmem>>, vector<1x16xf32>,
        %get3A_505 = vector.shape_cast %get3A_504 : vector<1x16xf32> to vector<16xf32>
        %add3A_506 = arith.addf %get3A_501, %get3A_505 : vector<16xf32>
        %swap3A_507 = arith.index_cast %scan3A_173 : i32 to index
        %swap3A_508 = arith.constant 368 : index
        %swap3A_509 = tpu.vector_load %arg8[%swap3A_507, %swap3A_508] {strides = array<i32>} : memref<16x768xf32, #tpu.memory_space<vmem>>, vector<1x16xf32>,
        %swap3A_510 = vector.shape_cast %swap3A_509 : vector<1x16xf32> to vector<16xf32>
        %swap3A_511 = vector.shape_cast %add3A_506 : vector<16xf32> to vector<1x16xf32>
        tpu.vector_store %arg8[%swap3A_507, %swap3A_508], %swap3A_511 {strides = array<i32>} : memref<16x768xf32, #tpu.memory_space<vmem>>, vector<1x16xf32>,
        %get3A_512 = arith.index_cast %scan3A_173 : i32 to index
        %get3A_513 = arith.constant 384 : index
        %get3A_514 = tpu.vector_load %arg8[%get3A_512, %get3A_513] {strides = array<i32>} : memref<16x768xf32, #tpu.memory_space<vmem>>, vector<1x16xf32>,
        %get3A_515 = vector.shape_cast %get3A_514 : vector<1x16xf32> to vector<16xf32>
        %get3A_516 = arith.index_cast %rem3A_177 : i32 to index
        %get3A_517 = arith.constant 384 : index
        %get3A_518 = tpu.vector_load %arg7[%get3A_516, %get3A_517] {strides = array<i32>} : memref<77x768xf32, #tpu.memory_space<vmem>>, vector<1x16xf32>,
        %get3A_519 = vector.shape_cast %get3A_518 : vector<1x16xf32> to vector<16xf32>
        %add3A_520 = arith.addf %get3A_515, %get3A_519 : vector<16xf32>
        %swap3A_521 = arith.index_cast %scan3A_173 : i32 to index
        %swap3A_522 = arith.constant 384 : index
        %swap3A_523 = tpu.vector_load %arg8[%swap3A_521, %swap3A_522] {strides = array<i32>} : memref<16x768xf32, #tpu.memory_space<vmem>>, vector<1x16xf32>,
        %swap3A_524 = vector.shape_cast %swap3A_523 : vector<1x16xf32> to vector<16xf32>
        %swap3A_525 = vector.shape_cast %add3A_520 : vector<16xf32> to vector<1x16xf32>
        tpu.vector_store %arg8[%swap3A_521, %swap3A_522], %swap3A_525 {strides = array<i32>} : memref<16x768xf32, #tpu.memory_space<vmem>>, vector<1x16xf32>,
        %get3A_526 = arith.index_cast %scan3A_173 : i32 to index
        %get3A_527 = arith.constant 400 : index
        %get3A_528 = tpu.vector_load %arg8[%get3A_526, %get3A_527] {strides = array<i32>} : memref<16x768xf32, #tpu.memory_space<vmem>>, vector<1x16xf32>,
        %get3A_529 = vector.shape_cast %get3A_528 : vector<1x16xf32> to vector<16xf32>
        %get3A_530 = arith.index_cast %rem3A_177 : i32 to index
        %get3A_531 = arith.constant 400 : index
        %get3A_532 = tpu.vector_load %arg7[%get3A_530, %get3A_531] {strides = array<i32>} : memref<77x768xf32, #tpu.memory_space<vmem>>, vector<1x16xf32>,
        %get3A_533 = vector.shape_cast %get3A_532 : vector<1x16xf32> to vector<16xf32>
        %add3A_534 = arith.addf %get3A_529, %get3A_533 : vector<16xf32>
        %swap3A_535 = arith.index_cast %scan3A_173 : i32 to index
        %swap3A_536 = arith.constant 400 : index
        %swap3A_537 = tpu.vector_load %arg8[%swap3A_535, %swap3A_536] {strides = array<i32>} : memref<16x768xf32, #tpu.memory_space<vmem>>, vector<1x16xf32>,
        %swap3A_538 = vector.shape_cast %swap3A_537 : vector<1x16xf32> to vector<16xf32>
        %swap3A_539 = vector.shape_cast %add3A_534 : vector<16xf32> to vector<1x16xf32>
        tpu.vector_store %arg8[%swap3A_535, %swap3A_536], %swap3A_539 {strides = array<i32>} : memref<16x768xf32, #tpu.memory_space<vmem>>, vector<1x16xf32>,
        %get3A_540 = arith.index_cast %scan3A_173 : i32 to index
        %get3A_541 = arith.constant 416 : index
        %get3A_542 = tpu.vector_load %arg8[%get3A_540, %get3A_541] {strides = array<i32>} : memref<16x768xf32, #tpu.memory_space<vmem>>, vector<1x16xf32>,
        %get3A_543 = vector.shape_cast %get3A_542 : vector<1x16xf32> to vector<16xf32>
        %get3A_544 = arith.index_cast %rem3A_177 : i32 to index
        %get3A_545 = arith.constant 416 : index
        %get3A_546 = tpu.vector_load %arg7[%get3A_544, %get3A_545] {strides = array<i32>} : memref<77x768xf32, #tpu.memory_space<vmem>>, vector<1x16xf32>,
        %get3A_547 = vector.shape_cast %get3A_546 : vector<1x16xf32> to vector<16xf32>
        %add3A_548 = arith.addf %get3A_543, %get3A_547 : vector<16xf32>
        %swap3A_549 = arith.index_cast %scan3A_173 : i32 to index
        %swap3A_550 = arith.constant 416 : index
        %swap3A_551 = tpu.vector_load %arg8[%swap3A_549, %swap3A_550] {strides = array<i32>} : memref<16x768xf32, #tpu.memory_space<vmem>>, vector<1x16xf32>,
        %swap3A_552 = vector.shape_cast %swap3A_551 : vector<1x16xf32> to vector<16xf32>
        %swap3A_553 = vector.shape_cast %add3A_548 : vector<16xf32> to vector<1x16xf32>
        tpu.vector_store %arg8[%swap3A_549, %swap3A_550], %swap3A_553 {strides = array<i32>} : memref<16x768xf32, #tpu.memory_space<vmem>>, vector<1x16xf32>,
        %get3A_554 = arith.index_cast %scan3A_173 : i32 to index
        %get3A_555 = arith.constant 432 : index
        %get3A_556 = tpu.vector_load %arg8[%get3A_554, %get3A_555] {strides = array<i32>} : memref<16x768xf32, #tpu.memory_space<vmem>>, vector<1x16xf32>,
        %get3A_557 = vector.shape_cast %get3A_556 : vector<1x16xf32> to vector<16xf32>
        %get3A_558 = arith.index_cast %rem3A_177 : i32 to index
        %get3A_559 = arith.constant 432 : index
        %get3A_560 = tpu.vector_load %arg7[%get3A_558, %get3A_559] {strides = array<i32>} : memref<77x768xf32, #tpu.memory_space<vmem>>, vector<1x16xf32>,
        %get3A_561 = vector.shape_cast %get3A_560 : vector<1x16xf32> to vector<16xf32>
        %add3A_562 = arith.addf %get3A_557, %get3A_561 : vector<16xf32>
        %swap3A_563 = arith.index_cast %scan3A_173 : i32 to index
        %swap3A_564 = arith.constant 432 : index
        %swap3A_565 = tpu.vector_load %arg8[%swap3A_563, %swap3A_564] {strides = array<i32>} : memref<16x768xf32, #tpu.memory_space<vmem>>, vector<1x16xf32>,
        %swap3A_566 = vector.shape_cast %swap3A_565 : vector<1x16xf32> to vector<16xf32>
        %swap3A_567 = vector.shape_cast %add3A_562 : vector<16xf32> to vector<1x16xf32>
        tpu.vector_store %arg8[%swap3A_563, %swap3A_564], %swap3A_567 {strides = array<i32>} : memref<16x768xf32, #tpu.memory_space<vmem>>, vector<1x16xf32>,
        %get3A_568 = arith.index_cast %scan3A_173 : i32 to index
        %get3A_569 = arith.constant 448 : index
        %get3A_570 = tpu.vector_load %arg8[%get3A_568, %get3A_569] {strides = array<i32>} : memref<16x768xf32, #tpu.memory_space<vmem>>, vector<1x16xf32>,
        %get3A_571 = vector.shape_cast %get3A_570 : vector<1x16xf32> to vector<16xf32>
        %get3A_572 = arith.index_cast %rem3A_177 : i32 to index
        %get3A_573 = arith.constant 448 : index
        %get3A_574 = tpu.vector_load %arg7[%get3A_572, %get3A_573] {strides = array<i32>} : memref<77x768xf32, #tpu.memory_space<vmem>>, vector<1x16xf32>,
        %get3A_575 = vector.shape_cast %get3A_574 : vector<1x16xf32> to vector<16xf32>
        %add3A_576 = arith.addf %get3A_571, %get3A_575 : vector<16xf32>
        %swap3A_577 = arith.index_cast %scan3A_173 : i32 to index
        %swap3A_578 = arith.constant 448 : index
        %swap3A_579 = tpu.vector_load %arg8[%swap3A_577, %swap3A_578] {strides = array<i32>} : memref<16x768xf32, #tpu.memory_space<vmem>>, vector<1x16xf32>,
        %swap3A_580 = vector.shape_cast %swap3A_579 : vector<1x16xf32> to vector<16xf32>
        %swap3A_581 = vector.shape_cast %add3A_576 : vector<16xf32> to vector<1x16xf32>
        tpu.vector_store %arg8[%swap3A_577, %swap3A_578], %swap3A_581 {strides = array<i32>} : memref<16x768xf32, #tpu.memory_space<vmem>>, vector<1x16xf32>,
        %get3A_582 = arith.index_cast %scan3A_173 : i32 to index
        %get3A_583 = arith.constant 464 : index
        %get3A_584 = tpu.vector_load %arg8[%get3A_582, %get3A_583] {strides = array<i32>} : memref<16x768xf32, #tpu.memory_space<vmem>>, vector<1x16xf32>,
        %get3A_585 = vector.shape_cast %get3A_584 : vector<1x16xf32> to vector<16xf32>
        %get3A_586 = arith.index_cast %rem3A_177 : i32 to index
        %get3A_587 = arith.constant 464 : index
        %get3A_588 = tpu.vector_load %arg7[%get3A_586, %get3A_587] {strides = array<i32>} : memref<77x768xf32, #tpu.memory_space<vmem>>, vector<1x16xf32>,
        %get3A_589 = vector.shape_cast %get3A_588 : vector<1x16xf32> to vector<16xf32>
        %add3A_590 = arith.addf %get3A_585, %get3A_589 : vector<16xf32>
        %swap3A_591 = arith.index_cast %scan3A_173 : i32 to index
        %swap3A_592 = arith.constant 464 : index
        %swap3A_593 = tpu.vector_load %arg8[%swap3A_591, %swap3A_592] {strides = array<i32>} : memref<16x768xf32, #tpu.memory_space<vmem>>, vector<1x16xf32>,
        %swap3A_594 = vector.shape_cast %swap3A_593 : vector<1x16xf32> to vector<16xf32>
        %swap3A_595 = vector.shape_cast %add3A_590 : vector<16xf32> to vector<1x16xf32>
        tpu.vector_store %arg8[%swap3A_591, %swap3A_592], %swap3A_595 {strides = array<i32>} : memref<16x768xf32, #tpu.memory_space<vmem>>, vector<1x16xf32>,
        %get3A_596 = arith.index_cast %scan3A_173 : i32 to index
        %get3A_597 = arith.constant 480 : index
        %get3A_598 = tpu.vector_load %arg8[%get3A_596, %get3A_597] {strides = array<i32>} : memref<16x768xf32, #tpu.memory_space<vmem>>, vector<1x16xf32>,
        %get3A_599 = vector.shape_cast %get3A_598 : vector<1x16xf32> to vector<16xf32>
        %get3A_600 = arith.index_cast %rem3A_177 : i32 to index
        %get3A_601 = arith.constant 480 : index
        %get3A_602 = tpu.vector_load %arg7[%get3A_600, %get3A_601] {strides = array<i32>} : memref<77x768xf32, #tpu.memory_space<vmem>>, vector<1x16xf32>,
        %get3A_603 = vector.shape_cast %get3A_602 : vector<1x16xf32> to vector<16xf32>
        %add3A_604 = arith.addf %get3A_599, %get3A_603 : vector<16xf32>
        %swap3A_605 = arith.index_cast %scan3A_173 : i32 to index
        %swap3A_606 = arith.constant 480 : index
        %swap3A_607 = tpu.vector_load %arg8[%swap3A_605, %swap3A_606] {strides = array<i32>} : memref<16x768xf32, #tpu.memory_space<vmem>>, vector<1x16xf32>,
        %swap3A_608 = vector.shape_cast %swap3A_607 : vector<1x16xf32> to vector<16xf32>
        %swap3A_609 = vector.shape_cast %add3A_604 : vector<16xf32> to vector<1x16xf32>
        tpu.vector_store %arg8[%swap3A_605, %swap3A_606], %swap3A_609 {strides = array<i32>} : memref<16x768xf32, #tpu.memory_space<vmem>>, vector<1x16xf32>,
        %get3A_610 = arith.index_cast %scan3A_173 : i32 to index
        %get3A_611 = arith.constant 496 : index
        %get3A_612 = tpu.vector_load %arg8[%get3A_610, %get3A_611] {strides = array<i32>} : memref<16x768xf32, #tpu.memory_space<vmem>>, vector<1x16xf32>,
        %get3A_613 = vector.shape_cast %get3A_612 : vector<1x16xf32> to vector<16xf32>
        %get3A_614 = arith.index_cast %rem3A_177 : i32 to index
        %get3A_615 = arith.constant 496 : index
        %get3A_616 = tpu.vector_load %arg7[%get3A_614, %get3A_615] {strides = array<i32>} : memref<77x768xf32, #tpu.memory_space<vmem>>, vector<1x16xf32>,
        %get3A_617 = vector.shape_cast %get3A_616 : vector<1x16xf32> to vector<16xf32>
        %add3A_618 = arith.addf %get3A_613, %get3A_617 : vector<16xf32>
        %swap3A_619 = arith.index_cast %scan3A_173 : i32 to index
        %swap3A_620 = arith.constant 496 : index
        %swap3A_621 = tpu.vector_load %arg8[%swap3A_619, %swap3A_620] {strides = array<i32>} : memref<16x768xf32, #tpu.memory_space<vmem>>, vector<1x16xf32>,
        %swap3A_622 = vector.shape_cast %swap3A_621 : vector<1x16xf32> to vector<16xf32>
        %swap3A_623 = vector.shape_cast %add3A_618 : vector<16xf32> to vector<1x16xf32>
        tpu.vector_store %arg8[%swap3A_619, %swap3A_620], %swap3A_623 {strides = array<i32>} : memref<16x768xf32, #tpu.memory_space<vmem>>, vector<1x16xf32>,
        %get3A_624 = arith.index_cast %scan3A_173 : i32 to index
        %get3A_625 = arith.constant 512 : index
        %get3A_626 = tpu.vector_load %arg8[%get3A_624, %get3A_625] {strides = array<i32>} : memref<16x768xf32, #tpu.memory_space<vmem>>, vector<1x16xf32>,
        %get3A_627 = vector.shape_cast %get3A_626 : vector<1x16xf32> to vector<16xf32>
        %get3A_628 = arith.index_cast %rem3A_177 : i32 to index
        %get3A_629 = arith.constant 512 : index
        %get3A_630 = tpu.vector_load %arg7[%get3A_628, %get3A_629] {strides = array<i32>} : memref<77x768xf32, #tpu.memory_space<vmem>>, vector<1x16xf32>,
        %get3A_631 = vector.shape_cast %get3A_630 : vector<1x16xf32> to vector<16xf32>
        %add3A_632 = arith.addf %get3A_627, %get3A_631 : vector<16xf32>
        %swap3A_633 = arith.index_cast %scan3A_173 : i32 to index
        %swap3A_634 = arith.constant 512 : index
        %swap3A_635 = tpu.vector_load %arg8[%swap3A_633, %swap3A_634] {strides = array<i32>} : memref<16x768xf32, #tpu.memory_space<vmem>>, vector<1x16xf32>,
        %swap3A_636 = vector.shape_cast %swap3A_635 : vector<1x16xf32> to vector<16xf32>
        %swap3A_637 = vector.shape_cast %add3A_632 : vector<16xf32> to vector<1x16xf32>
        tpu.vector_store %arg8[%swap3A_633, %swap3A_634], %swap3A_637 {strides = array<i32>} : memref<16x768xf32, #tpu.memory_space<vmem>>, vector<1x16xf32>,
        %get3A_638 = arith.index_cast %scan3A_173 : i32 to index
        %get3A_639 = arith.constant 528 : index
        %get3A_640 = tpu.vector_load %arg8[%get3A_638, %get3A_639] {strides = array<i32>} : memref<16x768xf32, #tpu.memory_space<vmem>>, vector<1x16xf32>,
        %get3A_641 = vector.shape_cast %get3A_640 : vector<1x16xf32> to vector<16xf32>
        %get3A_642 = arith.index_cast %rem3A_177 : i32 to index
        %get3A_643 = arith.constant 528 : index
        %get3A_644 = tpu.vector_load %arg7[%get3A_642, %get3A_643] {strides = array<i32>} : memref<77x768xf32, #tpu.memory_space<vmem>>, vector<1x16xf32>,
        %get3A_645 = vector.shape_cast %get3A_644 : vector<1x16xf32> to vector<16xf32>
        %add3A_646 = arith.addf %get3A_641, %get3A_645 : vector<16xf32>
        %swap3A_647 = arith.index_cast %scan3A_173 : i32 to index
        %swap3A_648 = arith.constant 528 : index
        %swap3A_649 = tpu.vector_load %arg8[%swap3A_647, %swap3A_648] {strides = array<i32>} : memref<16x768xf32, #tpu.memory_space<vmem>>, vector<1x16xf32>,
        %swap3A_650 = vector.shape_cast %swap3A_649 : vector<1x16xf32> to vector<16xf32>
        %swap3A_651 = vector.shape_cast %add3A_646 : vector<16xf32> to vector<1x16xf32>
        tpu.vector_store %arg8[%swap3A_647, %swap3A_648], %swap3A_651 {strides = array<i32>} : memref<16x768xf32, #tpu.memory_space<vmem>>, vector<1x16xf32>,
        %get3A_652 = arith.index_cast %scan3A_173 : i32 to index
        %get3A_653 = arith.constant 544 : index
        %get3A_654 = tpu.vector_load %arg8[%get3A_652, %get3A_653] {strides = array<i32>} : memref<16x768xf32, #tpu.memory_space<vmem>>, vector<1x16xf32>,
        %get3A_655 = vector.shape_cast %get3A_654 : vector<1x16xf32> to vector<16xf32>
        %get3A_656 = arith.index_cast %rem3A_177 : i32 to index
        %get3A_657 = arith.constant 544 : index
        %get3A_658 = tpu.vector_load %arg7[%get3A_656, %get3A_657] {strides = array<i32>} : memref<77x768xf32, #tpu.memory_space<vmem>>, vector<1x16xf32>,
        %get3A_659 = vector.shape_cast %get3A_658 : vector<1x16xf32> to vector<16xf32>
        %add3A_660 = arith.addf %get3A_655, %get3A_659 : vector<16xf32>
        %swap3A_661 = arith.index_cast %scan3A_173 : i32 to index
        %swap3A_662 = arith.constant 544 : index
        %swap3A_663 = tpu.vector_load %arg8[%swap3A_661, %swap3A_662] {strides = array<i32>} : memref<16x768xf32, #tpu.memory_space<vmem>>, vector<1x16xf32>,
        %swap3A_664 = vector.shape_cast %swap3A_663 : vector<1x16xf32> to vector<16xf32>
        %swap3A_665 = vector.shape_cast %add3A_660 : vector<16xf32> to vector<1x16xf32>
        tpu.vector_store %arg8[%swap3A_661, %swap3A_662], %swap3A_665 {strides = array<i32>} : memref<16x768xf32, #tpu.memory_space<vmem>>, vector<1x16xf32>,
        %get3A_666 = arith.index_cast %scan3A_173 : i32 to index
        %get3A_667 = arith.constant 560 : index
        %get3A_668 = tpu.vector_load %arg8[%get3A_666, %get3A_667] {strides = array<i32>} : memref<16x768xf32, #tpu.memory_space<vmem>>, vector<1x16xf32>,
        %get3A_669 = vector.shape_cast %get3A_668 : vector<1x16xf32> to vector<16xf32>
        %get3A_670 = arith.index_cast %rem3A_177 : i32 to index
        %get3A_671 = arith.constant 560 : index
        %get3A_672 = tpu.vector_load %arg7[%get3A_670, %get3A_671] {strides = array<i32>} : memref<77x768xf32, #tpu.memory_space<vmem>>, vector<1x16xf32>,
        %get3A_673 = vector.shape_cast %get3A_672 : vector<1x16xf32> to vector<16xf32>
        %add3A_674 = arith.addf %get3A_669, %get3A_673 : vector<16xf32>
        %swap3A_675 = arith.index_cast %scan3A_173 : i32 to index
        %swap3A_676 = arith.constant 560 : index
        %swap3A_677 = tpu.vector_load %arg8[%swap3A_675, %swap3A_676] {strides = array<i32>} : memref<16x768xf32, #tpu.memory_space<vmem>>, vector<1x16xf32>,
        %swap3A_678 = vector.shape_cast %swap3A_677 : vector<1x16xf32> to vector<16xf32>
        %swap3A_679 = vector.shape_cast %add3A_674 : vector<16xf32> to vector<1x16xf32>
        tpu.vector_store %arg8[%swap3A_675, %swap3A_676], %swap3A_679 {strides = array<i32>} : memref<16x768xf32, #tpu.memory_space<vmem>>, vector<1x16xf32>,
        %get3A_680 = arith.index_cast %scan3A_173 : i32 to index
        %get3A_681 = arith.constant 576 : index
        %get3A_682 = tpu.vector_load %arg8[%get3A_680, %get3A_681] {strides = array<i32>} : memref<16x768xf32, #tpu.memory_space<vmem>>, vector<1x16xf32>,
        %get3A_683 = vector.shape_cast %get3A_682 : vector<1x16xf32> to vector<16xf32>
        %get3A_684 = arith.index_cast %rem3A_177 : i32 to index
        %get3A_685 = arith.constant 576 : index
        %get3A_686 = tpu.vector_load %arg7[%get3A_684, %get3A_685] {strides = array<i32>} : memref<77x768xf32, #tpu.memory_space<vmem>>, vector<1x16xf32>,
        %get3A_687 = vector.shape_cast %get3A_686 : vector<1x16xf32> to vector<16xf32>
        %add3A_688 = arith.addf %get3A_683, %get3A_687 : vector<16xf32>
        %swap3A_689 = arith.index_cast %scan3A_173 : i32 to index
        %swap3A_690 = arith.constant 576 : index
        %swap3A_691 = tpu.vector_load %arg8[%swap3A_689, %swap3A_690] {strides = array<i32>} : memref<16x768xf32, #tpu.memory_space<vmem>>, vector<1x16xf32>,
        %swap3A_692 = vector.shape_cast %swap3A_691 : vector<1x16xf32> to vector<16xf32>
        %swap3A_693 = vector.shape_cast %add3A_688 : vector<16xf32> to vector<1x16xf32>
        tpu.vector_store %arg8[%swap3A_689, %swap3A_690], %swap3A_693 {strides = array<i32>} : memref<16x768xf32, #tpu.memory_space<vmem>>, vector<1x16xf32>,
        %get3A_694 = arith.index_cast %scan3A_173 : i32 to index
        %get3A_695 = arith.constant 592 : index
        %get3A_696 = tpu.vector_load %arg8[%get3A_694, %get3A_695] {strides = array<i32>} : memref<16x768xf32, #tpu.memory_space<vmem>>, vector<1x16xf32>,
        %get3A_697 = vector.shape_cast %get3A_696 : vector<1x16xf32> to vector<16xf32>
        %get3A_698 = arith.index_cast %rem3A_177 : i32 to index
        %get3A_699 = arith.constant 592 : index
        %get3A_700 = tpu.vector_load %arg7[%get3A_698, %get3A_699] {strides = array<i32>} : memref<77x768xf32, #tpu.memory_space<vmem>>, vector<1x16xf32>,
        %get3A_701 = vector.shape_cast %get3A_700 : vector<1x16xf32> to vector<16xf32>
        %add3A_702 = arith.addf %get3A_697, %get3A_701 : vector<16xf32>
        %swap3A_703 = arith.index_cast %scan3A_173 : i32 to index
        %swap3A_704 = arith.constant 592 : index
        %swap3A_705 = tpu.vector_load %arg8[%swap3A_703, %swap3A_704] {strides = array<i32>} : memref<16x768xf32, #tpu.memory_space<vmem>>, vector<1x16xf32>,
        %swap3A_706 = vector.shape_cast %swap3A_705 : vector<1x16xf32> to vector<16xf32>
        %swap3A_707 = vector.shape_cast %add3A_702 : vector<16xf32> to vector<1x16xf32>
        tpu.vector_store %arg8[%swap3A_703, %swap3A_704], %swap3A_707 {strides = array<i32>} : memref<16x768xf32, #tpu.memory_space<vmem>>, vector<1x16xf32>,
        %get3A_708 = arith.index_cast %scan3A_173 : i32 to index
        %get3A_709 = arith.constant 608 : index
        %get3A_710 = tpu.vector_load %arg8[%get3A_708, %get3A_709] {strides = array<i32>} : memref<16x768xf32, #tpu.memory_space<vmem>>, vector<1x16xf32>,
        %get3A_711 = vector.shape_cast %get3A_710 : vector<1x16xf32> to vector<16xf32>
        %get3A_712 = arith.index_cast %rem3A_177 : i32 to index
        %get3A_713 = arith.constant 608 : index
        %get3A_714 = tpu.vector_load %arg7[%get3A_712, %get3A_713] {strides = array<i32>} : memref<77x768xf32, #tpu.memory_space<vmem>>, vector<1x16xf32>,
        %get3A_715 = vector.shape_cast %get3A_714 : vector<1x16xf32> to vector<16xf32>
        %add3A_716 = arith.addf %get3A_711, %get3A_715 : vector<16xf32>
        %swap3A_717 = arith.index_cast %scan3A_173 : i32 to index
        %swap3A_718 = arith.constant 608 : index
        %swap3A_719 = tpu.vector_load %arg8[%swap3A_717, %swap3A_718] {strides = array<i32>} : memref<16x768xf32, #tpu.memory_space<vmem>>, vector<1x16xf32>,
        %swap3A_720 = vector.shape_cast %swap3A_719 : vector<1x16xf32> to vector<16xf32>
        %swap3A_721 = vector.shape_cast %add3A_716 : vector<16xf32> to vector<1x16xf32>
        tpu.vector_store %arg8[%swap3A_717, %swap3A_718], %swap3A_721 {strides = array<i32>} : memref<16x768xf32, #tpu.memory_space<vmem>>, vector<1x16xf32>,
        %get3A_722 = arith.index_cast %scan3A_173 : i32 to index
        %get3A_723 = arith.constant 624 : index
        %get3A_724 = tpu.vector_load %arg8[%get3A_722, %get3A_723] {strides = array<i32>} : memref<16x768xf32, #tpu.memory_space<vmem>>, vector<1x16xf32>,
        %get3A_725 = vector.shape_cast %get3A_724 : vector<1x16xf32> to vector<16xf32>
        %get3A_726 = arith.index_cast %rem3A_177 : i32 to index
        %get3A_727 = arith.constant 624 : index
        %get3A_728 = tpu.vector_load %arg7[%get3A_726, %get3A_727] {strides = array<i32>} : memref<77x768xf32, #tpu.memory_space<vmem>>, vector<1x16xf32>,
        %get3A_729 = vector.shape_cast %get3A_728 : vector<1x16xf32> to vector<16xf32>
        %add3A_730 = arith.addf %get3A_725, %get3A_729 : vector<16xf32>
        %swap3A_731 = arith.index_cast %scan3A_173 : i32 to index
        %swap3A_732 = arith.constant 624 : index
        %swap3A_733 = tpu.vector_load %arg8[%swap3A_731, %swap3A_732] {strides = array<i32>} : memref<16x768xf32, #tpu.memory_space<vmem>>, vector<1x16xf32>,
        %swap3A_734 = vector.shape_cast %swap3A_733 : vector<1x16xf32> to vector<16xf32>
        %swap3A_735 = vector.shape_cast %add3A_730 : vector<16xf32> to vector<1x16xf32>
        tpu.vector_store %arg8[%swap3A_731, %swap3A_732], %swap3A_735 {strides = array<i32>} : memref<16x768xf32, #tpu.memory_space<vmem>>, vector<1x16xf32>,
        %get3A_736 = arith.index_cast %scan3A_173 : i32 to index
        %get3A_737 = arith.constant 640 : index
        %get3A_738 = tpu.vector_load %arg8[%get3A_736, %get3A_737] {strides = array<i32>} : memref<16x768xf32, #tpu.memory_space<vmem>>, vector<1x16xf32>,
        %get3A_739 = vector.shape_cast %get3A_738 : vector<1x16xf32> to vector<16xf32>
        %get3A_740 = arith.index_cast %rem3A_177 : i32 to index
        %get3A_741 = arith.constant 640 : index
        %get3A_742 = tpu.vector_load %arg7[%get3A_740, %get3A_741] {strides = array<i32>} : memref<77x768xf32, #tpu.memory_space<vmem>>, vector<1x16xf32>,
        %get3A_743 = vector.shape_cast %get3A_742 : vector<1x16xf32> to vector<16xf32>
        %add3A_744 = arith.addf %get3A_739, %get3A_743 : vector<16xf32>
        %swap3A_745 = arith.index_cast %scan3A_173 : i32 to index
        %swap3A_746 = arith.constant 640 : index
        %swap3A_747 = tpu.vector_load %arg8[%swap3A_745, %swap3A_746] {strides = array<i32>} : memref<16x768xf32, #tpu.memory_space<vmem>>, vector<1x16xf32>,
        %swap3A_748 = vector.shape_cast %swap3A_747 : vector<1x16xf32> to vector<16xf32>
        %swap3A_749 = vector.shape_cast %add3A_744 : vector<16xf32> to vector<1x16xf32>
        tpu.vector_store %arg8[%swap3A_745, %swap3A_746], %swap3A_749 {strides = array<i32>} : memref<16x768xf32, #tpu.memory_space<vmem>>, vector<1x16xf32>,
        %get3A_750 = arith.index_cast %scan3A_173 : i32 to index
        %get3A_751 = arith.constant 656 : index
        %get3A_752 = tpu.vector_load %arg8[%get3A_750, %get3A_751] {strides = array<i32>} : memref<16x768xf32, #tpu.memory_space<vmem>>, vector<1x16xf32>,
        %get3A_753 = vector.shape_cast %get3A_752 : vector<1x16xf32> to vector<16xf32>
        %get3A_754 = arith.index_cast %rem3A_177 : i32 to index
        %get3A_755 = arith.constant 656 : index
        %get3A_756 = tpu.vector_load %arg7[%get3A_754, %get3A_755] {strides = array<i32>} : memref<77x768xf32, #tpu.memory_space<vmem>>, vector<1x16xf32>,
        %get3A_757 = vector.shape_cast %get3A_756 : vector<1x16xf32> to vector<16xf32>
        %add3A_758 = arith.addf %get3A_753, %get3A_757 : vector<16xf32>
        %swap3A_759 = arith.index_cast %scan3A_173 : i32 to index
        %swap3A_760 = arith.constant 656 : index
        %swap3A_761 = tpu.vector_load %arg8[%swap3A_759, %swap3A_760] {strides = array<i32>} : memref<16x768xf32, #tpu.memory_space<vmem>>, vector<1x16xf32>,
        %swap3A_762 = vector.shape_cast %swap3A_761 : vector<1x16xf32> to vector<16xf32>
        %swap3A_763 = vector.shape_cast %add3A_758 : vector<16xf32> to vector<1x16xf32>
        tpu.vector_store %arg8[%swap3A_759, %swap3A_760], %swap3A_763 {strides = array<i32>} : memref<16x768xf32, #tpu.memory_space<vmem>>, vector<1x16xf32>,
        %get3A_764 = arith.index_cast %scan3A_173 : i32 to index
        %get3A_765 = arith.constant 672 : index
        %get3A_766 = tpu.vector_load %arg8[%get3A_764, %get3A_765] {strides = array<i32>} : memref<16x768xf32, #tpu.memory_space<vmem>>, vector<1x16xf32>,
        %get3A_767 = vector.shape_cast %get3A_766 : vector<1x16xf32> to vector<16xf32>
        %get3A_768 = arith.index_cast %rem3A_177 : i32 to index
        %get3A_769 = arith.constant 672 : index
        %get3A_770 = tpu.vector_load %arg7[%get3A_768, %get3A_769] {strides = array<i32>} : memref<77x768xf32, #tpu.memory_space<vmem>>, vector<1x16xf32>,
        %get3A_771 = vector.shape_cast %get3A_770 : vector<1x16xf32> to vector<16xf32>
        %add3A_772 = arith.addf %get3A_767, %get3A_771 : vector<16xf32>
        %swap3A_773 = arith.index_cast %scan3A_173 : i32 to index
        %swap3A_774 = arith.constant 672 : index
        %swap3A_775 = tpu.vector_load %arg8[%swap3A_773, %swap3A_774] {strides = array<i32>} : memref<16x768xf32, #tpu.memory_space<vmem>>, vector<1x16xf32>,
        %swap3A_776 = vector.shape_cast %swap3A_775 : vector<1x16xf32> to vector<16xf32>
        %swap3A_777 = vector.shape_cast %add3A_772 : vector<16xf32> to vector<1x16xf32>
        tpu.vector_store %arg8[%swap3A_773, %swap3A_774], %swap3A_777 {strides = array<i32>} : memref<16x768xf32, #tpu.memory_space<vmem>>, vector<1x16xf32>,
        %get3A_778 = arith.index_cast %scan3A_173 : i32 to index
        %get3A_779 = arith.constant 688 : index
        %get3A_780 = tpu.vector_load %arg8[%get3A_778, %get3A_779] {strides = array<i32>} : memref<16x768xf32, #tpu.memory_space<vmem>>, vector<1x16xf32>,
        %get3A_781 = vector.shape_cast %get3A_780 : vector<1x16xf32> to vector<16xf32>
        %get3A_782 = arith.index_cast %rem3A_177 : i32 to index
        %get3A_783 = arith.constant 688 : index
        %get3A_784 = tpu.vector_load %arg7[%get3A_782, %get3A_783] {strides = array<i32>} : memref<77x768xf32, #tpu.memory_space<vmem>>, vector<1x16xf32>,
        %get3A_785 = vector.shape_cast %get3A_784 : vector<1x16xf32> to vector<16xf32>
        %add3A_786 = arith.addf %get3A_781, %get3A_785 : vector<16xf32>
        %swap3A_787 = arith.index_cast %scan3A_173 : i32 to index
        %swap3A_788 = arith.constant 688 : index
        %swap3A_789 = tpu.vector_load %arg8[%swap3A_787, %swap3A_788] {strides = array<i32>} : memref<16x768xf32, #tpu.memory_space<vmem>>, vector<1x16xf32>,
        %swap3A_790 = vector.shape_cast %swap3A_789 : vector<1x16xf32> to vector<16xf32>
        %swap3A_791 = vector.shape_cast %add3A_786 : vector<16xf32> to vector<1x16xf32>
        tpu.vector_store %arg8[%swap3A_787, %swap3A_788], %swap3A_791 {strides = array<i32>} : memref<16x768xf32, #tpu.memory_space<vmem>>, vector<1x16xf32>,
        %get3A_792 = arith.index_cast %scan3A_173 : i32 to index
        %get3A_793 = arith.constant 704 : index
        %get3A_794 = tpu.vector_load %arg8[%get3A_792, %get3A_793] {strides = array<i32>} : memref<16x768xf32, #tpu.memory_space<vmem>>, vector<1x16xf32>,
        %get3A_795 = vector.shape_cast %get3A_794 : vector<1x16xf32> to vector<16xf32>
        %get3A_796 = arith.index_cast %rem3A_177 : i32 to index
        %get3A_797 = arith.constant 704 : index
        %get3A_798 = tpu.vector_load %arg7[%get3A_796, %get3A_797] {strides = array<i32>} : memref<77x768xf32, #tpu.memory_space<vmem>>, vector<1x16xf32>,
        %get3A_799 = vector.shape_cast %get3A_798 : vector<1x16xf32> to vector<16xf32>
        %add3A_800 = arith.addf %get3A_795, %get3A_799 : vector<16xf32>
        %swap3A_801 = arith.index_cast %scan3A_173 : i32 to index
        %swap3A_802 = arith.constant 704 : index
        %swap3A_803 = tpu.vector_load %arg8[%swap3A_801, %swap3A_802] {strides = array<i32>} : memref<16x768xf32, #tpu.memory_space<vmem>>, vector<1x16xf32>,
        %swap3A_804 = vector.shape_cast %swap3A_803 : vector<1x16xf32> to vector<16xf32>
        %swap3A_805 = vector.shape_cast %add3A_800 : vector<16xf32> to vector<1x16xf32>
        tpu.vector_store %arg8[%swap3A_801, %swap3A_802], %swap3A_805 {strides = array<i32>} : memref<16x768xf32, #tpu.memory_space<vmem>>, vector<1x16xf32>,
        %get3A_806 = arith.index_cast %scan3A_173 : i32 to index
        %get3A_807 = arith.constant 720 : index
        %get3A_808 = tpu.vector_load %arg8[%get3A_806, %get3A_807] {strides = array<i32>} : memref<16x768xf32, #tpu.memory_space<vmem>>, vector<1x16xf32>,
        %get3A_809 = vector.shape_cast %get3A_808 : vector<1x16xf32> to vector<16xf32>
        %get3A_810 = arith.index_cast %rem3A_177 : i32 to index
        %get3A_811 = arith.constant 720 : index
        %get3A_812 = tpu.vector_load %arg7[%get3A_810, %get3A_811] {strides = array<i32>} : memref<77x768xf32, #tpu.memory_space<vmem>>, vector<1x16xf32>,
        %get3A_813 = vector.shape_cast %get3A_812 : vector<1x16xf32> to vector<16xf32>
        %add3A_814 = arith.addf %get3A_809, %get3A_813 : vector<16xf32>
        %swap3A_815 = arith.index_cast %scan3A_173 : i32 to index
        %swap3A_816 = arith.constant 720 : index
        %swap3A_817 = tpu.vector_load %arg8[%swap3A_815, %swap3A_816] {strides = array<i32>} : memref<16x768xf32, #tpu.memory_space<vmem>>, vector<1x16xf32>,
        %swap3A_818 = vector.shape_cast %swap3A_817 : vector<1x16xf32> to vector<16xf32>
        %swap3A_819 = vector.shape_cast %add3A_814 : vector<16xf32> to vector<1x16xf32>
        tpu.vector_store %arg8[%swap3A_815, %swap3A_816], %swap3A_819 {strides = array<i32>} : memref<16x768xf32, #tpu.memory_space<vmem>>, vector<1x16xf32>,
        %get3A_820 = arith.index_cast %scan3A_173 : i32 to index
        %get3A_821 = arith.constant 736 : index
        %get3A_822 = tpu.vector_load %arg8[%get3A_820, %get3A_821] {strides = array<i32>} : memref<16x768xf32, #tpu.memory_space<vmem>>, vector<1x16xf32>,
        %get3A_823 = vector.shape_cast %get3A_822 : vector<1x16xf32> to vector<16xf32>
        %get3A_824 = arith.index_cast %rem3A_177 : i32 to index
        %get3A_825 = arith.constant 736 : index
        %get3A_826 = tpu.vector_load %arg7[%get3A_824, %get3A_825] {strides = array<i32>} : memref<77x768xf32, #tpu.memory_space<vmem>>, vector<1x16xf32>,
        %get3A_827 = vector.shape_cast %get3A_826 : vector<1x16xf32> to vector<16xf32>
        %add3A_828 = arith.addf %get3A_823, %get3A_827 : vector<16xf32>
        %swap3A_829 = arith.index_cast %scan3A_173 : i32 to index
        %swap3A_830 = arith.constant 736 : index
        %swap3A_831 = tpu.vector_load %arg8[%swap3A_829, %swap3A_830] {strides = array<i32>} : memref<16x768xf32, #tpu.memory_space<vmem>>, vector<1x16xf32>,
        %swap3A_832 = vector.shape_cast %swap3A_831 : vector<1x16xf32> to vector<16xf32>
        %swap3A_833 = vector.shape_cast %add3A_828 : vector<16xf32> to vector<1x16xf32>
        tpu.vector_store %arg8[%swap3A_829, %swap3A_830], %swap3A_833 {strides = array<i32>} : memref<16x768xf32, #tpu.memory_space<vmem>>, vector<1x16xf32>,
        %get3A_834 = arith.index_cast %scan3A_173 : i32 to index
        %get3A_835 = arith.constant 752 : index
        %get3A_836 = tpu.vector_load %arg8[%get3A_834, %get3A_835] {strides = array<i32>} : memref<16x768xf32, #tpu.memory_space<vmem>>, vector<1x16xf32>,
        %get3A_837 = vector.shape_cast %get3A_836 : vector<1x16xf32> to vector<16xf32>
        %get3A_838 = arith.index_cast %rem3A_177 : i32 to index
        %get3A_839 = arith.constant 752 : index
        %get3A_840 = tpu.vector_load %arg7[%get3A_838, %get3A_839] {strides = array<i32>} : memref<77x768xf32, #tpu.memory_space<vmem>>, vector<1x16xf32>,
        %get3A_841 = vector.shape_cast %get3A_840 : vector<1x16xf32> to vector<16xf32>
        %add3A_842 = arith.addf %get3A_837, %get3A_841 : vector<16xf32>
        %swap3A_843 = arith.index_cast %scan3A_173 : i32 to index
        %swap3A_844 = arith.constant 752 : index
        %swap3A_845 = tpu.vector_load %arg8[%swap3A_843, %swap3A_844] {strides = array<i32>} : memref<16x768xf32, #tpu.memory_space<vmem>>, vector<1x16xf32>,
        %swap3A_846 = vector.shape_cast %swap3A_845 : vector<1x16xf32> to vector<16xf32>
        %swap3A_847 = vector.shape_cast %add3A_842 : vector<16xf32> to vector<1x16xf32>
        tpu.vector_store %arg8[%swap3A_843, %swap3A_844], %swap3A_847 {strides = array<i32>} : memref<16x768xf32, #tpu.memory_space<vmem>>, vector<1x16xf32>,
      }
      %scan3A_77 = arith.constant 16 : i32
      %mul3A_78 = arith.constant 16 : i32
      %mul3A_79 = arith.muli %add3A_65, %mul3A_78 : i32
      %add3A_80 = arith.addi %mul3A_2, %mul3A_79 : i32
      %dma_start3A_81 = arith.constant 0 : i32
      %dma_start3A_82 = tpu.memref_slice %arg5[%add3A_80, %dma_start3A_81] : memref<78848x768xf32, #tpu.memory_space<hbm>> -> memref<16x768xf32, #tpu.memory_space<hbm>>
      %dma_start3A_83 = arith.constant 0 : i32
      %dma_start3A_84 = tpu.memref_slice %arg5[%add3A_80, %dma_start3A_83] : memref<78848x768xf32, #tpu.memory_space<hbm>> -> memref<16x768xf32, #tpu.memory_space<hbm>>
      tpu.enqueue_dma source(%arg8 : memref<16x768xf32, #tpu.memory_space<vmem>>) target(%dma_start3A_84 : memref<16x768xf32, #tpu.memory_space<hbm>>) target_semaphore(%arg14 : memref<!tpu.dma_semaphore, #tpu.memory_space<semaphore_mem>>)
      %sub3A_85 = arith.constant 1 : i32
      %sub3A_86 = arith.subi %add3A_65, %sub3A_85 : i32
      %ge3A_87 = arith.constant 1 : i32
      %ge3A_88 = arith.cmpi sge, %add3A_65, %ge3A_87 : i32
      %convert_element_type3A_89 = arith.extui %ge3A_88 : i1 to i32
      %cond3A_90 = arith.constant 0 : i32
      %cond3A_91 = arith.cmpi ne, %convert_element_type3A_89, %cond3A_90 : i32
      scf.if %cond3A_91 {
        %mul3A_173 = arith.constant 16 : i32
        %mul3A_174 = arith.muli %sub3A_86, %mul3A_173 : i32
        %add3A_175 = arith.addi %mul3A_2, %mul3A_174 : i32
        %dma_wait3A_176 = arith.constant 0 : i32
        %dma_wait3A_177 = tpu.memref_slice %arg5[%add3A_175, %dma_wait3A_176] : memref<78848x768xf32, #tpu.memory_space<hbm>> -> memref<16x768xf32, #tpu.memory_space<hbm>>
        %dma_wait3A_178 = arith.constant 0 : i32
        %dma_wait3A_179 = tpu.memref_slice %arg5[%add3A_175, %dma_wait3A_178] : memref<78848x768xf32, #tpu.memory_space<hbm>> -> memref<16x768xf32, #tpu.memory_space<hbm>>
        tpu.wait_dma2 semaphore(%arg16 : memref<!tpu.dma_semaphore, #tpu.memory_space<semaphore_mem>>) src(%arg10 : memref<16x768xf32, #tpu.memory_space<vmem>>) dst(%dma_wait3A_179 : memref<16x768xf32, #tpu.memory_space<hbm>>)
      } else {
      }
      %add3A_92 = arith.constant 2 : i32
      %add3A_93 = arith.addi %add3A_65, %add3A_92 : i32
      %le3A_94 = arith.constant 153 : i32
      %le3A_95 = arith.cmpi sle, %add3A_93, %le3A_94 : i32
      %convert_element_type3A_96 = arith.extui %le3A_95 : i1 to i32
      %cond3A_97 = arith.constant 0 : i32
      %cond3A_98 = arith.cmpi ne, %convert_element_type3A_96, %cond3A_97 : i32
      scf.if %cond3A_98 {
        %add3A_173 = arith.constant 2 : i32
        %add3A_174 = arith.addi %add3A_65, %add3A_173 : i32
        %min3A = arith.constant 153 : i32
        %min3A_175 = arith.minsi %add3A_174, %min3A : i32
        %dma_start3A_176 = arith.constant 0 : i32
        %dma_start3A_177 = tpu.memref_slice %arg6[%min3A_175, %dma_start3A_176] : memref<154x16xi32, #tpu.memory_space<vmem>> -> memref<1x16xi32, #tpu.memory_space<vmem>>
        %dma_start3A_178 = tpu.memref_squeeze %dma_start3A_177 : memref<1x16xi32, #tpu.memory_space<vmem>> -> memref<16xi32, #tpu.memory_space<vmem>>
        %dma_start3A_179 = arith.constant 0 : i32
        %dma_start3A_180 = arith.constant 0 : i32
        %dma_start3A_181 = tpu.memref_slice %arg2[%dma_start3A_179, %dma_start3A_180] : memref<49408x768xf32, #tpu.memory_space<hbm>> -> memref<49408x768xf32, #tpu.memory_space<hbm>>
        tpu.enqueue_indirect_dma source(%dma_start3A_181 : memref<49408x768xf32, #tpu.memory_space<hbm>>) target(%arg10 : memref<16x768xf32, #tpu.memory_space<vmem>>) offsets(%dma_start3A_178 : memref<16xi32, #tpu.memory_space<vmem>>) semaphore(%arg13 : memref<!tpu.dma_semaphore, #tpu.memory_space<semaphore_mem>>)
      } else {
      }
      %mul3A_99 = arith.constant 3 : i32
      %mul3A_100 = arith.muli %scan3A_61, %mul3A_99 : i32
      %add3A_101 = arith.constant 1 : i32
      %add3A_102 = arith.addi %mul3A_100, %add3A_101 : i32
      %dma_wait3A_103 = arith.constant 0 : i32
      %dma_wait3A_104 = tpu.memref_slice %arg6[%add3A_102, %dma_wait3A_103] : memref<154x16xi32, #tpu.memory_space<vmem>> -> memref<1x16xi32, #tpu.memory_space<vmem>>
      %dma_wait3A_105 = tpu.memref_squeeze %dma_wait3A_104 : memref<1x16xi32, #tpu.memory_space<vmem>> -> memref<16xi32, #tpu.memory_space<vmem>>
      %dma_wait3A_106 = arith.constant 0 : i32
      %dma_wait3A_107 = arith.constant 0 : i32
      %dma_wait3A_108 = tpu.memref_slice %arg2[%dma_wait3A_106, %dma_wait3A_107] : memref<49408x768xf32, #tpu.memory_space<hbm>> -> memref<49408x768xf32, #tpu.memory_space<hbm>>
      tpu.wait_indirect_dma semaphore(%arg12 : memref<!tpu.dma_semaphore, #tpu.memory_space<semaphore_mem>>) src(%dma_wait3A_108 : memref<49408x768xf32, #tpu.memory_space<hbm>>) dst(%arg9 : memref<16x768xf32, #tpu.memory_space<vmem>>)
      %scan3A_109 = arith.constant 0 : i32
      %scan3A_110 = arith.constant 0 : i32
      %scan3A_111 = arith.constant 16 : i32
      %scan3A_112 = arith.addi %scan3A_110, %scan3A_111 : i32
      %scan3A_113 = arith.constant 1 : i32
      scf.for %scan3A_173 = %scan3A_110 to %scan3A_112 step %scan3A_113  : i32 {
        %mul3A_174 = arith.constant 16 : i32
        %mul3A_175 = arith.muli %add3A_102, %mul3A_174 : i32
        %add3A_176 = arith.addi %mul3A_175, %scan3A_173 : i32
        %rem3A = arith.constant 77 : i32
        %rem3A_177 = arith.remsi %add3A_176, %rem3A : i32
        %get3A = arith.index_cast %scan3A_173 : i32 to index
        %get3A_178 = arith.constant 0 : index
        %get3A_179 = tpu.vector_load %arg9[%get3A, %get3A_178] {strides = array<i32>} : memref<16x768xf32, #tpu.memory_space<vmem>>, vector<1x16xf32>,
        %get3A_180 = vector.shape_cast %get3A_179 : vector<1x16xf32> to vector<16xf32>
        %get3A_181 = arith.index_cast %rem3A_177 : i32 to index
        %get3A_182 = arith.constant 0 : index
        %get3A_183 = tpu.vector_load %arg7[%get3A_181, %get3A_182] {strides = array<i32>} : memref<77x768xf32, #tpu.memory_space<vmem>>, vector<1x16xf32>,
        %get3A_184 = vector.shape_cast %get3A_183 : vector<1x16xf32> to vector<16xf32>
        %add3A_185 = arith.addf %get3A_180, %get3A_184 : vector<16xf32>
        %swap3A = arith.index_cast %scan3A_173 : i32 to index
        %swap3A_186 = arith.constant 0 : index
        %swap3A_187 = tpu.vector_load %arg9[%swap3A, %swap3A_186] {strides = array<i32>} : memref<16x768xf32, #tpu.memory_space<vmem>>, vector<1x16xf32>,
        %swap3A_188 = vector.shape_cast %swap3A_187 : vector<1x16xf32> to vector<16xf32>
        %swap3A_189 = vector.shape_cast %add3A_185 : vector<16xf32> to vector<1x16xf32>
        tpu.vector_store %arg9[%swap3A, %swap3A_186], %swap3A_189 {strides = array<i32>} : memref<16x768xf32, #tpu.memory_space<vmem>>, vector<1x16xf32>,
        %get3A_190 = arith.index_cast %scan3A_173 : i32 to index
        %get3A_191 = arith.constant 16 : index
        %get3A_192 = tpu.vector_load %arg9[%get3A_190, %get3A_191] {strides = array<i32>} : memref<16x768xf32, #tpu.memory_space<vmem>>, vector<1x16xf32>,
        %get3A_193 = vector.shape_cast %get3A_192 : vector<1x16xf32> to vector<16xf32>
        %get3A_194 = arith.index_cast %rem3A_177 : i32 to index
        %get3A_195 = arith.constant 16 : index
        %get3A_196 = tpu.vector_load %arg7[%get3A_194, %get3A_195] {strides = array<i32>} : memref<77x768xf32, #tpu.memory_space<vmem>>, vector<1x16xf32>,
        %get3A_197 = vector.shape_cast %get3A_196 : vector<1x16xf32> to vector<16xf32>
        %add3A_198 = arith.addf %get3A_193, %get3A_197 : vector<16xf32>
        %swap3A_199 = arith.index_cast %scan3A_173 : i32 to index
        %swap3A_200 = arith.constant 16 : index
        %swap3A_201 = tpu.vector_load %arg9[%swap3A_199, %swap3A_200] {strides = array<i32>} : memref<16x768xf32, #tpu.memory_space<vmem>>, vector<1x16xf32>,
        %swap3A_202 = vector.shape_cast %swap3A_201 : vector<1x16xf32> to vector<16xf32>
        %swap3A_203 = vector.shape_cast %add3A_198 : vector<16xf32> to vector<1x16xf32>
        tpu.vector_store %arg9[%swap3A_199, %swap3A_200], %swap3A_203 {strides = array<i32>} : memref<16x768xf32, #tpu.memory_space<vmem>>, vector<1x16xf32>,
        %get3A_204 = arith.index_cast %scan3A_173 : i32 to index
        %get3A_205 = arith.constant 32 : index
        %get3A_206 = tpu.vector_load %arg9[%get3A_204, %get3A_205] {strides = array<i32>} : memref<16x768xf32, #tpu.memory_space<vmem>>, vector<1x16xf32>,
        %get3A_207 = vector.shape_cast %get3A_206 : vector<1x16xf32> to vector<16xf32>
        %get3A_208 = arith.index_cast %rem3A_177 : i32 to index
        %get3A_209 = arith.constant 32 : index
        %get3A_210 = tpu.vector_load %arg7[%get3A_208, %get3A_209] {strides = array<i32>} : memref<77x768xf32, #tpu.memory_space<vmem>>, vector<1x16xf32>,
        %get3A_211 = vector.shape_cast %get3A_210 : vector<1x16xf32> to vector<16xf32>
        %add3A_212 = arith.addf %get3A_207, %get3A_211 : vector<16xf32>
        %swap3A_213 = arith.index_cast %scan3A_173 : i32 to index
        %swap3A_214 = arith.constant 32 : index
        %swap3A_215 = tpu.vector_load %arg9[%swap3A_213, %swap3A_214] {strides = array<i32>} : memref<16x768xf32, #tpu.memory_space<vmem>>, vector<1x16xf32>,
        %swap3A_216 = vector.shape_cast %swap3A_215 : vector<1x16xf32> to vector<16xf32>
        %swap3A_217 = vector.shape_cast %add3A_212 : vector<16xf32> to vector<1x16xf32>
        tpu.vector_store %arg9[%swap3A_213, %swap3A_214], %swap3A_217 {strides = array<i32>} : memref<16x768xf32, #tpu.memory_space<vmem>>, vector<1x16xf32>,
        %get3A_218 = arith.index_cast %scan3A_173 : i32 to index
        %get3A_219 = arith.constant 48 : index
        %get3A_220 = tpu.vector_load %arg9[%get3A_218, %get3A_219] {strides = array<i32>} : memref<16x768xf32, #tpu.memory_space<vmem>>, vector<1x16xf32>,
        %get3A_221 = vector.shape_cast %get3A_220 : vector<1x16xf32> to vector<16xf32>
        %get3A_222 = arith.index_cast %rem3A_177 : i32 to index
        %get3A_223 = arith.constant 48 : index
        %get3A_224 = tpu.vector_load %arg7[%get3A_222, %get3A_223] {strides = array<i32>} : memref<77x768xf32, #tpu.memory_space<vmem>>, vector<1x16xf32>,
        %get3A_225 = vector.shape_cast %get3A_224 : vector<1x16xf32> to vector<16xf32>
        %add3A_226 = arith.addf %get3A_221, %get3A_225 : vector<16xf32>
        %swap3A_227 = arith.index_cast %scan3A_173 : i32 to index
        %swap3A_228 = arith.constant 48 : index
        %swap3A_229 = tpu.vector_load %arg9[%swap3A_227, %swap3A_228] {strides = array<i32>} : memref<16x768xf32, #tpu.memory_space<vmem>>, vector<1x16xf32>,
        %swap3A_230 = vector.shape_cast %swap3A_229 : vector<1x16xf32> to vector<16xf32>
        %swap3A_231 = vector.shape_cast %add3A_226 : vector<16xf32> to vector<1x16xf32>
        tpu.vector_store %arg9[%swap3A_227, %swap3A_228], %swap3A_231 {strides = array<i32>} : memref<16x768xf32, #tpu.memory_space<vmem>>, vector<1x16xf32>,
        %get3A_232 = arith.index_cast %scan3A_173 : i32 to index
        %get3A_233 = arith.constant 64 : index
        %get3A_234 = tpu.vector_load %arg9[%get3A_232, %get3A_233] {strides = array<i32>} : memref<16x768xf32, #tpu.memory_space<vmem>>, vector<1x16xf32>,
        %get3A_235 = vector.shape_cast %get3A_234 : vector<1x16xf32> to vector<16xf32>
        %get3A_236 = arith.index_cast %rem3A_177 : i32 to index
        %get3A_237 = arith.constant 64 : index
        %get3A_238 = tpu.vector_load %arg7[%get3A_236, %get3A_237] {strides = array<i32>} : memref<77x768xf32, #tpu.memory_space<vmem>>, vector<1x16xf32>,
        %get3A_239 = vector.shape_cast %get3A_238 : vector<1x16xf32> to vector<16xf32>
        %add3A_240 = arith.addf %get3A_235, %get3A_239 : vector<16xf32>
        %swap3A_241 = arith.index_cast %scan3A_173 : i32 to index
        %swap3A_242 = arith.constant 64 : index
        %swap3A_243 = tpu.vector_load %arg9[%swap3A_241, %swap3A_242] {strides = array<i32>} : memref<16x768xf32, #tpu.memory_space<vmem>>, vector<1x16xf32>,
        %swap3A_244 = vector.shape_cast %swap3A_243 : vector<1x16xf32> to vector<16xf32>
        %swap3A_245 = vector.shape_cast %add3A_240 : vector<16xf32> to vector<1x16xf32>
        tpu.vector_store %arg9[%swap3A_241, %swap3A_242], %swap3A_245 {strides = array<i32>} : memref<16x768xf32, #tpu.memory_space<vmem>>, vector<1x16xf32>,
        %get3A_246 = arith.index_cast %scan3A_173 : i32 to index
        %get3A_247 = arith.constant 80 : index
        %get3A_248 = tpu.vector_load %arg9[%get3A_246, %get3A_247] {strides = array<i32>} : memref<16x768xf32, #tpu.memory_space<vmem>>, vector<1x16xf32>,
        %get3A_249 = vector.shape_cast %get3A_248 : vector<1x16xf32> to vector<16xf32>
        %get3A_250 = arith.index_cast %rem3A_177 : i32 to index
        %get3A_251 = arith.constant 80 : index
        %get3A_252 = tpu.vector_load %arg7[%get3A_250, %get3A_251] {strides = array<i32>} : memref<77x768xf32, #tpu.memory_space<vmem>>, vector<1x16xf32>,
        %get3A_253 = vector.shape_cast %get3A_252 : vector<1x16xf32> to vector<16xf32>
        %add3A_254 = arith.addf %get3A_249, %get3A_253 : vector<16xf32>
        %swap3A_255 = arith.index_cast %scan3A_173 : i32 to index
        %swap3A_256 = arith.constant 80 : index
        %swap3A_257 = tpu.vector_load %arg9[%swap3A_255, %swap3A_256] {strides = array<i32>} : memref<16x768xf32, #tpu.memory_space<vmem>>, vector<1x16xf32>,
        %swap3A_258 = vector.shape_cast %swap3A_257 : vector<1x16xf32> to vector<16xf32>
        %swap3A_259 = vector.shape_cast %add3A_254 : vector<16xf32> to vector<1x16xf32>
        tpu.vector_store %arg9[%swap3A_255, %swap3A_256], %swap3A_259 {strides = array<i32>} : memref<16x768xf32, #tpu.memory_space<vmem>>, vector<1x16xf32>,
        %get3A_260 = arith.index_cast %scan3A_173 : i32 to index
        %get3A_261 = arith.constant 96 : index
        %get3A_262 = tpu.vector_load %arg9[%get3A_260, %get3A_261] {strides = array<i32>} : memref<16x768xf32, #tpu.memory_space<vmem>>, vector<1x16xf32>,
        %get3A_263 = vector.shape_cast %get3A_262 : vector<1x16xf32> to vector<16xf32>
        %get3A_264 = arith.index_cast %rem3A_177 : i32 to index
        %get3A_265 = arith.constant 96 : index
        %get3A_266 = tpu.vector_load %arg7[%get3A_264, %get3A_265] {strides = array<i32>} : memref<77x768xf32, #tpu.memory_space<vmem>>, vector<1x16xf32>,
        %get3A_267 = vector.shape_cast %get3A_266 : vector<1x16xf32> to vector<16xf32>
        %add3A_268 = arith.addf %get3A_263, %get3A_267 : vector<16xf32>
        %swap3A_269 = arith.index_cast %scan3A_173 : i32 to index
        %swap3A_270 = arith.constant 96 : index
        %swap3A_271 = tpu.vector_load %arg9[%swap3A_269, %swap3A_270] {strides = array<i32>} : memref<16x768xf32, #tpu.memory_space<vmem>>, vector<1x16xf32>,
        %swap3A_272 = vector.shape_cast %swap3A_271 : vector<1x16xf32> to vector<16xf32>
        %swap3A_273 = vector.shape_cast %add3A_268 : vector<16xf32> to vector<1x16xf32>
        tpu.vector_store %arg9[%swap3A_269, %swap3A_270], %swap3A_273 {strides = array<i32>} : memref<16x768xf32, #tpu.memory_space<vmem>>, vector<1x16xf32>,
        %get3A_274 = arith.index_cast %scan3A_173 : i32 to index
        %get3A_275 = arith.constant 112 : index
        %get3A_276 = tpu.vector_load %arg9[%get3A_274, %get3A_275] {strides = array<i32>} : memref<16x768xf32, #tpu.memory_space<vmem>>, vector<1x16xf32>,
        %get3A_277 = vector.shape_cast %get3A_276 : vector<1x16xf32> to vector<16xf32>
        %get3A_278 = arith.index_cast %rem3A_177 : i32 to index
        %get3A_279 = arith.constant 112 : index
        %get3A_280 = tpu.vector_load %arg7[%get3A_278, %get3A_279] {strides = array<i32>} : memref<77x768xf32, #tpu.memory_space<vmem>>, vector<1x16xf32>,
        %get3A_281 = vector.shape_cast %get3A_280 : vector<1x16xf32> to vector<16xf32>
        %add3A_282 = arith.addf %get3A_277, %get3A_281 : vector<16xf32>
        %swap3A_283 = arith.index_cast %scan3A_173 : i32 to index
        %swap3A_284 = arith.constant 112 : index
        %swap3A_285 = tpu.vector_load %arg9[%swap3A_283, %swap3A_284] {strides = array<i32>} : memref<16x768xf32, #tpu.memory_space<vmem>>, vector<1x16xf32>,
        %swap3A_286 = vector.shape_cast %swap3A_285 : vector<1x16xf32> to vector<16xf32>
        %swap3A_287 = vector.shape_cast %add3A_282 : vector<16xf32> to vector<1x16xf32>
        tpu.vector_store %arg9[%swap3A_283, %swap3A_284], %swap3A_287 {strides = array<i32>} : memref<16x768xf32, #tpu.memory_space<vmem>>, vector<1x16xf32>,
        %get3A_288 = arith.index_cast %scan3A_173 : i32 to index
        %get3A_289 = arith.constant 128 : index
        %get3A_290 = tpu.vector_load %arg9[%get3A_288, %get3A_289] {strides = array<i32>} : memref<16x768xf32, #tpu.memory_space<vmem>>, vector<1x16xf32>,
        %get3A_291 = vector.shape_cast %get3A_290 : vector<1x16xf32> to vector<16xf32>
        %get3A_292 = arith.index_cast %rem3A_177 : i32 to index
        %get3A_293 = arith.constant 128 : index
        %get3A_294 = tpu.vector_load %arg7[%get3A_292, %get3A_293] {strides = array<i32>} : memref<77x768xf32, #tpu.memory_space<vmem>>, vector<1x16xf32>,
        %get3A_295 = vector.shape_cast %get3A_294 : vector<1x16xf32> to vector<16xf32>
        %add3A_296 = arith.addf %get3A_291, %get3A_295 : vector<16xf32>
        %swap3A_297 = arith.index_cast %scan3A_173 : i32 to index
        %swap3A_298 = arith.constant 128 : index
        %swap3A_299 = tpu.vector_load %arg9[%swap3A_297, %swap3A_298] {strides = array<i32>} : memref<16x768xf32, #tpu.memory_space<vmem>>, vector<1x16xf32>,
        %swap3A_300 = vector.shape_cast %swap3A_299 : vector<1x16xf32> to vector<16xf32>
        %swap3A_301 = vector.shape_cast %add3A_296 : vector<16xf32> to vector<1x16xf32>
        tpu.vector_store %arg9[%swap3A_297, %swap3A_298], %swap3A_301 {strides = array<i32>} : memref<16x768xf32, #tpu.memory_space<vmem>>, vector<1x16xf32>,
        %get3A_302 = arith.index_cast %scan3A_173 : i32 to index
        %get3A_303 = arith.constant 144 : index
        %get3A_304 = tpu.vector_load %arg9[%get3A_302, %get3A_303] {strides = array<i32>} : memref<16x768xf32, #tpu.memory_space<vmem>>, vector<1x16xf32>,
        %get3A_305 = vector.shape_cast %get3A_304 : vector<1x16xf32> to vector<16xf32>
        %get3A_306 = arith.index_cast %rem3A_177 : i32 to index
        %get3A_307 = arith.constant 144 : index
        %get3A_308 = tpu.vector_load %arg7[%get3A_306, %get3A_307] {strides = array<i32>} : memref<77x768xf32, #tpu.memory_space<vmem>>, vector<1x16xf32>,
        %get3A_309 = vector.shape_cast %get3A_308 : vector<1x16xf32> to vector<16xf32>
        %add3A_310 = arith.addf %get3A_305, %get3A_309 : vector<16xf32>
        %swap3A_311 = arith.index_cast %scan3A_173 : i32 to index
        %swap3A_312 = arith.constant 144 : index
        %swap3A_313 = tpu.vector_load %arg9[%swap3A_311, %swap3A_312] {strides = array<i32>} : memref<16x768xf32, #tpu.memory_space<vmem>>, vector<1x16xf32>,
        %swap3A_314 = vector.shape_cast %swap3A_313 : vector<1x16xf32> to vector<16xf32>
        %swap3A_315 = vector.shape_cast %add3A_310 : vector<16xf32> to vector<1x16xf32>
        tpu.vector_store %arg9[%swap3A_311, %swap3A_312], %swap3A_315 {strides = array<i32>} : memref<16x768xf32, #tpu.memory_space<vmem>>, vector<1x16xf32>,
        %get3A_316 = arith.index_cast %scan3A_173 : i32 to index
        %get3A_317 = arith.constant 160 : index
        %get3A_318 = tpu.vector_load %arg9[%get3A_316, %get3A_317] {strides = array<i32>} : memref<16x768xf32, #tpu.memory_space<vmem>>, vector<1x16xf32>,
        %get3A_319 = vector.shape_cast %get3A_318 : vector<1x16xf32> to vector<16xf32>
        %get3A_320 = arith.index_cast %rem3A_177 : i32 to index
        %get3A_321 = arith.constant 160 : index
        %get3A_322 = tpu.vector_load %arg7[%get3A_320, %get3A_321] {strides = array<i32>} : memref<77x768xf32, #tpu.memory_space<vmem>>, vector<1x16xf32>,
        %get3A_323 = vector.shape_cast %get3A_322 : vector<1x16xf32> to vector<16xf32>
        %add3A_324 = arith.addf %get3A_319, %get3A_323 : vector<16xf32>
        %swap3A_325 = arith.index_cast %scan3A_173 : i32 to index
        %swap3A_326 = arith.constant 160 : index
        %swap3A_327 = tpu.vector_load %arg9[%swap3A_325, %swap3A_326] {strides = array<i32>} : memref<16x768xf32, #tpu.memory_space<vmem>>, vector<1x16xf32>,
        %swap3A_328 = vector.shape_cast %swap3A_327 : vector<1x16xf32> to vector<16xf32>
        %swap3A_329 = vector.shape_cast %add3A_324 : vector<16xf32> to vector<1x16xf32>
        tpu.vector_store %arg9[%swap3A_325, %swap3A_326], %swap3A_329 {strides = array<i32>} : memref<16x768xf32, #tpu.memory_space<vmem>>, vector<1x16xf32>,
        %get3A_330 = arith.index_cast %scan3A_173 : i32 to index
        %get3A_331 = arith.constant 176 : index
        %get3A_332 = tpu.vector_load %arg9[%get3A_330, %get3A_331] {strides = array<i32>} : memref<16x768xf32, #tpu.memory_space<vmem>>, vector<1x16xf32>,
        %get3A_333 = vector.shape_cast %get3A_332 : vector<1x16xf32> to vector<16xf32>
        %get3A_334 = arith.index_cast %rem3A_177 : i32 to index
        %get3A_335 = arith.constant 176 : index
        %get3A_336 = tpu.vector_load %arg7[%get3A_334, %get3A_335] {strides = array<i32>} : memref<77x768xf32, #tpu.memory_space<vmem>>, vector<1x16xf32>,
        %get3A_337 = vector.shape_cast %get3A_336 : vector<1x16xf32> to vector<16xf32>
        %add3A_338 = arith.addf %get3A_333, %get3A_337 : vector<16xf32>
        %swap3A_339 = arith.index_cast %scan3A_173 : i32 to index
        %swap3A_340 = arith.constant 176 : index
        %swap3A_341 = tpu.vector_load %arg9[%swap3A_339, %swap3A_340] {strides = array<i32>} : memref<16x768xf32, #tpu.memory_space<vmem>>, vector<1x16xf32>,
        %swap3A_342 = vector.shape_cast %swap3A_341 : vector<1x16xf32> to vector<16xf32>
        %swap3A_343 = vector.shape_cast %add3A_338 : vector<16xf32> to vector<1x16xf32>
        tpu.vector_store %arg9[%swap3A_339, %swap3A_340], %swap3A_343 {strides = array<i32>} : memref<16x768xf32, #tpu.memory_space<vmem>>, vector<1x16xf32>,
        %get3A_344 = arith.index_cast %scan3A_173 : i32 to index
        %get3A_345 = arith.constant 192 : index
        %get3A_346 = tpu.vector_load %arg9[%get3A_344, %get3A_345] {strides = array<i32>} : memref<16x768xf32, #tpu.memory_space<vmem>>, vector<1x16xf32>,
        %get3A_347 = vector.shape_cast %get3A_346 : vector<1x16xf32> to vector<16xf32>
        %get3A_348 = arith.index_cast %rem3A_177 : i32 to index
        %get3A_349 = arith.constant 192 : index
        %get3A_350 = tpu.vector_load %arg7[%get3A_348, %get3A_349] {strides = array<i32>} : memref<77x768xf32, #tpu.memory_space<vmem>>, vector<1x16xf32>,
        %get3A_351 = vector.shape_cast %get3A_350 : vector<1x16xf32> to vector<16xf32>
        %add3A_352 = arith.addf %get3A_347, %get3A_351 : vector<16xf32>
        %swap3A_353 = arith.index_cast %scan3A_173 : i32 to index
        %swap3A_354 = arith.constant 192 : index
        %swap3A_355 = tpu.vector_load %arg9[%swap3A_353, %swap3A_354] {strides = array<i32>} : memref<16x768xf32, #tpu.memory_space<vmem>>, vector<1x16xf32>,
        %swap3A_356 = vector.shape_cast %swap3A_355 : vector<1x16xf32> to vector<16xf32>
        %swap3A_357 = vector.shape_cast %add3A_352 : vector<16xf32> to vector<1x16xf32>
        tpu.vector_store %arg9[%swap3A_353, %swap3A_354], %swap3A_357 {strides = array<i32>} : memref<16x768xf32, #tpu.memory_space<vmem>>, vector<1x16xf32>,
        %get3A_358 = arith.index_cast %scan3A_173 : i32 to index
        %get3A_359 = arith.constant 208 : index
        %get3A_360 = tpu.vector_load %arg9[%get3A_358, %get3A_359] {strides = array<i32>} : memref<16x768xf32, #tpu.memory_space<vmem>>, vector<1x16xf32>,
        %get3A_361 = vector.shape_cast %get3A_360 : vector<1x16xf32> to vector<16xf32>
        %get3A_362 = arith.index_cast %rem3A_177 : i32 to index
        %get3A_363 = arith.constant 208 : index
        %get3A_364 = tpu.vector_load %arg7[%get3A_362, %get3A_363] {strides = array<i32>} : memref<77x768xf32, #tpu.memory_space<vmem>>, vector<1x16xf32>,
        %get3A_365 = vector.shape_cast %get3A_364 : vector<1x16xf32> to vector<16xf32>
        %add3A_366 = arith.addf %get3A_361, %get3A_365 : vector<16xf32>
        %swap3A_367 = arith.index_cast %scan3A_173 : i32 to index
        %swap3A_368 = arith.constant 208 : index
        %swap3A_369 = tpu.vector_load %arg9[%swap3A_367, %swap3A_368] {strides = array<i32>} : memref<16x768xf32, #tpu.memory_space<vmem>>, vector<1x16xf32>,
        %swap3A_370 = vector.shape_cast %swap3A_369 : vector<1x16xf32> to vector<16xf32>
        %swap3A_371 = vector.shape_cast %add3A_366 : vector<16xf32> to vector<1x16xf32>
        tpu.vector_store %arg9[%swap3A_367, %swap3A_368], %swap3A_371 {strides = array<i32>} : memref<16x768xf32, #tpu.memory_space<vmem>>, vector<1x16xf32>,
        %get3A_372 = arith.index_cast %scan3A_173 : i32 to index
        %get3A_373 = arith.constant 224 : index
        %get3A_374 = tpu.vector_load %arg9[%get3A_372, %get3A_373] {strides = array<i32>} : memref<16x768xf32, #tpu.memory_space<vmem>>, vector<1x16xf32>,
        %get3A_375 = vector.shape_cast %get3A_374 : vector<1x16xf32> to vector<16xf32>
        %get3A_376 = arith.index_cast %rem3A_177 : i32 to index
        %get3A_377 = arith.constant 224 : index
        %get3A_378 = tpu.vector_load %arg7[%get3A_376, %get3A_377] {strides = array<i32>} : memref<77x768xf32, #tpu.memory_space<vmem>>, vector<1x16xf32>,
        %get3A_379 = vector.shape_cast %get3A_378 : vector<1x16xf32> to vector<16xf32>
        %add3A_380 = arith.addf %get3A_375, %get3A_379 : vector<16xf32>
        %swap3A_381 = arith.index_cast %scan3A_173 : i32 to index
        %swap3A_382 = arith.constant 224 : index
        %swap3A_383 = tpu.vector_load %arg9[%swap3A_381, %swap3A_382] {strides = array<i32>} : memref<16x768xf32, #tpu.memory_space<vmem>>, vector<1x16xf32>,
        %swap3A_384 = vector.shape_cast %swap3A_383 : vector<1x16xf32> to vector<16xf32>
        %swap3A_385 = vector.shape_cast %add3A_380 : vector<16xf32> to vector<1x16xf32>
        tpu.vector_store %arg9[%swap3A_381, %swap3A_382], %swap3A_385 {strides = array<i32>} : memref<16x768xf32, #tpu.memory_space<vmem>>, vector<1x16xf32>,
        %get3A_386 = arith.index_cast %scan3A_173 : i32 to index
        %get3A_387 = arith.constant 240 : index
        %get3A_388 = tpu.vector_load %arg9[%get3A_386, %get3A_387] {strides = array<i32>} : memref<16x768xf32, #tpu.memory_space<vmem>>, vector<1x16xf32>,
        %get3A_389 = vector.shape_cast %get3A_388 : vector<1x16xf32> to vector<16xf32>
        %get3A_390 = arith.index_cast %rem3A_177 : i32 to index
        %get3A_391 = arith.constant 240 : index
        %get3A_392 = tpu.vector_load %arg7[%get3A_390, %get3A_391] {strides = array<i32>} : memref<77x768xf32, #tpu.memory_space<vmem>>, vector<1x16xf32>,
        %get3A_393 = vector.shape_cast %get3A_392 : vector<1x16xf32> to vector<16xf32>
        %add3A_394 = arith.addf %get3A_389, %get3A_393 : vector<16xf32>
        %swap3A_395 = arith.index_cast %scan3A_173 : i32 to index
        %swap3A_396 = arith.constant 240 : index
        %swap3A_397 = tpu.vector_load %arg9[%swap3A_395, %swap3A_396] {strides = array<i32>} : memref<16x768xf32, #tpu.memory_space<vmem>>, vector<1x16xf32>,
        %swap3A_398 = vector.shape_cast %swap3A_397 : vector<1x16xf32> to vector<16xf32>
        %swap3A_399 = vector.shape_cast %add3A_394 : vector<16xf32> to vector<1x16xf32>
        tpu.vector_store %arg9[%swap3A_395, %swap3A_396], %swap3A_399 {strides = array<i32>} : memref<16x768xf32, #tpu.memory_space<vmem>>, vector<1x16xf32>,
        %get3A_400 = arith.index_cast %scan3A_173 : i32 to index
        %get3A_401 = arith.constant 256 : index
        %get3A_402 = tpu.vector_load %arg9[%get3A_400, %get3A_401] {strides = array<i32>} : memref<16x768xf32, #tpu.memory_space<vmem>>, vector<1x16xf32>,
        %get3A_403 = vector.shape_cast %get3A_402 : vector<1x16xf32> to vector<16xf32>
        %get3A_404 = arith.index_cast %rem3A_177 : i32 to index
        %get3A_405 = arith.constant 256 : index
        %get3A_406 = tpu.vector_load %arg7[%get3A_404, %get3A_405] {strides = array<i32>} : memref<77x768xf32, #tpu.memory_space<vmem>>, vector<1x16xf32>,
        %get3A_407 = vector.shape_cast %get3A_406 : vector<1x16xf32> to vector<16xf32>
        %add3A_408 = arith.addf %get3A_403, %get3A_407 : vector<16xf32>
        %swap3A_409 = arith.index_cast %scan3A_173 : i32 to index
        %swap3A_410 = arith.constant 256 : index
        %swap3A_411 = tpu.vector_load %arg9[%swap3A_409, %swap3A_410] {strides = array<i32>} : memref<16x768xf32, #tpu.memory_space<vmem>>, vector<1x16xf32>,
        %swap3A_412 = vector.shape_cast %swap3A_411 : vector<1x16xf32> to vector<16xf32>
        %swap3A_413 = vector.shape_cast %add3A_408 : vector<16xf32> to vector<1x16xf32>
        tpu.vector_store %arg9[%swap3A_409, %swap3A_410], %swap3A_413 {strides = array<i32>} : memref<16x768xf32, #tpu.memory_space<vmem>>, vector<1x16xf32>,
        %get3A_414 = arith.index_cast %scan3A_173 : i32 to index
        %get3A_415 = arith.constant 272 : index
        %get3A_416 = tpu.vector_load %arg9[%get3A_414, %get3A_415] {strides = array<i32>} : memref<16x768xf32, #tpu.memory_space<vmem>>, vector<1x16xf32>,
        %get3A_417 = vector.shape_cast %get3A_416 : vector<1x16xf32> to vector<16xf32>
        %get3A_418 = arith.index_cast %rem3A_177 : i32 to index
        %get3A_419 = arith.constant 272 : index
        %get3A_420 = tpu.vector_load %arg7[%get3A_418, %get3A_419] {strides = array<i32>} : memref<77x768xf32, #tpu.memory_space<vmem>>, vector<1x16xf32>,
        %get3A_421 = vector.shape_cast %get3A_420 : vector<1x16xf32> to vector<16xf32>
        %add3A_422 = arith.addf %get3A_417, %get3A_421 : vector<16xf32>
        %swap3A_423 = arith.index_cast %scan3A_173 : i32 to index
        %swap3A_424 = arith.constant 272 : index
        %swap3A_425 = tpu.vector_load %arg9[%swap3A_423, %swap3A_424] {strides = array<i32>} : memref<16x768xf32, #tpu.memory_space<vmem>>, vector<1x16xf32>,
        %swap3A_426 = vector.shape_cast %swap3A_425 : vector<1x16xf32> to vector<16xf32>
        %swap3A_427 = vector.shape_cast %add3A_422 : vector<16xf32> to vector<1x16xf32>
        tpu.vector_store %arg9[%swap3A_423, %swap3A_424], %swap3A_427 {strides = array<i32>} : memref<16x768xf32, #tpu.memory_space<vmem>>, vector<1x16xf32>,
        %get3A_428 = arith.index_cast %scan3A_173 : i32 to index
        %get3A_429 = arith.constant 288 : index
        %get3A_430 = tpu.vector_load %arg9[%get3A_428, %get3A_429] {strides = array<i32>} : memref<16x768xf32, #tpu.memory_space<vmem>>, vector<1x16xf32>,
        %get3A_431 = vector.shape_cast %get3A_430 : vector<1x16xf32> to vector<16xf32>
        %get3A_432 = arith.index_cast %rem3A_177 : i32 to index
        %get3A_433 = arith.constant 288 : index
        %get3A_434 = tpu.vector_load %arg7[%get3A_432, %get3A_433] {strides = array<i32>} : memref<77x768xf32, #tpu.memory_space<vmem>>, vector<1x16xf32>,
        %get3A_435 = vector.shape_cast %get3A_434 : vector<1x16xf32> to vector<16xf32>
        %add3A_436 = arith.addf %get3A_431, %get3A_435 : vector<16xf32>
        %swap3A_437 = arith.index_cast %scan3A_173 : i32 to index
        %swap3A_438 = arith.constant 288 : index
        %swap3A_439 = tpu.vector_load %arg9[%swap3A_437, %swap3A_438] {strides = array<i32>} : memref<16x768xf32, #tpu.memory_space<vmem>>, vector<1x16xf32>,
        %swap3A_440 = vector.shape_cast %swap3A_439 : vector<1x16xf32> to vector<16xf32>
        %swap3A_441 = vector.shape_cast %add3A_436 : vector<16xf32> to vector<1x16xf32>
        tpu.vector_store %arg9[%swap3A_437, %swap3A_438], %swap3A_441 {strides = array<i32>} : memref<16x768xf32, #tpu.memory_space<vmem>>, vector<1x16xf32>,
        %get3A_442 = arith.index_cast %scan3A_173 : i32 to index
        %get3A_443 = arith.constant 304 : index
        %get3A_444 = tpu.vector_load %arg9[%get3A_442, %get3A_443] {strides = array<i32>} : memref<16x768xf32, #tpu.memory_space<vmem>>, vector<1x16xf32>,
        %get3A_445 = vector.shape_cast %get3A_444 : vector<1x16xf32> to vector<16xf32>
        %get3A_446 = arith.index_cast %rem3A_177 : i32 to index
        %get3A_447 = arith.constant 304 : index
        %get3A_448 = tpu.vector_load %arg7[%get3A_446, %get3A_447] {strides = array<i32>} : memref<77x768xf32, #tpu.memory_space<vmem>>, vector<1x16xf32>,
        %get3A_449 = vector.shape_cast %get3A_448 : vector<1x16xf32> to vector<16xf32>
        %add3A_450 = arith.addf %get3A_445, %get3A_449 : vector<16xf32>
        %swap3A_451 = arith.index_cast %scan3A_173 : i32 to index
        %swap3A_452 = arith.constant 304 : index
        %swap3A_453 = tpu.vector_load %arg9[%swap3A_451, %swap3A_452] {strides = array<i32>} : memref<16x768xf32, #tpu.memory_space<vmem>>, vector<1x16xf32>,
        %swap3A_454 = vector.shape_cast %swap3A_453 : vector<1x16xf32> to vector<16xf32>
        %swap3A_455 = vector.shape_cast %add3A_450 : vector<16xf32> to vector<1x16xf32>
        tpu.vector_store %arg9[%swap3A_451, %swap3A_452], %swap3A_455 {strides = array<i32>} : memref<16x768xf32, #tpu.memory_space<vmem>>, vector<1x16xf32>,
        %get3A_456 = arith.index_cast %scan3A_173 : i32 to index
        %get3A_457 = arith.constant 320 : index
        %get3A_458 = tpu.vector_load %arg9[%get3A_456, %get3A_457] {strides = array<i32>} : memref<16x768xf32, #tpu.memory_space<vmem>>, vector<1x16xf32>,
        %get3A_459 = vector.shape_cast %get3A_458 : vector<1x16xf32> to vector<16xf32>
        %get3A_460 = arith.index_cast %rem3A_177 : i32 to index
        %get3A_461 = arith.constant 320 : index
        %get3A_462 = tpu.vector_load %arg7[%get3A_460, %get3A_461] {strides = array<i32>} : memref<77x768xf32, #tpu.memory_space<vmem>>, vector<1x16xf32>,
        %get3A_463 = vector.shape_cast %get3A_462 : vector<1x16xf32> to vector<16xf32>
        %add3A_464 = arith.addf %get3A_459, %get3A_463 : vector<16xf32>
        %swap3A_465 = arith.index_cast %scan3A_173 : i32 to index
        %swap3A_466 = arith.constant 320 : index
        %swap3A_467 = tpu.vector_load %arg9[%swap3A_465, %swap3A_466] {strides = array<i32>} : memref<16x768xf32, #tpu.memory_space<vmem>>, vector<1x16xf32>,
        %swap3A_468 = vector.shape_cast %swap3A_467 : vector<1x16xf32> to vector<16xf32>
        %swap3A_469 = vector.shape_cast %add3A_464 : vector<16xf32> to vector<1x16xf32>
        tpu.vector_store %arg9[%swap3A_465, %swap3A_466], %swap3A_469 {strides = array<i32>} : memref<16x768xf32, #tpu.memory_space<vmem>>, vector<1x16xf32>,
        %get3A_470 = arith.index_cast %scan3A_173 : i32 to index
        %get3A_471 = arith.constant 336 : index
        %get3A_472 = tpu.vector_load %arg9[%get3A_470, %get3A_471] {strides = array<i32>} : memref<16x768xf32, #tpu.memory_space<vmem>>, vector<1x16xf32>,
        %get3A_473 = vector.shape_cast %get3A_472 : vector<1x16xf32> to vector<16xf32>
        %get3A_474 = arith.index_cast %rem3A_177 : i32 to index
        %get3A_475 = arith.constant 336 : index
        %get3A_476 = tpu.vector_load %arg7[%get3A_474, %get3A_475] {strides = array<i32>} : memref<77x768xf32, #tpu.memory_space<vmem>>, vector<1x16xf32>,
        %get3A_477 = vector.shape_cast %get3A_476 : vector<1x16xf32> to vector<16xf32>
        %add3A_478 = arith.addf %get3A_473, %get3A_477 : vector<16xf32>
        %swap3A_479 = arith.index_cast %scan3A_173 : i32 to index
        %swap3A_480 = arith.constant 336 : index
        %swap3A_481 = tpu.vector_load %arg9[%swap3A_479, %swap3A_480] {strides = array<i32>} : memref<16x768xf32, #tpu.memory_space<vmem>>, vector<1x16xf32>,
        %swap3A_482 = vector.shape_cast %swap3A_481 : vector<1x16xf32> to vector<16xf32>
        %swap3A_483 = vector.shape_cast %add3A_478 : vector<16xf32> to vector<1x16xf32>
        tpu.vector_store %arg9[%swap3A_479, %swap3A_480], %swap3A_483 {strides = array<i32>} : memref<16x768xf32, #tpu.memory_space<vmem>>, vector<1x16xf32>,
        %get3A_484 = arith.index_cast %scan3A_173 : i32 to index
        %get3A_485 = arith.constant 352 : index
        %get3A_486 = tpu.vector_load %arg9[%get3A_484, %get3A_485] {strides = array<i32>} : memref<16x768xf32, #tpu.memory_space<vmem>>, vector<1x16xf32>,
        %get3A_487 = vector.shape_cast %get3A_486 : vector<1x16xf32> to vector<16xf32>
        %get3A_488 = arith.index_cast %rem3A_177 : i32 to index
        %get3A_489 = arith.constant 352 : index
        %get3A_490 = tpu.vector_load %arg7[%get3A_488, %get3A_489] {strides = array<i32>} : memref<77x768xf32, #tpu.memory_space<vmem>>, vector<1x16xf32>,
        %get3A_491 = vector.shape_cast %get3A_490 : vector<1x16xf32> to vector<16xf32>
        %add3A_492 = arith.addf %get3A_487, %get3A_491 : vector<16xf32>
        %swap3A_493 = arith.index_cast %scan3A_173 : i32 to index
        %swap3A_494 = arith.constant 352 : index
        %swap3A_495 = tpu.vector_load %arg9[%swap3A_493, %swap3A_494] {strides = array<i32>} : memref<16x768xf32, #tpu.memory_space<vmem>>, vector<1x16xf32>,
        %swap3A_496 = vector.shape_cast %swap3A_495 : vector<1x16xf32> to vector<16xf32>
        %swap3A_497 = vector.shape_cast %add3A_492 : vector<16xf32> to vector<1x16xf32>
        tpu.vector_store %arg9[%swap3A_493, %swap3A_494], %swap3A_497 {strides = array<i32>} : memref<16x768xf32, #tpu.memory_space<vmem>>, vector<1x16xf32>,
        %get3A_498 = arith.index_cast %scan3A_173 : i32 to index
        %get3A_499 = arith.constant 368 : index
        %get3A_500 = tpu.vector_load %arg9[%get3A_498, %get3A_499] {strides = array<i32>} : memref<16x768xf32, #tpu.memory_space<vmem>>, vector<1x16xf32>,
        %get3A_501 = vector.shape_cast %get3A_500 : vector<1x16xf32> to vector<16xf32>
        %get3A_502 = arith.index_cast %rem3A_177 : i32 to index
        %get3A_503 = arith.constant 368 : index
        %get3A_504 = tpu.vector_load %arg7[%get3A_502, %get3A_503] {strides = array<i32>} : memref<77x768xf32, #tpu.memory_space<vmem>>, vector<1x16xf32>,
        %get3A_505 = vector.shape_cast %get3A_504 : vector<1x16xf32> to vector<16xf32>
        %add3A_506 = arith.addf %get3A_501, %get3A_505 : vector<16xf32>
        %swap3A_507 = arith.index_cast %scan3A_173 : i32 to index
        %swap3A_508 = arith.constant 368 : index
        %swap3A_509 = tpu.vector_load %arg9[%swap3A_507, %swap3A_508] {strides = array<i32>} : memref<16x768xf32, #tpu.memory_space<vmem>>, vector<1x16xf32>,
        %swap3A_510 = vector.shape_cast %swap3A_509 : vector<1x16xf32> to vector<16xf32>
        %swap3A_511 = vector.shape_cast %add3A_506 : vector<16xf32> to vector<1x16xf32>
        tpu.vector_store %arg9[%swap3A_507, %swap3A_508], %swap3A_511 {strides = array<i32>} : memref<16x768xf32, #tpu.memory_space<vmem>>, vector<1x16xf32>,
        %get3A_512 = arith.index_cast %scan3A_173 : i32 to index
        %get3A_513 = arith.constant 384 : index
        %get3A_514 = tpu.vector_load %arg9[%get3A_512, %get3A_513] {strides = array<i32>} : memref<16x768xf32, #tpu.memory_space<vmem>>, vector<1x16xf32>,
        %get3A_515 = vector.shape_cast %get3A_514 : vector<1x16xf32> to vector<16xf32>
        %get3A_516 = arith.index_cast %rem3A_177 : i32 to index
        %get3A_517 = arith.constant 384 : index
        %get3A_518 = tpu.vector_load %arg7[%get3A_516, %get3A_517] {strides = array<i32>} : memref<77x768xf32, #tpu.memory_space<vmem>>, vector<1x16xf32>,
        %get3A_519 = vector.shape_cast %get3A_518 : vector<1x16xf32> to vector<16xf32>
        %add3A_520 = arith.addf %get3A_515, %get3A_519 : vector<16xf32>
        %swap3A_521 = arith.index_cast %scan3A_173 : i32 to index
        %swap3A_522 = arith.constant 384 : index
        %swap3A_523 = tpu.vector_load %arg9[%swap3A_521, %swap3A_522] {strides = array<i32>} : memref<16x768xf32, #tpu.memory_space<vmem>>, vector<1x16xf32>,
        %swap3A_524 = vector.shape_cast %swap3A_523 : vector<1x16xf32> to vector<16xf32>
        %swap3A_525 = vector.shape_cast %add3A_520 : vector<16xf32> to vector<1x16xf32>
        tpu.vector_store %arg9[%swap3A_521, %swap3A_522], %swap3A_525 {strides = array<i32>} : memref<16x768xf32, #tpu.memory_space<vmem>>, vector<1x16xf32>,
        %get3A_526 = arith.index_cast %scan3A_173 : i32 to index
        %get3A_527 = arith.constant 400 : index
        %get3A_528 = tpu.vector_load %arg9[%get3A_526, %get3A_527] {strides = array<i32>} : memref<16x768xf32, #tpu.memory_space<vmem>>, vector<1x16xf32>,
        %get3A_529 = vector.shape_cast %get3A_528 : vector<1x16xf32> to vector<16xf32>
        %get3A_530 = arith.index_cast %rem3A_177 : i32 to index
        %get3A_531 = arith.constant 400 : index
        %get3A_532 = tpu.vector_load %arg7[%get3A_530, %get3A_531] {strides = array<i32>} : memref<77x768xf32, #tpu.memory_space<vmem>>, vector<1x16xf32>,
        %get3A_533 = vector.shape_cast %get3A_532 : vector<1x16xf32> to vector<16xf32>
        %add3A_534 = arith.addf %get3A_529, %get3A_533 : vector<16xf32>
        %swap3A_535 = arith.index_cast %scan3A_173 : i32 to index
        %swap3A_536 = arith.constant 400 : index
        %swap3A_537 = tpu.vector_load %arg9[%swap3A_535, %swap3A_536] {strides = array<i32>} : memref<16x768xf32, #tpu.memory_space<vmem>>, vector<1x16xf32>,
        %swap3A_538 = vector.shape_cast %swap3A_537 : vector<1x16xf32> to vector<16xf32>
        %swap3A_539 = vector.shape_cast %add3A_534 : vector<16xf32> to vector<1x16xf32>
        tpu.vector_store %arg9[%swap3A_535, %swap3A_536], %swap3A_539 {strides = array<i32>} : memref<16x768xf32, #tpu.memory_space<vmem>>, vector<1x16xf32>,
        %get3A_540 = arith.index_cast %scan3A_173 : i32 to index
        %get3A_541 = arith.constant 416 : index
        %get3A_542 = tpu.vector_load %arg9[%get3A_540, %get3A_541] {strides = array<i32>} : memref<16x768xf32, #tpu.memory_space<vmem>>, vector<1x16xf32>,
        %get3A_543 = vector.shape_cast %get3A_542 : vector<1x16xf32> to vector<16xf32>
        %get3A_544 = arith.index_cast %rem3A_177 : i32 to index
        %get3A_545 = arith.constant 416 : index
        %get3A_546 = tpu.vector_load %arg7[%get3A_544, %get3A_545] {strides = array<i32>} : memref<77x768xf32, #tpu.memory_space<vmem>>, vector<1x16xf32>,
        %get3A_547 = vector.shape_cast %get3A_546 : vector<1x16xf32> to vector<16xf32>
        %add3A_548 = arith.addf %get3A_543, %get3A_547 : vector<16xf32>
        %swap3A_549 = arith.index_cast %scan3A_173 : i32 to index
        %swap3A_550 = arith.constant 416 : index
        %swap3A_551 = tpu.vector_load %arg9[%swap3A_549, %swap3A_550] {strides = array<i32>} : memref<16x768xf32, #tpu.memory_space<vmem>>, vector<1x16xf32>,
        %swap3A_552 = vector.shape_cast %swap3A_551 : vector<1x16xf32> to vector<16xf32>
        %swap3A_553 = vector.shape_cast %add3A_548 : vector<16xf32> to vector<1x16xf32>
        tpu.vector_store %arg9[%swap3A_549, %swap3A_550], %swap3A_553 {strides = array<i32>} : memref<16x768xf32, #tpu.memory_space<vmem>>, vector<1x16xf32>,
        %get3A_554 = arith.index_cast %scan3A_173 : i32 to index
        %get3A_555 = arith.constant 432 : index
        %get3A_556 = tpu.vector_load %arg9[%get3A_554, %get3A_555] {strides = array<i32>} : memref<16x768xf32, #tpu.memory_space<vmem>>, vector<1x16xf32>,
        %get3A_557 = vector.shape_cast %get3A_556 : vector<1x16xf32> to vector<16xf32>
        %get3A_558 = arith.index_cast %rem3A_177 : i32 to index
        %get3A_559 = arith.constant 432 : index
        %get3A_560 = tpu.vector_load %arg7[%get3A_558, %get3A_559] {strides = array<i32>} : memref<77x768xf32, #tpu.memory_space<vmem>>, vector<1x16xf32>,
        %get3A_561 = vector.shape_cast %get3A_560 : vector<1x16xf32> to vector<16xf32>
        %add3A_562 = arith.addf %get3A_557, %get3A_561 : vector<16xf32>
        %swap3A_563 = arith.index_cast %scan3A_173 : i32 to index
        %swap3A_564 = arith.constant 432 : index
        %swap3A_565 = tpu.vector_load %arg9[%swap3A_563, %swap3A_564] {strides = array<i32>} : memref<16x768xf32, #tpu.memory_space<vmem>>, vector<1x16xf32>,
        %swap3A_566 = vector.shape_cast %swap3A_565 : vector<1x16xf32> to vector<16xf32>
        %swap3A_567 = vector.shape_cast %add3A_562 : vector<16xf32> to vector<1x16xf32>
        tpu.vector_store %arg9[%swap3A_563, %swap3A_564], %swap3A_567 {strides = array<i32>} : memref<16x768xf32, #tpu.memory_space<vmem>>, vector<1x16xf32>,
        %get3A_568 = arith.index_cast %scan3A_173 : i32 to index
        %get3A_569 = arith.constant 448 : index
        %get3A_570 = tpu.vector_load %arg9[%get3A_568, %get3A_569] {strides = array<i32>} : memref<16x768xf32, #tpu.memory_space<vmem>>, vector<1x16xf32>,
        %get3A_571 = vector.shape_cast %get3A_570 : vector<1x16xf32> to vector<16xf32>
        %get3A_572 = arith.index_cast %rem3A_177 : i32 to index
        %get3A_573 = arith.constant 448 : index
        %get3A_574 = tpu.vector_load %arg7[%get3A_572, %get3A_573] {strides = array<i32>} : memref<77x768xf32, #tpu.memory_space<vmem>>, vector<1x16xf32>,
        %get3A_575 = vector.shape_cast %get3A_574 : vector<1x16xf32> to vector<16xf32>
        %add3A_576 = arith.addf %get3A_571, %get3A_575 : vector<16xf32>
        %swap3A_577 = arith.index_cast %scan3A_173 : i32 to index
        %swap3A_578 = arith.constant 448 : index
        %swap3A_579 = tpu.vector_load %arg9[%swap3A_577, %swap3A_578] {strides = array<i32>} : memref<16x768xf32, #tpu.memory_space<vmem>>, vector<1x16xf32>,
        %swap3A_580 = vector.shape_cast %swap3A_579 : vector<1x16xf32> to vector<16xf32>
        %swap3A_581 = vector.shape_cast %add3A_576 : vector<16xf32> to vector<1x16xf32>
        tpu.vector_store %arg9[%swap3A_577, %swap3A_578], %swap3A_581 {strides = array<i32>} : memref<16x768xf32, #tpu.memory_space<vmem>>, vector<1x16xf32>,
        %get3A_582 = arith.index_cast %scan3A_173 : i32 to index
        %get3A_583 = arith.constant 464 : index
        %get3A_584 = tpu.vector_load %arg9[%get3A_582, %get3A_583] {strides = array<i32>} : memref<16x768xf32, #tpu.memory_space<vmem>>, vector<1x16xf32>,
        %get3A_585 = vector.shape_cast %get3A_584 : vector<1x16xf32> to vector<16xf32>
        %get3A_586 = arith.index_cast %rem3A_177 : i32 to index
        %get3A_587 = arith.constant 464 : index
        %get3A_588 = tpu.vector_load %arg7[%get3A_586, %get3A_587] {strides = array<i32>} : memref<77x768xf32, #tpu.memory_space<vmem>>, vector<1x16xf32>,
        %get3A_589 = vector.shape_cast %get3A_588 : vector<1x16xf32> to vector<16xf32>
        %add3A_590 = arith.addf %get3A_585, %get3A_589 : vector<16xf32>
        %swap3A_591 = arith.index_cast %scan3A_173 : i32 to index
        %swap3A_592 = arith.constant 464 : index
        %swap3A_593 = tpu.vector_load %arg9[%swap3A_591, %swap3A_592] {strides = array<i32>} : memref<16x768xf32, #tpu.memory_space<vmem>>, vector<1x16xf32>,
        %swap3A_594 = vector.shape_cast %swap3A_593 : vector<1x16xf32> to vector<16xf32>
        %swap3A_595 = vector.shape_cast %add3A_590 : vector<16xf32> to vector<1x16xf32>
        tpu.vector_store %arg9[%swap3A_591, %swap3A_592], %swap3A_595 {strides = array<i32>} : memref<16x768xf32, #tpu.memory_space<vmem>>, vector<1x16xf32>,
        %get3A_596 = arith.index_cast %scan3A_173 : i32 to index
        %get3A_597 = arith.constant 480 : index
        %get3A_598 = tpu.vector_load %arg9[%get3A_596, %get3A_597] {strides = array<i32>} : memref<16x768xf32, #tpu.memory_space<vmem>>, vector<1x16xf32>,
        %get3A_599 = vector.shape_cast %get3A_598 : vector<1x16xf32> to vector<16xf32>
        %get3A_600 = arith.index_cast %rem3A_177 : i32 to index
        %get3A_601 = arith.constant 480 : index
        %get3A_602 = tpu.vector_load %arg7[%get3A_600, %get3A_601] {strides = array<i32>} : memref<77x768xf32, #tpu.memory_space<vmem>>, vector<1x16xf32>,
        %get3A_603 = vector.shape_cast %get3A_602 : vector<1x16xf32> to vector<16xf32>
        %add3A_604 = arith.addf %get3A_599, %get3A_603 : vector<16xf32>
        %swap3A_605 = arith.index_cast %scan3A_173 : i32 to index
        %swap3A_606 = arith.constant 480 : index
        %swap3A_607 = tpu.vector_load %arg9[%swap3A_605, %swap3A_606] {strides = array<i32>} : memref<16x768xf32, #tpu.memory_space<vmem>>, vector<1x16xf32>,
        %swap3A_608 = vector.shape_cast %swap3A_607 : vector<1x16xf32> to vector<16xf32>
        %swap3A_609 = vector.shape_cast %add3A_604 : vector<16xf32> to vector<1x16xf32>
        tpu.vector_store %arg9[%swap3A_605, %swap3A_606], %swap3A_609 {strides = array<i32>} : memref<16x768xf32, #tpu.memory_space<vmem>>, vector<1x16xf32>,
        %get3A_610 = arith.index_cast %scan3A_173 : i32 to index
        %get3A_611 = arith.constant 496 : index
        %get3A_612 = tpu.vector_load %arg9[%get3A_610, %get3A_611] {strides = array<i32>} : memref<16x768xf32, #tpu.memory_space<vmem>>, vector<1x16xf32>,
        %get3A_613 = vector.shape_cast %get3A_612 : vector<1x16xf32> to vector<16xf32>
        %get3A_614 = arith.index_cast %rem3A_177 : i32 to index
        %get3A_615 = arith.constant 496 : index
        %get3A_616 = tpu.vector_load %arg7[%get3A_614, %get3A_615] {strides = array<i32>} : memref<77x768xf32, #tpu.memory_space<vmem>>, vector<1x16xf32>,
        %get3A_617 = vector.shape_cast %get3A_616 : vector<1x16xf32> to vector<16xf32>
        %add3A_618 = arith.addf %get3A_613, %get3A_617 : vector<16xf32>
        %swap3A_619 = arith.index_cast %scan3A_173 : i32 to index
        %swap3A_620 = arith.constant 496 : index
        %swap3A_621 = tpu.vector_load %arg9[%swap3A_619, %swap3A_620] {strides = array<i32>} : memref<16x768xf32, #tpu.memory_space<vmem>>, vector<1x16xf32>,
        %swap3A_622 = vector.shape_cast %swap3A_621 : vector<1x16xf32> to vector<16xf32>
        %swap3A_623 = vector.shape_cast %add3A_618 : vector<16xf32> to vector<1x16xf32>
        tpu.vector_store %arg9[%swap3A_619, %swap3A_620], %swap3A_623 {strides = array<i32>} : memref<16x768xf32, #tpu.memory_space<vmem>>, vector<1x16xf32>,
        %get3A_624 = arith.index_cast %scan3A_173 : i32 to index
        %get3A_625 = arith.constant 512 : index
        %get3A_626 = tpu.vector_load %arg9[%get3A_624, %get3A_625] {strides = array<i32>} : memref<16x768xf32, #tpu.memory_space<vmem>>, vector<1x16xf32>,
        %get3A_627 = vector.shape_cast %get3A_626 : vector<1x16xf32> to vector<16xf32>
        %get3A_628 = arith.index_cast %rem3A_177 : i32 to index
        %get3A_629 = arith.constant 512 : index
        %get3A_630 = tpu.vector_load %arg7[%get3A_628, %get3A_629] {strides = array<i32>} : memref<77x768xf32, #tpu.memory_space<vmem>>, vector<1x16xf32>,
        %get3A_631 = vector.shape_cast %get3A_630 : vector<1x16xf32> to vector<16xf32>
        %add3A_632 = arith.addf %get3A_627, %get3A_631 : vector<16xf32>
        %swap3A_633 = arith.index_cast %scan3A_173 : i32 to index
        %swap3A_634 = arith.constant 512 : index
        %swap3A_635 = tpu.vector_load %arg9[%swap3A_633, %swap3A_634] {strides = array<i32>} : memref<16x768xf32, #tpu.memory_space<vmem>>, vector<1x16xf32>,
        %swap3A_636 = vector.shape_cast %swap3A_635 : vector<1x16xf32> to vector<16xf32>
        %swap3A_637 = vector.shape_cast %add3A_632 : vector<16xf32> to vector<1x16xf32>
        tpu.vector_store %arg9[%swap3A_633, %swap3A_634], %swap3A_637 {strides = array<i32>} : memref<16x768xf32, #tpu.memory_space<vmem>>, vector<1x16xf32>,
        %get3A_638 = arith.index_cast %scan3A_173 : i32 to index
        %get3A_639 = arith.constant 528 : index
        %get3A_640 = tpu.vector_load %arg9[%get3A_638, %get3A_639] {strides = array<i32>} : memref<16x768xf32, #tpu.memory_space<vmem>>, vector<1x16xf32>,
        %get3A_641 = vector.shape_cast %get3A_640 : vector<1x16xf32> to vector<16xf32>
        %get3A_642 = arith.index_cast %rem3A_177 : i32 to index
        %get3A_643 = arith.constant 528 : index
        %get3A_644 = tpu.vector_load %arg7[%get3A_642, %get3A_643] {strides = array<i32>} : memref<77x768xf32, #tpu.memory_space<vmem>>, vector<1x16xf32>,
        %get3A_645 = vector.shape_cast %get3A_644 : vector<1x16xf32> to vector<16xf32>
        %add3A_646 = arith.addf %get3A_641, %get3A_645 : vector<16xf32>
        %swap3A_647 = arith.index_cast %scan3A_173 : i32 to index
        %swap3A_648 = arith.constant 528 : index
        %swap3A_649 = tpu.vector_load %arg9[%swap3A_647, %swap3A_648] {strides = array<i32>} : memref<16x768xf32, #tpu.memory_space<vmem>>, vector<1x16xf32>,
        %swap3A_650 = vector.shape_cast %swap3A_649 : vector<1x16xf32> to vector<16xf32>
        %swap3A_651 = vector.shape_cast %add3A_646 : vector<16xf32> to vector<1x16xf32>
        tpu.vector_store %arg9[%swap3A_647, %swap3A_648], %swap3A_651 {strides = array<i32>} : memref<16x768xf32, #tpu.memory_space<vmem>>, vector<1x16xf32>,
        %get3A_652 = arith.index_cast %scan3A_173 : i32 to index
        %get3A_653 = arith.constant 544 : index
        %get3A_654 = tpu.vector_load %arg9[%get3A_652, %get3A_653] {strides = array<i32>} : memref<16x768xf32, #tpu.memory_space<vmem>>, vector<1x16xf32>,
        %get3A_655 = vector.shape_cast %get3A_654 : vector<1x16xf32> to vector<16xf32>
        %get3A_656 = arith.index_cast %rem3A_177 : i32 to index
        %get3A_657 = arith.constant 544 : index
        %get3A_658 = tpu.vector_load %arg7[%get3A_656, %get3A_657] {strides = array<i32>} : memref<77x768xf32, #tpu.memory_space<vmem>>, vector<1x16xf32>,
        %get3A_659 = vector.shape_cast %get3A_658 : vector<1x16xf32> to vector<16xf32>
        %add3A_660 = arith.addf %get3A_655, %get3A_659 : vector<16xf32>
        %swap3A_661 = arith.index_cast %scan3A_173 : i32 to index
        %swap3A_662 = arith.constant 544 : index
        %swap3A_663 = tpu.vector_load %arg9[%swap3A_661, %swap3A_662] {strides = array<i32>} : memref<16x768xf32, #tpu.memory_space<vmem>>, vector<1x16xf32>,
        %swap3A_664 = vector.shape_cast %swap3A_663 : vector<1x16xf32> to vector<16xf32>
        %swap3A_665 = vector.shape_cast %add3A_660 : vector<16xf32> to vector<1x16xf32>
        tpu.vector_store %arg9[%swap3A_661, %swap3A_662], %swap3A_665 {strides = array<i32>} : memref<16x768xf32, #tpu.memory_space<vmem>>, vector<1x16xf32>,
        %get3A_666 = arith.index_cast %scan3A_173 : i32 to index
        %get3A_667 = arith.constant 560 : index
        %get3A_668 = tpu.vector_load %arg9[%get3A_666, %get3A_667] {strides = array<i32>} : memref<16x768xf32, #tpu.memory_space<vmem>>, vector<1x16xf32>,
        %get3A_669 = vector.shape_cast %get3A_668 : vector<1x16xf32> to vector<16xf32>
        %get3A_670 = arith.index_cast %rem3A_177 : i32 to index
        %get3A_671 = arith.constant 560 : index
        %get3A_672 = tpu.vector_load %arg7[%get3A_670, %get3A_671] {strides = array<i32>} : memref<77x768xf32, #tpu.memory_space<vmem>>, vector<1x16xf32>,
        %get3A_673 = vector.shape_cast %get3A_672 : vector<1x16xf32> to vector<16xf32>
        %add3A_674 = arith.addf %get3A_669, %get3A_673 : vector<16xf32>
        %swap3A_675 = arith.index_cast %scan3A_173 : i32 to index
        %swap3A_676 = arith.constant 560 : index
        %swap3A_677 = tpu.vector_load %arg9[%swap3A_675, %swap3A_676] {strides = array<i32>} : memref<16x768xf32, #tpu.memory_space<vmem>>, vector<1x16xf32>,
        %swap3A_678 = vector.shape_cast %swap3A_677 : vector<1x16xf32> to vector<16xf32>
        %swap3A_679 = vector.shape_cast %add3A_674 : vector<16xf32> to vector<1x16xf32>
        tpu.vector_store %arg9[%swap3A_675, %swap3A_676], %swap3A_679 {strides = array<i32>} : memref<16x768xf32, #tpu.memory_space<vmem>>, vector<1x16xf32>,
        %get3A_680 = arith.index_cast %scan3A_173 : i32 to index
        %get3A_681 = arith.constant 576 : index
        %get3A_682 = tpu.vector_load %arg9[%get3A_680, %get3A_681] {strides = array<i32>} : memref<16x768xf32, #tpu.memory_space<vmem>>, vector<1x16xf32>,
        %get3A_683 = vector.shape_cast %get3A_682 : vector<1x16xf32> to vector<16xf32>
        %get3A_684 = arith.index_cast %rem3A_177 : i32 to index
        %get3A_685 = arith.constant 576 : index
        %get3A_686 = tpu.vector_load %arg7[%get3A_684, %get3A_685] {strides = array<i32>} : memref<77x768xf32, #tpu.memory_space<vmem>>, vector<1x16xf32>,
        %get3A_687 = vector.shape_cast %get3A_686 : vector<1x16xf32> to vector<16xf32>
        %add3A_688 = arith.addf %get3A_683, %get3A_687 : vector<16xf32>
        %swap3A_689 = arith.index_cast %scan3A_173 : i32 to index
        %swap3A_690 = arith.constant 576 : index
        %swap3A_691 = tpu.vector_load %arg9[%swap3A_689, %swap3A_690] {strides = array<i32>} : memref<16x768xf32, #tpu.memory_space<vmem>>, vector<1x16xf32>,
        %swap3A_692 = vector.shape_cast %swap3A_691 : vector<1x16xf32> to vector<16xf32>
        %swap3A_693 = vector.shape_cast %add3A_688 : vector<16xf32> to vector<1x16xf32>
        tpu.vector_store %arg9[%swap3A_689, %swap3A_690], %swap3A_693 {strides = array<i32>} : memref<16x768xf32, #tpu.memory_space<vmem>>, vector<1x16xf32>,
        %get3A_694 = arith.index_cast %scan3A_173 : i32 to index
        %get3A_695 = arith.constant 592 : index
        %get3A_696 = tpu.vector_load %arg9[%get3A_694, %get3A_695] {strides = array<i32>} : memref<16x768xf32, #tpu.memory_space<vmem>>, vector<1x16xf32>,
        %get3A_697 = vector.shape_cast %get3A_696 : vector<1x16xf32> to vector<16xf32>
        %get3A_698 = arith.index_cast %rem3A_177 : i32 to index
        %get3A_699 = arith.constant 592 : index
        %get3A_700 = tpu.vector_load %arg7[%get3A_698, %get3A_699] {strides = array<i32>} : memref<77x768xf32, #tpu.memory_space<vmem>>, vector<1x16xf32>,
        %get3A_701 = vector.shape_cast %get3A_700 : vector<1x16xf32> to vector<16xf32>
        %add3A_702 = arith.addf %get3A_697, %get3A_701 : vector<16xf32>
        %swap3A_703 = arith.index_cast %scan3A_173 : i32 to index
        %swap3A_704 = arith.constant 592 : index
        %swap3A_705 = tpu.vector_load %arg9[%swap3A_703, %swap3A_704] {strides = array<i32>} : memref<16x768xf32, #tpu.memory_space<vmem>>, vector<1x16xf32>,
        %swap3A_706 = vector.shape_cast %swap3A_705 : vector<1x16xf32> to vector<16xf32>
        %swap3A_707 = vector.shape_cast %add3A_702 : vector<16xf32> to vector<1x16xf32>
        tpu.vector_store %arg9[%swap3A_703, %swap3A_704], %swap3A_707 {strides = array<i32>} : memref<16x768xf32, #tpu.memory_space<vmem>>, vector<1x16xf32>,
        %get3A_708 = arith.index_cast %scan3A_173 : i32 to index
        %get3A_709 = arith.constant 608 : index
        %get3A_710 = tpu.vector_load %arg9[%get3A_708, %get3A_709] {strides = array<i32>} : memref<16x768xf32, #tpu.memory_space<vmem>>, vector<1x16xf32>,
        %get3A_711 = vector.shape_cast %get3A_710 : vector<1x16xf32> to vector<16xf32>
        %get3A_712 = arith.index_cast %rem3A_177 : i32 to index
        %get3A_713 = arith.constant 608 : index
        %get3A_714 = tpu.vector_load %arg7[%get3A_712, %get3A_713] {strides = array<i32>} : memref<77x768xf32, #tpu.memory_space<vmem>>, vector<1x16xf32>,
        %get3A_715 = vector.shape_cast %get3A_714 : vector<1x16xf32> to vector<16xf32>
        %add3A_716 = arith.addf %get3A_711, %get3A_715 : vector<16xf32>
        %swap3A_717 = arith.index_cast %scan3A_173 : i32 to index
        %swap3A_718 = arith.constant 608 : index
        %swap3A_719 = tpu.vector_load %arg9[%swap3A_717, %swap3A_718] {strides = array<i32>} : memref<16x768xf32, #tpu.memory_space<vmem>>, vector<1x16xf32>,
        %swap3A_720 = vector.shape_cast %swap3A_719 : vector<1x16xf32> to vector<16xf32>
        %swap3A_721 = vector.shape_cast %add3A_716 : vector<16xf32> to vector<1x16xf32>
        tpu.vector_store %arg9[%swap3A_717, %swap3A_718], %swap3A_721 {strides = array<i32>} : memref<16x768xf32, #tpu.memory_space<vmem>>, vector<1x16xf32>,
        %get3A_722 = arith.index_cast %scan3A_173 : i32 to index
        %get3A_723 = arith.constant 624 : index
        %get3A_724 = tpu.vector_load %arg9[%get3A_722, %get3A_723] {strides = array<i32>} : memref<16x768xf32, #tpu.memory_space<vmem>>, vector<1x16xf32>,
        %get3A_725 = vector.shape_cast %get3A_724 : vector<1x16xf32> to vector<16xf32>
        %get3A_726 = arith.index_cast %rem3A_177 : i32 to index
        %get3A_727 = arith.constant 624 : index
        %get3A_728 = tpu.vector_load %arg7[%get3A_726, %get3A_727] {strides = array<i32>} : memref<77x768xf32, #tpu.memory_space<vmem>>, vector<1x16xf32>,
        %get3A_729 = vector.shape_cast %get3A_728 : vector<1x16xf32> to vector<16xf32>
        %add3A_730 = arith.addf %get3A_725, %get3A_729 : vector<16xf32>
        %swap3A_731 = arith.index_cast %scan3A_173 : i32 to index
        %swap3A_732 = arith.constant 624 : index
        %swap3A_733 = tpu.vector_load %arg9[%swap3A_731, %swap3A_732] {strides = array<i32>} : memref<16x768xf32, #tpu.memory_space<vmem>>, vector<1x16xf32>,
        %swap3A_734 = vector.shape_cast %swap3A_733 : vector<1x16xf32> to vector<16xf32>
        %swap3A_735 = vector.shape_cast %add3A_730 : vector<16xf32> to vector<1x16xf32>
        tpu.vector_store %arg9[%swap3A_731, %swap3A_732], %swap3A_735 {strides = array<i32>} : memref<16x768xf32, #tpu.memory_space<vmem>>, vector<1x16xf32>,
        %get3A_736 = arith.index_cast %scan3A_173 : i32 to index
        %get3A_737 = arith.constant 640 : index
        %get3A_738 = tpu.vector_load %arg9[%get3A_736, %get3A_737] {strides = array<i32>} : memref<16x768xf32, #tpu.memory_space<vmem>>, vector<1x16xf32>,
        %get3A_739 = vector.shape_cast %get3A_738 : vector<1x16xf32> to vector<16xf32>
        %get3A_740 = arith.index_cast %rem3A_177 : i32 to index
        %get3A_741 = arith.constant 640 : index
        %get3A_742 = tpu.vector_load %arg7[%get3A_740, %get3A_741] {strides = array<i32>} : memref<77x768xf32, #tpu.memory_space<vmem>>, vector<1x16xf32>,
        %get3A_743 = vector.shape_cast %get3A_742 : vector<1x16xf32> to vector<16xf32>
        %add3A_744 = arith.addf %get3A_739, %get3A_743 : vector<16xf32>
        %swap3A_745 = arith.index_cast %scan3A_173 : i32 to index
        %swap3A_746 = arith.constant 640 : index
        %swap3A_747 = tpu.vector_load %arg9[%swap3A_745, %swap3A_746] {strides = array<i32>} : memref<16x768xf32, #tpu.memory_space<vmem>>, vector<1x16xf32>,
        %swap3A_748 = vector.shape_cast %swap3A_747 : vector<1x16xf32> to vector<16xf32>
        %swap3A_749 = vector.shape_cast %add3A_744 : vector<16xf32> to vector<1x16xf32>
        tpu.vector_store %arg9[%swap3A_745, %swap3A_746], %swap3A_749 {strides = array<i32>} : memref<16x768xf32, #tpu.memory_space<vmem>>, vector<1x16xf32>,
        %get3A_750 = arith.index_cast %scan3A_173 : i32 to index
        %get3A_751 = arith.constant 656 : index
        %get3A_752 = tpu.vector_load %arg9[%get3A_750, %get3A_751] {strides = array<i32>} : memref<16x768xf32, #tpu.memory_space<vmem>>, vector<1x16xf32>,
        %get3A_753 = vector.shape_cast %get3A_752 : vector<1x16xf32> to vector<16xf32>
        %get3A_754 = arith.index_cast %rem3A_177 : i32 to index
        %get3A_755 = arith.constant 656 : index
        %get3A_756 = tpu.vector_load %arg7[%get3A_754, %get3A_755] {strides = array<i32>} : memref<77x768xf32, #tpu.memory_space<vmem>>, vector<1x16xf32>,
        %get3A_757 = vector.shape_cast %get3A_756 : vector<1x16xf32> to vector<16xf32>
        %add3A_758 = arith.addf %get3A_753, %get3A_757 : vector<16xf32>
        %swap3A_759 = arith.index_cast %scan3A_173 : i32 to index
        %swap3A_760 = arith.constant 656 : index
        %swap3A_761 = tpu.vector_load %arg9[%swap3A_759, %swap3A_760] {strides = array<i32>} : memref<16x768xf32, #tpu.memory_space<vmem>>, vector<1x16xf32>,
        %swap3A_762 = vector.shape_cast %swap3A_761 : vector<1x16xf32> to vector<16xf32>
        %swap3A_763 = vector.shape_cast %add3A_758 : vector<16xf32> to vector<1x16xf32>
        tpu.vector_store %arg9[%swap3A_759, %swap3A_760], %swap3A_763 {strides = array<i32>} : memref<16x768xf32, #tpu.memory_space<vmem>>, vector<1x16xf32>,
        %get3A_764 = arith.index_cast %scan3A_173 : i32 to index
        %get3A_765 = arith.constant 672 : index
        %get3A_766 = tpu.vector_load %arg9[%get3A_764, %get3A_765] {strides = array<i32>} : memref<16x768xf32, #tpu.memory_space<vmem>>, vector<1x16xf32>,
        %get3A_767 = vector.shape_cast %get3A_766 : vector<1x16xf32> to vector<16xf32>
        %get3A_768 = arith.index_cast %rem3A_177 : i32 to index
        %get3A_769 = arith.constant 672 : index
        %get3A_770 = tpu.vector_load %arg7[%get3A_768, %get3A_769] {strides = array<i32>} : memref<77x768xf32, #tpu.memory_space<vmem>>, vector<1x16xf32>,
        %get3A_771 = vector.shape_cast %get3A_770 : vector<1x16xf32> to vector<16xf32>
        %add3A_772 = arith.addf %get3A_767, %get3A_771 : vector<16xf32>
        %swap3A_773 = arith.index_cast %scan3A_173 : i32 to index
        %swap3A_774 = arith.constant 672 : index
        %swap3A_775 = tpu.vector_load %arg9[%swap3A_773, %swap3A_774] {strides = array<i32>} : memref<16x768xf32, #tpu.memory_space<vmem>>, vector<1x16xf32>,
        %swap3A_776 = vector.shape_cast %swap3A_775 : vector<1x16xf32> to vector<16xf32>
        %swap3A_777 = vector.shape_cast %add3A_772 : vector<16xf32> to vector<1x16xf32>
        tpu.vector_store %arg9[%swap3A_773, %swap3A_774], %swap3A_777 {strides = array<i32>} : memref<16x768xf32, #tpu.memory_space<vmem>>, vector<1x16xf32>,
        %get3A_778 = arith.index_cast %scan3A_173 : i32 to index
        %get3A_779 = arith.constant 688 : index
        %get3A_780 = tpu.vector_load %arg9[%get3A_778, %get3A_779] {strides = array<i32>} : memref<16x768xf32, #tpu.memory_space<vmem>>, vector<1x16xf32>,
        %get3A_781 = vector.shape_cast %get3A_780 : vector<1x16xf32> to vector<16xf32>
        %get3A_782 = arith.index_cast %rem3A_177 : i32 to index
        %get3A_783 = arith.constant 688 : index
        %get3A_784 = tpu.vector_load %arg7[%get3A_782, %get3A_783] {strides = array<i32>} : memref<77x768xf32, #tpu.memory_space<vmem>>, vector<1x16xf32>,
        %get3A_785 = vector.shape_cast %get3A_784 : vector<1x16xf32> to vector<16xf32>
        %add3A_786 = arith.addf %get3A_781, %get3A_785 : vector<16xf32>
        %swap3A_787 = arith.index_cast %scan3A_173 : i32 to index
        %swap3A_788 = arith.constant 688 : index
        %swap3A_789 = tpu.vector_load %arg9[%swap3A_787, %swap3A_788] {strides = array<i32>} : memref<16x768xf32, #tpu.memory_space<vmem>>, vector<1x16xf32>,
        %swap3A_790 = vector.shape_cast %swap3A_789 : vector<1x16xf32> to vector<16xf32>
        %swap3A_791 = vector.shape_cast %add3A_786 : vector<16xf32> to vector<1x16xf32>
        tpu.vector_store %arg9[%swap3A_787, %swap3A_788], %swap3A_791 {strides = array<i32>} : memref<16x768xf32, #tpu.memory_space<vmem>>, vector<1x16xf32>,
        %get3A_792 = arith.index_cast %scan3A_173 : i32 to index
        %get3A_793 = arith.constant 704 : index
        %get3A_794 = tpu.vector_load %arg9[%get3A_792, %get3A_793] {strides = array<i32>} : memref<16x768xf32, #tpu.memory_space<vmem>>, vector<1x16xf32>,
        %get3A_795 = vector.shape_cast %get3A_794 : vector<1x16xf32> to vector<16xf32>
        %get3A_796 = arith.index_cast %rem3A_177 : i32 to index
        %get3A_797 = arith.constant 704 : index
        %get3A_798 = tpu.vector_load %arg7[%get3A_796, %get3A_797] {strides = array<i32>} : memref<77x768xf32, #tpu.memory_space<vmem>>, vector<1x16xf32>,
        %get3A_799 = vector.shape_cast %get3A_798 : vector<1x16xf32> to vector<16xf32>
        %add3A_800 = arith.addf %get3A_795, %get3A_799 : vector<16xf32>
        %swap3A_801 = arith.index_cast %scan3A_173 : i32 to index
        %swap3A_802 = arith.constant 704 : index
        %swap3A_803 = tpu.vector_load %arg9[%swap3A_801, %swap3A_802] {strides = array<i32>} : memref<16x768xf32, #tpu.memory_space<vmem>>, vector<1x16xf32>,
        %swap3A_804 = vector.shape_cast %swap3A_803 : vector<1x16xf32> to vector<16xf32>
        %swap3A_805 = vector.shape_cast %add3A_800 : vector<16xf32> to vector<1x16xf32>
        tpu.vector_store %arg9[%swap3A_801, %swap3A_802], %swap3A_805 {strides = array<i32>} : memref<16x768xf32, #tpu.memory_space<vmem>>, vector<1x16xf32>,
        %get3A_806 = arith.index_cast %scan3A_173 : i32 to index
        %get3A_807 = arith.constant 720 : index
        %get3A_808 = tpu.vector_load %arg9[%get3A_806, %get3A_807] {strides = array<i32>} : memref<16x768xf32, #tpu.memory_space<vmem>>, vector<1x16xf32>,
        %get3A_809 = vector.shape_cast %get3A_808 : vector<1x16xf32> to vector<16xf32>
        %get3A_810 = arith.index_cast %rem3A_177 : i32 to index
        %get3A_811 = arith.constant 720 : index
        %get3A_812 = tpu.vector_load %arg7[%get3A_810, %get3A_811] {strides = array<i32>} : memref<77x768xf32, #tpu.memory_space<vmem>>, vector<1x16xf32>,
        %get3A_813 = vector.shape_cast %get3A_812 : vector<1x16xf32> to vector<16xf32>
        %add3A_814 = arith.addf %get3A_809, %get3A_813 : vector<16xf32>
        %swap3A_815 = arith.index_cast %scan3A_173 : i32 to index
        %swap3A_816 = arith.constant 720 : index
        %swap3A_817 = tpu.vector_load %arg9[%swap3A_815, %swap3A_816] {strides = array<i32>} : memref<16x768xf32, #tpu.memory_space<vmem>>, vector<1x16xf32>,
        %swap3A_818 = vector.shape_cast %swap3A_817 : vector<1x16xf32> to vector<16xf32>
        %swap3A_819 = vector.shape_cast %add3A_814 : vector<16xf32> to vector<1x16xf32>
        tpu.vector_store %arg9[%swap3A_815, %swap3A_816], %swap3A_819 {strides = array<i32>} : memref<16x768xf32, #tpu.memory_space<vmem>>, vector<1x16xf32>,
        %get3A_820 = arith.index_cast %scan3A_173 : i32 to index
        %get3A_821 = arith.constant 736 : index
        %get3A_822 = tpu.vector_load %arg9[%get3A_820, %get3A_821] {strides = array<i32>} : memref<16x768xf32, #tpu.memory_space<vmem>>, vector<1x16xf32>,
        %get3A_823 = vector.shape_cast %get3A_822 : vector<1x16xf32> to vector<16xf32>
        %get3A_824 = arith.index_cast %rem3A_177 : i32 to index
        %get3A_825 = arith.constant 736 : index
        %get3A_826 = tpu.vector_load %arg7[%get3A_824, %get3A_825] {strides = array<i32>} : memref<77x768xf32, #tpu.memory_space<vmem>>, vector<1x16xf32>,
        %get3A_827 = vector.shape_cast %get3A_826 : vector<1x16xf32> to vector<16xf32>
        %add3A_828 = arith.addf %get3A_823, %get3A_827 : vector<16xf32>
        %swap3A_829 = arith.index_cast %scan3A_173 : i32 to index
        %swap3A_830 = arith.constant 736 : index
        %swap3A_831 = tpu.vector_load %arg9[%swap3A_829, %swap3A_830] {strides = array<i32>} : memref<16x768xf32, #tpu.memory_space<vmem>>, vector<1x16xf32>,
        %swap3A_832 = vector.shape_cast %swap3A_831 : vector<1x16xf32> to vector<16xf32>
        %swap3A_833 = vector.shape_cast %add3A_828 : vector<16xf32> to vector<1x16xf32>
        tpu.vector_store %arg9[%swap3A_829, %swap3A_830], %swap3A_833 {strides = array<i32>} : memref<16x768xf32, #tpu.memory_space<vmem>>, vector<1x16xf32>,
        %get3A_834 = arith.index_cast %scan3A_173 : i32 to index
        %get3A_835 = arith.constant 752 : index
        %get3A_836 = tpu.vector_load %arg9[%get3A_834, %get3A_835] {strides = array<i32>} : memref<16x768xf32, #tpu.memory_space<vmem>>, vector<1x16xf32>,
        %get3A_837 = vector.shape_cast %get3A_836 : vector<1x16xf32> to vector<16xf32>
        %get3A_838 = arith.index_cast %rem3A_177 : i32 to index
        %get3A_839 = arith.constant 752 : index
        %get3A_840 = tpu.vector_load %arg7[%get3A_838, %get3A_839] {strides = array<i32>} : memref<77x768xf32, #tpu.memory_space<vmem>>, vector<1x16xf32>,
        %get3A_841 = vector.shape_cast %get3A_840 : vector<1x16xf32> to vector<16xf32>
        %add3A_842 = arith.addf %get3A_837, %get3A_841 : vector<16xf32>
        %swap3A_843 = arith.index_cast %scan3A_173 : i32 to index
        %swap3A_844 = arith.constant 752 : index
        %swap3A_845 = tpu.vector_load %arg9[%swap3A_843, %swap3A_844] {strides = array<i32>} : memref<16x768xf32, #tpu.memory_space<vmem>>, vector<1x16xf32>,
        %swap3A_846 = vector.shape_cast %swap3A_845 : vector<1x16xf32> to vector<16xf32>
        %swap3A_847 = vector.shape_cast %add3A_842 : vector<16xf32> to vector<1x16xf32>
        tpu.vector_store %arg9[%swap3A_843, %swap3A_844], %swap3A_847 {strides = array<i32>} : memref<16x768xf32, #tpu.memory_space<vmem>>, vector<1x16xf32>,
      }
      %scan3A_114 = arith.constant 16 : i32
      %mul3A_115 = arith.constant 16 : i32
      %mul3A_116 = arith.muli %add3A_102, %mul3A_115 : i32
      %add3A_117 = arith.addi %mul3A_2, %mul3A_116 : i32
      %dma_start3A_118 = arith.constant 0 : i32
      %dma_start3A_119 = tpu.memref_slice %arg5[%add3A_117, %dma_start3A_118] : memref<78848x768xf32, #tpu.memory_space<hbm>> -> memref<16x768xf32, #tpu.memory_space<hbm>>
      %dma_start3A_120 = arith.constant 0 : i32
      %dma_start3A_121 = tpu.memref_slice %arg5[%add3A_117, %dma_start3A_120] : memref<78848x768xf32, #tpu.memory_space<hbm>> -> memref<16x768xf32, #tpu.memory_space<hbm>>
      tpu.enqueue_dma source(%arg9 : memref<16x768xf32, #tpu.memory_space<vmem>>) target(%dma_start3A_121 : memref<16x768xf32, #tpu.memory_space<hbm>>) target_semaphore(%arg15 : memref<!tpu.dma_semaphore, #tpu.memory_space<semaphore_mem>>)
      %sub3A_122 = arith.constant 1 : i32
      %sub3A_123 = arith.subi %add3A_102, %sub3A_122 : i32
      %ge3A_124 = arith.constant 1 : i32
      %ge3A_125 = arith.cmpi sge, %add3A_102, %ge3A_124 : i32
      %convert_element_type3A_126 = arith.extui %ge3A_125 : i1 to i32
      %cond3A_127 = arith.constant 0 : i32
      %cond3A_128 = arith.cmpi ne, %convert_element_type3A_126, %cond3A_127 : i32
      scf.if %cond3A_128 {
        %mul3A_173 = arith.constant 16 : i32
        %mul3A_174 = arith.muli %sub3A_123, %mul3A_173 : i32
        %add3A_175 = arith.addi %mul3A_2, %mul3A_174 : i32
        %dma_wait3A_176 = arith.constant 0 : i32
        %dma_wait3A_177 = tpu.memref_slice %arg5[%add3A_175, %dma_wait3A_176] : memref<78848x768xf32, #tpu.memory_space<hbm>> -> memref<16x768xf32, #tpu.memory_space<hbm>>
        %dma_wait3A_178 = arith.constant 0 : i32
        %dma_wait3A_179 = tpu.memref_slice %arg5[%add3A_175, %dma_wait3A_178] : memref<78848x768xf32, #tpu.memory_space<hbm>> -> memref<16x768xf32, #tpu.memory_space<hbm>>
        tpu.wait_dma2 semaphore(%arg14 : memref<!tpu.dma_semaphore, #tpu.memory_space<semaphore_mem>>) src(%arg8 : memref<16x768xf32, #tpu.memory_space<vmem>>) dst(%dma_wait3A_179 : memref<16x768xf32, #tpu.memory_space<hbm>>)
      } else {
      }
      %add3A_129 = arith.constant 2 : i32
      %add3A_130 = arith.addi %add3A_102, %add3A_129 : i32
      %le3A_131 = arith.constant 153 : i32
      %le3A_132 = arith.cmpi sle, %add3A_130, %le3A_131 : i32
      %convert_element_type3A_133 = arith.extui %le3A_132 : i1 to i32
      %cond3A_134 = arith.constant 0 : i32
      %cond3A_135 = arith.cmpi ne, %convert_element_type3A_133, %cond3A_134 : i32
      scf.if %cond3A_135 {
        %add3A_173 = arith.constant 2 : i32
        %add3A_174 = arith.addi %add3A_102, %add3A_173 : i32
        %min3A = arith.constant 153 : i32
        %min3A_175 = arith.minsi %add3A_174, %min3A : i32
        %dma_start3A_176 = arith.constant 0 : i32
        %dma_start3A_177 = tpu.memref_slice %arg6[%min3A_175, %dma_start3A_176] : memref<154x16xi32, #tpu.memory_space<vmem>> -> memref<1x16xi32, #tpu.memory_space<vmem>>
        %dma_start3A_178 = tpu.memref_squeeze %dma_start3A_177 : memref<1x16xi32, #tpu.memory_space<vmem>> -> memref<16xi32, #tpu.memory_space<vmem>>
        %dma_start3A_179 = arith.constant 0 : i32
        %dma_start3A_180 = arith.constant 0 : i32
        %dma_start3A_181 = tpu.memref_slice %arg2[%dma_start3A_179, %dma_start3A_180] : memref<49408x768xf32, #tpu.memory_space<hbm>> -> memref<49408x768xf32, #tpu.memory_space<hbm>>
        tpu.enqueue_indirect_dma source(%dma_start3A_181 : memref<49408x768xf32, #tpu.memory_space<hbm>>) target(%arg8 : memref<16x768xf32, #tpu.memory_space<vmem>>) offsets(%dma_start3A_178 : memref<16xi32, #tpu.memory_space<vmem>>) semaphore(%arg11 : memref<!tpu.dma_semaphore, #tpu.memory_space<semaphore_mem>>)
      } else {
      }
      %mul3A_136 = arith.constant 3 : i32
      %mul3A_137 = arith.muli %scan3A_61, %mul3A_136 : i32
      %add3A_138 = arith.constant 2 : i32
      %add3A_139 = arith.addi %mul3A_137, %add3A_138 : i32
      %dma_wait3A_140 = arith.constant 0 : i32
      %dma_wait3A_141 = tpu.memref_slice %arg6[%add3A_139, %dma_wait3A_140] : memref<154x16xi32, #tpu.memory_space<vmem>> -> memref<1x16xi32, #tpu.memory_space<vmem>>
      %dma_wait3A_142 = tpu.memref_squeeze %dma_wait3A_141 : memref<1x16xi32, #tpu.memory_space<vmem>> -> memref<16xi32, #tpu.memory_space<vmem>>
      %dma_wait3A_143 = arith.constant 0 : i32
      %dma_wait3A_144 = arith.constant 0 : i32
      %dma_wait3A_145 = tpu.memref_slice %arg2[%dma_wait3A_143, %dma_wait3A_144] : memref<49408x768xf32, #tpu.memory_space<hbm>> -> memref<49408x768xf32, #tpu.memory_space<hbm>>
      tpu.wait_indirect_dma semaphore(%arg13 : memref<!tpu.dma_semaphore, #tpu.memory_space<semaphore_mem>>) src(%dma_wait3A_145 : memref<49408x768xf32, #tpu.memory_space<hbm>>) dst(%arg10 : memref<16x768xf32, #tpu.memory_space<vmem>>)
      %scan3A_146 = arith.constant 0 : i32
      %scan3A_147 = arith.constant 0 : i32
      %scan3A_148 = arith.constant 16 : i32
      %scan3A_149 = arith.addi %scan3A_147, %scan3A_148 : i32
      %scan3A_150 = arith.constant 1 : i32
      scf.for %scan3A_173 = %scan3A_147 to %scan3A_149 step %scan3A_150  : i32 {
        %mul3A_174 = arith.constant 16 : i32
        %mul3A_175 = arith.muli %add3A_139, %mul3A_174 : i32
        %add3A_176 = arith.addi %mul3A_175, %scan3A_173 : i32
        %rem3A = arith.constant 77 : i32
        %rem3A_177 = arith.remsi %add3A_176, %rem3A : i32
        %get3A = arith.index_cast %scan3A_173 : i32 to index
        %get3A_178 = arith.constant 0 : index
        %get3A_179 = tpu.vector_load %arg10[%get3A, %get3A_178] {strides = array<i32>} : memref<16x768xf32, #tpu.memory_space<vmem>>, vector<1x16xf32>,
        %get3A_180 = vector.shape_cast %get3A_179 : vector<1x16xf32> to vector<16xf32>
        %get3A_181 = arith.index_cast %rem3A_177 : i32 to index
        %get3A_182 = arith.constant 0 : index
        %get3A_183 = tpu.vector_load %arg7[%get3A_181, %get3A_182] {strides = array<i32>} : memref<77x768xf32, #tpu.memory_space<vmem>>, vector<1x16xf32>,
        %get3A_184 = vector.shape_cast %get3A_183 : vector<1x16xf32> to vector<16xf32>
        %add3A_185 = arith.addf %get3A_180, %get3A_184 : vector<16xf32>
        %swap3A = arith.index_cast %scan3A_173 : i32 to index
        %swap3A_186 = arith.constant 0 : index
        %swap3A_187 = tpu.vector_load %arg10[%swap3A, %swap3A_186] {strides = array<i32>} : memref<16x768xf32, #tpu.memory_space<vmem>>, vector<1x16xf32>,
        %swap3A_188 = vector.shape_cast %swap3A_187 : vector<1x16xf32> to vector<16xf32>
        %swap3A_189 = vector.shape_cast %add3A_185 : vector<16xf32> to vector<1x16xf32>
        tpu.vector_store %arg10[%swap3A, %swap3A_186], %swap3A_189 {strides = array<i32>} : memref<16x768xf32, #tpu.memory_space<vmem>>, vector<1x16xf32>,
        %get3A_190 = arith.index_cast %scan3A_173 : i32 to index
        %get3A_191 = arith.constant 16 : index
        %get3A_192 = tpu.vector_load %arg10[%get3A_190, %get3A_191] {strides = array<i32>} : memref<16x768xf32, #tpu.memory_space<vmem>>, vector<1x16xf32>,
        %get3A_193 = vector.shape_cast %get3A_192 : vector<1x16xf32> to vector<16xf32>
        %get3A_194 = arith.index_cast %rem3A_177 : i32 to index
        %get3A_195 = arith.constant 16 : index
        %get3A_196 = tpu.vector_load %arg7[%get3A_194, %get3A_195] {strides = array<i32>} : memref<77x768xf32, #tpu.memory_space<vmem>>, vector<1x16xf32>,
        %get3A_197 = vector.shape_cast %get3A_196 : vector<1x16xf32> to vector<16xf32>
        %add3A_198 = arith.addf %get3A_193, %get3A_197 : vector<16xf32>
        %swap3A_199 = arith.index_cast %scan3A_173 : i32 to index
        %swap3A_200 = arith.constant 16 : index
        %swap3A_201 = tpu.vector_load %arg10[%swap3A_199, %swap3A_200] {strides = array<i32>} : memref<16x768xf32, #tpu.memory_space<vmem>>, vector<1x16xf32>,
        %swap3A_202 = vector.shape_cast %swap3A_201 : vector<1x16xf32> to vector<16xf32>
        %swap3A_203 = vector.shape_cast %add3A_198 : vector<16xf32> to vector<1x16xf32>
        tpu.vector_store %arg10[%swap3A_199, %swap3A_200], %swap3A_203 {strides = array<i32>} : memref<16x768xf32, #tpu.memory_space<vmem>>, vector<1x16xf32>,
        %get3A_204 = arith.index_cast %scan3A_173 : i32 to index
        %get3A_205 = arith.constant 32 : index
        %get3A_206 = tpu.vector_load %arg10[%get3A_204, %get3A_205] {strides = array<i32>} : memref<16x768xf32, #tpu.memory_space<vmem>>, vector<1x16xf32>,
        %get3A_207 = vector.shape_cast %get3A_206 : vector<1x16xf32> to vector<16xf32>
        %get3A_208 = arith.index_cast %rem3A_177 : i32 to index
        %get3A_209 = arith.constant 32 : index
        %get3A_210 = tpu.vector_load %arg7[%get3A_208, %get3A_209] {strides = array<i32>} : memref<77x768xf32, #tpu.memory_space<vmem>>, vector<1x16xf32>,
        %get3A_211 = vector.shape_cast %get3A_210 : vector<1x16xf32> to vector<16xf32>
        %add3A_212 = arith.addf %get3A_207, %get3A_211 : vector<16xf32>
        %swap3A_213 = arith.index_cast %scan3A_173 : i32 to index
        %swap3A_214 = arith.constant 32 : index
        %swap3A_215 = tpu.vector_load %arg10[%swap3A_213, %swap3A_214] {strides = array<i32>} : memref<16x768xf32, #tpu.memory_space<vmem>>, vector<1x16xf32>,
        %swap3A_216 = vector.shape_cast %swap3A_215 : vector<1x16xf32> to vector<16xf32>
        %swap3A_217 = vector.shape_cast %add3A_212 : vector<16xf32> to vector<1x16xf32>
        tpu.vector_store %arg10[%swap3A_213, %swap3A_214], %swap3A_217 {strides = array<i32>} : memref<16x768xf32, #tpu.memory_space<vmem>>, vector<1x16xf32>,
        %get3A_218 = arith.index_cast %scan3A_173 : i32 to index
        %get3A_219 = arith.constant 48 : index
        %get3A_220 = tpu.vector_load %arg10[%get3A_218, %get3A_219] {strides = array<i32>} : memref<16x768xf32, #tpu.memory_space<vmem>>, vector<1x16xf32>,
        %get3A_221 = vector.shape_cast %get3A_220 : vector<1x16xf32> to vector<16xf32>
        %get3A_222 = arith.index_cast %rem3A_177 : i32 to index
        %get3A_223 = arith.constant 48 : index
        %get3A_224 = tpu.vector_load %arg7[%get3A_222, %get3A_223] {strides = array<i32>} : memref<77x768xf32, #tpu.memory_space<vmem>>, vector<1x16xf32>,
        %get3A_225 = vector.shape_cast %get3A_224 : vector<1x16xf32> to vector<16xf32>
        %add3A_226 = arith.addf %get3A_221, %get3A_225 : vector<16xf32>
        %swap3A_227 = arith.index_cast %scan3A_173 : i32 to index
        %swap3A_228 = arith.constant 48 : index
        %swap3A_229 = tpu.vector_load %arg10[%swap3A_227, %swap3A_228] {strides = array<i32>} : memref<16x768xf32, #tpu.memory_space<vmem>>, vector<1x16xf32>,
        %swap3A_230 = vector.shape_cast %swap3A_229 : vector<1x16xf32> to vector<16xf32>
        %swap3A_231 = vector.shape_cast %add3A_226 : vector<16xf32> to vector<1x16xf32>
        tpu.vector_store %arg10[%swap3A_227, %swap3A_228], %swap3A_231 {strides = array<i32>} : memref<16x768xf32, #tpu.memory_space<vmem>>, vector<1x16xf32>,
        %get3A_232 = arith.index_cast %scan3A_173 : i32 to index
        %get3A_233 = arith.constant 64 : index
        %get3A_234 = tpu.vector_load %arg10[%get3A_232, %get3A_233] {strides = array<i32>} : memref<16x768xf32, #tpu.memory_space<vmem>>, vector<1x16xf32>,
        %get3A_235 = vector.shape_cast %get3A_234 : vector<1x16xf32> to vector<16xf32>
        %get3A_236 = arith.index_cast %rem3A_177 : i32 to index
        %get3A_237 = arith.constant 64 : index
        %get3A_238 = tpu.vector_load %arg7[%get3A_236, %get3A_237] {strides = array<i32>} : memref<77x768xf32, #tpu.memory_space<vmem>>, vector<1x16xf32>,
        %get3A_239 = vector.shape_cast %get3A_238 : vector<1x16xf32> to vector<16xf32>
        %add3A_240 = arith.addf %get3A_235, %get3A_239 : vector<16xf32>
        %swap3A_241 = arith.index_cast %scan3A_173 : i32 to index
        %swap3A_242 = arith.constant 64 : index
        %swap3A_243 = tpu.vector_load %arg10[%swap3A_241, %swap3A_242] {strides = array<i32>} : memref<16x768xf32, #tpu.memory_space<vmem>>, vector<1x16xf32>,
        %swap3A_244 = vector.shape_cast %swap3A_243 : vector<1x16xf32> to vector<16xf32>
        %swap3A_245 = vector.shape_cast %add3A_240 : vector<16xf32> to vector<1x16xf32>
        tpu.vector_store %arg10[%swap3A_241, %swap3A_242], %swap3A_245 {strides = array<i32>} : memref<16x768xf32, #tpu.memory_space<vmem>>, vector<1x16xf32>,
        %get3A_246 = arith.index_cast %scan3A_173 : i32 to index
        %get3A_247 = arith.constant 80 : index
        %get3A_248 = tpu.vector_load %arg10[%get3A_246, %get3A_247] {strides = array<i32>} : memref<16x768xf32, #tpu.memory_space<vmem>>, vector<1x16xf32>,
        %get3A_249 = vector.shape_cast %get3A_248 : vector<1x16xf32> to vector<16xf32>
        %get3A_250 = arith.index_cast %rem3A_177 : i32 to index
        %get3A_251 = arith.constant 80 : index
        %get3A_252 = tpu.vector_load %arg7[%get3A_250, %get3A_251] {strides = array<i32>} : memref<77x768xf32, #tpu.memory_space<vmem>>, vector<1x16xf32>,
        %get3A_253 = vector.shape_cast %get3A_252 : vector<1x16xf32> to vector<16xf32>
        %add3A_254 = arith.addf %get3A_249, %get3A_253 : vector<16xf32>
        %swap3A_255 = arith.index_cast %scan3A_173 : i32 to index
        %swap3A_256 = arith.constant 80 : index
        %swap3A_257 = tpu.vector_load %arg10[%swap3A_255, %swap3A_256] {strides = array<i32>} : memref<16x768xf32, #tpu.memory_space<vmem>>, vector<1x16xf32>,
        %swap3A_258 = vector.shape_cast %swap3A_257 : vector<1x16xf32> to vector<16xf32>
        %swap3A_259 = vector.shape_cast %add3A_254 : vector<16xf32> to vector<1x16xf32>
        tpu.vector_store %arg10[%swap3A_255, %swap3A_256], %swap3A_259 {strides = array<i32>} : memref<16x768xf32, #tpu.memory_space<vmem>>, vector<1x16xf32>,
        %get3A_260 = arith.index_cast %scan3A_173 : i32 to index
        %get3A_261 = arith.constant 96 : index
        %get3A_262 = tpu.vector_load %arg10[%get3A_260, %get3A_261] {strides = array<i32>} : memref<16x768xf32, #tpu.memory_space<vmem>>, vector<1x16xf32>,
        %get3A_263 = vector.shape_cast %get3A_262 : vector<1x16xf32> to vector<16xf32>
        %get3A_264 = arith.index_cast %rem3A_177 : i32 to index
        %get3A_265 = arith.constant 96 : index
        %get3A_266 = tpu.vector_load %arg7[%get3A_264, %get3A_265] {strides = array<i32>} : memref<77x768xf32, #tpu.memory_space<vmem>>, vector<1x16xf32>,
        %get3A_267 = vector.shape_cast %get3A_266 : vector<1x16xf32> to vector<16xf32>
        %add3A_268 = arith.addf %get3A_263, %get3A_267 : vector<16xf32>
        %swap3A_269 = arith.index_cast %scan3A_173 : i32 to index
        %swap3A_270 = arith.constant 96 : index
        %swap3A_271 = tpu.vector_load %arg10[%swap3A_269, %swap3A_270] {strides = array<i32>} : memref<16x768xf32, #tpu.memory_space<vmem>>, vector<1x16xf32>,
        %swap3A_272 = vector.shape_cast %swap3A_271 : vector<1x16xf32> to vector<16xf32>
        %swap3A_273 = vector.shape_cast %add3A_268 : vector<16xf32> to vector<1x16xf32>
        tpu.vector_store %arg10[%swap3A_269, %swap3A_270], %swap3A_273 {strides = array<i32>} : memref<16x768xf32, #tpu.memory_space<vmem>>, vector<1x16xf32>,
        %get3A_274 = arith.index_cast %scan3A_173 : i32 to index
        %get3A_275 = arith.constant 112 : index
        %get3A_276 = tpu.vector_load %arg10[%get3A_274, %get3A_275] {strides = array<i32>} : memref<16x768xf32, #tpu.memory_space<vmem>>, vector<1x16xf32>,
        %get3A_277 = vector.shape_cast %get3A_276 : vector<1x16xf32> to vector<16xf32>
        %get3A_278 = arith.index_cast %rem3A_177 : i32 to index
        %get3A_279 = arith.constant 112 : index
        %get3A_280 = tpu.vector_load %arg7[%get3A_278, %get3A_279] {strides = array<i32>} : memref<77x768xf32, #tpu.memory_space<vmem>>, vector<1x16xf32>,
        %get3A_281 = vector.shape_cast %get3A_280 : vector<1x16xf32> to vector<16xf32>
        %add3A_282 = arith.addf %get3A_277, %get3A_281 : vector<16xf32>
        %swap3A_283 = arith.index_cast %scan3A_173 : i32 to index
        %swap3A_284 = arith.constant 112 : index
        %swap3A_285 = tpu.vector_load %arg10[%swap3A_283, %swap3A_284] {strides = array<i32>} : memref<16x768xf32, #tpu.memory_space<vmem>>, vector<1x16xf32>,
        %swap3A_286 = vector.shape_cast %swap3A_285 : vector<1x16xf32> to vector<16xf32>
        %swap3A_287 = vector.shape_cast %add3A_282 : vector<16xf32> to vector<1x16xf32>
        tpu.vector_store %arg10[%swap3A_283, %swap3A_284], %swap3A_287 {strides = array<i32>} : memref<16x768xf32, #tpu.memory_space<vmem>>, vector<1x16xf32>,
        %get3A_288 = arith.index_cast %scan3A_173 : i32 to index
        %get3A_289 = arith.constant 128 : index
        %get3A_290 = tpu.vector_load %arg10[%get3A_288, %get3A_289] {strides = array<i32>} : memref<16x768xf32, #tpu.memory_space<vmem>>, vector<1x16xf32>,
        %get3A_291 = vector.shape_cast %get3A_290 : vector<1x16xf32> to vector<16xf32>
        %get3A_292 = arith.index_cast %rem3A_177 : i32 to index
        %get3A_293 = arith.constant 128 : index
        %get3A_294 = tpu.vector_load %arg7[%get3A_292, %get3A_293] {strides = array<i32>} : memref<77x768xf32, #tpu.memory_space<vmem>>, vector<1x16xf32>,
        %get3A_295 = vector.shape_cast %get3A_294 : vector<1x16xf32> to vector<16xf32>
        %add3A_296 = arith.addf %get3A_291, %get3A_295 : vector<16xf32>
        %swap3A_297 = arith.index_cast %scan3A_173 : i32 to index
        %swap3A_298 = arith.constant 128 : index
        %swap3A_299 = tpu.vector_load %arg10[%swap3A_297, %swap3A_298] {strides = array<i32>} : memref<16x768xf32, #tpu.memory_space<vmem>>, vector<1x16xf32>,
        %swap3A_300 = vector.shape_cast %swap3A_299 : vector<1x16xf32> to vector<16xf32>
        %swap3A_301 = vector.shape_cast %add3A_296 : vector<16xf32> to vector<1x16xf32>
        tpu.vector_store %arg10[%swap3A_297, %swap3A_298], %swap3A_301 {strides = array<i32>} : memref<16x768xf32, #tpu.memory_space<vmem>>, vector<1x16xf32>,
        %get3A_302 = arith.index_cast %scan3A_173 : i32 to index
        %get3A_303 = arith.constant 144 : index
        %get3A_304 = tpu.vector_load %arg10[%get3A_302, %get3A_303] {strides = array<i32>} : memref<16x768xf32, #tpu.memory_space<vmem>>, vector<1x16xf32>,
        %get3A_305 = vector.shape_cast %get3A_304 : vector<1x16xf32> to vector<16xf32>
        %get3A_306 = arith.index_cast %rem3A_177 : i32 to index
        %get3A_307 = arith.constant 144 : index
        %get3A_308 = tpu.vector_load %arg7[%get3A_306, %get3A_307] {strides = array<i32>} : memref<77x768xf32, #tpu.memory_space<vmem>>, vector<1x16xf32>,
        %get3A_309 = vector.shape_cast %get3A_308 : vector<1x16xf32> to vector<16xf32>
        %add3A_310 = arith.addf %get3A_305, %get3A_309 : vector<16xf32>
        %swap3A_311 = arith.index_cast %scan3A_173 : i32 to index
        %swap3A_312 = arith.constant 144 : index
        %swap3A_313 = tpu.vector_load %arg10[%swap3A_311, %swap3A_312] {strides = array<i32>} : memref<16x768xf32, #tpu.memory_space<vmem>>, vector<1x16xf32>,
        %swap3A_314 = vector.shape_cast %swap3A_313 : vector<1x16xf32> to vector<16xf32>
        %swap3A_315 = vector.shape_cast %add3A_310 : vector<16xf32> to vector<1x16xf32>
        tpu.vector_store %arg10[%swap3A_311, %swap3A_312], %swap3A_315 {strides = array<i32>} : memref<16x768xf32, #tpu.memory_space<vmem>>, vector<1x16xf32>,
        %get3A_316 = arith.index_cast %scan3A_173 : i32 to index
        %get3A_317 = arith.constant 160 : index
        %get3A_318 = tpu.vector_load %arg10[%get3A_316, %get3A_317] {strides = array<i32>} : memref<16x768xf32, #tpu.memory_space<vmem>>, vector<1x16xf32>,
        %get3A_319 = vector.shape_cast %get3A_318 : vector<1x16xf32> to vector<16xf32>
        %get3A_320 = arith.index_cast %rem3A_177 : i32 to index
        %get3A_321 = arith.constant 160 : index
        %get3A_322 = tpu.vector_load %arg7[%get3A_320, %get3A_321] {strides = array<i32>} : memref<77x768xf32, #tpu.memory_space<vmem>>, vector<1x16xf32>,
        %get3A_323 = vector.shape_cast %get3A_322 : vector<1x16xf32> to vector<16xf32>
        %add3A_324 = arith.addf %get3A_319, %get3A_323 : vector<16xf32>
        %swap3A_325 = arith.index_cast %scan3A_173 : i32 to index
        %swap3A_326 = arith.constant 160 : index
        %swap3A_327 = tpu.vector_load %arg10[%swap3A_325, %swap3A_326] {strides = array<i32>} : memref<16x768xf32, #tpu.memory_space<vmem>>, vector<1x16xf32>,
        %swap3A_328 = vector.shape_cast %swap3A_327 : vector<1x16xf32> to vector<16xf32>
        %swap3A_329 = vector.shape_cast %add3A_324 : vector<16xf32> to vector<1x16xf32>
        tpu.vector_store %arg10[%swap3A_325, %swap3A_326], %swap3A_329 {strides = array<i32>} : memref<16x768xf32, #tpu.memory_space<vmem>>, vector<1x16xf32>,
        %get3A_330 = arith.index_cast %scan3A_173 : i32 to index
        %get3A_331 = arith.constant 176 : index
        %get3A_332 = tpu.vector_load %arg10[%get3A_330, %get3A_331] {strides = array<i32>} : memref<16x768xf32, #tpu.memory_space<vmem>>, vector<1x16xf32>,
        %get3A_333 = vector.shape_cast %get3A_332 : vector<1x16xf32> to vector<16xf32>
        %get3A_334 = arith.index_cast %rem3A_177 : i32 to index
        %get3A_335 = arith.constant 176 : index
        %get3A_336 = tpu.vector_load %arg7[%get3A_334, %get3A_335] {strides = array<i32>} : memref<77x768xf32, #tpu.memory_space<vmem>>, vector<1x16xf32>,
        %get3A_337 = vector.shape_cast %get3A_336 : vector<1x16xf32> to vector<16xf32>
        %add3A_338 = arith.addf %get3A_333, %get3A_337 : vector<16xf32>
        %swap3A_339 = arith.index_cast %scan3A_173 : i32 to index
        %swap3A_340 = arith.constant 176 : index
        %swap3A_341 = tpu.vector_load %arg10[%swap3A_339, %swap3A_340] {strides = array<i32>} : memref<16x768xf32, #tpu.memory_space<vmem>>, vector<1x16xf32>,
        %swap3A_342 = vector.shape_cast %swap3A_341 : vector<1x16xf32> to vector<16xf32>
        %swap3A_343 = vector.shape_cast %add3A_338 : vector<16xf32> to vector<1x16xf32>
        tpu.vector_store %arg10[%swap3A_339, %swap3A_340], %swap3A_343 {strides = array<i32>} : memref<16x768xf32, #tpu.memory_space<vmem>>, vector<1x16xf32>,
        %get3A_344 = arith.index_cast %scan3A_173 : i32 to index
        %get3A_345 = arith.constant 192 : index
        %get3A_346 = tpu.vector_load %arg10[%get3A_344, %get3A_345] {strides = array<i32>} : memref<16x768xf32, #tpu.memory_space<vmem>>, vector<1x16xf32>,
        %get3A_347 = vector.shape_cast %get3A_346 : vector<1x16xf32> to vector<16xf32>
        %get3A_348 = arith.index_cast %rem3A_177 : i32 to index
        %get3A_349 = arith.constant 192 : index
        %get3A_350 = tpu.vector_load %arg7[%get3A_348, %get3A_349] {strides = array<i32>} : memref<77x768xf32, #tpu.memory_space<vmem>>, vector<1x16xf32>,
        %get3A_351 = vector.shape_cast %get3A_350 : vector<1x16xf32> to vector<16xf32>
        %add3A_352 = arith.addf %get3A_347, %get3A_351 : vector<16xf32>
        %swap3A_353 = arith.index_cast %scan3A_173 : i32 to index
        %swap3A_354 = arith.constant 192 : index
        %swap3A_355 = tpu.vector_load %arg10[%swap3A_353, %swap3A_354] {strides = array<i32>} : memref<16x768xf32, #tpu.memory_space<vmem>>, vector<1x16xf32>,
        %swap3A_356 = vector.shape_cast %swap3A_355 : vector<1x16xf32> to vector<16xf32>
        %swap3A_357 = vector.shape_cast %add3A_352 : vector<16xf32> to vector<1x16xf32>
        tpu.vector_store %arg10[%swap3A_353, %swap3A_354], %swap3A_357 {strides = array<i32>} : memref<16x768xf32, #tpu.memory_space<vmem>>, vector<1x16xf32>,
        %get3A_358 = arith.index_cast %scan3A_173 : i32 to index
        %get3A_359 = arith.constant 208 : index
        %get3A_360 = tpu.vector_load %arg10[%get3A_358, %get3A_359] {strides = array<i32>} : memref<16x768xf32, #tpu.memory_space<vmem>>, vector<1x16xf32>,
        %get3A_361 = vector.shape_cast %get3A_360 : vector<1x16xf32> to vector<16xf32>
        %get3A_362 = arith.index_cast %rem3A_177 : i32 to index
        %get3A_363 = arith.constant 208 : index
        %get3A_364 = tpu.vector_load %arg7[%get3A_362, %get3A_363] {strides = array<i32>} : memref<77x768xf32, #tpu.memory_space<vmem>>, vector<1x16xf32>,
        %get3A_365 = vector.shape_cast %get3A_364 : vector<1x16xf32> to vector<16xf32>
        %add3A_366 = arith.addf %get3A_361, %get3A_365 : vector<16xf32>
        %swap3A_367 = arith.index_cast %scan3A_173 : i32 to index
        %swap3A_368 = arith.constant 208 : index
        %swap3A_369 = tpu.vector_load %arg10[%swap3A_367, %swap3A_368] {strides = array<i32>} : memref<16x768xf32, #tpu.memory_space<vmem>>, vector<1x16xf32>,
        %swap3A_370 = vector.shape_cast %swap3A_369 : vector<1x16xf32> to vector<16xf32>
        %swap3A_371 = vector.shape_cast %add3A_366 : vector<16xf32> to vector<1x16xf32>
        tpu.vector_store %arg10[%swap3A_367, %swap3A_368], %swap3A_371 {strides = array<i32>} : memref<16x768xf32, #tpu.memory_space<vmem>>, vector<1x16xf32>,
        %get3A_372 = arith.index_cast %scan3A_173 : i32 to index
        %get3A_373 = arith.constant 224 : index
        %get3A_374 = tpu.vector_load %arg10[%get3A_372, %get3A_373] {strides = array<i32>} : memref<16x768xf32, #tpu.memory_space<vmem>>, vector<1x16xf32>,
        %get3A_375 = vector.shape_cast %get3A_374 : vector<1x16xf32> to vector<16xf32>
        %get3A_376 = arith.index_cast %rem3A_177 : i32 to index
        %get3A_377 = arith.constant 224 : index
        %get3A_378 = tpu.vector_load %arg7[%get3A_376, %get3A_377] {strides = array<i32>} : memref<77x768xf32, #tpu.memory_space<vmem>>, vector<1x16xf32>,
        %get3A_379 = vector.shape_cast %get3A_378 : vector<1x16xf32> to vector<16xf32>
        %add3A_380 = arith.addf %get3A_375, %get3A_379 : vector<16xf32>
        %swap3A_381 = arith.index_cast %scan3A_173 : i32 to index
        %swap3A_382 = arith.constant 224 : index
        %swap3A_383 = tpu.vector_load %arg10[%swap3A_381, %swap3A_382] {strides = array<i32>} : memref<16x768xf32, #tpu.memory_space<vmem>>, vector<1x16xf32>,
        %swap3A_384 = vector.shape_cast %swap3A_383 : vector<1x16xf32> to vector<16xf32>
        %swap3A_385 = vector.shape_cast %add3A_380 : vector<16xf32> to vector<1x16xf32>
        tpu.vector_store %arg10[%swap3A_381, %swap3A_382], %swap3A_385 {strides = array<i32>} : memref<16x768xf32, #tpu.memory_space<vmem>>, vector<1x16xf32>,
        %get3A_386 = arith.index_cast %scan3A_173 : i32 to index
        %get3A_387 = arith.constant 240 : index
        %get3A_388 = tpu.vector_load %arg10[%get3A_386, %get3A_387] {strides = array<i32>} : memref<16x768xf32, #tpu.memory_space<vmem>>, vector<1x16xf32>,
        %get3A_389 = vector.shape_cast %get3A_388 : vector<1x16xf32> to vector<16xf32>
        %get3A_390 = arith.index_cast %rem3A_177 : i32 to index
        %get3A_391 = arith.constant 240 : index
        %get3A_392 = tpu.vector_load %arg7[%get3A_390, %get3A_391] {strides = array<i32>} : memref<77x768xf32, #tpu.memory_space<vmem>>, vector<1x16xf32>,
        %get3A_393 = vector.shape_cast %get3A_392 : vector<1x16xf32> to vector<16xf32>
        %add3A_394 = arith.addf %get3A_389, %get3A_393 : vector<16xf32>
        %swap3A_395 = arith.index_cast %scan3A_173 : i32 to index
        %swap3A_396 = arith.constant 240 : index
        %swap3A_397 = tpu.vector_load %arg10[%swap3A_395, %swap3A_396] {strides = array<i32>} : memref<16x768xf32, #tpu.memory_space<vmem>>, vector<1x16xf32>,
        %swap3A_398 = vector.shape_cast %swap3A_397 : vector<1x16xf32> to vector<16xf32>
        %swap3A_399 = vector.shape_cast %add3A_394 : vector<16xf32> to vector<1x16xf32>
        tpu.vector_store %arg10[%swap3A_395, %swap3A_396], %swap3A_399 {strides = array<i32>} : memref<16x768xf32, #tpu.memory_space<vmem>>, vector<1x16xf32>,
        %get3A_400 = arith.index_cast %scan3A_173 : i32 to index
        %get3A_401 = arith.constant 256 : index
        %get3A_402 = tpu.vector_load %arg10[%get3A_400, %get3A_401] {strides = array<i32>} : memref<16x768xf32, #tpu.memory_space<vmem>>, vector<1x16xf32>,
        %get3A_403 = vector.shape_cast %get3A_402 : vector<1x16xf32> to vector<16xf32>
        %get3A_404 = arith.index_cast %rem3A_177 : i32 to index
        %get3A_405 = arith.constant 256 : index
        %get3A_406 = tpu.vector_load %arg7[%get3A_404, %get3A_405] {strides = array<i32>} : memref<77x768xf32, #tpu.memory_space<vmem>>, vector<1x16xf32>,
        %get3A_407 = vector.shape_cast %get3A_406 : vector<1x16xf32> to vector<16xf32>
        %add3A_408 = arith.addf %get3A_403, %get3A_407 : vector<16xf32>
        %swap3A_409 = arith.index_cast %scan3A_173 : i32 to index
        %swap3A_410 = arith.constant 256 : index
        %swap3A_411 = tpu.vector_load %arg10[%swap3A_409, %swap3A_410] {strides = array<i32>} : memref<16x768xf32, #tpu.memory_space<vmem>>, vector<1x16xf32>,
        %swap3A_412 = vector.shape_cast %swap3A_411 : vector<1x16xf32> to vector<16xf32>
        %swap3A_413 = vector.shape_cast %add3A_408 : vector<16xf32> to vector<1x16xf32>
        tpu.vector_store %arg10[%swap3A_409, %swap3A_410], %swap3A_413 {strides = array<i32>} : memref<16x768xf32, #tpu.memory_space<vmem>>, vector<1x16xf32>,
        %get3A_414 = arith.index_cast %scan3A_173 : i32 to index
        %get3A_415 = arith.constant 272 : index
        %get3A_416 = tpu.vector_load %arg10[%get3A_414, %get3A_415] {strides = array<i32>} : memref<16x768xf32, #tpu.memory_space<vmem>>, vector<1x16xf32>,
        %get3A_417 = vector.shape_cast %get3A_416 : vector<1x16xf32> to vector<16xf32>
        %get3A_418 = arith.index_cast %rem3A_177 : i32 to index
        %get3A_419 = arith.constant 272 : index
        %get3A_420 = tpu.vector_load %arg7[%get3A_418, %get3A_419] {strides = array<i32>} : memref<77x768xf32, #tpu.memory_space<vmem>>, vector<1x16xf32>,
        %get3A_421 = vector.shape_cast %get3A_420 : vector<1x16xf32> to vector<16xf32>
        %add3A_422 = arith.addf %get3A_417, %get3A_421 : vector<16xf32>
        %swap3A_423 = arith.index_cast %scan3A_173 : i32 to index
        %swap3A_424 = arith.constant 272 : index
        %swap3A_425 = tpu.vector_load %arg10[%swap3A_423, %swap3A_424] {strides = array<i32>} : memref<16x768xf32, #tpu.memory_space<vmem>>, vector<1x16xf32>,
        %swap3A_426 = vector.shape_cast %swap3A_425 : vector<1x16xf32> to vector<16xf32>
        %swap3A_427 = vector.shape_cast %add3A_422 : vector<16xf32> to vector<1x16xf32>
        tpu.vector_store %arg10[%swap3A_423, %swap3A_424], %swap3A_427 {strides = array<i32>} : memref<16x768xf32, #tpu.memory_space<vmem>>, vector<1x16xf32>,
        %get3A_428 = arith.index_cast %scan3A_173 : i32 to index
        %get3A_429 = arith.constant 288 : index
        %get3A_430 = tpu.vector_load %arg10[%get3A_428, %get3A_429] {strides = array<i32>} : memref<16x768xf32, #tpu.memory_space<vmem>>, vector<1x16xf32>,
        %get3A_431 = vector.shape_cast %get3A_430 : vector<1x16xf32> to vector<16xf32>
        %get3A_432 = arith.index_cast %rem3A_177 : i32 to index
        %get3A_433 = arith.constant 288 : index
        %get3A_434 = tpu.vector_load %arg7[%get3A_432, %get3A_433] {strides = array<i32>} : memref<77x768xf32, #tpu.memory_space<vmem>>, vector<1x16xf32>,
        %get3A_435 = vector.shape_cast %get3A_434 : vector<1x16xf32> to vector<16xf32>
        %add3A_436 = arith.addf %get3A_431, %get3A_435 : vector<16xf32>
        %swap3A_437 = arith.index_cast %scan3A_173 : i32 to index
        %swap3A_438 = arith.constant 288 : index
        %swap3A_439 = tpu.vector_load %arg10[%swap3A_437, %swap3A_438] {strides = array<i32>} : memref<16x768xf32, #tpu.memory_space<vmem>>, vector<1x16xf32>,
        %swap3A_440 = vector.shape_cast %swap3A_439 : vector<1x16xf32> to vector<16xf32>
        %swap3A_441 = vector.shape_cast %add3A_436 : vector<16xf32> to vector<1x16xf32>
        tpu.vector_store %arg10[%swap3A_437, %swap3A_438], %swap3A_441 {strides = array<i32>} : memref<16x768xf32, #tpu.memory_space<vmem>>, vector<1x16xf32>,
        %get3A_442 = arith.index_cast %scan3A_173 : i32 to index
        %get3A_443 = arith.constant 304 : index
        %get3A_444 = tpu.vector_load %arg10[%get3A_442, %get3A_443] {strides = array<i32>} : memref<16x768xf32, #tpu.memory_space<vmem>>, vector<1x16xf32>,
        %get3A_445 = vector.shape_cast %get3A_444 : vector<1x16xf32> to vector<16xf32>
        %get3A_446 = arith.index_cast %rem3A_177 : i32 to index
        %get3A_447 = arith.constant 304 : index
        %get3A_448 = tpu.vector_load %arg7[%get3A_446, %get3A_447] {strides = array<i32>} : memref<77x768xf32, #tpu.memory_space<vmem>>, vector<1x16xf32>,
        %get3A_449 = vector.shape_cast %get3A_448 : vector<1x16xf32> to vector<16xf32>
        %add3A_450 = arith.addf %get3A_445, %get3A_449 : vector<16xf32>
        %swap3A_451 = arith.index_cast %scan3A_173 : i32 to index
        %swap3A_452 = arith.constant 304 : index
        %swap3A_453 = tpu.vector_load %arg10[%swap3A_451, %swap3A_452] {strides = array<i32>} : memref<16x768xf32, #tpu.memory_space<vmem>>, vector<1x16xf32>,
        %swap3A_454 = vector.shape_cast %swap3A_453 : vector<1x16xf32> to vector<16xf32>
        %swap3A_455 = vector.shape_cast %add3A_450 : vector<16xf32> to vector<1x16xf32>
        tpu.vector_store %arg10[%swap3A_451, %swap3A_452], %swap3A_455 {strides = array<i32>} : memref<16x768xf32, #tpu.memory_space<vmem>>, vector<1x16xf32>,
        %get3A_456 = arith.index_cast %scan3A_173 : i32 to index
        %get3A_457 = arith.constant 320 : index
        %get3A_458 = tpu.vector_load %arg10[%get3A_456, %get3A_457] {strides = array<i32>} : memref<16x768xf32, #tpu.memory_space<vmem>>, vector<1x16xf32>,
        %get3A_459 = vector.shape_cast %get3A_458 : vector<1x16xf32> to vector<16xf32>
        %get3A_460 = arith.index_cast %rem3A_177 : i32 to index
        %get3A_461 = arith.constant 320 : index
        %get3A_462 = tpu.vector_load %arg7[%get3A_460, %get3A_461] {strides = array<i32>} : memref<77x768xf32, #tpu.memory_space<vmem>>, vector<1x16xf32>,
        %get3A_463 = vector.shape_cast %get3A_462 : vector<1x16xf32> to vector<16xf32>
        %add3A_464 = arith.addf %get3A_459, %get3A_463 : vector<16xf32>
        %swap3A_465 = arith.index_cast %scan3A_173 : i32 to index
        %swap3A_466 = arith.constant 320 : index
        %swap3A_467 = tpu.vector_load %arg10[%swap3A_465, %swap3A_466] {strides = array<i32>} : memref<16x768xf32, #tpu.memory_space<vmem>>, vector<1x16xf32>,
        %swap3A_468 = vector.shape_cast %swap3A_467 : vector<1x16xf32> to vector<16xf32>
        %swap3A_469 = vector.shape_cast %add3A_464 : vector<16xf32> to vector<1x16xf32>
        tpu.vector_store %arg10[%swap3A_465, %swap3A_466], %swap3A_469 {strides = array<i32>} : memref<16x768xf32, #tpu.memory_space<vmem>>, vector<1x16xf32>,
        %get3A_470 = arith.index_cast %scan3A_173 : i32 to index
        %get3A_471 = arith.constant 336 : index
        %get3A_472 = tpu.vector_load %arg10[%get3A_470, %get3A_471] {strides = array<i32>} : memref<16x768xf32, #tpu.memory_space<vmem>>, vector<1x16xf32>,
        %get3A_473 = vector.shape_cast %get3A_472 : vector<1x16xf32> to vector<16xf32>
        %get3A_474 = arith.index_cast %rem3A_177 : i32 to index
        %get3A_475 = arith.constant 336 : index
        %get3A_476 = tpu.vector_load %arg7[%get3A_474, %get3A_475] {strides = array<i32>} : memref<77x768xf32, #tpu.memory_space<vmem>>, vector<1x16xf32>,
        %get3A_477 = vector.shape_cast %get3A_476 : vector<1x16xf32> to vector<16xf32>
        %add3A_478 = arith.addf %get3A_473, %get3A_477 : vector<16xf32>
        %swap3A_479 = arith.index_cast %scan3A_173 : i32 to index
        %swap3A_480 = arith.constant 336 : index
        %swap3A_481 = tpu.vector_load %arg10[%swap3A_479, %swap3A_480] {strides = array<i32>} : memref<16x768xf32, #tpu.memory_space<vmem>>, vector<1x16xf32>,
        %swap3A_482 = vector.shape_cast %swap3A_481 : vector<1x16xf32> to vector<16xf32>
        %swap3A_483 = vector.shape_cast %add3A_478 : vector<16xf32> to vector<1x16xf32>
        tpu.vector_store %arg10[%swap3A_479, %swap3A_480], %swap3A_483 {strides = array<i32>} : memref<16x768xf32, #tpu.memory_space<vmem>>, vector<1x16xf32>,
        %get3A_484 = arith.index_cast %scan3A_173 : i32 to index
        %get3A_485 = arith.constant 352 : index
        %get3A_486 = tpu.vector_load %arg10[%get3A_484, %get3A_485] {strides = array<i32>} : memref<16x768xf32, #tpu.memory_space<vmem>>, vector<1x16xf32>,
        %get3A_487 = vector.shape_cast %get3A_486 : vector<1x16xf32> to vector<16xf32>
        %get3A_488 = arith.index_cast %rem3A_177 : i32 to index
        %get3A_489 = arith.constant 352 : index
        %get3A_490 = tpu.vector_load %arg7[%get3A_488, %get3A_489] {strides = array<i32>} : memref<77x768xf32, #tpu.memory_space<vmem>>, vector<1x16xf32>,
        %get3A_491 = vector.shape_cast %get3A_490 : vector<1x16xf32> to vector<16xf32>
        %add3A_492 = arith.addf %get3A_487, %get3A_491 : vector<16xf32>
        %swap3A_493 = arith.index_cast %scan3A_173 : i32 to index
        %swap3A_494 = arith.constant 352 : index
        %swap3A_495 = tpu.vector_load %arg10[%swap3A_493, %swap3A_494] {strides = array<i32>} : memref<16x768xf32, #tpu.memory_space<vmem>>, vector<1x16xf32>,
        %swap3A_496 = vector.shape_cast %swap3A_495 : vector<1x16xf32> to vector<16xf32>
        %swap3A_497 = vector.shape_cast %add3A_492 : vector<16xf32> to vector<1x16xf32>
        tpu.vector_store %arg10[%swap3A_493, %swap3A_494], %swap3A_497 {strides = array<i32>} : memref<16x768xf32, #tpu.memory_space<vmem>>, vector<1x16xf32>,
        %get3A_498 = arith.index_cast %scan3A_173 : i32 to index
        %get3A_499 = arith.constant 368 : index
        %get3A_500 = tpu.vector_load %arg10[%get3A_498, %get3A_499] {strides = array<i32>} : memref<16x768xf32, #tpu.memory_space<vmem>>, vector<1x16xf32>,
        %get3A_501 = vector.shape_cast %get3A_500 : vector<1x16xf32> to vector<16xf32>
        %get3A_502 = arith.index_cast %rem3A_177 : i32 to index
        %get3A_503 = arith.constant 368 : index
        %get3A_504 = tpu.vector_load %arg7[%get3A_502, %get3A_503] {strides = array<i32>} : memref<77x768xf32, #tpu.memory_space<vmem>>, vector<1x16xf32>,
        %get3A_505 = vector.shape_cast %get3A_504 : vector<1x16xf32> to vector<16xf32>
        %add3A_506 = arith.addf %get3A_501, %get3A_505 : vector<16xf32>
        %swap3A_507 = arith.index_cast %scan3A_173 : i32 to index
        %swap3A_508 = arith.constant 368 : index
        %swap3A_509 = tpu.vector_load %arg10[%swap3A_507, %swap3A_508] {strides = array<i32>} : memref<16x768xf32, #tpu.memory_space<vmem>>, vector<1x16xf32>,
        %swap3A_510 = vector.shape_cast %swap3A_509 : vector<1x16xf32> to vector<16xf32>
        %swap3A_511 = vector.shape_cast %add3A_506 : vector<16xf32> to vector<1x16xf32>
        tpu.vector_store %arg10[%swap3A_507, %swap3A_508], %swap3A_511 {strides = array<i32>} : memref<16x768xf32, #tpu.memory_space<vmem>>, vector<1x16xf32>,
        %get3A_512 = arith.index_cast %scan3A_173 : i32 to index
        %get3A_513 = arith.constant 384 : index
        %get3A_514 = tpu.vector_load %arg10[%get3A_512, %get3A_513] {strides = array<i32>} : memref<16x768xf32, #tpu.memory_space<vmem>>, vector<1x16xf32>,
        %get3A_515 = vector.shape_cast %get3A_514 : vector<1x16xf32> to vector<16xf32>
        %get3A_516 = arith.index_cast %rem3A_177 : i32 to index
        %get3A_517 = arith.constant 384 : index
        %get3A_518 = tpu.vector_load %arg7[%get3A_516, %get3A_517] {strides = array<i32>} : memref<77x768xf32, #tpu.memory_space<vmem>>, vector<1x16xf32>,
        %get3A_519 = vector.shape_cast %get3A_518 : vector<1x16xf32> to vector<16xf32>
        %add3A_520 = arith.addf %get3A_515, %get3A_519 : vector<16xf32>
        %swap3A_521 = arith.index_cast %scan3A_173 : i32 to index
        %swap3A_522 = arith.constant 384 : index
        %swap3A_523 = tpu.vector_load %arg10[%swap3A_521, %swap3A_522] {strides = array<i32>} : memref<16x768xf32, #tpu.memory_space<vmem>>, vector<1x16xf32>,
        %swap3A_524 = vector.shape_cast %swap3A_523 : vector<1x16xf32> to vector<16xf32>
        %swap3A_525 = vector.shape_cast %add3A_520 : vector<16xf32> to vector<1x16xf32>
        tpu.vector_store %arg10[%swap3A_521, %swap3A_522], %swap3A_525 {strides = array<i32>} : memref<16x768xf32, #tpu.memory_space<vmem>>, vector<1x16xf32>,
        %get3A_526 = arith.index_cast %scan3A_173 : i32 to index
        %get3A_527 = arith.constant 400 : index
        %get3A_528 = tpu.vector_load %arg10[%get3A_526, %get3A_527] {strides = array<i32>} : memref<16x768xf32, #tpu.memory_space<vmem>>, vector<1x16xf32>,
        %get3A_529 = vector.shape_cast %get3A_528 : vector<1x16xf32> to vector<16xf32>
        %get3A_530 = arith.index_cast %rem3A_177 : i32 to index
        %get3A_531 = arith.constant 400 : index
        %get3A_532 = tpu.vector_load %arg7[%get3A_530, %get3A_531] {strides = array<i32>} : memref<77x768xf32, #tpu.memory_space<vmem>>, vector<1x16xf32>,
        %get3A_533 = vector.shape_cast %get3A_532 : vector<1x16xf32> to vector<16xf32>
        %add3A_534 = arith.addf %get3A_529, %get3A_533 : vector<16xf32>
        %swap3A_535 = arith.index_cast %scan3A_173 : i32 to index
        %swap3A_536 = arith.constant 400 : index
        %swap3A_537 = tpu.vector_load %arg10[%swap3A_535, %swap3A_536] {strides = array<i32>} : memref<16x768xf32, #tpu.memory_space<vmem>>, vector<1x16xf32>,
        %swap3A_538 = vector.shape_cast %swap3A_537 : vector<1x16xf32> to vector<16xf32>
        %swap3A_539 = vector.shape_cast %add3A_534 : vector<16xf32> to vector<1x16xf32>
        tpu.vector_store %arg10[%swap3A_535, %swap3A_536], %swap3A_539 {strides = array<i32>} : memref<16x768xf32, #tpu.memory_space<vmem>>, vector<1x16xf32>,
        %get3A_540 = arith.index_cast %scan3A_173 : i32 to index
        %get3A_541 = arith.constant 416 : index
        %get3A_542 = tpu.vector_load %arg10[%get3A_540, %get3A_541] {strides = array<i32>} : memref<16x768xf32, #tpu.memory_space<vmem>>, vector<1x16xf32>,
        %get3A_543 = vector.shape_cast %get3A_542 : vector<1x16xf32> to vector<16xf32>
        %get3A_544 = arith.index_cast %rem3A_177 : i32 to index
        %get3A_545 = arith.constant 416 : index
        %get3A_546 = tpu.vector_load %arg7[%get3A_544, %get3A_545] {strides = array<i32>} : memref<77x768xf32, #tpu.memory_space<vmem>>, vector<1x16xf32>,
        %get3A_547 = vector.shape_cast %get3A_546 : vector<1x16xf32> to vector<16xf32>
        %add3A_548 = arith.addf %get3A_543, %get3A_547 : vector<16xf32>
        %swap3A_549 = arith.index_cast %scan3A_173 : i32 to index
        %swap3A_550 = arith.constant 416 : index
        %swap3A_551 = tpu.vector_load %arg10[%swap3A_549, %swap3A_550] {strides = array<i32>} : memref<16x768xf32, #tpu.memory_space<vmem>>, vector<1x16xf32>,
        %swap3A_552 = vector.shape_cast %swap3A_551 : vector<1x16xf32> to vector<16xf32>
        %swap3A_553 = vector.shape_cast %add3A_548 : vector<16xf32> to vector<1x16xf32>
        tpu.vector_store %arg10[%swap3A_549, %swap3A_550], %swap3A_553 {strides = array<i32>} : memref<16x768xf32, #tpu.memory_space<vmem>>, vector<1x16xf32>,
        %get3A_554 = arith.index_cast %scan3A_173 : i32 to index
        %get3A_555 = arith.constant 432 : index
        %get3A_556 = tpu.vector_load %arg10[%get3A_554, %get3A_555] {strides = array<i32>} : memref<16x768xf32, #tpu.memory_space<vmem>>, vector<1x16xf32>,
        %get3A_557 = vector.shape_cast %get3A_556 : vector<1x16xf32> to vector<16xf32>
        %get3A_558 = arith.index_cast %rem3A_177 : i32 to index
        %get3A_559 = arith.constant 432 : index
        %get3A_560 = tpu.vector_load %arg7[%get3A_558, %get3A_559] {strides = array<i32>} : memref<77x768xf32, #tpu.memory_space<vmem>>, vector<1x16xf32>,
        %get3A_561 = vector.shape_cast %get3A_560 : vector<1x16xf32> to vector<16xf32>
        %add3A_562 = arith.addf %get3A_557, %get3A_561 : vector<16xf32>
        %swap3A_563 = arith.index_cast %scan3A_173 : i32 to index
        %swap3A_564 = arith.constant 432 : index
        %swap3A_565 = tpu.vector_load %arg10[%swap3A_563, %swap3A_564] {strides = array<i32>} : memref<16x768xf32, #tpu.memory_space<vmem>>, vector<1x16xf32>,
        %swap3A_566 = vector.shape_cast %swap3A_565 : vector<1x16xf32> to vector<16xf32>
        %swap3A_567 = vector.shape_cast %add3A_562 : vector<16xf32> to vector<1x16xf32>
        tpu.vector_store %arg10[%swap3A_563, %swap3A_564], %swap3A_567 {strides = array<i32>} : memref<16x768xf32, #tpu.memory_space<vmem>>, vector<1x16xf32>,
        %get3A_568 = arith.index_cast %scan3A_173 : i32 to index
        %get3A_569 = arith.constant 448 : index
        %get3A_570 = tpu.vector_load %arg10[%get3A_568, %get3A_569] {strides = array<i32>} : memref<16x768xf32, #tpu.memory_space<vmem>>, vector<1x16xf32>,
        %get3A_571 = vector.shape_cast %get3A_570 : vector<1x16xf32> to vector<16xf32>
        %get3A_572 = arith.index_cast %rem3A_177 : i32 to index
        %get3A_573 = arith.constant 448 : index
        %get3A_574 = tpu.vector_load %arg7[%get3A_572, %get3A_573] {strides = array<i32>} : memref<77x768xf32, #tpu.memory_space<vmem>>, vector<1x16xf32>,
        %get3A_575 = vector.shape_cast %get3A_574 : vector<1x16xf32> to vector<16xf32>
        %add3A_576 = arith.addf %get3A_571, %get3A_575 : vector<16xf32>
        %swap3A_577 = arith.index_cast %scan3A_173 : i32 to index
        %swap3A_578 = arith.constant 448 : index
        %swap3A_579 = tpu.vector_load %arg10[%swap3A_577, %swap3A_578] {strides = array<i32>} : memref<16x768xf32, #tpu.memory_space<vmem>>, vector<1x16xf32>,
        %swap3A_580 = vector.shape_cast %swap3A_579 : vector<1x16xf32> to vector<16xf32>
        %swap3A_581 = vector.shape_cast %add3A_576 : vector<16xf32> to vector<1x16xf32>
        tpu.vector_store %arg10[%swap3A_577, %swap3A_578], %swap3A_581 {strides = array<i32>} : memref<16x768xf32, #tpu.memory_space<vmem>>, vector<1x16xf32>,
        %get3A_582 = arith.index_cast %scan3A_173 : i32 to index
        %get3A_583 = arith.constant 464 : index
        %get3A_584 = tpu.vector_load %arg10[%get3A_582, %get3A_583] {strides = array<i32>} : memref<16x768xf32, #tpu.memory_space<vmem>>, vector<1x16xf32>,
        %get3A_585 = vector.shape_cast %get3A_584 : vector<1x16xf32> to vector<16xf32>
        %get3A_586 = arith.index_cast %rem3A_177 : i32 to index
        %get3A_587 = arith.constant 464 : index
        %get3A_588 = tpu.vector_load %arg7[%get3A_586, %get3A_587] {strides = array<i32>} : memref<77x768xf32, #tpu.memory_space<vmem>>, vector<1x16xf32>,
        %get3A_589 = vector.shape_cast %get3A_588 : vector<1x16xf32> to vector<16xf32>
        %add3A_590 = arith.addf %get3A_585, %get3A_589 : vector<16xf32>
        %swap3A_591 = arith.index_cast %scan3A_173 : i32 to index
        %swap3A_592 = arith.constant 464 : index
        %swap3A_593 = tpu.vector_load %arg10[%swap3A_591, %swap3A_592] {strides = array<i32>} : memref<16x768xf32, #tpu.memory_space<vmem>>, vector<1x16xf32>,
        %swap3A_594 = vector.shape_cast %swap3A_593 : vector<1x16xf32> to vector<16xf32>
        %swap3A_595 = vector.shape_cast %add3A_590 : vector<16xf32> to vector<1x16xf32>
        tpu.vector_store %arg10[%swap3A_591, %swap3A_592], %swap3A_595 {strides = array<i32>} : memref<16x768xf32, #tpu.memory_space<vmem>>, vector<1x16xf32>,
        %get3A_596 = arith.index_cast %scan3A_173 : i32 to index
        %get3A_597 = arith.constant 480 : index
        %get3A_598 = tpu.vector_load %arg10[%get3A_596, %get3A_597] {strides = array<i32>} : memref<16x768xf32, #tpu.memory_space<vmem>>, vector<1x16xf32>,
        %get3A_599 = vector.shape_cast %get3A_598 : vector<1x16xf32> to vector<16xf32>
        %get3A_600 = arith.index_cast %rem3A_177 : i32 to index
        %get3A_601 = arith.constant 480 : index
        %get3A_602 = tpu.vector_load %arg7[%get3A_600, %get3A_601] {strides = array<i32>} : memref<77x768xf32, #tpu.memory_space<vmem>>, vector<1x16xf32>,
        %get3A_603 = vector.shape_cast %get3A_602 : vector<1x16xf32> to vector<16xf32>
        %add3A_604 = arith.addf %get3A_599, %get3A_603 : vector<16xf32>
        %swap3A_605 = arith.index_cast %scan3A_173 : i32 to index
        %swap3A_606 = arith.constant 480 : index
        %swap3A_607 = tpu.vector_load %arg10[%swap3A_605, %swap3A_606] {strides = array<i32>} : memref<16x768xf32, #tpu.memory_space<vmem>>, vector<1x16xf32>,
        %swap3A_608 = vector.shape_cast %swap3A_607 : vector<1x16xf32> to vector<16xf32>
        %swap3A_609 = vector.shape_cast %add3A_604 : vector<16xf32> to vector<1x16xf32>
        tpu.vector_store %arg10[%swap3A_605, %swap3A_606], %swap3A_609 {strides = array<i32>} : memref<16x768xf32, #tpu.memory_space<vmem>>, vector<1x16xf32>,
        %get3A_610 = arith.index_cast %scan3A_173 : i32 to index
        %get3A_611 = arith.constant 496 : index
        %get3A_612 = tpu.vector_load %arg10[%get3A_610, %get3A_611] {strides = array<i32>} : memref<16x768xf32, #tpu.memory_space<vmem>>, vector<1x16xf32>,
        %get3A_613 = vector.shape_cast %get3A_612 : vector<1x16xf32> to vector<16xf32>
        %get3A_614 = arith.index_cast %rem3A_177 : i32 to index
        %get3A_615 = arith.constant 496 : index
        %get3A_616 = tpu.vector_load %arg7[%get3A_614, %get3A_615] {strides = array<i32>} : memref<77x768xf32, #tpu.memory_space<vmem>>, vector<1x16xf32>,
        %get3A_617 = vector.shape_cast %get3A_616 : vector<1x16xf32> to vector<16xf32>
        %add3A_618 = arith.addf %get3A_613, %get3A_617 : vector<16xf32>
        %swap3A_619 = arith.index_cast %scan3A_173 : i32 to index
        %swap3A_620 = arith.constant 496 : index
        %swap3A_621 = tpu.vector_load %arg10[%swap3A_619, %swap3A_620] {strides = array<i32>} : memref<16x768xf32, #tpu.memory_space<vmem>>, vector<1x16xf32>,
        %swap3A_622 = vector.shape_cast %swap3A_621 : vector<1x16xf32> to vector<16xf32>
        %swap3A_623 = vector.shape_cast %add3A_618 : vector<16xf32> to vector<1x16xf32>
        tpu.vector_store %arg10[%swap3A_619, %swap3A_620], %swap3A_623 {strides = array<i32>} : memref<16x768xf32, #tpu.memory_space<vmem>>, vector<1x16xf32>,
        %get3A_624 = arith.index_cast %scan3A_173 : i32 to index
        %get3A_625 = arith.constant 512 : index
        %get3A_626 = tpu.vector_load %arg10[%get3A_624, %get3A_625] {strides = array<i32>} : memref<16x768xf32, #tpu.memory_space<vmem>>, vector<1x16xf32>,
        %get3A_627 = vector.shape_cast %get3A_626 : vector<1x16xf32> to vector<16xf32>
        %get3A_628 = arith.index_cast %rem3A_177 : i32 to index
        %get3A_629 = arith.constant 512 : index
        %get3A_630 = tpu.vector_load %arg7[%get3A_628, %get3A_629] {strides = array<i32>} : memref<77x768xf32, #tpu.memory_space<vmem>>, vector<1x16xf32>,
        %get3A_631 = vector.shape_cast %get3A_630 : vector<1x16xf32> to vector<16xf32>
        %add3A_632 = arith.addf %get3A_627, %get3A_631 : vector<16xf32>
        %swap3A_633 = arith.index_cast %scan3A_173 : i32 to index
        %swap3A_634 = arith.constant 512 : index
        %swap3A_635 = tpu.vector_load %arg10[%swap3A_633, %swap3A_634] {strides = array<i32>} : memref<16x768xf32, #tpu.memory_space<vmem>>, vector<1x16xf32>,
        %swap3A_636 = vector.shape_cast %swap3A_635 : vector<1x16xf32> to vector<16xf32>
        %swap3A_637 = vector.shape_cast %add3A_632 : vector<16xf32> to vector<1x16xf32>
        tpu.vector_store %arg10[%swap3A_633, %swap3A_634], %swap3A_637 {strides = array<i32>} : memref<16x768xf32, #tpu.memory_space<vmem>>, vector<1x16xf32>,
        %get3A_638 = arith.index_cast %scan3A_173 : i32 to index
        %get3A_639 = arith.constant 528 : index
        %get3A_640 = tpu.vector_load %arg10[%get3A_638, %get3A_639] {strides = array<i32>} : memref<16x768xf32, #tpu.memory_space<vmem>>, vector<1x16xf32>,
        %get3A_641 = vector.shape_cast %get3A_640 : vector<1x16xf32> to vector<16xf32>
        %get3A_642 = arith.index_cast %rem3A_177 : i32 to index
        %get3A_643 = arith.constant 528 : index
        %get3A_644 = tpu.vector_load %arg7[%get3A_642, %get3A_643] {strides = array<i32>} : memref<77x768xf32, #tpu.memory_space<vmem>>, vector<1x16xf32>,
        %get3A_645 = vector.shape_cast %get3A_644 : vector<1x16xf32> to vector<16xf32>
        %add3A_646 = arith.addf %get3A_641, %get3A_645 : vector<16xf32>
        %swap3A_647 = arith.index_cast %scan3A_173 : i32 to index
        %swap3A_648 = arith.constant 528 : index
        %swap3A_649 = tpu.vector_load %arg10[%swap3A_647, %swap3A_648] {strides = array<i32>} : memref<16x768xf32, #tpu.memory_space<vmem>>, vector<1x16xf32>,
        %swap3A_650 = vector.shape_cast %swap3A_649 : vector<1x16xf32> to vector<16xf32>
        %swap3A_651 = vector.shape_cast %add3A_646 : vector<16xf32> to vector<1x16xf32>
        tpu.vector_store %arg10[%swap3A_647, %swap3A_648], %swap3A_651 {strides = array<i32>} : memref<16x768xf32, #tpu.memory_space<vmem>>, vector<1x16xf32>,
        %get3A_652 = arith.index_cast %scan3A_173 : i32 to index
        %get3A_653 = arith.constant 544 : index
        %get3A_654 = tpu.vector_load %arg10[%get3A_652, %get3A_653] {strides = array<i32>} : memref<16x768xf32, #tpu.memory_space<vmem>>, vector<1x16xf32>,
        %get3A_655 = vector.shape_cast %get3A_654 : vector<1x16xf32> to vector<16xf32>
        %get3A_656 = arith.index_cast %rem3A_177 : i32 to index
        %get3A_657 = arith.constant 544 : index
        %get3A_658 = tpu.vector_load %arg7[%get3A_656, %get3A_657] {strides = array<i32>} : memref<77x768xf32, #tpu.memory_space<vmem>>, vector<1x16xf32>,
        %get3A_659 = vector.shape_cast %get3A_658 : vector<1x16xf32> to vector<16xf32>
        %add3A_660 = arith.addf %get3A_655, %get3A_659 : vector<16xf32>
        %swap3A_661 = arith.index_cast %scan3A_173 : i32 to index
        %swap3A_662 = arith.constant 544 : index
        %swap3A_663 = tpu.vector_load %arg10[%swap3A_661, %swap3A_662] {strides = array<i32>} : memref<16x768xf32, #tpu.memory_space<vmem>>, vector<1x16xf32>,
        %swap3A_664 = vector.shape_cast %swap3A_663 : vector<1x16xf32> to vector<16xf32>
        %swap3A_665 = vector.shape_cast %add3A_660 : vector<16xf32> to vector<1x16xf32>
        tpu.vector_store %arg10[%swap3A_661, %swap3A_662], %swap3A_665 {strides = array<i32>} : memref<16x768xf32, #tpu.memory_space<vmem>>, vector<1x16xf32>,
        %get3A_666 = arith.index_cast %scan3A_173 : i32 to index
        %get3A_667 = arith.constant 560 : index
        %get3A_668 = tpu.vector_load %arg10[%get3A_666, %get3A_667] {strides = array<i32>} : memref<16x768xf32, #tpu.memory_space<vmem>>, vector<1x16xf32>,
        %get3A_669 = vector.shape_cast %get3A_668 : vector<1x16xf32> to vector<16xf32>
        %get3A_670 = arith.index_cast %rem3A_177 : i32 to index
        %get3A_671 = arith.constant 560 : index
        %get3A_672 = tpu.vector_load %arg7[%get3A_670, %get3A_671] {strides = array<i32>} : memref<77x768xf32, #tpu.memory_space<vmem>>, vector<1x16xf32>,
        %get3A_673 = vector.shape_cast %get3A_672 : vector<1x16xf32> to vector<16xf32>
        %add3A_674 = arith.addf %get3A_669, %get3A_673 : vector<16xf32>
        %swap3A_675 = arith.index_cast %scan3A_173 : i32 to index
        %swap3A_676 = arith.constant 560 : index
        %swap3A_677 = tpu.vector_load %arg10[%swap3A_675, %swap3A_676] {strides = array<i32>} : memref<16x768xf32, #tpu.memory_space<vmem>>, vector<1x16xf32>,
        %swap3A_678 = vector.shape_cast %swap3A_677 : vector<1x16xf32> to vector<16xf32>
        %swap3A_679 = vector.shape_cast %add3A_674 : vector<16xf32> to vector<1x16xf32>
        tpu.vector_store %arg10[%swap3A_675, %swap3A_676], %swap3A_679 {strides = array<i32>} : memref<16x768xf32, #tpu.memory_space<vmem>>, vector<1x16xf32>,
        %get3A_680 = arith.index_cast %scan3A_173 : i32 to index
        %get3A_681 = arith.constant 576 : index
        %get3A_682 = tpu.vector_load %arg10[%get3A_680, %get3A_681] {strides = array<i32>} : memref<16x768xf32, #tpu.memory_space<vmem>>, vector<1x16xf32>,
        %get3A_683 = vector.shape_cast %get3A_682 : vector<1x16xf32> to vector<16xf32>
        %get3A_684 = arith.index_cast %rem3A_177 : i32 to index
        %get3A_685 = arith.constant 576 : index
        %get3A_686 = tpu.vector_load %arg7[%get3A_684, %get3A_685] {strides = array<i32>} : memref<77x768xf32, #tpu.memory_space<vmem>>, vector<1x16xf32>,
        %get3A_687 = vector.shape_cast %get3A_686 : vector<1x16xf32> to vector<16xf32>
        %add3A_688 = arith.addf %get3A_683, %get3A_687 : vector<16xf32>
        %swap3A_689 = arith.index_cast %scan3A_173 : i32 to index
        %swap3A_690 = arith.constant 576 : index
        %swap3A_691 = tpu.vector_load %arg10[%swap3A_689, %swap3A_690] {strides = array<i32>} : memref<16x768xf32, #tpu.memory_space<vmem>>, vector<1x16xf32>,
        %swap3A_692 = vector.shape_cast %swap3A_691 : vector<1x16xf32> to vector<16xf32>
        %swap3A_693 = vector.shape_cast %add3A_688 : vector<16xf32> to vector<1x16xf32>
        tpu.vector_store %arg10[%swap3A_689, %swap3A_690], %swap3A_693 {strides = array<i32>} : memref<16x768xf32, #tpu.memory_space<vmem>>, vector<1x16xf32>,
        %get3A_694 = arith.index_cast %scan3A_173 : i32 to index
        %get3A_695 = arith.constant 592 : index
        %get3A_696 = tpu.vector_load %arg10[%get3A_694, %get3A_695] {strides = array<i32>} : memref<16x768xf32, #tpu.memory_space<vmem>>, vector<1x16xf32>,
        %get3A_697 = vector.shape_cast %get3A_696 : vector<1x16xf32> to vector<16xf32>
        %get3A_698 = arith.index_cast %rem3A_177 : i32 to index
        %get3A_699 = arith.constant 592 : index
        %get3A_700 = tpu.vector_load %arg7[%get3A_698, %get3A_699] {strides = array<i32>} : memref<77x768xf32, #tpu.memory_space<vmem>>, vector<1x16xf32>,
        %get3A_701 = vector.shape_cast %get3A_700 : vector<1x16xf32> to vector<16xf32>
        %add3A_702 = arith.addf %get3A_697, %get3A_701 : vector<16xf32>
        %swap3A_703 = arith.index_cast %scan3A_173 : i32 to index
        %swap3A_704 = arith.constant 592 : index
        %swap3A_705 = tpu.vector_load %arg10[%swap3A_703, %swap3A_704] {strides = array<i32>} : memref<16x768xf32, #tpu.memory_space<vmem>>, vector<1x16xf32>,
        %swap3A_706 = vector.shape_cast %swap3A_705 : vector<1x16xf32> to vector<16xf32>
        %swap3A_707 = vector.shape_cast %add3A_702 : vector<16xf32> to vector<1x16xf32>
        tpu.vector_store %arg10[%swap3A_703, %swap3A_704], %swap3A_707 {strides = array<i32>} : memref<16x768xf32, #tpu.memory_space<vmem>>, vector<1x16xf32>,
        %get3A_708 = arith.index_cast %scan3A_173 : i32 to index
        %get3A_709 = arith.constant 608 : index
        %get3A_710 = tpu.vector_load %arg10[%get3A_708, %get3A_709] {strides = array<i32>} : memref<16x768xf32, #tpu.memory_space<vmem>>, vector<1x16xf32>,
        %get3A_711 = vector.shape_cast %get3A_710 : vector<1x16xf32> to vector<16xf32>
        %get3A_712 = arith.index_cast %rem3A_177 : i32 to index
        %get3A_713 = arith.constant 608 : index
        %get3A_714 = tpu.vector_load %arg7[%get3A_712, %get3A_713] {strides = array<i32>} : memref<77x768xf32, #tpu.memory_space<vmem>>, vector<1x16xf32>,
        %get3A_715 = vector.shape_cast %get3A_714 : vector<1x16xf32> to vector<16xf32>
        %add3A_716 = arith.addf %get3A_711, %get3A_715 : vector<16xf32>
        %swap3A_717 = arith.index_cast %scan3A_173 : i32 to index
        %swap3A_718 = arith.constant 608 : index
        %swap3A_719 = tpu.vector_load %arg10[%swap3A_717, %swap3A_718] {strides = array<i32>} : memref<16x768xf32, #tpu.memory_space<vmem>>, vector<1x16xf32>,
        %swap3A_720 = vector.shape_cast %swap3A_719 : vector<1x16xf32> to vector<16xf32>
        %swap3A_721 = vector.shape_cast %add3A_716 : vector<16xf32> to vector<1x16xf32>
        tpu.vector_store %arg10[%swap3A_717, %swap3A_718], %swap3A_721 {strides = array<i32>} : memref<16x768xf32, #tpu.memory_space<vmem>>, vector<1x16xf32>,
        %get3A_722 = arith.index_cast %scan3A_173 : i32 to index
        %get3A_723 = arith.constant 624 : index
        %get3A_724 = tpu.vector_load %arg10[%get3A_722, %get3A_723] {strides = array<i32>} : memref<16x768xf32, #tpu.memory_space<vmem>>, vector<1x16xf32>,
        %get3A_725 = vector.shape_cast %get3A_724 : vector<1x16xf32> to vector<16xf32>
        %get3A_726 = arith.index_cast %rem3A_177 : i32 to index
        %get3A_727 = arith.constant 624 : index
        %get3A_728 = tpu.vector_load %arg7[%get3A_726, %get3A_727] {strides = array<i32>} : memref<77x768xf32, #tpu.memory_space<vmem>>, vector<1x16xf32>,
        %get3A_729 = vector.shape_cast %get3A_728 : vector<1x16xf32> to vector<16xf32>
        %add3A_730 = arith.addf %get3A_725, %get3A_729 : vector<16xf32>
        %swap3A_731 = arith.index_cast %scan3A_173 : i32 to index
        %swap3A_732 = arith.constant 624 : index
        %swap3A_733 = tpu.vector_load %arg10[%swap3A_731, %swap3A_732] {strides = array<i32>} : memref<16x768xf32, #tpu.memory_space<vmem>>, vector<1x16xf32>,
        %swap3A_734 = vector.shape_cast %swap3A_733 : vector<1x16xf32> to vector<16xf32>
        %swap3A_735 = vector.shape_cast %add3A_730 : vector<16xf32> to vector<1x16xf32>
        tpu.vector_store %arg10[%swap3A_731, %swap3A_732], %swap3A_735 {strides = array<i32>} : memref<16x768xf32, #tpu.memory_space<vmem>>, vector<1x16xf32>,
        %get3A_736 = arith.index_cast %scan3A_173 : i32 to index
        %get3A_737 = arith.constant 640 : index
        %get3A_738 = tpu.vector_load %arg10[%get3A_736, %get3A_737] {strides = array<i32>} : memref<16x768xf32, #tpu.memory_space<vmem>>, vector<1x16xf32>,
        %get3A_739 = vector.shape_cast %get3A_738 : vector<1x16xf32> to vector<16xf32>
        %get3A_740 = arith.index_cast %rem3A_177 : i32 to index
        %get3A_741 = arith.constant 640 : index
        %get3A_742 = tpu.vector_load %arg7[%get3A_740, %get3A_741] {strides = array<i32>} : memref<77x768xf32, #tpu.memory_space<vmem>>, vector<1x16xf32>,
        %get3A_743 = vector.shape_cast %get3A_742 : vector<1x16xf32> to vector<16xf32>
        %add3A_744 = arith.addf %get3A_739, %get3A_743 : vector<16xf32>
        %swap3A_745 = arith.index_cast %scan3A_173 : i32 to index
        %swap3A_746 = arith.constant 640 : index
        %swap3A_747 = tpu.vector_load %arg10[%swap3A_745, %swap3A_746] {strides = array<i32>} : memref<16x768xf32, #tpu.memory_space<vmem>>, vector<1x16xf32>,
        %swap3A_748 = vector.shape_cast %swap3A_747 : vector<1x16xf32> to vector<16xf32>
        %swap3A_749 = vector.shape_cast %add3A_744 : vector<16xf32> to vector<1x16xf32>
        tpu.vector_store %arg10[%swap3A_745, %swap3A_746], %swap3A_749 {strides = array<i32>} : memref<16x768xf32, #tpu.memory_space<vmem>>, vector<1x16xf32>,
        %get3A_750 = arith.index_cast %scan3A_173 : i32 to index
        %get3A_751 = arith.constant 656 : index
        %get3A_752 = tpu.vector_load %arg10[%get3A_750, %get3A_751] {strides = array<i32>} : memref<16x768xf32, #tpu.memory_space<vmem>>, vector<1x16xf32>,
        %get3A_753 = vector.shape_cast %get3A_752 : vector<1x16xf32> to vector<16xf32>
        %get3A_754 = arith.index_cast %rem3A_177 : i32 to index
        %get3A_755 = arith.constant 656 : index
        %get3A_756 = tpu.vector_load %arg7[%get3A_754, %get3A_755] {strides = array<i32>} : memref<77x768xf32, #tpu.memory_space<vmem>>, vector<1x16xf32>,
        %get3A_757 = vector.shape_cast %get3A_756 : vector<1x16xf32> to vector<16xf32>
        %add3A_758 = arith.addf %get3A_753, %get3A_757 : vector<16xf32>
        %swap3A_759 = arith.index_cast %scan3A_173 : i32 to index
        %swap3A_760 = arith.constant 656 : index
        %swap3A_761 = tpu.vector_load %arg10[%swap3A_759, %swap3A_760] {strides = array<i32>} : memref<16x768xf32, #tpu.memory_space<vmem>>, vector<1x16xf32>,
        %swap3A_762 = vector.shape_cast %swap3A_761 : vector<1x16xf32> to vector<16xf32>
        %swap3A_763 = vector.shape_cast %add3A_758 : vector<16xf32> to vector<1x16xf32>
        tpu.vector_store %arg10[%swap3A_759, %swap3A_760], %swap3A_763 {strides = array<i32>} : memref<16x768xf32, #tpu.memory_space<vmem>>, vector<1x16xf32>,
        %get3A_764 = arith.index_cast %scan3A_173 : i32 to index
        %get3A_765 = arith.constant 672 : index
        %get3A_766 = tpu.vector_load %arg10[%get3A_764, %get3A_765] {strides = array<i32>} : memref<16x768xf32, #tpu.memory_space<vmem>>, vector<1x16xf32>,
        %get3A_767 = vector.shape_cast %get3A_766 : vector<1x16xf32> to vector<16xf32>
        %get3A_768 = arith.index_cast %rem3A_177 : i32 to index
        %get3A_769 = arith.constant 672 : index
        %get3A_770 = tpu.vector_load %arg7[%get3A_768, %get3A_769] {strides = array<i32>} : memref<77x768xf32, #tpu.memory_space<vmem>>, vector<1x16xf32>,
        %get3A_771 = vector.shape_cast %get3A_770 : vector<1x16xf32> to vector<16xf32>
        %add3A_772 = arith.addf %get3A_767, %get3A_771 : vector<16xf32>
        %swap3A_773 = arith.index_cast %scan3A_173 : i32 to index
        %swap3A_774 = arith.constant 672 : index
        %swap3A_775 = tpu.vector_load %arg10[%swap3A_773, %swap3A_774] {strides = array<i32>} : memref<16x768xf32, #tpu.memory_space<vmem>>, vector<1x16xf32>,
        %swap3A_776 = vector.shape_cast %swap3A_775 : vector<1x16xf32> to vector<16xf32>
        %swap3A_777 = vector.shape_cast %add3A_772 : vector<16xf32> to vector<1x16xf32>
        tpu.vector_store %arg10[%swap3A_773, %swap3A_774], %swap3A_777 {strides = array<i32>} : memref<16x768xf32, #tpu.memory_space<vmem>>, vector<1x16xf32>,
        %get3A_778 = arith.index_cast %scan3A_173 : i32 to index
        %get3A_779 = arith.constant 688 : index
        %get3A_780 = tpu.vector_load %arg10[%get3A_778, %get3A_779] {strides = array<i32>} : memref<16x768xf32, #tpu.memory_space<vmem>>, vector<1x16xf32>,
        %get3A_781 = vector.shape_cast %get3A_780 : vector<1x16xf32> to vector<16xf32>
        %get3A_782 = arith.index_cast %rem3A_177 : i32 to index
        %get3A_783 = arith.constant 688 : index
        %get3A_784 = tpu.vector_load %arg7[%get3A_782, %get3A_783] {strides = array<i32>} : memref<77x768xf32, #tpu.memory_space<vmem>>, vector<1x16xf32>,
        %get3A_785 = vector.shape_cast %get3A_784 : vector<1x16xf32> to vector<16xf32>
        %add3A_786 = arith.addf %get3A_781, %get3A_785 : vector<16xf32>
        %swap3A_787 = arith.index_cast %scan3A_173 : i32 to index
        %swap3A_788 = arith.constant 688 : index
        %swap3A_789 = tpu.vector_load %arg10[%swap3A_787, %swap3A_788] {strides = array<i32>} : memref<16x768xf32, #tpu.memory_space<vmem>>, vector<1x16xf32>,
        %swap3A_790 = vector.shape_cast %swap3A_789 : vector<1x16xf32> to vector<16xf32>
        %swap3A_791 = vector.shape_cast %add3A_786 : vector<16xf32> to vector<1x16xf32>
        tpu.vector_store %arg10[%swap3A_787, %swap3A_788], %swap3A_791 {strides = array<i32>} : memref<16x768xf32, #tpu.memory_space<vmem>>, vector<1x16xf32>,
        %get3A_792 = arith.index_cast %scan3A_173 : i32 to index
        %get3A_793 = arith.constant 704 : index
        %get3A_794 = tpu.vector_load %arg10[%get3A_792, %get3A_793] {strides = array<i32>} : memref<16x768xf32, #tpu.memory_space<vmem>>, vector<1x16xf32>,
        %get3A_795 = vector.shape_cast %get3A_794 : vector<1x16xf32> to vector<16xf32>
        %get3A_796 = arith.index_cast %rem3A_177 : i32 to index
        %get3A_797 = arith.constant 704 : index
        %get3A_798 = tpu.vector_load %arg7[%get3A_796, %get3A_797] {strides = array<i32>} : memref<77x768xf32, #tpu.memory_space<vmem>>, vector<1x16xf32>,
        %get3A_799 = vector.shape_cast %get3A_798 : vector<1x16xf32> to vector<16xf32>
        %add3A_800 = arith.addf %get3A_795, %get3A_799 : vector<16xf32>
        %swap3A_801 = arith.index_cast %scan3A_173 : i32 to index
        %swap3A_802 = arith.constant 704 : index
        %swap3A_803 = tpu.vector_load %arg10[%swap3A_801, %swap3A_802] {strides = array<i32>} : memref<16x768xf32, #tpu.memory_space<vmem>>, vector<1x16xf32>,
        %swap3A_804 = vector.shape_cast %swap3A_803 : vector<1x16xf32> to vector<16xf32>
        %swap3A_805 = vector.shape_cast %add3A_800 : vector<16xf32> to vector<1x16xf32>
        tpu.vector_store %arg10[%swap3A_801, %swap3A_802], %swap3A_805 {strides = array<i32>} : memref<16x768xf32, #tpu.memory_space<vmem>>, vector<1x16xf32>,
        %get3A_806 = arith.index_cast %scan3A_173 : i32 to index
        %get3A_807 = arith.constant 720 : index
        %get3A_808 = tpu.vector_load %arg10[%get3A_806, %get3A_807] {strides = array<i32>} : memref<16x768xf32, #tpu.memory_space<vmem>>, vector<1x16xf32>,
        %get3A_809 = vector.shape_cast %get3A_808 : vector<1x16xf32> to vector<16xf32>
        %get3A_810 = arith.index_cast %rem3A_177 : i32 to index
        %get3A_811 = arith.constant 720 : index
        %get3A_812 = tpu.vector_load %arg7[%get3A_810, %get3A_811] {strides = array<i32>} : memref<77x768xf32, #tpu.memory_space<vmem>>, vector<1x16xf32>,
        %get3A_813 = vector.shape_cast %get3A_812 : vector<1x16xf32> to vector<16xf32>
        %add3A_814 = arith.addf %get3A_809, %get3A_813 : vector<16xf32>
        %swap3A_815 = arith.index_cast %scan3A_173 : i32 to index
        %swap3A_816 = arith.constant 720 : index
        %swap3A_817 = tpu.vector_load %arg10[%swap3A_815, %swap3A_816] {strides = array<i32>} : memref<16x768xf32, #tpu.memory_space<vmem>>, vector<1x16xf32>,
        %swap3A_818 = vector.shape_cast %swap3A_817 : vector<1x16xf32> to vector<16xf32>
        %swap3A_819 = vector.shape_cast %add3A_814 : vector<16xf32> to vector<1x16xf32>
        tpu.vector_store %arg10[%swap3A_815, %swap3A_816], %swap3A_819 {strides = array<i32>} : memref<16x768xf32, #tpu.memory_space<vmem>>, vector<1x16xf32>,
        %get3A_820 = arith.index_cast %scan3A_173 : i32 to index
        %get3A_821 = arith.constant 736 : index
        %get3A_822 = tpu.vector_load %arg10[%get3A_820, %get3A_821] {strides = array<i32>} : memref<16x768xf32, #tpu.memory_space<vmem>>, vector<1x16xf32>,
        %get3A_823 = vector.shape_cast %get3A_822 : vector<1x16xf32> to vector<16xf32>
        %get3A_824 = arith.index_cast %rem3A_177 : i32 to index
        %get3A_825 = arith.constant 736 : index
        %get3A_826 = tpu.vector_load %arg7[%get3A_824, %get3A_825] {strides = array<i32>} : memref<77x768xf32, #tpu.memory_space<vmem>>, vector<1x16xf32>,
        %get3A_827 = vector.shape_cast %get3A_826 : vector<1x16xf32> to vector<16xf32>
        %add3A_828 = arith.addf %get3A_823, %get3A_827 : vector<16xf32>
        %swap3A_829 = arith.index_cast %scan3A_173 : i32 to index
        %swap3A_830 = arith.constant 736 : index
        %swap3A_831 = tpu.vector_load %arg10[%swap3A_829, %swap3A_830] {strides = array<i32>} : memref<16x768xf32, #tpu.memory_space<vmem>>, vector<1x16xf32>,
        %swap3A_832 = vector.shape_cast %swap3A_831 : vector<1x16xf32> to vector<16xf32>
        %swap3A_833 = vector.shape_cast %add3A_828 : vector<16xf32> to vector<1x16xf32>
        tpu.vector_store %arg10[%swap3A_829, %swap3A_830], %swap3A_833 {strides = array<i32>} : memref<16x768xf32, #tpu.memory_space<vmem>>, vector<1x16xf32>,
        %get3A_834 = arith.index_cast %scan3A_173 : i32 to index
        %get3A_835 = arith.constant 752 : index
        %get3A_836 = tpu.vector_load %arg10[%get3A_834, %get3A_835] {strides = array<i32>} : memref<16x768xf32, #tpu.memory_space<vmem>>, vector<1x16xf32>,
        %get3A_837 = vector.shape_cast %get3A_836 : vector<1x16xf32> to vector<16xf32>
        %get3A_838 = arith.index_cast %rem3A_177 : i32 to index
        %get3A_839 = arith.constant 752 : index
        %get3A_840 = tpu.vector_load %arg7[%get3A_838, %get3A_839] {strides = array<i32>} : memref<77x768xf32, #tpu.memory_space<vmem>>, vector<1x16xf32>,
        %get3A_841 = vector.shape_cast %get3A_840 : vector<1x16xf32> to vector<16xf32>
        %add3A_842 = arith.addf %get3A_837, %get3A_841 : vector<16xf32>
        %swap3A_843 = arith.index_cast %scan3A_173 : i32 to index
        %swap3A_844 = arith.constant 752 : index
        %swap3A_845 = tpu.vector_load %arg10[%swap3A_843, %swap3A_844] {strides = array<i32>} : memref<16x768xf32, #tpu.memory_space<vmem>>, vector<1x16xf32>,
        %swap3A_846 = vector.shape_cast %swap3A_845 : vector<1x16xf32> to vector<16xf32>
        %swap3A_847 = vector.shape_cast %add3A_842 : vector<16xf32> to vector<1x16xf32>
        tpu.vector_store %arg10[%swap3A_843, %swap3A_844], %swap3A_847 {strides = array<i32>} : memref<16x768xf32, #tpu.memory_space<vmem>>, vector<1x16xf32>,
      }
      %scan3A_151 = arith.constant 16 : i32
      %mul3A_152 = arith.constant 16 : i32
      %mul3A_153 = arith.muli %add3A_139, %mul3A_152 : i32
      %add3A_154 = arith.addi %mul3A_2, %mul3A_153 : i32
      %dma_start3A_155 = arith.constant 0 : i32
      %dma_start3A_156 = tpu.memref_slice %arg5[%add3A_154, %dma_start3A_155] : memref<78848x768xf32, #tpu.memory_space<hbm>> -> memref<16x768xf32, #tpu.memory_space<hbm>>
      %dma_start3A_157 = arith.constant 0 : i32
      %dma_start3A_158 = tpu.memref_slice %arg5[%add3A_154, %dma_start3A_157] : memref<78848x768xf32, #tpu.memory_space<hbm>> -> memref<16x768xf32, #tpu.memory_space<hbm>>
      tpu.enqueue_dma source(%arg10 : memref<16x768xf32, #tpu.memory_space<vmem>>) target(%dma_start3A_158 : memref<16x768xf32, #tpu.memory_space<hbm>>) target_semaphore(%arg16 : memref<!tpu.dma_semaphore, #tpu.memory_space<semaphore_mem>>)
      %sub3A_159 = arith.constant 1 : i32
      %sub3A_160 = arith.subi %add3A_139, %sub3A_159 : i32
      %ge3A_161 = arith.constant 1 : i32
      %ge3A_162 = arith.cmpi sge, %add3A_139, %ge3A_161 : i32
      %convert_element_type3A_163 = arith.extui %ge3A_162 : i1 to i32
      %cond3A_164 = arith.constant 0 : i32
      %cond3A_165 = arith.cmpi ne, %convert_element_type3A_163, %cond3A_164 : i32
      scf.if %cond3A_165 {
        %mul3A_173 = arith.constant 16 : i32
        %mul3A_174 = arith.muli %sub3A_160, %mul3A_173 : i32
        %add3A_175 = arith.addi %mul3A_2, %mul3A_174 : i32
        %dma_wait3A_176 = arith.constant 0 : i32
        %dma_wait3A_177 = tpu.memref_slice %arg5[%add3A_175, %dma_wait3A_176] : memref<78848x768xf32, #tpu.memory_space<hbm>> -> memref<16x768xf32, #tpu.memory_space<hbm>>
        %dma_wait3A_178 = arith.constant 0 : i32
        %dma_wait3A_179 = tpu.memref_slice %arg5[%add3A_175, %dma_wait3A_178] : memref<78848x768xf32, #tpu.memory_space<hbm>> -> memref<16x768xf32, #tpu.memory_space<hbm>>
        tpu.wait_dma2 semaphore(%arg15 : memref<!tpu.dma_semaphore, #tpu.memory_space<semaphore_mem>>) src(%arg9 : memref<16x768xf32, #tpu.memory_space<vmem>>) dst(%dma_wait3A_179 : memref<16x768xf32, #tpu.memory_space<hbm>>)
      } else {
      }
      %add3A_166 = arith.constant 2 : i32
      %add3A_167 = arith.addi %add3A_139, %add3A_166 : i32
      %le3A_168 = arith.constant 153 : i32
      %le3A_169 = arith.cmpi sle, %add3A_167, %le3A_168 : i32
      %convert_element_type3A_170 = arith.extui %le3A_169 : i1 to i32
      %cond3A_171 = arith.constant 0 : i32
      %cond3A_172 = arith.cmpi ne, %convert_element_type3A_170, %cond3A_171 : i32
      scf.if %cond3A_172 {
        %add3A_173 = arith.constant 2 : i32
        %add3A_174 = arith.addi %add3A_139, %add3A_173 : i32
        %min3A = arith.constant 153 : i32
        %min3A_175 = arith.minsi %add3A_174, %min3A : i32
        %dma_start3A_176 = arith.constant 0 : i32
        %dma_start3A_177 = tpu.memref_slice %arg6[%min3A_175, %dma_start3A_176] : memref<154x16xi32, #tpu.memory_space<vmem>> -> memref<1x16xi32, #tpu.memory_space<vmem>>
        %dma_start3A_178 = tpu.memref_squeeze %dma_start3A_177 : memref<1x16xi32, #tpu.memory_space<vmem>> -> memref<16xi32, #tpu.memory_space<vmem>>
        %dma_start3A_179 = arith.constant 0 : i32
        %dma_start3A_180 = arith.constant 0 : i32
        %dma_start3A_181 = tpu.memref_slice %arg2[%dma_start3A_179, %dma_start3A_180] : memref<49408x768xf32, #tpu.memory_space<hbm>> -> memref<49408x768xf32, #tpu.memory_space<hbm>>
        tpu.enqueue_indirect_dma source(%dma_start3A_181 : memref<49408x768xf32, #tpu.memory_space<hbm>>) target(%arg9 : memref<16x768xf32, #tpu.memory_space<vmem>>) offsets(%dma_start3A_178 : memref<16xi32, #tpu.memory_space<vmem>>) semaphore(%arg12 : memref<!tpu.dma_semaphore, #tpu.memory_space<semaphore_mem>>)
      } else {
      }
    }
    %scan3A_20 = arith.constant 51 : i32
    %dma_wait3A = arith.constant 153 : i32
    %dma_wait3A_21 = arith.constant 0 : i32
    %dma_wait3A_22 = tpu.memref_slice %arg6[%dma_wait3A, %dma_wait3A_21] : memref<154x16xi32, #tpu.memory_space<vmem>> -> memref<1x16xi32, #tpu.memory_space<vmem>>
    %dma_wait3A_23 = tpu.memref_squeeze %dma_wait3A_22 : memref<1x16xi32, #tpu.memory_space<vmem>> -> memref<16xi32, #tpu.memory_space<vmem>>
    %dma_wait3A_24 = arith.constant 0 : i32
    %dma_wait3A_25 = arith.constant 0 : i32
    %dma_wait3A_26 = tpu.memref_slice %arg2[%dma_wait3A_24, %dma_wait3A_25] : memref<49408x768xf32, #tpu.memory_space<hbm>> -> memref<49408x768xf32, #tpu.memory_space<hbm>>
    tpu.wait_indirect_dma semaphore(%arg11 : memref<!tpu.dma_semaphore, #tpu.memory_space<semaphore_mem>>) src(%dma_wait3A_26 : memref<49408x768xf32, #tpu.memory_space<hbm>>) dst(%arg8 : memref<16x768xf32, #tpu.memory_space<vmem>>)
    %scan3A_27 = arith.constant 0 : i32
    %scan3A_28 = arith.constant 153 : i32
    %scan3A_29 = arith.constant 0 : i32
    %scan3A_30 = arith.constant 16 : i32
    %scan3A_31 = arith.addi %scan3A_29, %scan3A_30 : i32
    %scan3A_32 = arith.constant 1 : i32
    scf.for %scan3A_61 = %scan3A_29 to %scan3A_31 step %scan3A_32  : i32 {
      %mul3A_62 = arith.constant 16 : i32
      %mul3A_63 = arith.muli %scan3A_28, %mul3A_62 : i32
      %add3A_64 = arith.addi %mul3A_63, %scan3A_61 : i32
      %rem3A = arith.constant 77 : i32
      %rem3A_65 = arith.remsi %add3A_64, %rem3A : i32
      %get3A = arith.index_cast %scan3A_61 : i32 to index
      %get3A_66 = arith.constant 0 : index
      %get3A_67 = tpu.vector_load %arg8[%get3A, %get3A_66] {strides = array<i32>} : memref<16x768xf32, #tpu.memory_space<vmem>>, vector<1x16xf32>,
      %get3A_68 = vector.shape_cast %get3A_67 : vector<1x16xf32> to vector<16xf32>
      %get3A_69 = arith.index_cast %rem3A_65 : i32 to index
      %get3A_70 = arith.constant 0 : index
      %get3A_71 = tpu.vector_load %arg7[%get3A_69, %get3A_70] {strides = array<i32>} : memref<77x768xf32, #tpu.memory_space<vmem>>, vector<1x16xf32>,
      %get3A_72 = vector.shape_cast %get3A_71 : vector<1x16xf32> to vector<16xf32>
      %add3A_73 = arith.addf %get3A_68, %get3A_72 : vector<16xf32>
      %swap3A = arith.index_cast %scan3A_61 : i32 to index
      %swap3A_74 = arith.constant 0 : index
      %swap3A_75 = tpu.vector_load %arg8[%swap3A, %swap3A_74] {strides = array<i32>} : memref<16x768xf32, #tpu.memory_space<vmem>>, vector<1x16xf32>,
      %swap3A_76 = vector.shape_cast %swap3A_75 : vector<1x16xf32> to vector<16xf32>
      %swap3A_77 = vector.shape_cast %add3A_73 : vector<16xf32> to vector<1x16xf32>
      tpu.vector_store %arg8[%swap3A, %swap3A_74], %swap3A_77 {strides = array<i32>} : memref<16x768xf32, #tpu.memory_space<vmem>>, vector<1x16xf32>,
      %get3A_78 = arith.index_cast %scan3A_61 : i32 to index
      %get3A_79 = arith.constant 16 : index
      %get3A_80 = tpu.vector_load %arg8[%get3A_78, %get3A_79] {strides = array<i32>} : memref<16x768xf32, #tpu.memory_space<vmem>>, vector<1x16xf32>,
      %get3A_81 = vector.shape_cast %get3A_80 : vector<1x16xf32> to vector<16xf32>
      %get3A_82 = arith.index_cast %rem3A_65 : i32 to index
      %get3A_83 = arith.constant 16 : index
      %get3A_84 = tpu.vector_load %arg7[%get3A_82, %get3A_83] {strides = array<i32>} : memref<77x768xf32, #tpu.memory_space<vmem>>, vector<1x16xf32>,
      %get3A_85 = vector.shape_cast %get3A_84 : vector<1x16xf32> to vector<16xf32>
      %add3A_86 = arith.addf %get3A_81, %get3A_85 : vector<16xf32>
      %swap3A_87 = arith.index_cast %scan3A_61 : i32 to index
      %swap3A_88 = arith.constant 16 : index
      %swap3A_89 = tpu.vector_load %arg8[%swap3A_87, %swap3A_88] {strides = array<i32>} : memref<16x768xf32, #tpu.memory_space<vmem>>, vector<1x16xf32>,
      %swap3A_90 = vector.shape_cast %swap3A_89 : vector<1x16xf32> to vector<16xf32>
      %swap3A_91 = vector.shape_cast %add3A_86 : vector<16xf32> to vector<1x16xf32>
      tpu.vector_store %arg8[%swap3A_87, %swap3A_88], %swap3A_91 {strides = array<i32>} : memref<16x768xf32, #tpu.memory_space<vmem>>, vector<1x16xf32>,
      %get3A_92 = arith.index_cast %scan3A_61 : i32 to index
      %get3A_93 = arith.constant 32 : index
      %get3A_94 = tpu.vector_load %arg8[%get3A_92, %get3A_93] {strides = array<i32>} : memref<16x768xf32, #tpu.memory_space<vmem>>, vector<1x16xf32>,
      %get3A_95 = vector.shape_cast %get3A_94 : vector<1x16xf32> to vector<16xf32>
      %get3A_96 = arith.index_cast %rem3A_65 : i32 to index
      %get3A_97 = arith.constant 32 : index
      %get3A_98 = tpu.vector_load %arg7[%get3A_96, %get3A_97] {strides = array<i32>} : memref<77x768xf32, #tpu.memory_space<vmem>>, vector<1x16xf32>,
      %get3A_99 = vector.shape_cast %get3A_98 : vector<1x16xf32> to vector<16xf32>
      %add3A_100 = arith.addf %get3A_95, %get3A_99 : vector<16xf32>
      %swap3A_101 = arith.index_cast %scan3A_61 : i32 to index
      %swap3A_102 = arith.constant 32 : index
      %swap3A_103 = tpu.vector_load %arg8[%swap3A_101, %swap3A_102] {strides = array<i32>} : memref<16x768xf32, #tpu.memory_space<vmem>>, vector<1x16xf32>,
      %swap3A_104 = vector.shape_cast %swap3A_103 : vector<1x16xf32> to vector<16xf32>
      %swap3A_105 = vector.shape_cast %add3A_100 : vector<16xf32> to vector<1x16xf32>
      tpu.vector_store %arg8[%swap3A_101, %swap3A_102], %swap3A_105 {strides = array<i32>} : memref<16x768xf32, #tpu.memory_space<vmem>>, vector<1x16xf32>,
      %get3A_106 = arith.index_cast %scan3A_61 : i32 to index
      %get3A_107 = arith.constant 48 : index
      %get3A_108 = tpu.vector_load %arg8[%get3A_106, %get3A_107] {strides = array<i32>} : memref<16x768xf32, #tpu.memory_space<vmem>>, vector<1x16xf32>,
      %get3A_109 = vector.shape_cast %get3A_108 : vector<1x16xf32> to vector<16xf32>
      %get3A_110 = arith.index_cast %rem3A_65 : i32 to index
      %get3A_111 = arith.constant 48 : index
      %get3A_112 = tpu.vector_load %arg7[%get3A_110, %get3A_111] {strides = array<i32>} : memref<77x768xf32, #tpu.memory_space<vmem>>, vector<1x16xf32>,
      %get3A_113 = vector.shape_cast %get3A_112 : vector<1x16xf32> to vector<16xf32>
      %add3A_114 = arith.addf %get3A_109, %get3A_113 : vector<16xf32>
      %swap3A_115 = arith.index_cast %scan3A_61 : i32 to index
      %swap3A_116 = arith.constant 48 : index
      %swap3A_117 = tpu.vector_load %arg8[%swap3A_115, %swap3A_116] {strides = array<i32>} : memref<16x768xf32, #tpu.memory_space<vmem>>, vector<1x16xf32>,
      %swap3A_118 = vector.shape_cast %swap3A_117 : vector<1x16xf32> to vector<16xf32>
      %swap3A_119 = vector.shape_cast %add3A_114 : vector<16xf32> to vector<1x16xf32>
      tpu.vector_store %arg8[%swap3A_115, %swap3A_116], %swap3A_119 {strides = array<i32>} : memref<16x768xf32, #tpu.memory_space<vmem>>, vector<1x16xf32>,
      %get3A_120 = arith.index_cast %scan3A_61 : i32 to index
      %get3A_121 = arith.constant 64 : index
      %get3A_122 = tpu.vector_load %arg8[%get3A_120, %get3A_121] {strides = array<i32>} : memref<16x768xf32, #tpu.memory_space<vmem>>, vector<1x16xf32>,
      %get3A_123 = vector.shape_cast %get3A_122 : vector<1x16xf32> to vector<16xf32>
      %get3A_124 = arith.index_cast %rem3A_65 : i32 to index
      %get3A_125 = arith.constant 64 : index
      %get3A_126 = tpu.vector_load %arg7[%get3A_124, %get3A_125] {strides = array<i32>} : memref<77x768xf32, #tpu.memory_space<vmem>>, vector<1x16xf32>,
      %get3A_127 = vector.shape_cast %get3A_126 : vector<1x16xf32> to vector<16xf32>
      %add3A_128 = arith.addf %get3A_123, %get3A_127 : vector<16xf32>
      %swap3A_129 = arith.index_cast %scan3A_61 : i32 to index
      %swap3A_130 = arith.constant 64 : index
      %swap3A_131 = tpu.vector_load %arg8[%swap3A_129, %swap3A_130] {strides = array<i32>} : memref<16x768xf32, #tpu.memory_space<vmem>>, vector<1x16xf32>,
      %swap3A_132 = vector.shape_cast %swap3A_131 : vector<1x16xf32> to vector<16xf32>
      %swap3A_133 = vector.shape_cast %add3A_128 : vector<16xf32> to vector<1x16xf32>
      tpu.vector_store %arg8[%swap3A_129, %swap3A_130], %swap3A_133 {strides = array<i32>} : memref<16x768xf32, #tpu.memory_space<vmem>>, vector<1x16xf32>,
      %get3A_134 = arith.index_cast %scan3A_61 : i32 to index
      %get3A_135 = arith.constant 80 : index
      %get3A_136 = tpu.vector_load %arg8[%get3A_134, %get3A_135] {strides = array<i32>} : memref<16x768xf32, #tpu.memory_space<vmem>>, vector<1x16xf32>,
      %get3A_137 = vector.shape_cast %get3A_136 : vector<1x16xf32> to vector<16xf32>
      %get3A_138 = arith.index_cast %rem3A_65 : i32 to index
      %get3A_139 = arith.constant 80 : index
      %get3A_140 = tpu.vector_load %arg7[%get3A_138, %get3A_139] {strides = array<i32>} : memref<77x768xf32, #tpu.memory_space<vmem>>, vector<1x16xf32>,
      %get3A_141 = vector.shape_cast %get3A_140 : vector<1x16xf32> to vector<16xf32>
      %add3A_142 = arith.addf %get3A_137, %get3A_141 : vector<16xf32>
      %swap3A_143 = arith.index_cast %scan3A_61 : i32 to index
      %swap3A_144 = arith.constant 80 : index
      %swap3A_145 = tpu.vector_load %arg8[%swap3A_143, %swap3A_144] {strides = array<i32>} : memref<16x768xf32, #tpu.memory_space<vmem>>, vector<1x16xf32>,
      %swap3A_146 = vector.shape_cast %swap3A_145 : vector<1x16xf32> to vector<16xf32>
      %swap3A_147 = vector.shape_cast %add3A_142 : vector<16xf32> to vector<1x16xf32>
      tpu.vector_store %arg8[%swap3A_143, %swap3A_144], %swap3A_147 {strides = array<i32>} : memref<16x768xf32, #tpu.memory_space<vmem>>, vector<1x16xf32>,
      %get3A_148 = arith.index_cast %scan3A_61 : i32 to index
      %get3A_149 = arith.constant 96 : index
      %get3A_150 = tpu.vector_load %arg8[%get3A_148, %get3A_149] {strides = array<i32>} : memref<16x768xf32, #tpu.memory_space<vmem>>, vector<1x16xf32>,
      %get3A_151 = vector.shape_cast %get3A_150 : vector<1x16xf32> to vector<16xf32>
      %get3A_152 = arith.index_cast %rem3A_65 : i32 to index
      %get3A_153 = arith.constant 96 : index
      %get3A_154 = tpu.vector_load %arg7[%get3A_152, %get3A_153] {strides = array<i32>} : memref<77x768xf32, #tpu.memory_space<vmem>>, vector<1x16xf32>,
      %get3A_155 = vector.shape_cast %get3A_154 : vector<1x16xf32> to vector<16xf32>
      %add3A_156 = arith.addf %get3A_151, %get3A_155 : vector<16xf32>
      %swap3A_157 = arith.index_cast %scan3A_61 : i32 to index
      %swap3A_158 = arith.constant 96 : index
      %swap3A_159 = tpu.vector_load %arg8[%swap3A_157, %swap3A_158] {strides = array<i32>} : memref<16x768xf32, #tpu.memory_space<vmem>>, vector<1x16xf32>,
      %swap3A_160 = vector.shape_cast %swap3A_159 : vector<1x16xf32> to vector<16xf32>
      %swap3A_161 = vector.shape_cast %add3A_156 : vector<16xf32> to vector<1x16xf32>
      tpu.vector_store %arg8[%swap3A_157, %swap3A_158], %swap3A_161 {strides = array<i32>} : memref<16x768xf32, #tpu.memory_space<vmem>>, vector<1x16xf32>,
      %get3A_162 = arith.index_cast %scan3A_61 : i32 to index
      %get3A_163 = arith.constant 112 : index
      %get3A_164 = tpu.vector_load %arg8[%get3A_162, %get3A_163] {strides = array<i32>} : memref<16x768xf32, #tpu.memory_space<vmem>>, vector<1x16xf32>,
      %get3A_165 = vector.shape_cast %get3A_164 : vector<1x16xf32> to vector<16xf32>
      %get3A_166 = arith.index_cast %rem3A_65 : i32 to index
      %get3A_167 = arith.constant 112 : index
      %get3A_168 = tpu.vector_load %arg7[%get3A_166, %get3A_167] {strides = array<i32>} : memref<77x768xf32, #tpu.memory_space<vmem>>, vector<1x16xf32>,
      %get3A_169 = vector.shape_cast %get3A_168 : vector<1x16xf32> to vector<16xf32>
      %add3A_170 = arith.addf %get3A_165, %get3A_169 : vector<16xf32>
      %swap3A_171 = arith.index_cast %scan3A_61 : i32 to index
      %swap3A_172 = arith.constant 112 : index
      %swap3A_173 = tpu.vector_load %arg8[%swap3A_171, %swap3A_172] {strides = array<i32>} : memref<16x768xf32, #tpu.memory_space<vmem>>, vector<1x16xf32>,
      %swap3A_174 = vector.shape_cast %swap3A_173 : vector<1x16xf32> to vector<16xf32>
      %swap3A_175 = vector.shape_cast %add3A_170 : vector<16xf32> to vector<1x16xf32>
      tpu.vector_store %arg8[%swap3A_171, %swap3A_172], %swap3A_175 {strides = array<i32>} : memref<16x768xf32, #tpu.memory_space<vmem>>, vector<1x16xf32>,
      %get3A_176 = arith.index_cast %scan3A_61 : i32 to index
      %get3A_177 = arith.constant 128 : index
      %get3A_178 = tpu.vector_load %arg8[%get3A_176, %get3A_177] {strides = array<i32>} : memref<16x768xf32, #tpu.memory_space<vmem>>, vector<1x16xf32>,
      %get3A_179 = vector.shape_cast %get3A_178 : vector<1x16xf32> to vector<16xf32>
      %get3A_180 = arith.index_cast %rem3A_65 : i32 to index
      %get3A_181 = arith.constant 128 : index
      %get3A_182 = tpu.vector_load %arg7[%get3A_180, %get3A_181] {strides = array<i32>} : memref<77x768xf32, #tpu.memory_space<vmem>>, vector<1x16xf32>,
      %get3A_183 = vector.shape_cast %get3A_182 : vector<1x16xf32> to vector<16xf32>
      %add3A_184 = arith.addf %get3A_179, %get3A_183 : vector<16xf32>
      %swap3A_185 = arith.index_cast %scan3A_61 : i32 to index
      %swap3A_186 = arith.constant 128 : index
      %swap3A_187 = tpu.vector_load %arg8[%swap3A_185, %swap3A_186] {strides = array<i32>} : memref<16x768xf32, #tpu.memory_space<vmem>>, vector<1x16xf32>,
      %swap3A_188 = vector.shape_cast %swap3A_187 : vector<1x16xf32> to vector<16xf32>
      %swap3A_189 = vector.shape_cast %add3A_184 : vector<16xf32> to vector<1x16xf32>
      tpu.vector_store %arg8[%swap3A_185, %swap3A_186], %swap3A_189 {strides = array<i32>} : memref<16x768xf32, #tpu.memory_space<vmem>>, vector<1x16xf32>,
      %get3A_190 = arith.index_cast %scan3A_61 : i32 to index
      %get3A_191 = arith.constant 144 : index
      %get3A_192 = tpu.vector_load %arg8[%get3A_190, %get3A_191] {strides = array<i32>} : memref<16x768xf32, #tpu.memory_space<vmem>>, vector<1x16xf32>,
      %get3A_193 = vector.shape_cast %get3A_192 : vector<1x16xf32> to vector<16xf32>
      %get3A_194 = arith.index_cast %rem3A_65 : i32 to index
      %get3A_195 = arith.constant 144 : index
      %get3A_196 = tpu.vector_load %arg7[%get3A_194, %get3A_195] {strides = array<i32>} : memref<77x768xf32, #tpu.memory_space<vmem>>, vector<1x16xf32>,
      %get3A_197 = vector.shape_cast %get3A_196 : vector<1x16xf32> to vector<16xf32>
      %add3A_198 = arith.addf %get3A_193, %get3A_197 : vector<16xf32>
      %swap3A_199 = arith.index_cast %scan3A_61 : i32 to index
      %swap3A_200 = arith.constant 144 : index
      %swap3A_201 = tpu.vector_load %arg8[%swap3A_199, %swap3A_200] {strides = array<i32>} : memref<16x768xf32, #tpu.memory_space<vmem>>, vector<1x16xf32>,
      %swap3A_202 = vector.shape_cast %swap3A_201 : vector<1x16xf32> to vector<16xf32>
      %swap3A_203 = vector.shape_cast %add3A_198 : vector<16xf32> to vector<1x16xf32>
      tpu.vector_store %arg8[%swap3A_199, %swap3A_200], %swap3A_203 {strides = array<i32>} : memref<16x768xf32, #tpu.memory_space<vmem>>, vector<1x16xf32>,
      %get3A_204 = arith.index_cast %scan3A_61 : i32 to index
      %get3A_205 = arith.constant 160 : index
      %get3A_206 = tpu.vector_load %arg8[%get3A_204, %get3A_205] {strides = array<i32>} : memref<16x768xf32, #tpu.memory_space<vmem>>, vector<1x16xf32>,
      %get3A_207 = vector.shape_cast %get3A_206 : vector<1x16xf32> to vector<16xf32>
      %get3A_208 = arith.index_cast %rem3A_65 : i32 to index
      %get3A_209 = arith.constant 160 : index
      %get3A_210 = tpu.vector_load %arg7[%get3A_208, %get3A_209] {strides = array<i32>} : memref<77x768xf32, #tpu.memory_space<vmem>>, vector<1x16xf32>,
      %get3A_211 = vector.shape_cast %get3A_210 : vector<1x16xf32> to vector<16xf32>
      %add3A_212 = arith.addf %get3A_207, %get3A_211 : vector<16xf32>
      %swap3A_213 = arith.index_cast %scan3A_61 : i32 to index
      %swap3A_214 = arith.constant 160 : index
      %swap3A_215 = tpu.vector_load %arg8[%swap3A_213, %swap3A_214] {strides = array<i32>} : memref<16x768xf32, #tpu.memory_space<vmem>>, vector<1x16xf32>,
      %swap3A_216 = vector.shape_cast %swap3A_215 : vector<1x16xf32> to vector<16xf32>
      %swap3A_217 = vector.shape_cast %add3A_212 : vector<16xf32> to vector<1x16xf32>
      tpu.vector_store %arg8[%swap3A_213, %swap3A_214], %swap3A_217 {strides = array<i32>} : memref<16x768xf32, #tpu.memory_space<vmem>>, vector<1x16xf32>,
      %get3A_218 = arith.index_cast %scan3A_61 : i32 to index
      %get3A_219 = arith.constant 176 : index
      %get3A_220 = tpu.vector_load %arg8[%get3A_218, %get3A_219] {strides = array<i32>} : memref<16x768xf32, #tpu.memory_space<vmem>>, vector<1x16xf32>,
      %get3A_221 = vector.shape_cast %get3A_220 : vector<1x16xf32> to vector<16xf32>
      %get3A_222 = arith.index_cast %rem3A_65 : i32 to index
      %get3A_223 = arith.constant 176 : index
      %get3A_224 = tpu.vector_load %arg7[%get3A_222, %get3A_223] {strides = array<i32>} : memref<77x768xf32, #tpu.memory_space<vmem>>, vector<1x16xf32>,
      %get3A_225 = vector.shape_cast %get3A_224 : vector<1x16xf32> to vector<16xf32>
      %add3A_226 = arith.addf %get3A_221, %get3A_225 : vector<16xf32>
      %swap3A_227 = arith.index_cast %scan3A_61 : i32 to index
      %swap3A_228 = arith.constant 176 : index
      %swap3A_229 = tpu.vector_load %arg8[%swap3A_227, %swap3A_228] {strides = array<i32>} : memref<16x768xf32, #tpu.memory_space<vmem>>, vector<1x16xf32>,
      %swap3A_230 = vector.shape_cast %swap3A_229 : vector<1x16xf32> to vector<16xf32>
      %swap3A_231 = vector.shape_cast %add3A_226 : vector<16xf32> to vector<1x16xf32>
      tpu.vector_store %arg8[%swap3A_227, %swap3A_228], %swap3A_231 {strides = array<i32>} : memref<16x768xf32, #tpu.memory_space<vmem>>, vector<1x16xf32>,
      %get3A_232 = arith.index_cast %scan3A_61 : i32 to index
      %get3A_233 = arith.constant 192 : index
      %get3A_234 = tpu.vector_load %arg8[%get3A_232, %get3A_233] {strides = array<i32>} : memref<16x768xf32, #tpu.memory_space<vmem>>, vector<1x16xf32>,
      %get3A_235 = vector.shape_cast %get3A_234 : vector<1x16xf32> to vector<16xf32>
      %get3A_236 = arith.index_cast %rem3A_65 : i32 to index
      %get3A_237 = arith.constant 192 : index
      %get3A_238 = tpu.vector_load %arg7[%get3A_236, %get3A_237] {strides = array<i32>} : memref<77x768xf32, #tpu.memory_space<vmem>>, vector<1x16xf32>,
      %get3A_239 = vector.shape_cast %get3A_238 : vector<1x16xf32> to vector<16xf32>
      %add3A_240 = arith.addf %get3A_235, %get3A_239 : vector<16xf32>
      %swap3A_241 = arith.index_cast %scan3A_61 : i32 to index
      %swap3A_242 = arith.constant 192 : index
      %swap3A_243 = tpu.vector_load %arg8[%swap3A_241, %swap3A_242] {strides = array<i32>} : memref<16x768xf32, #tpu.memory_space<vmem>>, vector<1x16xf32>,
      %swap3A_244 = vector.shape_cast %swap3A_243 : vector<1x16xf32> to vector<16xf32>
      %swap3A_245 = vector.shape_cast %add3A_240 : vector<16xf32> to vector<1x16xf32>
      tpu.vector_store %arg8[%swap3A_241, %swap3A_242], %swap3A_245 {strides = array<i32>} : memref<16x768xf32, #tpu.memory_space<vmem>>, vector<1x16xf32>,
      %get3A_246 = arith.index_cast %scan3A_61 : i32 to index
      %get3A_247 = arith.constant 208 : index
      %get3A_248 = tpu.vector_load %arg8[%get3A_246, %get3A_247] {strides = array<i32>} : memref<16x768xf32, #tpu.memory_space<vmem>>, vector<1x16xf32>,
      %get3A_249 = vector.shape_cast %get3A_248 : vector<1x16xf32> to vector<16xf32>
      %get3A_250 = arith.index_cast %rem3A_65 : i32 to index
      %get3A_251 = arith.constant 208 : index
      %get3A_252 = tpu.vector_load %arg7[%get3A_250, %get3A_251] {strides = array<i32>} : memref<77x768xf32, #tpu.memory_space<vmem>>, vector<1x16xf32>,
      %get3A_253 = vector.shape_cast %get3A_252 : vector<1x16xf32> to vector<16xf32>
      %add3A_254 = arith.addf %get3A_249, %get3A_253 : vector<16xf32>
      %swap3A_255 = arith.index_cast %scan3A_61 : i32 to index
      %swap3A_256 = arith.constant 208 : index
      %swap3A_257 = tpu.vector_load %arg8[%swap3A_255, %swap3A_256] {strides = array<i32>} : memref<16x768xf32, #tpu.memory_space<vmem>>, vector<1x16xf32>,
      %swap3A_258 = vector.shape_cast %swap3A_257 : vector<1x16xf32> to vector<16xf32>
      %swap3A_259 = vector.shape_cast %add3A_254 : vector<16xf32> to vector<1x16xf32>
      tpu.vector_store %arg8[%swap3A_255, %swap3A_256], %swap3A_259 {strides = array<i32>} : memref<16x768xf32, #tpu.memory_space<vmem>>, vector<1x16xf32>,
      %get3A_260 = arith.index_cast %scan3A_61 : i32 to index
      %get3A_261 = arith.constant 224 : index
      %get3A_262 = tpu.vector_load %arg8[%get3A_260, %get3A_261] {strides = array<i32>} : memref<16x768xf32, #tpu.memory_space<vmem>>, vector<1x16xf32>,
      %get3A_263 = vector.shape_cast %get3A_262 : vector<1x16xf32> to vector<16xf32>
      %get3A_264 = arith.index_cast %rem3A_65 : i32 to index
      %get3A_265 = arith.constant 224 : index
      %get3A_266 = tpu.vector_load %arg7[%get3A_264, %get3A_265] {strides = array<i32>} : memref<77x768xf32, #tpu.memory_space<vmem>>, vector<1x16xf32>,
      %get3A_267 = vector.shape_cast %get3A_266 : vector<1x16xf32> to vector<16xf32>
      %add3A_268 = arith.addf %get3A_263, %get3A_267 : vector<16xf32>
      %swap3A_269 = arith.index_cast %scan3A_61 : i32 to index
      %swap3A_270 = arith.constant 224 : index
      %swap3A_271 = tpu.vector_load %arg8[%swap3A_269, %swap3A_270] {strides = array<i32>} : memref<16x768xf32, #tpu.memory_space<vmem>>, vector<1x16xf32>,
      %swap3A_272 = vector.shape_cast %swap3A_271 : vector<1x16xf32> to vector<16xf32>
      %swap3A_273 = vector.shape_cast %add3A_268 : vector<16xf32> to vector<1x16xf32>
      tpu.vector_store %arg8[%swap3A_269, %swap3A_270], %swap3A_273 {strides = array<i32>} : memref<16x768xf32, #tpu.memory_space<vmem>>, vector<1x16xf32>,
      %get3A_274 = arith.index_cast %scan3A_61 : i32 to index
      %get3A_275 = arith.constant 240 : index
      %get3A_276 = tpu.vector_load %arg8[%get3A_274, %get3A_275] {strides = array<i32>} : memref<16x768xf32, #tpu.memory_space<vmem>>, vector<1x16xf32>,
      %get3A_277 = vector.shape_cast %get3A_276 : vector<1x16xf32> to vector<16xf32>
      %get3A_278 = arith.index_cast %rem3A_65 : i32 to index
      %get3A_279 = arith.constant 240 : index
      %get3A_280 = tpu.vector_load %arg7[%get3A_278, %get3A_279] {strides = array<i32>} : memref<77x768xf32, #tpu.memory_space<vmem>>, vector<1x16xf32>,
      %get3A_281 = vector.shape_cast %get3A_280 : vector<1x16xf32> to vector<16xf32>
      %add3A_282 = arith.addf %get3A_277, %get3A_281 : vector<16xf32>
      %swap3A_283 = arith.index_cast %scan3A_61 : i32 to index
      %swap3A_284 = arith.constant 240 : index
      %swap3A_285 = tpu.vector_load %arg8[%swap3A_283, %swap3A_284] {strides = array<i32>} : memref<16x768xf32, #tpu.memory_space<vmem>>, vector<1x16xf32>,
      %swap3A_286 = vector.shape_cast %swap3A_285 : vector<1x16xf32> to vector<16xf32>
      %swap3A_287 = vector.shape_cast %add3A_282 : vector<16xf32> to vector<1x16xf32>
      tpu.vector_store %arg8[%swap3A_283, %swap3A_284], %swap3A_287 {strides = array<i32>} : memref<16x768xf32, #tpu.memory_space<vmem>>, vector<1x16xf32>,
      %get3A_288 = arith.index_cast %scan3A_61 : i32 to index
      %get3A_289 = arith.constant 256 : index
      %get3A_290 = tpu.vector_load %arg8[%get3A_288, %get3A_289] {strides = array<i32>} : memref<16x768xf32, #tpu.memory_space<vmem>>, vector<1x16xf32>,
      %get3A_291 = vector.shape_cast %get3A_290 : vector<1x16xf32> to vector<16xf32>
      %get3A_292 = arith.index_cast %rem3A_65 : i32 to index
      %get3A_293 = arith.constant 256 : index
      %get3A_294 = tpu.vector_load %arg7[%get3A_292, %get3A_293] {strides = array<i32>} : memref<77x768xf32, #tpu.memory_space<vmem>>, vector<1x16xf32>,
      %get3A_295 = vector.shape_cast %get3A_294 : vector<1x16xf32> to vector<16xf32>
      %add3A_296 = arith.addf %get3A_291, %get3A_295 : vector<16xf32>
      %swap3A_297 = arith.index_cast %scan3A_61 : i32 to index
      %swap3A_298 = arith.constant 256 : index
      %swap3A_299 = tpu.vector_load %arg8[%swap3A_297, %swap3A_298] {strides = array<i32>} : memref<16x768xf32, #tpu.memory_space<vmem>>, vector<1x16xf32>,
      %swap3A_300 = vector.shape_cast %swap3A_299 : vector<1x16xf32> to vector<16xf32>
      %swap3A_301 = vector.shape_cast %add3A_296 : vector<16xf32> to vector<1x16xf32>
      tpu.vector_store %arg8[%swap3A_297, %swap3A_298], %swap3A_301 {strides = array<i32>} : memref<16x768xf32, #tpu.memory_space<vmem>>, vector<1x16xf32>,
      %get3A_302 = arith.index_cast %scan3A_61 : i32 to index
      %get3A_303 = arith.constant 272 : index
      %get3A_304 = tpu.vector_load %arg8[%get3A_302, %get3A_303] {strides = array<i32>} : memref<16x768xf32, #tpu.memory_space<vmem>>, vector<1x16xf32>,
      %get3A_305 = vector.shape_cast %get3A_304 : vector<1x16xf32> to vector<16xf32>
      %get3A_306 = arith.index_cast %rem3A_65 : i32 to index
      %get3A_307 = arith.constant 272 : index
      %get3A_308 = tpu.vector_load %arg7[%get3A_306, %get3A_307] {strides = array<i32>} : memref<77x768xf32, #tpu.memory_space<vmem>>, vector<1x16xf32>,
      %get3A_309 = vector.shape_cast %get3A_308 : vector<1x16xf32> to vector<16xf32>
      %add3A_310 = arith.addf %get3A_305, %get3A_309 : vector<16xf32>
      %swap3A_311 = arith.index_cast %scan3A_61 : i32 to index
      %swap3A_312 = arith.constant 272 : index
      %swap3A_313 = tpu.vector_load %arg8[%swap3A_311, %swap3A_312] {strides = array<i32>} : memref<16x768xf32, #tpu.memory_space<vmem>>, vector<1x16xf32>,
      %swap3A_314 = vector.shape_cast %swap3A_313 : vector<1x16xf32> to vector<16xf32>
      %swap3A_315 = vector.shape_cast %add3A_310 : vector<16xf32> to vector<1x16xf32>
      tpu.vector_store %arg8[%swap3A_311, %swap3A_312], %swap3A_315 {strides = array<i32>} : memref<16x768xf32, #tpu.memory_space<vmem>>, vector<1x16xf32>,
      %get3A_316 = arith.index_cast %scan3A_61 : i32 to index
      %get3A_317 = arith.constant 288 : index
      %get3A_318 = tpu.vector_load %arg8[%get3A_316, %get3A_317] {strides = array<i32>} : memref<16x768xf32, #tpu.memory_space<vmem>>, vector<1x16xf32>,
      %get3A_319 = vector.shape_cast %get3A_318 : vector<1x16xf32> to vector<16xf32>
      %get3A_320 = arith.index_cast %rem3A_65 : i32 to index
      %get3A_321 = arith.constant 288 : index
      %get3A_322 = tpu.vector_load %arg7[%get3A_320, %get3A_321] {strides = array<i32>} : memref<77x768xf32, #tpu.memory_space<vmem>>, vector<1x16xf32>,
      %get3A_323 = vector.shape_cast %get3A_322 : vector<1x16xf32> to vector<16xf32>
      %add3A_324 = arith.addf %get3A_319, %get3A_323 : vector<16xf32>
      %swap3A_325 = arith.index_cast %scan3A_61 : i32 to index
      %swap3A_326 = arith.constant 288 : index
      %swap3A_327 = tpu.vector_load %arg8[%swap3A_325, %swap3A_326] {strides = array<i32>} : memref<16x768xf32, #tpu.memory_space<vmem>>, vector<1x16xf32>,
      %swap3A_328 = vector.shape_cast %swap3A_327 : vector<1x16xf32> to vector<16xf32>
      %swap3A_329 = vector.shape_cast %add3A_324 : vector<16xf32> to vector<1x16xf32>
      tpu.vector_store %arg8[%swap3A_325, %swap3A_326], %swap3A_329 {strides = array<i32>} : memref<16x768xf32, #tpu.memory_space<vmem>>, vector<1x16xf32>,
      %get3A_330 = arith.index_cast %scan3A_61 : i32 to index
      %get3A_331 = arith.constant 304 : index
      %get3A_332 = tpu.vector_load %arg8[%get3A_330, %get3A_331] {strides = array<i32>} : memref<16x768xf32, #tpu.memory_space<vmem>>, vector<1x16xf32>,
      %get3A_333 = vector.shape_cast %get3A_332 : vector<1x16xf32> to vector<16xf32>
      %get3A_334 = arith.index_cast %rem3A_65 : i32 to index
      %get3A_335 = arith.constant 304 : index
      %get3A_336 = tpu.vector_load %arg7[%get3A_334, %get3A_335] {strides = array<i32>} : memref<77x768xf32, #tpu.memory_space<vmem>>, vector<1x16xf32>,
      %get3A_337 = vector.shape_cast %get3A_336 : vector<1x16xf32> to vector<16xf32>
      %add3A_338 = arith.addf %get3A_333, %get3A_337 : vector<16xf32>
      %swap3A_339 = arith.index_cast %scan3A_61 : i32 to index
      %swap3A_340 = arith.constant 304 : index
      %swap3A_341 = tpu.vector_load %arg8[%swap3A_339, %swap3A_340] {strides = array<i32>} : memref<16x768xf32, #tpu.memory_space<vmem>>, vector<1x16xf32>,
      %swap3A_342 = vector.shape_cast %swap3A_341 : vector<1x16xf32> to vector<16xf32>
      %swap3A_343 = vector.shape_cast %add3A_338 : vector<16xf32> to vector<1x16xf32>
      tpu.vector_store %arg8[%swap3A_339, %swap3A_340], %swap3A_343 {strides = array<i32>} : memref<16x768xf32, #tpu.memory_space<vmem>>, vector<1x16xf32>,
      %get3A_344 = arith.index_cast %scan3A_61 : i32 to index
      %get3A_345 = arith.constant 320 : index
      %get3A_346 = tpu.vector_load %arg8[%get3A_344, %get3A_345] {strides = array<i32>} : memref<16x768xf32, #tpu.memory_space<vmem>>, vector<1x16xf32>,
      %get3A_347 = vector.shape_cast %get3A_346 : vector<1x16xf32> to vector<16xf32>
      %get3A_348 = arith.index_cast %rem3A_65 : i32 to index
      %get3A_349 = arith.constant 320 : index
      %get3A_350 = tpu.vector_load %arg7[%get3A_348, %get3A_349] {strides = array<i32>} : memref<77x768xf32, #tpu.memory_space<vmem>>, vector<1x16xf32>,
      %get3A_351 = vector.shape_cast %get3A_350 : vector<1x16xf32> to vector<16xf32>
      %add3A_352 = arith.addf %get3A_347, %get3A_351 : vector<16xf32>
      %swap3A_353 = arith.index_cast %scan3A_61 : i32 to index
      %swap3A_354 = arith.constant 320 : index
      %swap3A_355 = tpu.vector_load %arg8[%swap3A_353, %swap3A_354] {strides = array<i32>} : memref<16x768xf32, #tpu.memory_space<vmem>>, vector<1x16xf32>,
      %swap3A_356 = vector.shape_cast %swap3A_355 : vector<1x16xf32> to vector<16xf32>
      %swap3A_357 = vector.shape_cast %add3A_352 : vector<16xf32> to vector<1x16xf32>
      tpu.vector_store %arg8[%swap3A_353, %swap3A_354], %swap3A_357 {strides = array<i32>} : memref<16x768xf32, #tpu.memory_space<vmem>>, vector<1x16xf32>,
      %get3A_358 = arith.index_cast %scan3A_61 : i32 to index
      %get3A_359 = arith.constant 336 : index
      %get3A_360 = tpu.vector_load %arg8[%get3A_358, %get3A_359] {strides = array<i32>} : memref<16x768xf32, #tpu.memory_space<vmem>>, vector<1x16xf32>,
      %get3A_361 = vector.shape_cast %get3A_360 : vector<1x16xf32> to vector<16xf32>
      %get3A_362 = arith.index_cast %rem3A_65 : i32 to index
      %get3A_363 = arith.constant 336 : index
      %get3A_364 = tpu.vector_load %arg7[%get3A_362, %get3A_363] {strides = array<i32>} : memref<77x768xf32, #tpu.memory_space<vmem>>, vector<1x16xf32>,
      %get3A_365 = vector.shape_cast %get3A_364 : vector<1x16xf32> to vector<16xf32>
      %add3A_366 = arith.addf %get3A_361, %get3A_365 : vector<16xf32>
      %swap3A_367 = arith.index_cast %scan3A_61 : i32 to index
      %swap3A_368 = arith.constant 336 : index
      %swap3A_369 = tpu.vector_load %arg8[%swap3A_367, %swap3A_368] {strides = array<i32>} : memref<16x768xf32, #tpu.memory_space<vmem>>, vector<1x16xf32>,
      %swap3A_370 = vector.shape_cast %swap3A_369 : vector<1x16xf32> to vector<16xf32>
      %swap3A_371 = vector.shape_cast %add3A_366 : vector<16xf32> to vector<1x16xf32>
      tpu.vector_store %arg8[%swap3A_367, %swap3A_368], %swap3A_371 {strides = array<i32>} : memref<16x768xf32, #tpu.memory_space<vmem>>, vector<1x16xf32>,
      %get3A_372 = arith.index_cast %scan3A_61 : i32 to index
      %get3A_373 = arith.constant 352 : index
      %get3A_374 = tpu.vector_load %arg8[%get3A_372, %get3A_373] {strides = array<i32>} : memref<16x768xf32, #tpu.memory_space<vmem>>, vector<1x16xf32>,
      %get3A_375 = vector.shape_cast %get3A_374 : vector<1x16xf32> to vector<16xf32>
      %get3A_376 = arith.index_cast %rem3A_65 : i32 to index
      %get3A_377 = arith.constant 352 : index
      %get3A_378 = tpu.vector_load %arg7[%get3A_376, %get3A_377] {strides = array<i32>} : memref<77x768xf32, #tpu.memory_space<vmem>>, vector<1x16xf32>,
      %get3A_379 = vector.shape_cast %get3A_378 : vector<1x16xf32> to vector<16xf32>
      %add3A_380 = arith.addf %get3A_375, %get3A_379 : vector<16xf32>
      %swap3A_381 = arith.index_cast %scan3A_61 : i32 to index
      %swap3A_382 = arith.constant 352 : index
      %swap3A_383 = tpu.vector_load %arg8[%swap3A_381, %swap3A_382] {strides = array<i32>} : memref<16x768xf32, #tpu.memory_space<vmem>>, vector<1x16xf32>,
      %swap3A_384 = vector.shape_cast %swap3A_383 : vector<1x16xf32> to vector<16xf32>
      %swap3A_385 = vector.shape_cast %add3A_380 : vector<16xf32> to vector<1x16xf32>
      tpu.vector_store %arg8[%swap3A_381, %swap3A_382], %swap3A_385 {strides = array<i32>} : memref<16x768xf32, #tpu.memory_space<vmem>>, vector<1x16xf32>,
      %get3A_386 = arith.index_cast %scan3A_61 : i32 to index
      %get3A_387 = arith.constant 368 : index
      %get3A_388 = tpu.vector_load %arg8[%get3A_386, %get3A_387] {strides = array<i32>} : memref<16x768xf32, #tpu.memory_space<vmem>>, vector<1x16xf32>,
      %get3A_389 = vector.shape_cast %get3A_388 : vector<1x16xf32> to vector<16xf32>
      %get3A_390 = arith.index_cast %rem3A_65 : i32 to index
      %get3A_391 = arith.constant 368 : index
      %get3A_392 = tpu.vector_load %arg7[%get3A_390, %get3A_391] {strides = array<i32>} : memref<77x768xf32, #tpu.memory_space<vmem>>, vector<1x16xf32>,
      %get3A_393 = vector.shape_cast %get3A_392 : vector<1x16xf32> to vector<16xf32>
      %add3A_394 = arith.addf %get3A_389, %get3A_393 : vector<16xf32>
      %swap3A_395 = arith.index_cast %scan3A_61 : i32 to index
      %swap3A_396 = arith.constant 368 : index
      %swap3A_397 = tpu.vector_load %arg8[%swap3A_395, %swap3A_396] {strides = array<i32>} : memref<16x768xf32, #tpu.memory_space<vmem>>, vector<1x16xf32>,
      %swap3A_398 = vector.shape_cast %swap3A_397 : vector<1x16xf32> to vector<16xf32>
      %swap3A_399 = vector.shape_cast %add3A_394 : vector<16xf32> to vector<1x16xf32>
      tpu.vector_store %arg8[%swap3A_395, %swap3A_396], %swap3A_399 {strides = array<i32>} : memref<16x768xf32, #tpu.memory_space<vmem>>, vector<1x16xf32>,
      %get3A_400 = arith.index_cast %scan3A_61 : i32 to index
      %get3A_401 = arith.constant 384 : index
      %get3A_402 = tpu.vector_load %arg8[%get3A_400, %get3A_401] {strides = array<i32>} : memref<16x768xf32, #tpu.memory_space<vmem>>, vector<1x16xf32>,
      %get3A_403 = vector.shape_cast %get3A_402 : vector<1x16xf32> to vector<16xf32>
      %get3A_404 = arith.index_cast %rem3A_65 : i32 to index
      %get3A_405 = arith.constant 384 : index
      %get3A_406 = tpu.vector_load %arg7[%get3A_404, %get3A_405] {strides = array<i32>} : memref<77x768xf32, #tpu.memory_space<vmem>>, vector<1x16xf32>,
      %get3A_407 = vector.shape_cast %get3A_406 : vector<1x16xf32> to vector<16xf32>
      %add3A_408 = arith.addf %get3A_403, %get3A_407 : vector<16xf32>
      %swap3A_409 = arith.index_cast %scan3A_61 : i32 to index
      %swap3A_410 = arith.constant 384 : index
      %swap3A_411 = tpu.vector_load %arg8[%swap3A_409, %swap3A_410] {strides = array<i32>} : memref<16x768xf32, #tpu.memory_space<vmem>>, vector<1x16xf32>,
      %swap3A_412 = vector.shape_cast %swap3A_411 : vector<1x16xf32> to vector<16xf32>
      %swap3A_413 = vector.shape_cast %add3A_408 : vector<16xf32> to vector<1x16xf32>
      tpu.vector_store %arg8[%swap3A_409, %swap3A_410], %swap3A_413 {strides = array<i32>} : memref<16x768xf32, #tpu.memory_space<vmem>>, vector<1x16xf32>,
      %get3A_414 = arith.index_cast %scan3A_61 : i32 to index
      %get3A_415 = arith.constant 400 : index
      %get3A_416 = tpu.vector_load %arg8[%get3A_414, %get3A_415] {strides = array<i32>} : memref<16x768xf32, #tpu.memory_space<vmem>>, vector<1x16xf32>,
      %get3A_417 = vector.shape_cast %get3A_416 : vector<1x16xf32> to vector<16xf32>
      %get3A_418 = arith.index_cast %rem3A_65 : i32 to index
      %get3A_419 = arith.constant 400 : index
      %get3A_420 = tpu.vector_load %arg7[%get3A_418, %get3A_419] {strides = array<i32>} : memref<77x768xf32, #tpu.memory_space<vmem>>, vector<1x16xf32>,
      %get3A_421 = vector.shape_cast %get3A_420 : vector<1x16xf32> to vector<16xf32>
      %add3A_422 = arith.addf %get3A_417, %get3A_421 : vector<16xf32>
      %swap3A_423 = arith.index_cast %scan3A_61 : i32 to index
      %swap3A_424 = arith.constant 400 : index
      %swap3A_425 = tpu.vector_load %arg8[%swap3A_423, %swap3A_424] {strides = array<i32>} : memref<16x768xf32, #tpu.memory_space<vmem>>, vector<1x16xf32>,
      %swap3A_426 = vector.shape_cast %swap3A_425 : vector<1x16xf32> to vector<16xf32>
      %swap3A_427 = vector.shape_cast %add3A_422 : vector<16xf32> to vector<1x16xf32>
      tpu.vector_store %arg8[%swap3A_423, %swap3A_424], %swap3A_427 {strides = array<i32>} : memref<16x768xf32, #tpu.memory_space<vmem>>, vector<1x16xf32>,
      %get3A_428 = arith.index_cast %scan3A_61 : i32 to index
      %get3A_429 = arith.constant 416 : index
      %get3A_430 = tpu.vector_load %arg8[%get3A_428, %get3A_429] {strides = array<i32>} : memref<16x768xf32, #tpu.memory_space<vmem>>, vector<1x16xf32>,
      %get3A_431 = vector.shape_cast %get3A_430 : vector<1x16xf32> to vector<16xf32>
      %get3A_432 = arith.index_cast %rem3A_65 : i32 to index
      %get3A_433 = arith.constant 416 : index
      %get3A_434 = tpu.vector_load %arg7[%get3A_432, %get3A_433] {strides = array<i32>} : memref<77x768xf32, #tpu.memory_space<vmem>>, vector<1x16xf32>,
      %get3A_435 = vector.shape_cast %get3A_434 : vector<1x16xf32> to vector<16xf32>
      %add3A_436 = arith.addf %get3A_431, %get3A_435 : vector<16xf32>
      %swap3A_437 = arith.index_cast %scan3A_61 : i32 to index
      %swap3A_438 = arith.constant 416 : index
      %swap3A_439 = tpu.vector_load %arg8[%swap3A_437, %swap3A_438] {strides = array<i32>} : memref<16x768xf32, #tpu.memory_space<vmem>>, vector<1x16xf32>,
      %swap3A_440 = vector.shape_cast %swap3A_439 : vector<1x16xf32> to vector<16xf32>
      %swap3A_441 = vector.shape_cast %add3A_436 : vector<16xf32> to vector<1x16xf32>
      tpu.vector_store %arg8[%swap3A_437, %swap3A_438], %swap3A_441 {strides = array<i32>} : memref<16x768xf32, #tpu.memory_space<vmem>>, vector<1x16xf32>,
      %get3A_442 = arith.index_cast %scan3A_61 : i32 to index
      %get3A_443 = arith.constant 432 : index
      %get3A_444 = tpu.vector_load %arg8[%get3A_442, %get3A_443] {strides = array<i32>} : memref<16x768xf32, #tpu.memory_space<vmem>>, vector<1x16xf32>,
      %get3A_445 = vector.shape_cast %get3A_444 : vector<1x16xf32> to vector<16xf32>
      %get3A_446 = arith.index_cast %rem3A_65 : i32 to index
      %get3A_447 = arith.constant 432 : index
      %get3A_448 = tpu.vector_load %arg7[%get3A_446, %get3A_447] {strides = array<i32>} : memref<77x768xf32, #tpu.memory_space<vmem>>, vector<1x16xf32>,
      %get3A_449 = vector.shape_cast %get3A_448 : vector<1x16xf32> to vector<16xf32>
      %add3A_450 = arith.addf %get3A_445, %get3A_449 : vector<16xf32>
      %swap3A_451 = arith.index_cast %scan3A_61 : i32 to index
      %swap3A_452 = arith.constant 432 : index
      %swap3A_453 = tpu.vector_load %arg8[%swap3A_451, %swap3A_452] {strides = array<i32>} : memref<16x768xf32, #tpu.memory_space<vmem>>, vector<1x16xf32>,
      %swap3A_454 = vector.shape_cast %swap3A_453 : vector<1x16xf32> to vector<16xf32>
      %swap3A_455 = vector.shape_cast %add3A_450 : vector<16xf32> to vector<1x16xf32>
      tpu.vector_store %arg8[%swap3A_451, %swap3A_452], %swap3A_455 {strides = array<i32>} : memref<16x768xf32, #tpu.memory_space<vmem>>, vector<1x16xf32>,
      %get3A_456 = arith.index_cast %scan3A_61 : i32 to index
      %get3A_457 = arith.constant 448 : index
      %get3A_458 = tpu.vector_load %arg8[%get3A_456, %get3A_457] {strides = array<i32>} : memref<16x768xf32, #tpu.memory_space<vmem>>, vector<1x16xf32>,
      %get3A_459 = vector.shape_cast %get3A_458 : vector<1x16xf32> to vector<16xf32>
      %get3A_460 = arith.index_cast %rem3A_65 : i32 to index
      %get3A_461 = arith.constant 448 : index
      %get3A_462 = tpu.vector_load %arg7[%get3A_460, %get3A_461] {strides = array<i32>} : memref<77x768xf32, #tpu.memory_space<vmem>>, vector<1x16xf32>,
      %get3A_463 = vector.shape_cast %get3A_462 : vector<1x16xf32> to vector<16xf32>
      %add3A_464 = arith.addf %get3A_459, %get3A_463 : vector<16xf32>
      %swap3A_465 = arith.index_cast %scan3A_61 : i32 to index
      %swap3A_466 = arith.constant 448 : index
      %swap3A_467 = tpu.vector_load %arg8[%swap3A_465, %swap3A_466] {strides = array<i32>} : memref<16x768xf32, #tpu.memory_space<vmem>>, vector<1x16xf32>,
      %swap3A_468 = vector.shape_cast %swap3A_467 : vector<1x16xf32> to vector<16xf32>
      %swap3A_469 = vector.shape_cast %add3A_464 : vector<16xf32> to vector<1x16xf32>
      tpu.vector_store %arg8[%swap3A_465, %swap3A_466], %swap3A_469 {strides = array<i32>} : memref<16x768xf32, #tpu.memory_space<vmem>>, vector<1x16xf32>,
      %get3A_470 = arith.index_cast %scan3A_61 : i32 to index
      %get3A_471 = arith.constant 464 : index
      %get3A_472 = tpu.vector_load %arg8[%get3A_470, %get3A_471] {strides = array<i32>} : memref<16x768xf32, #tpu.memory_space<vmem>>, vector<1x16xf32>,
      %get3A_473 = vector.shape_cast %get3A_472 : vector<1x16xf32> to vector<16xf32>
      %get3A_474 = arith.index_cast %rem3A_65 : i32 to index
      %get3A_475 = arith.constant 464 : index
      %get3A_476 = tpu.vector_load %arg7[%get3A_474, %get3A_475] {strides = array<i32>} : memref<77x768xf32, #tpu.memory_space<vmem>>, vector<1x16xf32>,
      %get3A_477 = vector.shape_cast %get3A_476 : vector<1x16xf32> to vector<16xf32>
      %add3A_478 = arith.addf %get3A_473, %get3A_477 : vector<16xf32>
      %swap3A_479 = arith.index_cast %scan3A_61 : i32 to index
      %swap3A_480 = arith.constant 464 : index
      %swap3A_481 = tpu.vector_load %arg8[%swap3A_479, %swap3A_480] {strides = array<i32>} : memref<16x768xf32, #tpu.memory_space<vmem>>, vector<1x16xf32>,
      %swap3A_482 = vector.shape_cast %swap3A_481 : vector<1x16xf32> to vector<16xf32>
      %swap3A_483 = vector.shape_cast %add3A_478 : vector<16xf32> to vector<1x16xf32>
      tpu.vector_store %arg8[%swap3A_479, %swap3A_480], %swap3A_483 {strides = array<i32>} : memref<16x768xf32, #tpu.memory_space<vmem>>, vector<1x16xf32>,
      %get3A_484 = arith.index_cast %scan3A_61 : i32 to index
      %get3A_485 = arith.constant 480 : index
      %get3A_486 = tpu.vector_load %arg8[%get3A_484, %get3A_485] {strides = array<i32>} : memref<16x768xf32, #tpu.memory_space<vmem>>, vector<1x16xf32>,
      %get3A_487 = vector.shape_cast %get3A_486 : vector<1x16xf32> to vector<16xf32>
      %get3A_488 = arith.index_cast %rem3A_65 : i32 to index
      %get3A_489 = arith.constant 480 : index
      %get3A_490 = tpu.vector_load %arg7[%get3A_488, %get3A_489] {strides = array<i32>} : memref<77x768xf32, #tpu.memory_space<vmem>>, vector<1x16xf32>,
      %get3A_491 = vector.shape_cast %get3A_490 : vector<1x16xf32> to vector<16xf32>
      %add3A_492 = arith.addf %get3A_487, %get3A_491 : vector<16xf32>
      %swap3A_493 = arith.index_cast %scan3A_61 : i32 to index
      %swap3A_494 = arith.constant 480 : index
      %swap3A_495 = tpu.vector_load %arg8[%swap3A_493, %swap3A_494] {strides = array<i32>} : memref<16x768xf32, #tpu.memory_space<vmem>>, vector<1x16xf32>,
      %swap3A_496 = vector.shape_cast %swap3A_495 : vector<1x16xf32> to vector<16xf32>
      %swap3A_497 = vector.shape_cast %add3A_492 : vector<16xf32> to vector<1x16xf32>
      tpu.vector_store %arg8[%swap3A_493, %swap3A_494], %swap3A_497 {strides = array<i32>} : memref<16x768xf32, #tpu.memory_space<vmem>>, vector<1x16xf32>,
      %get3A_498 = arith.index_cast %scan3A_61 : i32 to index
      %get3A_499 = arith.constant 496 : index
      %get3A_500 = tpu.vector_load %arg8[%get3A_498, %get3A_499] {strides = array<i32>} : memref<16x768xf32, #tpu.memory_space<vmem>>, vector<1x16xf32>,
      %get3A_501 = vector.shape_cast %get3A_500 : vector<1x16xf32> to vector<16xf32>
      %get3A_502 = arith.index_cast %rem3A_65 : i32 to index
      %get3A_503 = arith.constant 496 : index
      %get3A_504 = tpu.vector_load %arg7[%get3A_502, %get3A_503] {strides = array<i32>} : memref<77x768xf32, #tpu.memory_space<vmem>>, vector<1x16xf32>,
      %get3A_505 = vector.shape_cast %get3A_504 : vector<1x16xf32> to vector<16xf32>
      %add3A_506 = arith.addf %get3A_501, %get3A_505 : vector<16xf32>
      %swap3A_507 = arith.index_cast %scan3A_61 : i32 to index
      %swap3A_508 = arith.constant 496 : index
      %swap3A_509 = tpu.vector_load %arg8[%swap3A_507, %swap3A_508] {strides = array<i32>} : memref<16x768xf32, #tpu.memory_space<vmem>>, vector<1x16xf32>,
      %swap3A_510 = vector.shape_cast %swap3A_509 : vector<1x16xf32> to vector<16xf32>
      %swap3A_511 = vector.shape_cast %add3A_506 : vector<16xf32> to vector<1x16xf32>
      tpu.vector_store %arg8[%swap3A_507, %swap3A_508], %swap3A_511 {strides = array<i32>} : memref<16x768xf32, #tpu.memory_space<vmem>>, vector<1x16xf32>,
      %get3A_512 = arith.index_cast %scan3A_61 : i32 to index
      %get3A_513 = arith.constant 512 : index
      %get3A_514 = tpu.vector_load %arg8[%get3A_512, %get3A_513] {strides = array<i32>} : memref<16x768xf32, #tpu.memory_space<vmem>>, vector<1x16xf32>,
      %get3A_515 = vector.shape_cast %get3A_514 : vector<1x16xf32> to vector<16xf32>
      %get3A_516 = arith.index_cast %rem3A_65 : i32 to index
      %get3A_517 = arith.constant 512 : index
      %get3A_518 = tpu.vector_load %arg7[%get3A_516, %get3A_517] {strides = array<i32>} : memref<77x768xf32, #tpu.memory_space<vmem>>, vector<1x16xf32>,
      %get3A_519 = vector.shape_cast %get3A_518 : vector<1x16xf32> to vector<16xf32>
      %add3A_520 = arith.addf %get3A_515, %get3A_519 : vector<16xf32>
      %swap3A_521 = arith.index_cast %scan3A_61 : i32 to index
      %swap3A_522 = arith.constant 512 : index
      %swap3A_523 = tpu.vector_load %arg8[%swap3A_521, %swap3A_522] {strides = array<i32>} : memref<16x768xf32, #tpu.memory_space<vmem>>, vector<1x16xf32>,
      %swap3A_524 = vector.shape_cast %swap3A_523 : vector<1x16xf32> to vector<16xf32>
      %swap3A_525 = vector.shape_cast %add3A_520 : vector<16xf32> to vector<1x16xf32>
      tpu.vector_store %arg8[%swap3A_521, %swap3A_522], %swap3A_525 {strides = array<i32>} : memref<16x768xf32, #tpu.memory_space<vmem>>, vector<1x16xf32>,
      %get3A_526 = arith.index_cast %scan3A_61 : i32 to index
      %get3A_527 = arith.constant 528 : index
      %get3A_528 = tpu.vector_load %arg8[%get3A_526, %get3A_527] {strides = array<i32>} : memref<16x768xf32, #tpu.memory_space<vmem>>, vector<1x16xf32>,
      %get3A_529 = vector.shape_cast %get3A_528 : vector<1x16xf32> to vector<16xf32>
      %get3A_530 = arith.index_cast %rem3A_65 : i32 to index
      %get3A_531 = arith.constant 528 : index
      %get3A_532 = tpu.vector_load %arg7[%get3A_530, %get3A_531] {strides = array<i32>} : memref<77x768xf32, #tpu.memory_space<vmem>>, vector<1x16xf32>,
      %get3A_533 = vector.shape_cast %get3A_532 : vector<1x16xf32> to vector<16xf32>
      %add3A_534 = arith.addf %get3A_529, %get3A_533 : vector<16xf32>
      %swap3A_535 = arith.index_cast %scan3A_61 : i32 to index
      %swap3A_536 = arith.constant 528 : index
      %swap3A_537 = tpu.vector_load %arg8[%swap3A_535, %swap3A_536] {strides = array<i32>} : memref<16x768xf32, #tpu.memory_space<vmem>>, vector<1x16xf32>,
      %swap3A_538 = vector.shape_cast %swap3A_537 : vector<1x16xf32> to vector<16xf32>
      %swap3A_539 = vector.shape_cast %add3A_534 : vector<16xf32> to vector<1x16xf32>
      tpu.vector_store %arg8[%swap3A_535, %swap3A_536], %swap3A_539 {strides = array<i32>} : memref<16x768xf32, #tpu.memory_space<vmem>>, vector<1x16xf32>,
      %get3A_540 = arith.index_cast %scan3A_61 : i32 to index
      %get3A_541 = arith.constant 544 : index
      %get3A_542 = tpu.vector_load %arg8[%get3A_540, %get3A_541] {strides = array<i32>} : memref<16x768xf32, #tpu.memory_space<vmem>>, vector<1x16xf32>,
      %get3A_543 = vector.shape_cast %get3A_542 : vector<1x16xf32> to vector<16xf32>
      %get3A_544 = arith.index_cast %rem3A_65 : i32 to index
      %get3A_545 = arith.constant 544 : index
      %get3A_546 = tpu.vector_load %arg7[%get3A_544, %get3A_545] {strides = array<i32>} : memref<77x768xf32, #tpu.memory_space<vmem>>, vector<1x16xf32>,
      %get3A_547 = vector.shape_cast %get3A_546 : vector<1x16xf32> to vector<16xf32>
      %add3A_548 = arith.addf %get3A_543, %get3A_547 : vector<16xf32>
      %swap3A_549 = arith.index_cast %scan3A_61 : i32 to index
      %swap3A_550 = arith.constant 544 : index
      %swap3A_551 = tpu.vector_load %arg8[%swap3A_549, %swap3A_550] {strides = array<i32>} : memref<16x768xf32, #tpu.memory_space<vmem>>, vector<1x16xf32>,
      %swap3A_552 = vector.shape_cast %swap3A_551 : vector<1x16xf32> to vector<16xf32>
      %swap3A_553 = vector.shape_cast %add3A_548 : vector<16xf32> to vector<1x16xf32>
      tpu.vector_store %arg8[%swap3A_549, %swap3A_550], %swap3A_553 {strides = array<i32>} : memref<16x768xf32, #tpu.memory_space<vmem>>, vector<1x16xf32>,
      %get3A_554 = arith.index_cast %scan3A_61 : i32 to index
      %get3A_555 = arith.constant 560 : index
      %get3A_556 = tpu.vector_load %arg8[%get3A_554, %get3A_555] {strides = array<i32>} : memref<16x768xf32, #tpu.memory_space<vmem>>, vector<1x16xf32>,
      %get3A_557 = vector.shape_cast %get3A_556 : vector<1x16xf32> to vector<16xf32>
      %get3A_558 = arith.index_cast %rem3A_65 : i32 to index
      %get3A_559 = arith.constant 560 : index
      %get3A_560 = tpu.vector_load %arg7[%get3A_558, %get3A_559] {strides = array<i32>} : memref<77x768xf32, #tpu.memory_space<vmem>>, vector<1x16xf32>,
      %get3A_561 = vector.shape_cast %get3A_560 : vector<1x16xf32> to vector<16xf32>
      %add3A_562 = arith.addf %get3A_557, %get3A_561 : vector<16xf32>
      %swap3A_563 = arith.index_cast %scan3A_61 : i32 to index
      %swap3A_564 = arith.constant 560 : index
      %swap3A_565 = tpu.vector_load %arg8[%swap3A_563, %swap3A_564] {strides = array<i32>} : memref<16x768xf32, #tpu.memory_space<vmem>>, vector<1x16xf32>,
      %swap3A_566 = vector.shape_cast %swap3A_565 : vector<1x16xf32> to vector<16xf32>
      %swap3A_567 = vector.shape_cast %add3A_562 : vector<16xf32> to vector<1x16xf32>
      tpu.vector_store %arg8[%swap3A_563, %swap3A_564], %swap3A_567 {strides = array<i32>} : memref<16x768xf32, #tpu.memory_space<vmem>>, vector<1x16xf32>,
      %get3A_568 = arith.index_cast %scan3A_61 : i32 to index
      %get3A_569 = arith.constant 576 : index
      %get3A_570 = tpu.vector_load %arg8[%get3A_568, %get3A_569] {strides = array<i32>} : memref<16x768xf32, #tpu.memory_space<vmem>>, vector<1x16xf32>,
      %get3A_571 = vector.shape_cast %get3A_570 : vector<1x16xf32> to vector<16xf32>
      %get3A_572 = arith.index_cast %rem3A_65 : i32 to index
      %get3A_573 = arith.constant 576 : index
      %get3A_574 = tpu.vector_load %arg7[%get3A_572, %get3A_573] {strides = array<i32>} : memref<77x768xf32, #tpu.memory_space<vmem>>, vector<1x16xf32>,
      %get3A_575 = vector.shape_cast %get3A_574 : vector<1x16xf32> to vector<16xf32>
      %add3A_576 = arith.addf %get3A_571, %get3A_575 : vector<16xf32>
      %swap3A_577 = arith.index_cast %scan3A_61 : i32 to index
      %swap3A_578 = arith.constant 576 : index
      %swap3A_579 = tpu.vector_load %arg8[%swap3A_577, %swap3A_578] {strides = array<i32>} : memref<16x768xf32, #tpu.memory_space<vmem>>, vector<1x16xf32>,
      %swap3A_580 = vector.shape_cast %swap3A_579 : vector<1x16xf32> to vector<16xf32>
      %swap3A_581 = vector.shape_cast %add3A_576 : vector<16xf32> to vector<1x16xf32>
      tpu.vector_store %arg8[%swap3A_577, %swap3A_578], %swap3A_581 {strides = array<i32>} : memref<16x768xf32, #tpu.memory_space<vmem>>, vector<1x16xf32>,
      %get3A_582 = arith.index_cast %scan3A_61 : i32 to index
      %get3A_583 = arith.constant 592 : index
      %get3A_584 = tpu.vector_load %arg8[%get3A_582, %get3A_583] {strides = array<i32>} : memref<16x768xf32, #tpu.memory_space<vmem>>, vector<1x16xf32>,
      %get3A_585 = vector.shape_cast %get3A_584 : vector<1x16xf32> to vector<16xf32>
      %get3A_586 = arith.index_cast %rem3A_65 : i32 to index
      %get3A_587 = arith.constant 592 : index
      %get3A_588 = tpu.vector_load %arg7[%get3A_586, %get3A_587] {strides = array<i32>} : memref<77x768xf32, #tpu.memory_space<vmem>>, vector<1x16xf32>,
      %get3A_589 = vector.shape_cast %get3A_588 : vector<1x16xf32> to vector<16xf32>
      %add3A_590 = arith.addf %get3A_585, %get3A_589 : vector<16xf32>
      %swap3A_591 = arith.index_cast %scan3A_61 : i32 to index
      %swap3A_592 = arith.constant 592 : index
      %swap3A_593 = tpu.vector_load %arg8[%swap3A_591, %swap3A_592] {strides = array<i32>} : memref<16x768xf32, #tpu.memory_space<vmem>>, vector<1x16xf32>,
      %swap3A_594 = vector.shape_cast %swap3A_593 : vector<1x16xf32> to vector<16xf32>
      %swap3A_595 = vector.shape_cast %add3A_590 : vector<16xf32> to vector<1x16xf32>
      tpu.vector_store %arg8[%swap3A_591, %swap3A_592], %swap3A_595 {strides = array<i32>} : memref<16x768xf32, #tpu.memory_space<vmem>>, vector<1x16xf32>,
      %get3A_596 = arith.index_cast %scan3A_61 : i32 to index
      %get3A_597 = arith.constant 608 : index
      %get3A_598 = tpu.vector_load %arg8[%get3A_596, %get3A_597] {strides = array<i32>} : memref<16x768xf32, #tpu.memory_space<vmem>>, vector<1x16xf32>,
      %get3A_599 = vector.shape_cast %get3A_598 : vector<1x16xf32> to vector<16xf32>
      %get3A_600 = arith.index_cast %rem3A_65 : i32 to index
      %get3A_601 = arith.constant 608 : index
      %get3A_602 = tpu.vector_load %arg7[%get3A_600, %get3A_601] {strides = array<i32>} : memref<77x768xf32, #tpu.memory_space<vmem>>, vector<1x16xf32>,
      %get3A_603 = vector.shape_cast %get3A_602 : vector<1x16xf32> to vector<16xf32>
      %add3A_604 = arith.addf %get3A_599, %get3A_603 : vector<16xf32>
      %swap3A_605 = arith.index_cast %scan3A_61 : i32 to index
      %swap3A_606 = arith.constant 608 : index
      %swap3A_607 = tpu.vector_load %arg8[%swap3A_605, %swap3A_606] {strides = array<i32>} : memref<16x768xf32, #tpu.memory_space<vmem>>, vector<1x16xf32>,
      %swap3A_608 = vector.shape_cast %swap3A_607 : vector<1x16xf32> to vector<16xf32>
      %swap3A_609 = vector.shape_cast %add3A_604 : vector<16xf32> to vector<1x16xf32>
      tpu.vector_store %arg8[%swap3A_605, %swap3A_606], %swap3A_609 {strides = array<i32>} : memref<16x768xf32, #tpu.memory_space<vmem>>, vector<1x16xf32>,
      %get3A_610 = arith.index_cast %scan3A_61 : i32 to index
      %get3A_611 = arith.constant 624 : index
      %get3A_612 = tpu.vector_load %arg8[%get3A_610, %get3A_611] {strides = array<i32>} : memref<16x768xf32, #tpu.memory_space<vmem>>, vector<1x16xf32>,
      %get3A_613 = vector.shape_cast %get3A_612 : vector<1x16xf32> to vector<16xf32>
      %get3A_614 = arith.index_cast %rem3A_65 : i32 to index
      %get3A_615 = arith.constant 624 : index
      %get3A_616 = tpu.vector_load %arg7[%get3A_614, %get3A_615] {strides = array<i32>} : memref<77x768xf32, #tpu.memory_space<vmem>>, vector<1x16xf32>,
      %get3A_617 = vector.shape_cast %get3A_616 : vector<1x16xf32> to vector<16xf32>
      %add3A_618 = arith.addf %get3A_613, %get3A_617 : vector<16xf32>
      %swap3A_619 = arith.index_cast %scan3A_61 : i32 to index
      %swap3A_620 = arith.constant 624 : index
      %swap3A_621 = tpu.vector_load %arg8[%swap3A_619, %swap3A_620] {strides = array<i32>} : memref<16x768xf32, #tpu.memory_space<vmem>>, vector<1x16xf32>,
      %swap3A_622 = vector.shape_cast %swap3A_621 : vector<1x16xf32> to vector<16xf32>
      %swap3A_623 = vector.shape_cast %add3A_618 : vector<16xf32> to vector<1x16xf32>
      tpu.vector_store %arg8[%swap3A_619, %swap3A_620], %swap3A_623 {strides = array<i32>} : memref<16x768xf32, #tpu.memory_space<vmem>>, vector<1x16xf32>,
      %get3A_624 = arith.index_cast %scan3A_61 : i32 to index
      %get3A_625 = arith.constant 640 : index
      %get3A_626 = tpu.vector_load %arg8[%get3A_624, %get3A_625] {strides = array<i32>} : memref<16x768xf32, #tpu.memory_space<vmem>>, vector<1x16xf32>,
      %get3A_627 = vector.shape_cast %get3A_626 : vector<1x16xf32> to vector<16xf32>
      %get3A_628 = arith.index_cast %rem3A_65 : i32 to index
      %get3A_629 = arith.constant 640 : index
      %get3A_630 = tpu.vector_load %arg7[%get3A_628, %get3A_629] {strides = array<i32>} : memref<77x768xf32, #tpu.memory_space<vmem>>, vector<1x16xf32>,
      %get3A_631 = vector.shape_cast %get3A_630 : vector<1x16xf32> to vector<16xf32>
      %add3A_632 = arith.addf %get3A_627, %get3A_631 : vector<16xf32>
      %swap3A_633 = arith.index_cast %scan3A_61 : i32 to index
      %swap3A_634 = arith.constant 640 : index
      %swap3A_635 = tpu.vector_load %arg8[%swap3A_633, %swap3A_634] {strides = array<i32>} : memref<16x768xf32, #tpu.memory_space<vmem>>, vector<1x16xf32>,
      %swap3A_636 = vector.shape_cast %swap3A_635 : vector<1x16xf32> to vector<16xf32>
      %swap3A_637 = vector.shape_cast %add3A_632 : vector<16xf32> to vector<1x16xf32>
      tpu.vector_store %arg8[%swap3A_633, %swap3A_634], %swap3A_637 {strides = array<i32>} : memref<16x768xf32, #tpu.memory_space<vmem>>, vector<1x16xf32>,
      %get3A_638 = arith.index_cast %scan3A_61 : i32 to index
      %get3A_639 = arith.constant 656 : index
      %get3A_640 = tpu.vector_load %arg8[%get3A_638, %get3A_639] {strides = array<i32>} : memref<16x768xf32, #tpu.memory_space<vmem>>, vector<1x16xf32>,
      %get3A_641 = vector.shape_cast %get3A_640 : vector<1x16xf32> to vector<16xf32>
      %get3A_642 = arith.index_cast %rem3A_65 : i32 to index
      %get3A_643 = arith.constant 656 : index
      %get3A_644 = tpu.vector_load %arg7[%get3A_642, %get3A_643] {strides = array<i32>} : memref<77x768xf32, #tpu.memory_space<vmem>>, vector<1x16xf32>,
      %get3A_645 = vector.shape_cast %get3A_644 : vector<1x16xf32> to vector<16xf32>
      %add3A_646 = arith.addf %get3A_641, %get3A_645 : vector<16xf32>
      %swap3A_647 = arith.index_cast %scan3A_61 : i32 to index
      %swap3A_648 = arith.constant 656 : index
      %swap3A_649 = tpu.vector_load %arg8[%swap3A_647, %swap3A_648] {strides = array<i32>} : memref<16x768xf32, #tpu.memory_space<vmem>>, vector<1x16xf32>,
      %swap3A_650 = vector.shape_cast %swap3A_649 : vector<1x16xf32> to vector<16xf32>
      %swap3A_651 = vector.shape_cast %add3A_646 : vector<16xf32> to vector<1x16xf32>
      tpu.vector_store %arg8[%swap3A_647, %swap3A_648], %swap3A_651 {strides = array<i32>} : memref<16x768xf32, #tpu.memory_space<vmem>>, vector<1x16xf32>,
      %get3A_652 = arith.index_cast %scan3A_61 : i32 to index
      %get3A_653 = arith.constant 672 : index
      %get3A_654 = tpu.vector_load %arg8[%get3A_652, %get3A_653] {strides = array<i32>} : memref<16x768xf32, #tpu.memory_space<vmem>>, vector<1x16xf32>,
      %get3A_655 = vector.shape_cast %get3A_654 : vector<1x16xf32> to vector<16xf32>
      %get3A_656 = arith.index_cast %rem3A_65 : i32 to index
      %get3A_657 = arith.constant 672 : index
      %get3A_658 = tpu.vector_load %arg7[%get3A_656, %get3A_657] {strides = array<i32>} : memref<77x768xf32, #tpu.memory_space<vmem>>, vector<1x16xf32>,
      %get3A_659 = vector.shape_cast %get3A_658 : vector<1x16xf32> to vector<16xf32>
      %add3A_660 = arith.addf %get3A_655, %get3A_659 : vector<16xf32>
      %swap3A_661 = arith.index_cast %scan3A_61 : i32 to index
      %swap3A_662 = arith.constant 672 : index
      %swap3A_663 = tpu.vector_load %arg8[%swap3A_661, %swap3A_662] {strides = array<i32>} : memref<16x768xf32, #tpu.memory_space<vmem>>, vector<1x16xf32>,
      %swap3A_664 = vector.shape_cast %swap3A_663 : vector<1x16xf32> to vector<16xf32>
      %swap3A_665 = vector.shape_cast %add3A_660 : vector<16xf32> to vector<1x16xf32>
      tpu.vector_store %arg8[%swap3A_661, %swap3A_662], %swap3A_665 {strides = array<i32>} : memref<16x768xf32, #tpu.memory_space<vmem>>, vector<1x16xf32>,
      %get3A_666 = arith.index_cast %scan3A_61 : i32 to index
      %get3A_667 = arith.constant 688 : index
      %get3A_668 = tpu.vector_load %arg8[%get3A_666, %get3A_667] {strides = array<i32>} : memref<16x768xf32, #tpu.memory_space<vmem>>, vector<1x16xf32>,
      %get3A_669 = vector.shape_cast %get3A_668 : vector<1x16xf32> to vector<16xf32>
      %get3A_670 = arith.index_cast %rem3A_65 : i32 to index
      %get3A_671 = arith.constant 688 : index
      %get3A_672 = tpu.vector_load %arg7[%get3A_670, %get3A_671] {strides = array<i32>} : memref<77x768xf32, #tpu.memory_space<vmem>>, vector<1x16xf32>,
      %get3A_673 = vector.shape_cast %get3A_672 : vector<1x16xf32> to vector<16xf32>
      %add3A_674 = arith.addf %get3A_669, %get3A_673 : vector<16xf32>
      %swap3A_675 = arith.index_cast %scan3A_61 : i32 to index
      %swap3A_676 = arith.constant 688 : index
      %swap3A_677 = tpu.vector_load %arg8[%swap3A_675, %swap3A_676] {strides = array<i32>} : memref<16x768xf32, #tpu.memory_space<vmem>>, vector<1x16xf32>,
      %swap3A_678 = vector.shape_cast %swap3A_677 : vector<1x16xf32> to vector<16xf32>
      %swap3A_679 = vector.shape_cast %add3A_674 : vector<16xf32> to vector<1x16xf32>
      tpu.vector_store %arg8[%swap3A_675, %swap3A_676], %swap3A_679 {strides = array<i32>} : memref<16x768xf32, #tpu.memory_space<vmem>>, vector<1x16xf32>,
      %get3A_680 = arith.index_cast %scan3A_61 : i32 to index
      %get3A_681 = arith.constant 704 : index
      %get3A_682 = tpu.vector_load %arg8[%get3A_680, %get3A_681] {strides = array<i32>} : memref<16x768xf32, #tpu.memory_space<vmem>>, vector<1x16xf32>,
      %get3A_683 = vector.shape_cast %get3A_682 : vector<1x16xf32> to vector<16xf32>
      %get3A_684 = arith.index_cast %rem3A_65 : i32 to index
      %get3A_685 = arith.constant 704 : index
      %get3A_686 = tpu.vector_load %arg7[%get3A_684, %get3A_685] {strides = array<i32>} : memref<77x768xf32, #tpu.memory_space<vmem>>, vector<1x16xf32>,
      %get3A_687 = vector.shape_cast %get3A_686 : vector<1x16xf32> to vector<16xf32>
      %add3A_688 = arith.addf %get3A_683, %get3A_687 : vector<16xf32>
      %swap3A_689 = arith.index_cast %scan3A_61 : i32 to index
      %swap3A_690 = arith.constant 704 : index
      %swap3A_691 = tpu.vector_load %arg8[%swap3A_689, %swap3A_690] {strides = array<i32>} : memref<16x768xf32, #tpu.memory_space<vmem>>, vector<1x16xf32>,
      %swap3A_692 = vector.shape_cast %swap3A_691 : vector<1x16xf32> to vector<16xf32>
      %swap3A_693 = vector.shape_cast %add3A_688 : vector<16xf32> to vector<1x16xf32>
      tpu.vector_store %arg8[%swap3A_689, %swap3A_690], %swap3A_693 {strides = array<i32>} : memref<16x768xf32, #tpu.memory_space<vmem>>, vector<1x16xf32>,
      %get3A_694 = arith.index_cast %scan3A_61 : i32 to index
      %get3A_695 = arith.constant 720 : index
      %get3A_696 = tpu.vector_load %arg8[%get3A_694, %get3A_695] {strides = array<i32>} : memref<16x768xf32, #tpu.memory_space<vmem>>, vector<1x16xf32>,
      %get3A_697 = vector.shape_cast %get3A_696 : vector<1x16xf32> to vector<16xf32>
      %get3A_698 = arith.index_cast %rem3A_65 : i32 to index
      %get3A_699 = arith.constant 720 : index
      %get3A_700 = tpu.vector_load %arg7[%get3A_698, %get3A_699] {strides = array<i32>} : memref<77x768xf32, #tpu.memory_space<vmem>>, vector<1x16xf32>,
      %get3A_701 = vector.shape_cast %get3A_700 : vector<1x16xf32> to vector<16xf32>
      %add3A_702 = arith.addf %get3A_697, %get3A_701 : vector<16xf32>
      %swap3A_703 = arith.index_cast %scan3A_61 : i32 to index
      %swap3A_704 = arith.constant 720 : index
      %swap3A_705 = tpu.vector_load %arg8[%swap3A_703, %swap3A_704] {strides = array<i32>} : memref<16x768xf32, #tpu.memory_space<vmem>>, vector<1x16xf32>,
      %swap3A_706 = vector.shape_cast %swap3A_705 : vector<1x16xf32> to vector<16xf32>
      %swap3A_707 = vector.shape_cast %add3A_702 : vector<16xf32> to vector<1x16xf32>
      tpu.vector_store %arg8[%swap3A_703, %swap3A_704], %swap3A_707 {strides = array<i32>} : memref<16x768xf32, #tpu.memory_space<vmem>>, vector<1x16xf32>,
      %get3A_708 = arith.index_cast %scan3A_61 : i32 to index
      %get3A_709 = arith.constant 736 : index
      %get3A_710 = tpu.vector_load %arg8[%get3A_708, %get3A_709] {strides = array<i32>} : memref<16x768xf32, #tpu.memory_space<vmem>>, vector<1x16xf32>,
      %get3A_711 = vector.shape_cast %get3A_710 : vector<1x16xf32> to vector<16xf32>
      %get3A_712 = arith.index_cast %rem3A_65 : i32 to index
      %get3A_713 = arith.constant 736 : index
      %get3A_714 = tpu.vector_load %arg7[%get3A_712, %get3A_713] {strides = array<i32>} : memref<77x768xf32, #tpu.memory_space<vmem>>, vector<1x16xf32>,
      %get3A_715 = vector.shape_cast %get3A_714 : vector<1x16xf32> to vector<16xf32>
      %add3A_716 = arith.addf %get3A_711, %get3A_715 : vector<16xf32>
      %swap3A_717 = arith.index_cast %scan3A_61 : i32 to index
      %swap3A_718 = arith.constant 736 : index
      %swap3A_719 = tpu.vector_load %arg8[%swap3A_717, %swap3A_718] {strides = array<i32>} : memref<16x768xf32, #tpu.memory_space<vmem>>, vector<1x16xf32>,
      %swap3A_720 = vector.shape_cast %swap3A_719 : vector<1x16xf32> to vector<16xf32>
      %swap3A_721 = vector.shape_cast %add3A_716 : vector<16xf32> to vector<1x16xf32>
      tpu.vector_store %arg8[%swap3A_717, %swap3A_718], %swap3A_721 {strides = array<i32>} : memref<16x768xf32, #tpu.memory_space<vmem>>, vector<1x16xf32>,
      %get3A_722 = arith.index_cast %scan3A_61 : i32 to index
      %get3A_723 = arith.constant 752 : index
      %get3A_724 = tpu.vector_load %arg8[%get3A_722, %get3A_723] {strides = array<i32>} : memref<16x768xf32, #tpu.memory_space<vmem>>, vector<1x16xf32>,
      %get3A_725 = vector.shape_cast %get3A_724 : vector<1x16xf32> to vector<16xf32>
      %get3A_726 = arith.index_cast %rem3A_65 : i32 to index
      %get3A_727 = arith.constant 752 : index
      %get3A_728 = tpu.vector_load %arg7[%get3A_726, %get3A_727] {strides = array<i32>} : memref<77x768xf32, #tpu.memory_space<vmem>>, vector<1x16xf32>,
      %get3A_729 = vector.shape_cast %get3A_728 : vector<1x16xf32> to vector<16xf32>
      %add3A_730 = arith.addf %get3A_725, %get3A_729 : vector<16xf32>
      %swap3A_731 = arith.index_cast %scan3A_61 : i32 to index
      %swap3A_732 = arith.constant 752 : index
      %swap3A_733 = tpu.vector_load %arg8[%swap3A_731, %swap3A_732] {strides = array<i32>} : memref<16x768xf32, #tpu.memory_space<vmem>>, vector<1x16xf32>,
      %swap3A_734 = vector.shape_cast %swap3A_733 : vector<1x16xf32> to vector<16xf32>
      %swap3A_735 = vector.shape_cast %add3A_730 : vector<16xf32> to vector<1x16xf32>
      tpu.vector_store %arg8[%swap3A_731, %swap3A_732], %swap3A_735 {strides = array<i32>} : memref<16x768xf32, #tpu.memory_space<vmem>>, vector<1x16xf32>,
    }
    %scan3A_33 = arith.constant 16 : i32
    %mul3A_34 = arith.constant 153 : i32
    %mul3A_35 = arith.constant 16 : i32
    %mul3A_36 = arith.muli %mul3A_34, %mul3A_35 : i32
    %add3A_37 = arith.addi %mul3A_2, %mul3A_36 : i32
    %dma_start3A_38 = arith.constant 0 : i32
    %dma_start3A_39 = tpu.memref_slice %arg5[%add3A_37, %dma_start3A_38] : memref<78848x768xf32, #tpu.memory_space<hbm>> -> memref<16x768xf32, #tpu.memory_space<hbm>>
    %dma_start3A_40 = arith.constant 0 : i32
    %dma_start3A_41 = tpu.memref_slice %arg5[%add3A_37, %dma_start3A_40] : memref<78848x768xf32, #tpu.memory_space<hbm>> -> memref<16x768xf32, #tpu.memory_space<hbm>>
    tpu.enqueue_dma source(%arg8 : memref<16x768xf32, #tpu.memory_space<vmem>>) target(%dma_start3A_41 : memref<16x768xf32, #tpu.memory_space<hbm>>) target_semaphore(%arg14 : memref<!tpu.dma_semaphore, #tpu.memory_space<semaphore_mem>>)
    %sub3A = arith.constant 153 : i32
    %sub3A_42 = arith.constant 1 : i32
    %sub3A_43 = arith.subi %sub3A, %sub3A_42 : i32
    %ge3A = arith.constant 153 : i32
    %ge3A_44 = arith.constant 1 : i32
    %ge3A_45 = arith.cmpi sge, %ge3A, %ge3A_44 : i32
    %convert_element_type3A = arith.extui %ge3A_45 : i1 to i32
    %cond3A = arith.constant 0 : i32
    %cond3A_46 = arith.cmpi ne, %convert_element_type3A, %cond3A : i32
    scf.if %cond3A_46 {
      %mul3A_61 = arith.constant 16 : i32
      %mul3A_62 = arith.muli %sub3A_43, %mul3A_61 : i32
      %add3A_63 = arith.addi %mul3A_2, %mul3A_62 : i32
      %dma_wait3A_64 = arith.constant 0 : i32
      %dma_wait3A_65 = tpu.memref_slice %arg5[%add3A_63, %dma_wait3A_64] : memref<78848x768xf32, #tpu.memory_space<hbm>> -> memref<16x768xf32, #tpu.memory_space<hbm>>
      %dma_wait3A_66 = arith.constant 0 : i32
      %dma_wait3A_67 = tpu.memref_slice %arg5[%add3A_63, %dma_wait3A_66] : memref<78848x768xf32, #tpu.memory_space<hbm>> -> memref<16x768xf32, #tpu.memory_space<hbm>>
      tpu.wait_dma2 semaphore(%arg16 : memref<!tpu.dma_semaphore, #tpu.memory_space<semaphore_mem>>) src(%arg10 : memref<16x768xf32, #tpu.memory_space<vmem>>) dst(%dma_wait3A_67 : memref<16x768xf32, #tpu.memory_space<hbm>>)
    } else {
    }
    %add3A_47 = arith.constant 153 : i32
    %add3A_48 = arith.constant 2 : i32
    %add3A_49 = arith.addi %add3A_47, %add3A_48 : i32
    %le3A = arith.constant 153 : i32
    %le3A_50 = arith.cmpi sle, %add3A_49, %le3A : i32
    %convert_element_type3A_51 = arith.extui %le3A_50 : i1 to i32
    %cond3A_52 = arith.constant 153 : i32
    %cond3A_53 = arith.constant 0 : i32
    %cond3A_54 = arith.cmpi ne, %convert_element_type3A_51, %cond3A_53 : i32
    scf.if %cond3A_54 {
      %add3A_61 = arith.constant 2 : i32
      %add3A_62 = arith.addi %cond3A_52, %add3A_61 : i32
      %min3A = arith.constant 153 : i32
      %min3A_63 = arith.minsi %add3A_62, %min3A : i32
      %dma_start3A_64 = arith.constant 0 : i32
      %dma_start3A_65 = tpu.memref_slice %arg6[%min3A_63, %dma_start3A_64] : memref<154x16xi32, #tpu.memory_space<vmem>> -> memref<1x16xi32, #tpu.memory_space<vmem>>
      %dma_start3A_66 = tpu.memref_squeeze %dma_start3A_65 : memref<1x16xi32, #tpu.memory_space<vmem>> -> memref<16xi32, #tpu.memory_space<vmem>>
      %dma_start3A_67 = arith.constant 0 : i32
      %dma_start3A_68 = arith.constant 0 : i32
      %dma_start3A_69 = tpu.memref_slice %arg2[%dma_start3A_67, %dma_start3A_68] : memref<49408x768xf32, #tpu.memory_space<hbm>> -> memref<49408x768xf32, #tpu.memory_space<hbm>>
      tpu.enqueue_indirect_dma source(%dma_start3A_69 : memref<49408x768xf32, #tpu.memory_space<hbm>>) target(%arg10 : memref<16x768xf32, #tpu.memory_space<vmem>>) offsets(%dma_start3A_66 : memref<16xi32, #tpu.memory_space<vmem>>) semaphore(%arg13 : memref<!tpu.dma_semaphore, #tpu.memory_space<semaphore_mem>>)
    } else {
    }
    %add3A_55 = arith.constant 2448 : i32
    %add3A_56 = arith.addi %mul3A_2, %add3A_55 : i32
    %dma_wait3A_57 = arith.constant 0 : i32
    %dma_wait3A_58 = tpu.memref_slice %arg5[%add3A_56, %dma_wait3A_57] : memref<78848x768xf32, #tpu.memory_space<hbm>> -> memref<16x768xf32, #tpu.memory_space<hbm>>
    %dma_wait3A_59 = arith.constant 0 : i32
    %dma_wait3A_60 = tpu.memref_slice %arg5[%add3A_56, %dma_wait3A_59] : memref<78848x768xf32, #tpu.memory_space<hbm>> -> memref<16x768xf32, #tpu.memory_space<hbm>>
    tpu.wait_dma2 semaphore(%arg14 : memref<!tpu.dma_semaphore, #tpu.memory_space<semaphore_mem>>) src(%arg8 : memref<16x768xf32, #tpu.memory_space<vmem>>) dst(%dma_wait3A_60 : memref<16x768xf32, #tpu.memory_space<hbm>>)
    return
  }
}

</mosaic_0001>

<sc_bundles>
// kernel: _run.3.cloned.1.call-start
scs
__scs_entry_jumppad:
0x0: {  	(pc) =	sbr.rel $0x88, $3  }
0x1: {  	(tag) =	ssettag $0x0;
	lr =	simm.s32 $0x1  }
0x2: {  	[smem:$0x3F9E] =	sst lr;
	_ =	strace $0xD0000000  }
0x3: {  	_ = 	snop  }
0x4: {  	_ = 	snop  }
0x5: {  	_ = 	snop  }
0x6: {  	_ = 	snop  }
0x7: {  	_ = 	snop  }
__scs_overlays_trampoline_lowered:
0x8: {  	[smem:$0x3FAD] =	sst s0  }
0x9: {  	[smem:$0x3FAE] =	sst s1  }
0xa: {  	[smem:$0x3FAF] =	sst s2  }
0xb: {  	[smem:$0x3FB0] =	sst s3  }
0xc: {  	[smem:$0x3FB1] =	sst s4  }
0xd: {  	[smem:$0x3FB2] =	sst s5  }
0xe: {  	[smem:$0x3FB3] =	sst s6  }
0xf: {  	[smem:$0x3FB4] =	sst s7  }
0x10: {  	[smem:$0x3FB5] =	sst s8  }
0x11: {  	[smem:$0x3FB6] =	sst s9;
	s0 =	simm.s32 @!p0 $0x0  }
0x12: {  	s1 =	sld [smem:$0x3F9C];
	s0 =	simm.s32 @p0 $0x1  }
0x13: {  	[smem:$0x3FB7] =	sst s0;
	s0 =	simm.s32 @!p1 $0x0  }
0x14: {  	s2 =	sld [smem:$0x3F9B];
	s0 =	simm.s32 @p1 $0x1  }
0x15: {  	[smem:$0x3FB8] =	sst s0;
	s0 =	simm.s32 @!p2 $0x0  }
0x16: {  	s3 =	sld [smem:$0x3FDB];
	s0 =	simm.s32 @p2 $0x1  }
0x17: {  	s4 =	simm.s32 $0x1BF5;
	[smem:$0x3FBA] =	sst s0  }
0x18: {  	s0 =	sld [smem:$0x3F9D];
	_ =	swait.ge [sflag:s4], $0x0  }
0x19: {  	s7 =	sld [smem:$0x3F9E]  }
0x1a: {  	s8 =	sadd.s32 $0xFFFFE003, lr  }
0x1b: {  	s9 =	sadd.s32 $0xFFFFFEF7, lr;
	s5 =	simm.s32 $0xFFFFFFFF;
	p2 =	slt.u32 s8, $0xFFFFF086  }
0x1c: {  	p1 =	slt.u32 s9, $0xF7A;
	s5 =	simm.s32 @!p2 $0x0  }
0x1d: {  	s5 =	simm.s32 @p1 $0x1;
	p0 =	seq.s32 s7, s2  }
0x1e: {  	s7 =	smul.u32 @!p0 $0xF7A, s2;
	p2 =	seq.s32 @!p0 s5, $0x0  }
0x1f: {  	s9 =	smul.u32 $0xF7A, s1;
	s8 =	simm.s32 @!p0 $0x1BF5;
	p2 =	por !p2, p0  }
0x20: {  	[sflag:s8] =	ssyncset.s32 @!p0 $0xFFFFF086;
	s6 =	sadd.s32 @!p0 s3, s7;
	s7 =	simm.s32 @!p0 $0x108  }
0x21: {  	s3 =	sadd.s32 s3, s9;
	s6 =	sadd.s32 @!p0 $0x88, s6;
	s7 =	simm.s32 @p2 $0x1082  }
0x22: {  	[simem:s7], [sflag:s8] =	dma.local @!p0 [hbm:s6], $0xF7A  }
0x23: {  	s9 =	sor.u32 $0xD0000000, s2;
	s6 =	simm.s32 $0x108;
	_ =	swait.ge @!p0 [sflag:s8], $0x0  }
0x24: {  	s3 =	sadd.s32 $0x88, s3;
	s6 =	simm.s32 @!p1 $0x1082;
	[sflag:s4] =	ssyncset.s32 $0xFFFFF086  }
0x25: {  	[simem:s6], [sflag:s4] =	dma.local [hbm:s3], $0xF7A  }
0x26: {  	[smem:$0x3F9E] =	sst s1;
	(tag) =	ssettag s2;
	_ =	strace s9  }
0x27: {  	s1 =	sld [smem:$0x3FAE]  }
0x28: {  	s2 =	sld [smem:$0x3FAF]  }
0x29: {  	s4 =	sld [smem:$0x3FB1]  }
0x2a: {  	p0 =	seq.s32 s5, $0x0;
	s5 =	sld [smem:$0x3FB2]  }
0x2b: {  	s6 =	sld [smem:$0x3FB3]  }
0x2c: {  	s7 =	sld [smem:$0x3FB4]  }
0x2d: {  	s3 =	simm.s32 $0x108;
	s8 =	sld [smem:$0x3FB5]  }
0x2e: {  	s3 =	simm.s32 @!p0 $0x1082;
	s9 =	sld [smem:$0x3FB6]  }
0x2f: {  	lr =	sadd.s32 s0, s3;
	s0 =	sld [smem:$0x3FAD]  }
0x30: {  	s3 =	sld [smem:$0x3FB0]  }
0x31: {  	[smem:$0x3FB9] =	sst s10  }
0x32: {  	s10 =	sld [smem:$0x3FB7];
	_ =	sdelay $0x3  }
0x33: {  	p0 =	seq.s32 s10, $0x1;
	s10 =	sld [smem:$0x3FB9];
	_ =	sdelay $0x3  }
0x34: {  	[smem:$0x3FB9] =	sst s10  }
0x35: {  	s10 =	sld [smem:$0x3FB8];
	_ =	sdelay $0x3  }
0x36: {  	p1 =	seq.s32 s10, $0x1;
	s10 =	sld [smem:$0x3FB9];
	_ =	sdelay $0x3  }
0x37: {  	[smem:$0x3FB9] =	sst s10  }
0x38: {  	s10 =	sld [smem:$0x3FBA]  }
0x39: {  	_ = 	snop;
	(pc) =	sbr.ind lr, $3  }
0x3a: {  	_ = 	snop  }
0x3b: {  	_ = 	snop  }
0x3c: {  	p2 =	seq.s32 s10, $0x1;
	s10 =	sld [smem:$0x3FB9]  }
0x3d: {  	_ =	shalt  }
0x3e: {  	_ =	shalt  }
0x3f: {  	_ =	shalt  }
0x40: {  	_ =	shalt  }
0x41: {  	_ =	shalt  }
0x42: {  	_ =	shalt  }
0x43: {  	_ =	shalt  }
0x44: {  	_ =	shalt  }
0x45: {  	_ =	shalt  }
0x46: {  	_ =	shalt  }
0x47: {  	_ =	shalt  }
0x48: {  	_ =	shalt  }
0x49: {  	_ =	shalt  }
0x4a: {  	_ =	shalt  }
0x4b: {  	_ =	shalt  }
0x4c: {  	_ =	shalt  }
0x4d: {  	_ =	shalt  }
0x4e: {  	_ =	shalt  }
0x4f: {  	_ =	shalt  }
0x50: {  	_ =	shalt  }
0x51: {  	_ =	shalt  }
0x52: {  	_ =	shalt  }
0x53: {  	_ =	shalt  }
0x54: {  	_ =	shalt  }
0x55: {  	_ =	shalt  }
0x56: {  	_ =	shalt  }
0x57: {  	_ =	shalt  }
0x58: {  	_ =	shalt  }
0x59: {  	_ =	shalt  }
0x5a: {  	_ =	shalt  }
0x5b: {  	_ =	shalt  }
0x5c: {  	_ =	shalt  }
0x5d: {  	_ =	shalt  }
0x5e: {  	_ =	shalt  }
0x5f: {  	_ =	shalt  }
0x60: {  	_ =	shalt  }
0x61: {  	_ =	shalt  }
0x62: {  	_ =	shalt  }
0x63: {  	_ =	shalt  }
0x64: {  	_ =	shalt  }
0x65: {  	_ =	shalt  }
0x66: {  	_ =	shalt  }
0x67: {  	_ =	shalt  }
0x68: {  	_ =	shalt  }
0x69: {  	_ =	shalt  }
0x6a: {  	_ =	shalt  }
0x6b: {  	_ =	shalt  }
0x6c: {  	_ =	shalt  }
0x6d: {  	_ =	shalt  }
0x6e: {  	_ =	shalt  }
0x6f: {  	_ =	shalt  }
0x70: {  	_ =	shalt  }
0x71: {  	_ =	shalt  }
0x72: {  	_ =	shalt  }
0x73: {  	_ =	shalt  }
0x74: {  	_ =	shalt  }
0x75: {  	_ =	shalt  }
0x76: {  	_ =	shalt  }
0x77: {  	_ =	shalt  }
0x78: {  	_ =	shalt  }
0x79: {  	_ =	shalt  }
0x7a: {  	_ =	shalt  }
0x7b: {  	_ =	shalt  }
0x7c: {  	_ =	shalt  }
0x7d: {  	_ =	shalt  }
0x7e: {  	_ =	shalt  }
0x7f: {  	_ =	shalt  }
0x80: {  	_ =	shalt  }
0x81: {  	_ =	shalt  }
0x82: {  	_ =	shalt  }
0x83: {  	_ =	shalt  }
0x84: {  	_ =	shalt  }
0x85: {  	_ =	shalt  }
0x86: {  	_ =	shalt  }
0x87: {  	_ =	shalt  }
.Lfunc_end0:
.L_simem_size_0:
called_computation_lowered:
.L_overlay_start_0:
0x88: {  	s2 =	sld [smem:$0x3FD9]  }
0x89: {  	s3 =	sld [smem:$0x3FFE];
	_ =	sdelay $0x1  }
0x8a: {  	s1 =	srdreg.scid  }
0x8b: {  	s0 =	sand.u32 $0x1, s1  }
0x8c: {  	s17 =	sshll.u32 s0, $0xA;
	s2 =	sadd.s32 s3, s2  }
0x8d: {  	s2 =	sadd.s32 s2, s17  }
0x8e: {  	[smem:$0x3FC5] =	sst s2  }
0x8f: {  	_ = 	snop  }
0x90: {  	s2 =	sld [smem:$0x3FC9]  }
0x91: {  	s18 =	sld [smem:$0x3FC7]  }
0x92: {  	s4 =	sld [smem:$0x3FD0];
	(tm) =	ssettm $0x1  }
0x93: {  	s5 =	sld [smem:$0x3FFB];
	_ =	sdelay $0x3  }
0x94: {  	_ =	strace s5  }
0x95: {  	s5 =	sld [smem:$0x3FFC];
	_ =	sdelay $0x3  }
0x96: {  	_ =	strace s5  }
0x97: {  	s5 =	sld [smem:$0x3FFD];
	_ =	sdelay $0x3  }
0x98: {  	_ =	strace s5  }
0x99: {  	_ =	strace $0x8FFFFFFF  }
0x9a: {  	s19 =	sld [smem:$0x3FDB];
	_ =	sdelay $0x1  }
0x9b: {  	s6 =	simm.s32 $_scs_section_size  }
0x9c: {  	s7 =	simm.s32 $_size__tile_overlayer_lowered;
	s8 =	simm.s32 $_tile_overlayer_lowered  }
0x9d: {  	s22 =	simm.s32 $0x1BFF;
	s21 =	sshll.u32 s8, $0x1;
	s5 =	sadd.s32 s6, s19  }
0x9e: {  	s9 =	simm.s32 $0x0;
	s20 =	sshll.u32 s7, $0x1;
	s7 =	sadd.s32 s21, s5  }
0x9f: {  	[timem:s9], [sflag:s22] =	dma.local [hbm:s7], s20  }
0xa0: {  	_ =	swait.ge [sflag:s22], s20  }
0xa1: {  	s6 =	ssub.s32 $0x0, s20;
	[sflag:s22] =	ssyncset.done $0x0  }
0xa2: {  	[sflag:s22] =	ssyncadd.s32 s6;
	_ =	sdelay $0x1  }
0xa3: {  	s23 =	simm.s32 $0x1B8B  }
0xa4: {  	_ =	swait.ge [sflag:s23], $0x1  }
0xa5: {  	[sflag:s23] =	ssyncset.done $0x0  }
0xa6: {  	s25 =	simm.s32 $0x1B8E;
	s24 =	sld [smem:$0x3FFE];
	[sflag:s23] =	ssyncadd.s32 $0xFFFFFFFF  }
0xa7: {  	s26 =	simm.s32 $execute0_lowered;
	[smem:$0x3FD2] =	sst s25  }
0xa8: {  	s7 =	sshll.u32 s26, $0x1;
	_ =	strace $0x80000046;
	[dreg:$0x1] =	wrdreg $0xFFFFFFFF  }
0xa9: {  	s28 =	simm.s32 $_size_execute0_lowered;
	s5 =	sadd.s32 s5, s7;
	[dreg:$0x0] =	wrdreg $0x0  }
0xaa: {  	s7 =	sshll.u32 s28, $0x1;
	[dreg:$0x2] =	wrdreg s5  }
0xab: {  	[dreg:$0x3] =	wrdreg s7  }
0xac: {  	[dreg:$0x4] =	wrdreg $0xC0  }
0xad: {  	_ =	task [dreg:s9], $0x5FFFF  }
0xae: {  	[dreg:$0x1] =	wrdreg $0xFFFFFFFF  }
0xaf: {  	[dreg:$0x0] =	wrdreg $0x60  }
0xb0: {  	[dreg:$0x2] =	wrdreg s2  }
0xb1: {  	[dreg:$0x3] =	wrdreg s24  }
0xb2: {  	[dreg:$0x4] =	wrdreg s18  }
0xb3: {  	[dreg:$0x5] =	wrdreg s4  }
0xb4: {  	[dreg:$0x6] =	wrdreg $0x9  }
0xb5: {  	_ =	task.clear_ibuf [dreg:s9], $0x7FFFF;
	_ =	strace $0x90000046  }
0xb6: {  	s29 =	simm.s32 $0x9;
	_ =	strace $0x80000048  }
0xb7: {  	_ =	swait.ge [sflag:s29], $0x1  }
0xb8: {  	[sflag:s29] =	ssyncadd.s32 $0xFFFFFFFF  }
0xb9: {  	_ =	strace $0x90000048  }
0xba: {  	_ =	sfence  }
0xbb: {  	s30 =	sld [smem:$0x0];
	_ =	sdelay $0x2  }
0xbc: {  	s31 =	sshll.u32 s1, $0xD;
	s1 =	sshrl.u32 s1, $0x2  }
0xbd: {  	s3 =	sand.u32 $0x4000, s31;
	s1 =	sadd.s32 s1, s30  }
0xbe: {  	s0 =	sor.u32 s3, s0;
	s1 =	sshll.u32 s1, $0x11  }
0xbf: {  	s0 =	sor.u32 s1, s0  }
0xc0: {  	s0 =	sadd.s32 $0x8F2B, s0  }
0xc1: {  	[sflag:s0] =	ssyncadd.remote.s32 $0x1  }
0xc2: {  	_ =	sfence.sel $0xFFFF  }
0xc3: {  	[dreg:$0x0] =	wrdreg $0xFFFFFFFF;
	(pc) =	sbr.abs _section_cstart, $3  }
0xc4: {  	[dreg:$0x1] =	wrdreg $0xFFFFFFFF  }
0xc5: {  	_ =	task.clear_ibuf [dreg:s9], $0x2FFFF;
	_ =	strace $0x9FFFFFFF  }
0xc6: {  	(tm) =	ssettm $0x7FFFFFFF  }
0xc7: {  	_ =	shalt  }
tec
execute0_lowered:
.L_overlay_start_1:
0x0: {  	(tag) =	ssettag $0x1  }
0x1: {  	s1 =	rddreg [dreg:$0x0]  }
0x2: {  	s0 =	srdreg.scid;
	s2 =	rddreg [dreg:$0x1]  }
0x3: {  	s3 =	stileid.u32;
	s4 =	rddreg [dreg:$0x3]  }
0x4: {  	s6 =	simm.s32 $0x0;
	s14 =	simm.s32 $0x14000;
	s19 =	simm.s32 $0x16800  }
0x5: {  	s20 =	simm.s32 $0x17000;
	s0 =	sand.u32 $0x1, s0;
	s3 =	sshll.u32 s3, $0x1  }
0x6: {  	s26 =	simm.s32 $0x1;
	s28 =	simm.s32 $0x1A000;
	s3 =	sor.u32 s0, s3  }
0x7: {  	s13 =	simm.s32 $0x4;
	s10 =	simm.s32 $0x5;
	s5 =	smul.u32 $0x9A0, s3  }
0x8: {  	[smem:$0x7FF] =	sst s6;
	s9 =	sadd.s32 $0x200, s1;
	s0 =	ssub.s32 $0x2, s0  }
0x9: {  	s3 =	smul.u32 $0xA00, s3;
	s8 =	sshrl.u32 s0, $0x1;
	s7 =	sshrl.u32 s5, $0x3  }
0xa: {  	_ =	strace $0x80000047;
	s0 =	ssub.s32 s0, s8;
	s7 =	smul.u32 $0x300, s7  }
0xb: {  	s8 =	sadd.s32 $0x100, s1;
	s2 =	sadd.s32 s3, s2;
	s0 =	smax.u32 s0, $0x1  }
0xc: {  	v2 =	vlaneseq.u32;
	s2 =	sadd.s32 $0x400, s2;
	[dreg:$0x7] =	wrdreg s0;
	s31 =	sadd.s32 s4, s7  }
0xd: {  	vm0 =	vmmov $0xffff;
	v1 =	vshrl.u32 v2, $0x3;
	s3 =	simm.s32 $0x2;
	[dreg:$0x5] =	wrdreg s2;
	s2 =	sadd.s32 $0x39600, s31  }
0xe: {  	v0 =	vand.u32 $0x7, v2;
	v2 =	vor.u32 $0x8, v2;
	v1 =	vmul.u32 $0x8, v1;
	s7 =	simm.s32 $0x3;
	[dreg:$0x6] =	wrdreg s2;
	s2 =	simm.s32 $0x0  }
.LBB2_1:
0xf: {  	[dreg:$0x8] =	wrdreg s2  }
0x10: {  	s0 =	rddreg [dreg:$0x5];
	s16 =	simm.s32 $0x7  }
0x11: {  	[tilespmem:s6], [sflag:$0x7] =	stream.linear.gather [hbm4b:s0+s6], $0x4D00, $0x38;
	[tilespmem:$0x1D000] =	vst v63  }
0x12: {  	_ =	swait.ge [sflag:s16], $0x4D00  }
0x13: {  	[sflag:s16] =	ssyncset.done $0x0  }
0x14: {  	[sflag:s16] =	ssyncadd.s32 $0xFFFFB300  }
0x15: {  	s11 =	simm.s32 $0x5000;
	s17 =	rddreg [dreg:$0x2]  }
0x16: {  	[tilespmem:s11], [sflag:$0x7] =	stream.linear.gather [hbm4b:s17+s6], $0xF000, $0x38;
	[tilespmem:$0x1D000] =	vst v63  }
0x17: {  	_ =	swait.ge [sflag:s16], $0xF000  }
0x18: {  	[sflag:s16] =	ssyncset.done $0x0  }
0x19: {  	[sflag:s16] =	ssyncadd.s32 $0xFFFF1000  }
0x1a: {  	v3 =	vld [tilespmem:$0x0];
	_ =	sdelay $0x4  }
0x1b: {  	v4 =	vshrl.u32 v3, $0x3  }
0x1c: {  	v4 =	vmul.u32 $0x30, v4  }
0x1d: {  	v3 =	vand.u32 $0x7, v3  }
0x1e: {  	v3 =	vor.u32 v3, v4  }
0x1f: {  	v4 =	vperm.xlane v3, v0;
	_ =	sdelay $0x1  }
0x20: {  	v4 =	vadd.s32 v1, v4;
	_ =	sdelay $0x3  }
0x21: {  	v3 =	vperm.xlane v3, v2  }
0x22: {  	[tilespmem:s14], [sflag:$0x1] =	stream.indirect_vreg.gather [hbm4b:s1+s6], $0x80, v4, vm0, $0xb8;
	[tilespmem:$0x1D000] =	vst v63  }
0x23: {  	s18 =	simm.s32 $0x14800;
	v3 =	vadd.s32 v1, v3  }
0x24: {  	[tilespmem:s18], [sflag:$0x1] =	stream.indirect_vreg.gather [hbm4b:s8+s6], $0x80, v4, vm0, $0xb8;
	[tilespmem:$0x1D000] =	vst v63  }
0x25: {  	s21 =	simm.s32 $0x15000  }
0x26: {  	[tilespmem:s21], [sflag:$0x1] =	stream.indirect_vreg.gather [hbm4b:s9+s6], $0x80, v4, vm0, $0xb8;
	[tilespmem:$0x1D000] =	vst v63  }
0x27: {  	s22 =	simm.s32 $0x15800  }
0x28: {  	[tilespmem:s22], [sflag:$0x1] =	stream.indirect_vreg.gather [hbm4b:s1+s6], $0x80, v3, vm0, $0xb8;
	[tilespmem:$0x1D000] =	vst v63  }
0x29: {  	s23 =	simm.s32 $0x16000  }
0x2a: {  	[tilespmem:s23], [sflag:$0x1] =	stream.indirect_vreg.gather [hbm4b:s8+s6], $0x80, v3, vm0, $0xb8;
	[tilespmem:$0x1D000] =	vst v63  }
0x2b: {  	_ = 	snop  }
0x2c: {  	[tilespmem:s19], [sflag:$0x1] =	stream.indirect_vreg.gather [hbm4b:s9+s6], $0x80, v3, vm0, $0xb8;
	[tilespmem:$0x1D000] =	vst v63  }
0x2d: {  	v3 =	vld [tilespmem:$0x80];
	_ =	sdelay $0x4  }
0x2e: {  	v63 =	vshrl.u32 v3, $0x3  }
0x2f: {  	v4 =	vmul.u32 $0x30, v63  }
0x30: {  	v3 =	vand.u32 $0x7, v3  }
0x31: {  	v3 =	vor.u32 v3, v4  }
0x32: {  	v4 =	vperm.xlane v3, v0;
	_ =	sdelay $0x1  }
0x33: {  	v4 =	vadd.s32 v1, v4;
	_ =	sdelay $0x3  }
0x34: {  	v3 =	vperm.xlane v3, v2  }
0x35: {  	[tilespmem:s20], [sflag:$0x2] =	stream.indirect_vreg.gather [hbm4b:s1+s6], $0x80, v4, vm0, $0xb8;
	[tilespmem:$0x1D000] =	vst v63  }
0x36: {  	s24 =	simm.s32 $0x17800;
	v3 =	vadd.s32 v1, v3  }
0x37: {  	[tilespmem:s24], [sflag:$0x2] =	stream.indirect_vreg.gather [hbm4b:s8+s6], $0x80, v4, vm0, $0xb8;
	[tilespmem:$0x1D000] =	vst v63  }
0x38: {  	s25 =	simm.s32 $0x18000;
	s29 =	simm.s32 $0x18800  }
0x39: {  	[tilespmem:s25], [sflag:$0x2] =	stream.indirect_vreg.gather [hbm4b:s9+s6], $0x80, v4, vm0, $0xb8;
	[tilespmem:$0x1D000] =	vst v63  }
0x3a: {  	s30 =	simm.s32 $0x19000;
	s31 =	simm.s32 $0x19800;
	s2 =	simm.s32 $0x10  }
0x3b: {  	[tilespmem:s29], [sflag:$0x2] =	stream.indirect_vreg.gather [hbm4b:s1+s6], $0x80, v3, vm0, $0xb8;
	[tilespmem:$0x1D000] =	vst v63  }
0x3c: {  	s11 =	simm.s32 $0x800;
	s21 =	simm.s32 $0x20;
	s22 =	simm.s32 $0x1000  }
0x3d: {  	[tilespmem:s30], [sflag:$0x2] =	stream.indirect_vreg.gather [hbm4b:s8+s6], $0x80, v3, vm0, $0xb8;
	[tilespmem:$0x1D000] =	vst v63  }
0x3e: {  	s23 =	simm.s32 $0x0;
	s24 =	simm.s32 $0x0;
	s25 =	simm.s32 $0x0  }
0x3f: {  	[tilespmem:s31], [sflag:$0x2] =	stream.indirect_vreg.gather [hbm4b:s9+s6], $0x80, v3, vm0, $0xb8;
	[tilespmem:$0x1D000] =	vst v63  }
.LBB2_2:
0x40: {  	_ =	swait.ge [sflag:s26], $0x3000  }
0x41: {  	s30 =	smul.u32 $0x30, s25;
	s29 =	simm.s32 $0x0;
	[sflag:s26] =	ssyncset.done $0x0  }
0x42: {  	s31 =	smov.u32 s24;
	s12 =	simm.s32 $0x0;
	[sflag:s26] =	ssyncadd.s32 $0xFFFFD000  }
.LBB2_3:
0x43: {  	s0 =	smulhi.u32 $0x3531DEC1, s31;
	_ =	sdelay $0x1  }
0x44: {  	s0 =	sshrl.u32 s0, $0x4  }
0x45: {  	s15 =	smul.u32 $0x4D, s0;
	_ =	sdelay $0x1  }
0x46: {  	s15 =	ssub.s32 s24, s15  }
0x47: {  	s16 =	sshrl.u32 s12, $0x3;
	s0 =	smul.u32 $0x2680, s0;
	s15 =	sadd.s32 s15, s12  }
0x48: {  	s16 =	smul.u32 $0x6000, s16;
	s15 =	sshrl.u32 s15, $0x3  }
0x49: {  	s0 =	ssub.s32 s23, s0;
	s17 =	smul.u32 $0x6000, s15  }
0x4a: {  	s18 =	sand.u32 $0x380, s29;
	s16 =	sshra.s32 s16, $0x2;
	s0 =	sadd.s32 s0, s29  }
0x4b: {  	s0 =	sand.u32 $0x380, s0;
	s15 =	sor.u32 s18, s16;
	s17 =	sshra.s32 s17, $0x2  }
0x4c: {  	v3 =	vld [tilespmem:s15+$0x14000];
	s0 =	sor.u32 s0, s17  }
0x4d: {  	v4 =	vld [tilespmem:s0+$0x5000];
	_ =	sdelay $0x4  }
0x4e: {  	v3 =	vadd.f32 v4, v3;
	_ =	sdelay $0x1  }
0x4f: {  	s18 =	sadd.s32 $0x14000, s15;
	[tilespmem:s15+$0x14000] =	vst v3  }
0x50: {  	v3 =	vld [tilespmem:s18+$0x10]  }
0x51: {  	v17 =	vld [tilespmem:s0+$0x5010];
	_ =	sdelay $0x4  }
0x52: {  	v3 =	vadd.f32 v17, v3;
	_ =	sdelay $0x1  }
0x53: {  	[tilespmem:s18+$0x10] =	vst v3;
	v3 =	vld [tilespmem:s18+$0x20]  }
0x54: {  	v18 =	vld [tilespmem:s0+$0x5020];
	_ =	sdelay $0x4  }
0x55: {  	v3 =	vadd.f32 v18, v3;
	_ =	sdelay $0x1  }
0x56: {  	[tilespmem:s18+$0x20] =	vst v3;
	v3 =	vld [tilespmem:s18+$0x30]  }
0x57: {  	v19 =	vld [tilespmem:s0+$0x5030];
	_ =	sdelay $0x4  }
0x58: {  	v3 =	vadd.f32 v19, v3;
	_ =	sdelay $0x1  }
0x59: {  	[tilespmem:s18+$0x30] =	vst v3;
	v3 =	vld [tilespmem:s18+$0x40]  }
0x5a: {  	v20 =	vld [tilespmem:s0+$0x5040];
	_ =	sdelay $0x4  }
0x5b: {  	v3 =	vadd.f32 v20, v3;
	_ =	sdelay $0x1  }
0x5c: {  	[tilespmem:s18+$0x40] =	vst v3;
	v3 =	vld [tilespmem:s18+$0x50]  }
0x5d: {  	v21 =	vld [tilespmem:s0+$0x5050];
	_ =	sdelay $0x4  }
0x5e: {  	v3 =	vadd.f32 v21, v3;
	_ =	sdelay $0x1  }
0x5f: {  	[tilespmem:s18+$0x50] =	vst v3;
	v3 =	vld [tilespmem:s18+$0x60]  }
0x60: {  	v22 =	vld [tilespmem:s0+$0x5060];
	_ =	sdelay $0x4  }
0x61: {  	v3 =	vadd.f32 v22, v3;
	_ =	sdelay $0x1  }
0x62: {  	[tilespmem:s18+$0x60] =	vst v3;
	v3 =	vld [tilespmem:s18+$0x70]  }
0x63: {  	v23 =	vld [tilespmem:s0+$0x5070];
	_ =	sdelay $0x4  }
0x64: {  	v3 =	vadd.f32 v23, v3;
	_ =	sdelay $0x1  }
0x65: {  	[tilespmem:s18+$0x70] =	vst v3;
	v3 =	vld [tilespmem:s18+$0x400]  }
0x66: {  	v24 =	vld [tilespmem:s0+$0x5400];
	_ =	sdelay $0x4  }
0x67: {  	v3 =	vadd.f32 v24, v3;
	_ =	sdelay $0x1  }
0x68: {  	[tilespmem:s18+$0x400] =	vst v3;
	v3 =	vld [tilespmem:s18+$0x410]  }
0x69: {  	v25 =	vld [tilespmem:s0+$0x5410];
	_ =	sdelay $0x4  }
0x6a: {  	v3 =	vadd.f32 v25, v3;
	_ =	sdelay $0x1  }
0x6b: {  	[tilespmem:s18+$0x410] =	vst v3;
	v3 =	vld [tilespmem:s18+$0x420]  }
0x6c: {  	v26 =	vld [tilespmem:s0+$0x5420];
	_ =	sdelay $0x4  }
0x6d: {  	v3 =	vadd.f32 v26, v3;
	_ =	sdelay $0x1  }
0x6e: {  	[tilespmem:s18+$0x420] =	vst v3;
	v3 =	vld [tilespmem:s18+$0x430]  }
0x6f: {  	v27 =	vld [tilespmem:s0+$0x5430];
	_ =	sdelay $0x4  }
0x70: {  	v3 =	vadd.f32 v27, v3;
	_ =	sdelay $0x1  }
0x71: {  	[tilespmem:s18+$0x430] =	vst v3;
	v3 =	vld [tilespmem:s18+$0x440]  }
0x72: {  	v28 =	vld [tilespmem:s0+$0x5440];
	_ =	sdelay $0x4  }
0x73: {  	v3 =	vadd.f32 v28, v3;
	_ =	sdelay $0x1  }
0x74: {  	[tilespmem:s18+$0x440] =	vst v3;
	v3 =	vld [tilespmem:s18+$0x450]  }
0x75: {  	v29 =	vld [tilespmem:s0+$0x5450];
	_ =	sdelay $0x4  }
0x76: {  	v3 =	vadd.f32 v29, v3;
	_ =	sdelay $0x1  }
0x77: {  	[tilespmem:s18+$0x450] =	vst v3;
	v3 =	vld [tilespmem:s18+$0x460]  }
0x78: {  	v30 =	vld [tilespmem:s0+$0x5460];
	_ =	sdelay $0x4  }
0x79: {  	v3 =	vadd.f32 v30, v3;
	_ =	sdelay $0x1  }
0x7a: {  	[tilespmem:s18+$0x460] =	vst v3;
	v3 =	vld [tilespmem:s18+$0x470]  }
0x7b: {  	v31 =	vld [tilespmem:s0+$0x5470];
	_ =	sdelay $0x4  }
0x7c: {  	v3 =	vadd.f32 v31, v3;
	_ =	sdelay $0x1  }
0x7d: {  	[tilespmem:s18+$0x470] =	vst v3  }
0x7e: {  	v3 =	vld [tilespmem:s15+$0x14800]  }
0x7f: {  	v32 =	vld [tilespmem:s0+$0x5800];
	_ =	sdelay $0x4  }
0x80: {  	v3 =	vadd.f32 v32, v3;
	_ =	sdelay $0x1  }
0x81: {  	s17 =	sadd.s32 $0x14800, s15;
	[tilespmem:s15+$0x14800] =	vst v3  }
0x82: {  	v3 =	vld [tilespmem:s17+$0x10]  }
0x83: {  	v33 =	vld [tilespmem:s0+$0x5810];
	_ =	sdelay $0x4  }
0x84: {  	v3 =	vadd.f32 v33, v3;
	_ =	sdelay $0x1  }
0x85: {  	[tilespmem:s17+$0x10] =	vst v3;
	v3 =	vld [tilespmem:s17+$0x20]  }
0x86: {  	v34 =	vld [tilespmem:s0+$0x5820];
	_ =	sdelay $0x4  }
0x87: {  	v3 =	vadd.f32 v34, v3;
	_ =	sdelay $0x1  }
0x88: {  	[tilespmem:s17+$0x20] =	vst v3;
	v3 =	vld [tilespmem:s17+$0x30]  }
0x89: {  	v35 =	vld [tilespmem:s0+$0x5830];
	_ =	sdelay $0x4  }
0x8a: {  	v3 =	vadd.f32 v35, v3;
	_ =	sdelay $0x1  }
0x8b: {  	[tilespmem:s17+$0x30] =	vst v3;
	v3 =	vld [tilespmem:s17+$0x40]  }
0x8c: {  	v36 =	vld [tilespmem:s0+$0x5840];
	_ =	sdelay $0x4  }
0x8d: {  	v3 =	vadd.f32 v36, v3;
	_ =	sdelay $0x1  }
0x8e: {  	[tilespmem:s17+$0x40] =	vst v3;
	v3 =	vld [tilespmem:s17+$0x50]  }
0x8f: {  	v37 =	vld [tilespmem:s0+$0x5850];
	_ =	sdelay $0x4  }
0x90: {  	v3 =	vadd.f32 v37, v3;
	_ =	sdelay $0x1  }
0x91: {  	[tilespmem:s17+$0x50] =	vst v3;
	v3 =	vld [tilespmem:s17+$0x60]  }
0x92: {  	v38 =	vld [tilespmem:s0+$0x5860];
	_ =	sdelay $0x4  }
0x93: {  	v3 =	vadd.f32 v38, v3;
	_ =	sdelay $0x1  }
0x94: {  	[tilespmem:s17+$0x60] =	vst v3;
	v3 =	vld [tilespmem:s17+$0x70]  }
0x95: {  	v39 =	vld [tilespmem:s0+$0x5870];
	_ =	sdelay $0x4  }
0x96: {  	v3 =	vadd.f32 v39, v3;
	_ =	sdelay $0x1  }
0x97: {  	[tilespmem:s17+$0x70] =	vst v3  }
0x98: {  	v3 =	vld [tilespmem:s15+$0x14C00]  }
0x99: {  	v40 =	vld [tilespmem:s0+$0x5C00];
	_ =	sdelay $0x4  }
0x9a: {  	v3 =	vadd.f32 v40, v3;
	_ =	sdelay $0x1  }
0x9b: {  	s18 =	sadd.s32 $0x14C00, s15;
	[tilespmem:s15+$0x14C00] =	vst v3  }
0x9c: {  	v3 =	vld [tilespmem:s18+$0x10]  }
0x9d: {  	v41 =	vld [tilespmem:s0+$0x5C10];
	_ =	sdelay $0x4  }
0x9e: {  	v3 =	vadd.f32 v41, v3;
	_ =	sdelay $0x1  }
0x9f: {  	[tilespmem:s18+$0x10] =	vst v3;
	v3 =	vld [tilespmem:s18+$0x20]  }
0xa0: {  	v42 =	vld [tilespmem:s0+$0x5C20];
	_ =	sdelay $0x4  }
0xa1: {  	v3 =	vadd.f32 v42, v3;
	_ =	sdelay $0x1  }
0xa2: {  	[tilespmem:s18+$0x20] =	vst v3;
	v3 =	vld [tilespmem:s18+$0x30]  }
0xa3: {  	v43 =	vld [tilespmem:s0+$0x5C30];
	_ =	sdelay $0x4  }
0xa4: {  	v3 =	vadd.f32 v43, v3;
	_ =	sdelay $0x1  }
0xa5: {  	[tilespmem:s18+$0x30] =	vst v3;
	v3 =	vld [tilespmem:s18+$0x40]  }
0xa6: {  	v44 =	vld [tilespmem:s0+$0x5C40];
	_ =	sdelay $0x4  }
0xa7: {  	v3 =	vadd.f32 v44, v3;
	_ =	sdelay $0x1  }
0xa8: {  	[tilespmem:s18+$0x40] =	vst v3;
	v3 =	vld [tilespmem:s18+$0x50]  }
0xa9: {  	v45 =	vld [tilespmem:s0+$0x5C50];
	_ =	sdelay $0x4  }
0xaa: {  	v3 =	vadd.f32 v45, v3;
	_ =	sdelay $0x1  }
0xab: {  	[tilespmem:s18+$0x50] =	vst v3;
	v3 =	vld [tilespmem:s18+$0x60]  }
0xac: {  	v46 =	vld [tilespmem:s0+$0x5C60];
	_ =	sdelay $0x4  }
0xad: {  	v3 =	vadd.f32 v46, v3;
	_ =	sdelay $0x1  }
0xae: {  	[tilespmem:s18+$0x60] =	vst v3;
	v3 =	vld [tilespmem:s18+$0x70]  }
0xaf: {  	v47 =	vld [tilespmem:s0+$0x5C70];
	_ =	sdelay $0x4  }
0xb0: {  	v3 =	vadd.f32 v47, v3;
	_ =	sdelay $0x1  }
0xb1: {  	[tilespmem:s18+$0x70] =	vst v3  }
0xb2: {  	v3 =	vld [tilespmem:s15+$0x15000]  }
0xb3: {  	v48 =	vld [tilespmem:s0+$0x6000];
	_ =	sdelay $0x4  }
0xb4: {  	v3 =	vadd.f32 v48, v3;
	_ =	sdelay $0x1  }
0xb5: {  	s17 =	sadd.s32 $0x15000, s15;
	[tilespmem:s15+$0x15000] =	vst v3  }
0xb6: {  	v3 =	vld [tilespmem:s17+$0x10]  }
0xb7: {  	v49 =	vld [tilespmem:s0+$0x6010];
	_ =	sdelay $0x4  }
0xb8: {  	v3 =	vadd.f32 v49, v3;
	_ =	sdelay $0x1  }
0xb9: {  	[tilespmem:s17+$0x10] =	vst v3;
	v3 =	vld [tilespmem:s17+$0x20]  }
0xba: {  	v50 =	vld [tilespmem:s0+$0x6020];
	_ =	sdelay $0x4  }
0xbb: {  	v3 =	vadd.f32 v50, v3;
	_ =	sdelay $0x1  }
0xbc: {  	[tilespmem:s17+$0x20] =	vst v3;
	v3 =	vld [tilespmem:s17+$0x30]  }
0xbd: {  	v51 =	vld [tilespmem:s0+$0x6030];
	_ =	sdelay $0x4  }
0xbe: {  	v3 =	vadd.f32 v51, v3;
	_ =	sdelay $0x1  }
0xbf: {  	[tilespmem:s17+$0x30] =	vst v3;
	v3 =	vld [tilespmem:s17+$0x40]  }
0xc0: {  	v52 =	vld [tilespmem:s0+$0x6040];
	_ =	sdelay $0x4  }
0xc1: {  	v3 =	vadd.f32 v52, v3;
	_ =	sdelay $0x1  }
0xc2: {  	[tilespmem:s17+$0x40] =	vst v3;
	v3 =	vld [tilespmem:s17+$0x50]  }
0xc3: {  	v53 =	vld [tilespmem:s0+$0x6050];
	_ =	sdelay $0x4  }
0xc4: {  	v3 =	vadd.f32 v53, v3;
	_ =	sdelay $0x1  }
0xc5: {  	[tilespmem:s17+$0x50] =	vst v3;
	v3 =	vld [tilespmem:s17+$0x60]  }
0xc6: {  	v54 =	vld [tilespmem:s0+$0x6060];
	_ =	sdelay $0x4  }
0xc7: {  	v3 =	vadd.f32 v54, v3;
	_ =	sdelay $0x1  }
0xc8: {  	[tilespmem:s17+$0x60] =	vst v3;
	v3 =	vld [tilespmem:s17+$0x70]  }
0xc9: {  	v55 =	vld [tilespmem:s0+$0x6070];
	_ =	sdelay $0x4  }
0xca: {  	v3 =	vadd.f32 v55, v3;
	_ =	sdelay $0x1  }
0xcb: {  	[tilespmem:s17+$0x70] =	vst v3  }
0xcc: {  	v3 =	vld [tilespmem:s15+$0x15400]  }
0xcd: {  	v56 =	vld [tilespmem:s0+$0x6400];
	_ =	sdelay $0x4  }
0xce: {  	v3 =	vadd.f32 v56, v3;
	_ =	sdelay $0x1  }
0xcf: {  	s18 =	sadd.s32 $0x15400, s15;
	[tilespmem:s15+$0x15400] =	vst v3  }
0xd0: {  	v3 =	vld [tilespmem:s18+$0x10]  }
0xd1: {  	v57 =	vld [tilespmem:s0+$0x6410];
	_ =	sdelay $0x4  }
0xd2: {  	v3 =	vadd.f32 v57, v3;
	_ =	sdelay $0x1  }
0xd3: {  	[tilespmem:s18+$0x10] =	vst v3;
	v3 =	vld [tilespmem:s18+$0x20]  }
0xd4: {  	v58 =	vld [tilespmem:s0+$0x6420];
	_ =	sdelay $0x4  }
0xd5: {  	v3 =	vadd.f32 v58, v3;
	_ =	sdelay $0x1  }
0xd6: {  	[tilespmem:s18+$0x20] =	vst v3;
	v3 =	vld [tilespmem:s18+$0x30]  }
0xd7: {  	v59 =	vld [tilespmem:s0+$0x6430];
	_ =	sdelay $0x4  }
0xd8: {  	v3 =	vadd.f32 v59, v3;
	_ =	sdelay $0x1  }
0xd9: {  	[tilespmem:s18+$0x30] =	vst v3;
	v3 =	vld [tilespmem:s18+$0x40]  }
0xda: {  	v60 =	vld [tilespmem:s0+$0x6440];
	_ =	sdelay $0x4  }
0xdb: {  	v3 =	vadd.f32 v60, v3;
	_ =	sdelay $0x1  }
0xdc: {  	[tilespmem:s18+$0x40] =	vst v3;
	v3 =	vld [tilespmem:s18+$0x50]  }
0xdd: {  	v61 =	vld [tilespmem:s0+$0x6450];
	_ =	sdelay $0x4  }
0xde: {  	v3 =	vadd.f32 v61, v3;
	_ =	sdelay $0x1  }
0xdf: {  	[tilespmem:s18+$0x50] =	vst v3;
	v3 =	vld [tilespmem:s18+$0x60]  }
0xe0: {  	v62 =	vld [tilespmem:s0+$0x6460];
	_ =	sdelay $0x4  }
0xe1: {  	v3 =	vadd.f32 v62, v3;
	_ =	sdelay $0x1  }
0xe2: {  	[tilespmem:s18+$0x60] =	vst v3;
	v3 =	vld [tilespmem:s18+$0x70]  }
0xe3: {  	v63 =	vld [tilespmem:s0+$0x6470];
	_ =	sdelay $0x1  }
0xe4: {  	p0 =	sne.s32 s12, $0xF  }
.Ltmp0:
0xe5: {  	_ = 	snop;
	(pc) =	sbr.rel @p0 .LBB2_3-.Ltmp0, $3  }
0xe6: {  	_ = 	snop  }
0xe7: {  	v3 =	vadd.f32 v63, v3;
	_ =	sdelay $0x1  }
0xe8: {  	s31 =	sadd.s32 $0x1, s31;
	s29 =	sadd.s32 $0x80, s29;
	s12 =	sadd.s32 $0x1, s12;
	[tilespmem:s18+$0x70] =	vst v3  }
0xe9: {  	s0 =	sadd.s32 s5, s30  }
0xea: {  	s0 =	sshrl.u32 s0, $0x3  }
0xeb: {  	s0 =	smul.u32 $0x300, s0  }
0xec: {  	p0 =	seq.s32 s25, $0x0  }
0xed: {  	s18 =	smul.u32 $0x3, s25;
	s12 =	simm.s32 @!p0 $0x6;
	s0 =	sadd.s32 s4, s0  }
0xee: {  	[hbm4b:s0+s6] =	stream.linear.scatter [tilespmem:s14], [sflag:$0x4], $0x3000, $0x38;
	[tilespmem:$0x1D000] =	vst v63  }
0xef: {  	s29 =	sadd.s32 $0x2, s18;
	_ =	swait.ge @!p0 [sflag:s12], $0x3000  }
0xf0: {  	s0 =	sshll.u32 s29, $0x7;
	[sflag:s12] =	ssyncset.done @!p0 $0x0  }
0xf1: {  	s0 =	sand.u32 $0x3FFFFF80, s0;
	[sflag:s12] =	ssyncadd.s32 @!p0 $0xFFFFD000  }
0xf2: {  	v3 =	vld [tilespmem:s0+$0x0];
	_ =	sdelay $0x4  }
0xf3: {  	v4 =	vshrl.u32 v3, $0x3  }
0xf4: {  	v4 =	vmul.u32 $0x30, v4  }
0xf5: {  	v3 =	vand.u32 $0x7, v3  }
0xf6: {  	v3 =	vor.u32 v3, v4  }
0xf7: {  	v4 =	vperm.xlane v3, v0;
	_ =	sdelay $0x1  }
0xf8: {  	v4 =	vadd.s32 v1, v4;
	_ =	sdelay $0x3  }
0xf9: {  	s31 =	simm.s32 $0x0;
	v3 =	vperm.xlane v3, v2  }
0xfa: {  	[tilespmem:s28], [sflag:$0x3] =	stream.indirect_vreg.gather [hbm4b:s1+s31], $0x80, v4, vm0, $0xb8;
	[tilespmem:$0x1D000] =	vst v63  }
0xfb: {  	s12 =	simm.s32 $0x1A800;
	v3 =	vadd.s32 v1, v3  }
0xfc: {  	[tilespmem:s12], [sflag:$0x3] =	stream.indirect_vreg.gather [hbm4b:s8+s31], $0x80, v4, vm0, $0xb8;
	[tilespmem:$0x1D000] =	vst v63  }
0xfd: {  	s15 =	simm.s32 $0x1B000  }
0xfe: {  	[tilespmem:s15], [sflag:$0x3] =	stream.indirect_vreg.gather [hbm4b:s9+s31], $0x80, v4, vm0, $0xb8;
	[tilespmem:$0x1D000] =	vst v63  }
0xff: {  	s16 =	simm.s32 $0x1B800  }
0x100: {  	[tilespmem:s16], [sflag:$0x3] =	stream.indirect_vreg.gather [hbm4b:s1+s31], $0x80, v3, vm0, $0xb8;
	[tilespmem:$0x1D000] =	vst v63  }
0x101: {  	s17 =	simm.s32 $0x1C000  }
0x102: {  	[tilespmem:s17], [sflag:$0x3] =	stream.indirect_vreg.gather [hbm4b:s8+s31], $0x80, v3, vm0, $0xb8;
	[tilespmem:$0x1D000] =	vst v63  }
0x103: {  	s18 =	simm.s32 $0x1C800  }
0x104: {  	[tilespmem:s18], [sflag:$0x3] =	stream.indirect_vreg.gather [hbm4b:s9+s31], $0x80, v3, vm0, $0xb8;
	[tilespmem:$0x1D000] =	vst v63  }
0x105: {  	_ =	swait.ge [sflag:s3], $0x3000  }
0x106: {  	s30 =	sadd.s32 $0x10, s30;
	[sflag:s3] =	ssyncset.done $0x0  }
0x107: {  	s0 =	simm.s32 $0x0;
	s12 =	smov.u32 s2;
	[sflag:s3] =	ssyncadd.s32 $0xFFFFD000  }
.LBB2_5:
0x108: {  	s15 =	smulhi.u32 $0x3531DEC1, s12;
	_ =	sdelay $0x1  }
0x109: {  	s15 =	sshrl.u32 s15, $0x4  }
0x10a: {  	s16 =	smul.u32 $0x4D, s15;
	_ =	sdelay $0x1  }
0x10b: {  	s16 =	ssub.s32 s2, s16  }
0x10c: {  	s17 =	sshrl.u32 s0, $0x3;
	s15 =	smul.u32 $0x2680, s15;
	s16 =	sadd.s32 s16, s0  }
0x10d: {  	s17 =	smul.u32 $0x6000, s17;
	s16 =	sshrl.u32 s16, $0x3  }
0x10e: {  	s15 =	ssub.s32 s11, s15;
	s18 =	smul.u32 $0x6000, s16  }
0x10f: {  	s17 =	sshra.s32 s17, $0x2;
	s15 =	sadd.s32 s15, s31;
	s16 =	sand.u32 $0x380, s31  }
0x110: {  	s15 =	sand.u32 $0x380, s15;
	s16 =	sor.u32 s16, s17;
	s18 =	sshra.s32 s18, $0x2  }
0x111: {  	v3 =	vld [tilespmem:s16+$0x17000];
	s15 =	sor.u32 s15, s18  }
0x112: {  	v4 =	vld [tilespmem:s15+$0x5000];
	_ =	sdelay $0x4  }
0x113: {  	v3 =	vadd.f32 v4, v3;
	_ =	sdelay $0x1  }
0x114: {  	s18 =	sadd.s32 $0x17000, s16;
	[tilespmem:s16+$0x17000] =	vst v3  }
0x115: {  	v3 =	vld [tilespmem:s18+$0x10]  }
0x116: {  	v17 =	vld [tilespmem:s15+$0x5010];
	_ =	sdelay $0x4  }
0x117: {  	v3 =	vadd.f32 v17, v3;
	_ =	sdelay $0x1  }
0x118: {  	[tilespmem:s18+$0x10] =	vst v3;
	v3 =	vld [tilespmem:s18+$0x20]  }
0x119: {  	v18 =	vld [tilespmem:s15+$0x5020];
	_ =	sdelay $0x4  }
0x11a: {  	v3 =	vadd.f32 v18, v3;
	_ =	sdelay $0x1  }
0x11b: {  	[tilespmem:s18+$0x20] =	vst v3;
	v3 =	vld [tilespmem:s18+$0x30]  }
0x11c: {  	v19 =	vld [tilespmem:s15+$0x5030];
	_ =	sdelay $0x4  }
0x11d: {  	v3 =	vadd.f32 v19, v3;
	_ =	sdelay $0x1  }
0x11e: {  	[tilespmem:s18+$0x30] =	vst v3;
	v3 =	vld [tilespmem:s18+$0x40]  }
0x11f: {  	v20 =	vld [tilespmem:s15+$0x5040];
	_ =	sdelay $0x4  }
0x120: {  	v3 =	vadd.f32 v20, v3;
	_ =	sdelay $0x1  }
0x121: {  	[tilespmem:s18+$0x40] =	vst v3;
	v3 =	vld [tilespmem:s18+$0x50]  }
0x122: {  	v21 =	vld [tilespmem:s15+$0x5050];
	_ =	sdelay $0x4  }
0x123: {  	v3 =	vadd.f32 v21, v3;
	_ =	sdelay $0x1  }
0x124: {  	[tilespmem:s18+$0x50] =	vst v3;
	v3 =	vld [tilespmem:s18+$0x60]  }
0x125: {  	v22 =	vld [tilespmem:s15+$0x5060];
	_ =	sdelay $0x4  }
0x126: {  	v3 =	vadd.f32 v22, v3;
	_ =	sdelay $0x1  }
0x127: {  	[tilespmem:s18+$0x60] =	vst v3;
	v3 =	vld [tilespmem:s18+$0x70]  }
0x128: {  	v23 =	vld [tilespmem:s15+$0x5070];
	_ =	sdelay $0x4  }
0x129: {  	v3 =	vadd.f32 v23, v3;
	_ =	sdelay $0x1  }
0x12a: {  	[tilespmem:s18+$0x70] =	vst v3;
	v3 =	vld [tilespmem:s18+$0x400]  }
0x12b: {  	v24 =	vld [tilespmem:s15+$0x5400];
	_ =	sdelay $0x4  }
0x12c: {  	v3 =	vadd.f32 v24, v3;
	_ =	sdelay $0x1  }
0x12d: {  	[tilespmem:s18+$0x400] =	vst v3;
	v3 =	vld [tilespmem:s18+$0x410]  }
0x12e: {  	v25 =	vld [tilespmem:s15+$0x5410];
	_ =	sdelay $0x4  }
0x12f: {  	v3 =	vadd.f32 v25, v3;
	_ =	sdelay $0x1  }
0x130: {  	[tilespmem:s18+$0x410] =	vst v3;
	v3 =	vld [tilespmem:s18+$0x420]  }
0x131: {  	v26 =	vld [tilespmem:s15+$0x5420];
	_ =	sdelay $0x4  }
0x132: {  	v3 =	vadd.f32 v26, v3;
	_ =	sdelay $0x1  }
0x133: {  	[tilespmem:s18+$0x420] =	vst v3;
	v3 =	vld [tilespmem:s18+$0x430]  }
0x134: {  	v27 =	vld [tilespmem:s15+$0x5430];
	_ =	sdelay $0x4  }
0x135: {  	v3 =	vadd.f32 v27, v3;
	_ =	sdelay $0x1  }
0x136: {  	[tilespmem:s18+$0x430] =	vst v3;
	v3 =	vld [tilespmem:s18+$0x440]  }
0x137: {  	v28 =	vld [tilespmem:s15+$0x5440];
	_ =	sdelay $0x4  }
0x138: {  	v3 =	vadd.f32 v28, v3;
	_ =	sdelay $0x1  }
0x139: {  	[tilespmem:s18+$0x440] =	vst v3;
	v3 =	vld [tilespmem:s18+$0x450]  }
0x13a: {  	v29 =	vld [tilespmem:s15+$0x5450];
	_ =	sdelay $0x4  }
0x13b: {  	v3 =	vadd.f32 v29, v3;
	_ =	sdelay $0x1  }
0x13c: {  	[tilespmem:s18+$0x450] =	vst v3;
	v3 =	vld [tilespmem:s18+$0x460]  }
0x13d: {  	v30 =	vld [tilespmem:s15+$0x5460];
	_ =	sdelay $0x4  }
0x13e: {  	v3 =	vadd.f32 v30, v3;
	_ =	sdelay $0x1  }
0x13f: {  	[tilespmem:s18+$0x460] =	vst v3;
	v3 =	vld [tilespmem:s18+$0x470]  }
0x140: {  	v31 =	vld [tilespmem:s15+$0x5470];
	_ =	sdelay $0x4  }
0x141: {  	v3 =	vadd.f32 v31, v3;
	_ =	sdelay $0x1  }
0x142: {  	[tilespmem:s18+$0x470] =	vst v3  }
0x143: {  	v3 =	vld [tilespmem:s16+$0x17800]  }
0x144: {  	v32 =	vld [tilespmem:s15+$0x5800];
	_ =	sdelay $0x4  }
0x145: {  	v3 =	vadd.f32 v32, v3;
	_ =	sdelay $0x1  }
0x146: {  	s18 =	sadd.s32 $0x17800, s16;
	[tilespmem:s16+$0x17800] =	vst v3  }
0x147: {  	v3 =	vld [tilespmem:s18+$0x10]  }
0x148: {  	v33 =	vld [tilespmem:s15+$0x5810];
	_ =	sdelay $0x4  }
0x149: {  	v3 =	vadd.f32 v33, v3;
	_ =	sdelay $0x1  }
0x14a: {  	[tilespmem:s18+$0x10] =	vst v3;
	v3 =	vld [tilespmem:s18+$0x20]  }
0x14b: {  	v34 =	vld [tilespmem:s15+$0x5820];
	_ =	sdelay $0x4  }
0x14c: {  	v3 =	vadd.f32 v34, v3;
	_ =	sdelay $0x1  }
0x14d: {  	[tilespmem:s18+$0x20] =	vst v3;
	v3 =	vld [tilespmem:s18+$0x30]  }
0x14e: {  	v35 =	vld [tilespmem:s15+$0x5830];
	_ =	sdelay $0x4  }
0x14f: {  	v3 =	vadd.f32 v35, v3;
	_ =	sdelay $0x1  }
0x150: {  	[tilespmem:s18+$0x30] =	vst v3;
	v3 =	vld [tilespmem:s18+$0x40]  }
0x151: {  	v36 =	vld [tilespmem:s15+$0x5840];
	_ =	sdelay $0x4  }
0x152: {  	v3 =	vadd.f32 v36, v3;
	_ =	sdelay $0x1  }
0x153: {  	[tilespmem:s18+$0x40] =	vst v3;
	v3 =	vld [tilespmem:s18+$0x50]  }
0x154: {  	v37 =	vld [tilespmem:s15+$0x5850];
	_ =	sdelay $0x4  }
0x155: {  	v3 =	vadd.f32 v37, v3;
	_ =	sdelay $0x1  }
0x156: {  	[tilespmem:s18+$0x50] =	vst v3;
	v3 =	vld [tilespmem:s18+$0x60]  }
0x157: {  	v38 =	vld [tilespmem:s15+$0x5860];
	_ =	sdelay $0x4  }
0x158: {  	v3 =	vadd.f32 v38, v3;
	_ =	sdelay $0x1  }
0x159: {  	[tilespmem:s18+$0x60] =	vst v3;
	v3 =	vld [tilespmem:s18+$0x70]  }
0x15a: {  	v39 =	vld [tilespmem:s15+$0x5870];
	_ =	sdelay $0x4  }
0x15b: {  	v3 =	vadd.f32 v39, v3;
	_ =	sdelay $0x1  }
0x15c: {  	[tilespmem:s18+$0x70] =	vst v3  }
0x15d: {  	v3 =	vld [tilespmem:s16+$0x17C00]  }
0x15e: {  	v40 =	vld [tilespmem:s15+$0x5C00];
	_ =	sdelay $0x4  }
0x15f: {  	v3 =	vadd.f32 v40, v3;
	_ =	sdelay $0x1  }
0x160: {  	s18 =	sadd.s32 $0x17C00, s16;
	[tilespmem:s16+$0x17C00] =	vst v3  }
0x161: {  	v3 =	vld [tilespmem:s18+$0x10]  }
0x162: {  	v41 =	vld [tilespmem:s15+$0x5C10];
	_ =	sdelay $0x4  }
0x163: {  	v3 =	vadd.f32 v41, v3;
	_ =	sdelay $0x1  }
0x164: {  	[tilespmem:s18+$0x10] =	vst v3;
	v3 =	vld [tilespmem:s18+$0x20]  }
0x165: {  	v42 =	vld [tilespmem:s15+$0x5C20];
	_ =	sdelay $0x4  }
0x166: {  	v3 =	vadd.f32 v42, v3;
	_ =	sdelay $0x1  }
0x167: {  	[tilespmem:s18+$0x20] =	vst v3;
	v3 =	vld [tilespmem:s18+$0x30]  }
0x168: {  	v43 =	vld [tilespmem:s15+$0x5C30];
	_ =	sdelay $0x4  }
0x169: {  	v3 =	vadd.f32 v43, v3;
	_ =	sdelay $0x1  }
0x16a: {  	[tilespmem:s18+$0x30] =	vst v3;
	v3 =	vld [tilespmem:s18+$0x40]  }
0x16b: {  	v44 =	vld [tilespmem:s15+$0x5C40];
	_ =	sdelay $0x4  }
0x16c: {  	v3 =	vadd.f32 v44, v3;
	_ =	sdelay $0x1  }
0x16d: {  	[tilespmem:s18+$0x40] =	vst v3;
	v3 =	vld [tilespmem:s18+$0x50]  }
0x16e: {  	v45 =	vld [tilespmem:s15+$0x5C50];
	_ =	sdelay $0x4  }
0x16f: {  	v3 =	vadd.f32 v45, v3;
	_ =	sdelay $0x1  }
0x170: {  	[tilespmem:s18+$0x50] =	vst v3;
	v3 =	vld [tilespmem:s18+$0x60]  }
0x171: {  	v46 =	vld [tilespmem:s15+$0x5C60];
	_ =	sdelay $0x4  }
0x172: {  	v3 =	vadd.f32 v46, v3;
	_ =	sdelay $0x1  }
0x173: {  	[tilespmem:s18+$0x60] =	vst v3;
	v3 =	vld [tilespmem:s18+$0x70]  }
0x174: {  	v47 =	vld [tilespmem:s15+$0x5C70];
	_ =	sdelay $0x4  }
0x175: {  	v3 =	vadd.f32 v47, v3;
	_ =	sdelay $0x1  }
0x176: {  	[tilespmem:s18+$0x70] =	vst v3  }
0x177: {  	v3 =	vld [tilespmem:s16+$0x18000]  }
0x178: {  	v48 =	vld [tilespmem:s15+$0x6000];
	_ =	sdelay $0x4  }
0x179: {  	v3 =	vadd.f32 v48, v3;
	_ =	sdelay $0x1  }
0x17a: {  	s18 =	sadd.s32 $0x18000, s16;
	[tilespmem:s16+$0x18000] =	vst v3  }
0x17b: {  	v3 =	vld [tilespmem:s18+$0x10]  }
0x17c: {  	v49 =	vld [tilespmem:s15+$0x6010];
	_ =	sdelay $0x4  }
0x17d: {  	v3 =	vadd.f32 v49, v3;
	_ =	sdelay $0x1  }
0x17e: {  	[tilespmem:s18+$0x10] =	vst v3;
	v3 =	vld [tilespmem:s18+$0x20]  }
0x17f: {  	v50 =	vld [tilespmem:s15+$0x6020];
	_ =	sdelay $0x4  }
0x180: {  	v3 =	vadd.f32 v50, v3;
	_ =	sdelay $0x1  }
0x181: {  	[tilespmem:s18+$0x20] =	vst v3;
	v3 =	vld [tilespmem:s18+$0x30]  }
0x182: {  	v51 =	vld [tilespmem:s15+$0x6030];
	_ =	sdelay $0x4  }
0x183: {  	v3 =	vadd.f32 v51, v3;
	_ =	sdelay $0x1  }
0x184: {  	[tilespmem:s18+$0x30] =	vst v3;
	v3 =	vld [tilespmem:s18+$0x40]  }
0x185: {  	v52 =	vld [tilespmem:s15+$0x6040];
	_ =	sdelay $0x4  }
0x186: {  	v3 =	vadd.f32 v52, v3;
	_ =	sdelay $0x1  }
0x187: {  	[tilespmem:s18+$0x40] =	vst v3;
	v3 =	vld [tilespmem:s18+$0x50]  }
0x188: {  	v53 =	vld [tilespmem:s15+$0x6050];
	_ =	sdelay $0x4  }
0x189: {  	v3 =	vadd.f32 v53, v3;
	_ =	sdelay $0x1  }
0x18a: {  	[tilespmem:s18+$0x50] =	vst v3;
	v3 =	vld [tilespmem:s18+$0x60]  }
0x18b: {  	v54 =	vld [tilespmem:s15+$0x6060];
	_ =	sdelay $0x4  }
0x18c: {  	v3 =	vadd.f32 v54, v3;
	_ =	sdelay $0x1  }
0x18d: {  	[tilespmem:s18+$0x60] =	vst v3;
	v3 =	vld [tilespmem:s18+$0x70]  }
0x18e: {  	v55 =	vld [tilespmem:s15+$0x6070];
	_ =	sdelay $0x4  }
0x18f: {  	v3 =	vadd.f32 v55, v3;
	_ =	sdelay $0x1  }
0x190: {  	[tilespmem:s18+$0x70] =	vst v3  }
0x191: {  	v3 =	vld [tilespmem:s16+$0x18400]  }
0x192: {  	v56 =	vld [tilespmem:s15+$0x6400];
	_ =	sdelay $0x4  }
0x193: {  	v3 =	vadd.f32 v56, v3;
	_ =	sdelay $0x1  }
0x194: {  	s18 =	sadd.s32 $0x18400, s16;
	[tilespmem:s16+$0x18400] =	vst v3  }
0x195: {  	v3 =	vld [tilespmem:s18+$0x10]  }
0x196: {  	v57 =	vld [tilespmem:s15+$0x6410];
	_ =	sdelay $0x4  }
0x197: {  	v3 =	vadd.f32 v57, v3;
	_ =	sdelay $0x1  }
0x198: {  	[tilespmem:s18+$0x10] =	vst v3;
	v3 =	vld [tilespmem:s18+$0x20]  }
0x199: {  	v58 =	vld [tilespmem:s15+$0x6420];
	_ =	sdelay $0x4  }
0x19a: {  	v3 =	vadd.f32 v58, v3;
	_ =	sdelay $0x1  }
0x19b: {  	[tilespmem:s18+$0x20] =	vst v3;
	v3 =	vld [tilespmem:s18+$0x30]  }
0x19c: {  	v59 =	vld [tilespmem:s15+$0x6430];
	_ =	sdelay $0x4  }
0x19d: {  	v3 =	vadd.f32 v59, v3;
	_ =	sdelay $0x1  }
0x19e: {  	[tilespmem:s18+$0x30] =	vst v3;
	v3 =	vld [tilespmem:s18+$0x40]  }
0x19f: {  	v60 =	vld [tilespmem:s15+$0x6440];
	_ =	sdelay $0x4  }
0x1a0: {  	v3 =	vadd.f32 v60, v3;
	_ =	sdelay $0x1  }
0x1a1: {  	[tilespmem:s18+$0x40] =	vst v3;
	v3 =	vld [tilespmem:s18+$0x50]  }
0x1a2: {  	v61 =	vld [tilespmem:s15+$0x6450];
	_ =	sdelay $0x4  }
0x1a3: {  	v3 =	vadd.f32 v61, v3;
	_ =	sdelay $0x1  }
0x1a4: {  	[tilespmem:s18+$0x50] =	vst v3;
	v3 =	vld [tilespmem:s18+$0x60]  }
0x1a5: {  	v62 =	vld [tilespmem:s15+$0x6460];
	_ =	sdelay $0x4  }
0x1a6: {  	v3 =	vadd.f32 v62, v3;
	_ =	sdelay $0x1  }
0x1a7: {  	[tilespmem:s18+$0x60] =	vst v3;
	v3 =	vld [tilespmem:s18+$0x70]  }
0x1a8: {  	v63 =	vld [tilespmem:s15+$0x6470];
	_ =	sdelay $0x1  }
0x1a9: {  	p0 =	sne.s32 s0, $0xF  }
.Ltmp1:
0x1aa: {  	_ = 	snop;
	(pc) =	sbr.rel @p0 .LBB2_5-.Ltmp1, $3  }
0x1ab: {  	_ = 	snop  }
0x1ac: {  	v3 =	vadd.f32 v63, v3;
	_ =	sdelay $0x1  }
0x1ad: {  	s12 =	sadd.s32 $0x1, s12;
	s0 =	sadd.s32 $0x1, s0;
	s31 =	sadd.s32 $0x80, s31;
	[tilespmem:s18+$0x70] =	vst v3  }
0x1ae: {  	s0 =	sadd.s32 s5, s30  }
0x1af: {  	s0 =	sshrl.u32 s0, $0x3  }
0x1b0: {  	s0 =	smul.u32 $0x300, s0;
	_ =	sdelay $0x1  }
0x1b1: {  	s31 =	simm.s32 $0x0;
	s0 =	sadd.s32 s4, s0  }
0x1b2: {  	[hbm4b:s0+s31] =	stream.linear.scatter [tilespmem:s20], [sflag:$0x5], $0x3000, $0x38;
	[tilespmem:$0x1D000] =	vst v63  }
0x1b3: {  	s12 =	smul.u32 $0x600, s25;
	_ =	swait.ge [sflag:s13], $0x3000  }
0x1b4: {  	[sflag:s13] =	ssyncset.done $0x0  }
0x1b5: {  	s30 =	sshra.s32 s12, $0x2;
	[sflag:s13] =	ssyncadd.s32 $0xFFFFD000  }
0x1b6: {  	v3 =	vld [tilespmem:s30+$0x180];
	_ =	sdelay $0x4  }
0x1b7: {  	v4 =	vshrl.u32 v3, $0x3  }
0x1b8: {  	v4 =	vmul.u32 $0x30, v4  }
0x1b9: {  	v3 =	vand.u32 $0x7, v3  }
0x1ba: {  	v3 =	vor.u32 v3, v4  }
0x1bb: {  	v4 =	vperm.xlane v3, v0;
	_ =	sdelay $0x1  }
0x1bc: {  	v4 =	vadd.s32 v1, v4;
	_ =	sdelay $0x3  }
0x1bd: {  	v3 =	vperm.xlane v3, v2  }
0x1be: {  	[tilespmem:s14], [sflag:$0x1] =	stream.indirect_vreg.gather [hbm4b:s1+s31], $0x80, v4, vm0, $0xb8;
	[tilespmem:$0x1D000] =	vst v63  }
0x1bf: {  	s15 =	simm.s32 $0x14800;
	v3 =	vadd.s32 v1, v3  }
0x1c0: {  	[tilespmem:s15], [sflag:$0x1] =	stream.indirect_vreg.gather [hbm4b:s8+s31], $0x80, v4, vm0, $0xb8;
	[tilespmem:$0x1D000] =	vst v63  }
0x1c1: {  	s16 =	simm.s32 $0x15000  }
0x1c2: {  	[tilespmem:s16], [sflag:$0x1] =	stream.indirect_vreg.gather [hbm4b:s9+s31], $0x80, v4, vm0, $0xb8;
	[tilespmem:$0x1D000] =	vst v63  }
0x1c3: {  	s17 =	simm.s32 $0x15800  }
0x1c4: {  	[tilespmem:s17], [sflag:$0x1] =	stream.indirect_vreg.gather [hbm4b:s1+s31], $0x80, v3, vm0, $0xb8;
	[tilespmem:$0x1D000] =	vst v63  }
0x1c5: {  	s18 =	simm.s32 $0x16000  }
0x1c6: {  	[tilespmem:s18], [sflag:$0x1] =	stream.indirect_vreg.gather [hbm4b:s8+s31], $0x80, v3, vm0, $0xb8;
	[tilespmem:$0x1D000] =	vst v63  }
0x1c7: {  	_ = 	snop  }
0x1c8: {  	[tilespmem:s19], [sflag:$0x1] =	stream.indirect_vreg.gather [hbm4b:s9+s31], $0x80, v3, vm0, $0xb8;
	[tilespmem:$0x1D000] =	vst v63  }
0x1c9: {  	_ =	swait.ge [sflag:s7], $0x3000  }
0x1ca: {  	s29 =	sshll.u32 s29, $0x4;
	[sflag:s7] =	ssyncset.done $0x0  }
0x1cb: {  	s12 =	smov.u32 s21;
	s0 =	simm.s32 $0x0;
	[sflag:s7] =	ssyncadd.s32 $0xFFFFD000  }
.LBB2_7:
0x1cc: {  	s15 =	smulhi.u32 $0x3531DEC1, s12;
	_ =	sdelay $0x1  }
0x1cd: {  	s15 =	sshrl.u32 s15, $0x4  }
0x1ce: {  	s16 =	smul.u32 $0x4D, s15;
	_ =	sdelay $0x1  }
0x1cf: {  	s16 =	ssub.s32 s21, s16  }
0x1d0: {  	s17 =	sshrl.u32 s0, $0x3;
	s15 =	smul.u32 $0x2680, s15;
	s16 =	sadd.s32 s16, s0  }
0x1d1: {  	s17 =	smul.u32 $0x6000, s17;
	s16 =	sshrl.u32 s16, $0x3  }
0x1d2: {  	s15 =	ssub.s32 s22, s15;
	s18 =	smul.u32 $0x6000, s16  }
0x1d3: {  	s17 =	sshra.s32 s17, $0x2;
	s15 =	sadd.s32 s15, s31;
	s16 =	sand.u32 $0x380, s31  }
0x1d4: {  	s15 =	sand.u32 $0x380, s15;
	s16 =	sor.u32 s16, s17;
	s18 =	sshra.s32 s18, $0x2  }
0x1d5: {  	v3 =	vld [tilespmem:s16+$0x1A000];
	s15 =	sor.u32 s15, s18  }
0x1d6: {  	v4 =	vld [tilespmem:s15+$0x5000];
	_ =	sdelay $0x4  }
0x1d7: {  	v3 =	vadd.f32 v4, v3;
	_ =	sdelay $0x1  }
0x1d8: {  	s18 =	sadd.s32 $0x1A000, s16;
	[tilespmem:s16+$0x1A000] =	vst v3  }
0x1d9: {  	v3 =	vld [tilespmem:s18+$0x10]  }
0x1da: {  	v17 =	vld [tilespmem:s15+$0x5010];
	_ =	sdelay $0x4  }
0x1db: {  	v3 =	vadd.f32 v17, v3;
	_ =	sdelay $0x1  }
0x1dc: {  	[tilespmem:s18+$0x10] =	vst v3;
	v3 =	vld [tilespmem:s18+$0x20]  }
0x1dd: {  	v18 =	vld [tilespmem:s15+$0x5020];
	_ =	sdelay $0x4  }
0x1de: {  	v3 =	vadd.f32 v18, v3;
	_ =	sdelay $0x1  }
0x1df: {  	[tilespmem:s18+$0x20] =	vst v3;
	v3 =	vld [tilespmem:s18+$0x30]  }
0x1e0: {  	v19 =	vld [tilespmem:s15+$0x5030];
	_ =	sdelay $0x4  }
0x1e1: {  	v3 =	vadd.f32 v19, v3;
	_ =	sdelay $0x1  }
0x1e2: {  	[tilespmem:s18+$0x30] =	vst v3;
	v3 =	vld [tilespmem:s18+$0x40]  }
0x1e3: {  	v20 =	vld [tilespmem:s15+$0x5040];
	_ =	sdelay $0x4  }
0x1e4: {  	v3 =	vadd.f32 v20, v3;
	_ =	sdelay $0x1  }
0x1e5: {  	[tilespmem:s18+$0x40] =	vst v3;
	v3 =	vld [tilespmem:s18+$0x50]  }
0x1e6: {  	v21 =	vld [tilespmem:s15+$0x5050];
	_ =	sdelay $0x4  }
0x1e7: {  	v3 =	vadd.f32 v21, v3;
	_ =	sdelay $0x1  }
0x1e8: {  	[tilespmem:s18+$0x50] =	vst v3;
	v3 =	vld [tilespmem:s18+$0x60]  }
0x1e9: {  	v22 =	vld [tilespmem:s15+$0x5060];
	_ =	sdelay $0x4  }
0x1ea: {  	v3 =	vadd.f32 v22, v3;
	_ =	sdelay $0x1  }
0x1eb: {  	[tilespmem:s18+$0x60] =	vst v3;
	v3 =	vld [tilespmem:s18+$0x70]  }
0x1ec: {  	v23 =	vld [tilespmem:s15+$0x5070];
	_ =	sdelay $0x4  }
0x1ed: {  	v3 =	vadd.f32 v23, v3;
	_ =	sdelay $0x1  }
0x1ee: {  	[tilespmem:s18+$0x70] =	vst v3;
	v3 =	vld [tilespmem:s18+$0x400]  }
0x1ef: {  	v24 =	vld [tilespmem:s15+$0x5400];
	_ =	sdelay $0x4  }
0x1f0: {  	v3 =	vadd.f32 v24, v3;
	_ =	sdelay $0x1  }
0x1f1: {  	[tilespmem:s18+$0x400] =	vst v3;
	v3 =	vld [tilespmem:s18+$0x410]  }
0x1f2: {  	v25 =	vld [tilespmem:s15+$0x5410];
	_ =	sdelay $0x4  }
0x1f3: {  	v3 =	vadd.f32 v25, v3;
	_ =	sdelay $0x1  }
0x1f4: {  	[tilespmem:s18+$0x410] =	vst v3;
	v3 =	vld [tilespmem:s18+$0x420]  }
0x1f5: {  	v26 =	vld [tilespmem:s15+$0x5420];
	_ =	sdelay $0x4  }
0x1f6: {  	v3 =	vadd.f32 v26, v3;
	_ =	sdelay $0x1  }
0x1f7: {  	[tilespmem:s18+$0x420] =	vst v3;
	v3 =	vld [tilespmem:s18+$0x430]  }
0x1f8: {  	v27 =	vld [tilespmem:s15+$0x5430];
	_ =	sdelay $0x4  }
0x1f9: {  	v3 =	vadd.f32 v27, v3;
	_ =	sdelay $0x1  }
0x1fa: {  	[tilespmem:s18+$0x430] =	vst v3;
	v3 =	vld [tilespmem:s18+$0x440]  }
0x1fb: {  	v28 =	vld [tilespmem:s15+$0x5440];
	_ =	sdelay $0x4  }
0x1fc: {  	v3 =	vadd.f32 v28, v3;
	_ =	sdelay $0x1  }
0x1fd: {  	[tilespmem:s18+$0x440] =	vst v3;
	v3 =	vld [tilespmem:s18+$0x450]  }
0x1fe: {  	v29 =	vld [tilespmem:s15+$0x5450];
	_ =	sdelay $0x4  }
0x1ff: {  	v3 =	vadd.f32 v29, v3;
	_ =	sdelay $0x1  }
0x200: {  	[tilespmem:s18+$0x450] =	vst v3;
	v3 =	vld [tilespmem:s18+$0x460]  }
0x201: {  	v30 =	vld [tilespmem:s15+$0x5460];
	_ =	sdelay $0x4  }
0x202: {  	v3 =	vadd.f32 v30, v3;
	_ =	sdelay $0x1  }
0x203: {  	[tilespmem:s18+$0x460] =	vst v3;
	v3 =	vld [tilespmem:s18+$0x470]  }
0x204: {  	v31 =	vld [tilespmem:s15+$0x5470];
	_ =	sdelay $0x4  }
0x205: {  	v3 =	vadd.f32 v31, v3;
	_ =	sdelay $0x1  }
0x206: {  	[tilespmem:s18+$0x470] =	vst v3  }
0x207: {  	v3 =	vld [tilespmem:s16+$0x1A800]  }
0x208: {  	v32 =	vld [tilespmem:s15+$0x5800];
	_ =	sdelay $0x4  }
0x209: {  	v3 =	vadd.f32 v32, v3;
	_ =	sdelay $0x1  }
0x20a: {  	s18 =	sadd.s32 $0x1A800, s16;
	[tilespmem:s16+$0x1A800] =	vst v3  }
0x20b: {  	v3 =	vld [tilespmem:s18+$0x10]  }
0x20c: {  	v33 =	vld [tilespmem:s15+$0x5810];
	_ =	sdelay $0x4  }
0x20d: {  	v3 =	vadd.f32 v33, v3;
	_ =	sdelay $0x1  }
0x20e: {  	[tilespmem:s18+$0x10] =	vst v3;
	v3 =	vld [tilespmem:s18+$0x20]  }
0x20f: {  	v34 =	vld [tilespmem:s15+$0x5820];
	_ =	sdelay $0x4  }
0x210: {  	v3 =	vadd.f32 v34, v3;
	_ =	sdelay $0x1  }
0x211: {  	[tilespmem:s18+$0x20] =	vst v3;
	v3 =	vld [tilespmem:s18+$0x30]  }
0x212: {  	v35 =	vld [tilespmem:s15+$0x5830];
	_ =	sdelay $0x4  }
0x213: {  	v3 =	vadd.f32 v35, v3;
	_ =	sdelay $0x1  }
0x214: {  	[tilespmem:s18+$0x30] =	vst v3;
	v3 =	vld [tilespmem:s18+$0x40]  }
0x215: {  	v36 =	vld [tilespmem:s15+$0x5840];
	_ =	sdelay $0x4  }
0x216: {  	v3 =	vadd.f32 v36, v3;
	_ =	sdelay $0x1  }
0x217: {  	[tilespmem:s18+$0x40] =	vst v3;
	v3 =	vld [tilespmem:s18+$0x50]  }
0x218: {  	v37 =	vld [tilespmem:s15+$0x5850];
	_ =	sdelay $0x4  }
0x219: {  	v3 =	vadd.f32 v37, v3;
	_ =	sdelay $0x1  }
0x21a: {  	[tilespmem:s18+$0x50] =	vst v3;
	v3 =	vld [tilespmem:s18+$0x60]  }
0x21b: {  	v38 =	vld [tilespmem:s15+$0x5860];
	_ =	sdelay $0x4  }
0x21c: {  	v3 =	vadd.f32 v38, v3;
	_ =	sdelay $0x1  }
0x21d: {  	[tilespmem:s18+$0x60] =	vst v3;
	v3 =	vld [tilespmem:s18+$0x70]  }
0x21e: {  	v39 =	vld [tilespmem:s15+$0x5870];
	_ =	sdelay $0x4  }
0x21f: {  	v3 =	vadd.f32 v39, v3;
	_ =	sdelay $0x1  }
0x220: {  	[tilespmem:s18+$0x70] =	vst v3  }
0x221: {  	v3 =	vld [tilespmem:s16+$0x1AC00]  }
0x222: {  	v40 =	vld [tilespmem:s15+$0x5C00];
	_ =	sdelay $0x4  }
0x223: {  	v3 =	vadd.f32 v40, v3;
	_ =	sdelay $0x1  }
0x224: {  	s18 =	sadd.s32 $0x1AC00, s16;
	[tilespmem:s16+$0x1AC00] =	vst v3  }
0x225: {  	v3 =	vld [tilespmem:s18+$0x10]  }
0x226: {  	v41 =	vld [tilespmem:s15+$0x5C10];
	_ =	sdelay $0x4  }
0x227: {  	v3 =	vadd.f32 v41, v3;
	_ =	sdelay $0x1  }
0x228: {  	[tilespmem:s18+$0x10] =	vst v3;
	v3 =	vld [tilespmem:s18+$0x20]  }
0x229: {  	v42 =	vld [tilespmem:s15+$0x5C20];
	_ =	sdelay $0x4  }
0x22a: {  	v3 =	vadd.f32 v42, v3;
	_ =	sdelay $0x1  }
0x22b: {  	[tilespmem:s18+$0x20] =	vst v3;
	v3 =	vld [tilespmem:s18+$0x30]  }
0x22c: {  	v43 =	vld [tilespmem:s15+$0x5C30];
	_ =	sdelay $0x4  }
0x22d: {  	v3 =	vadd.f32 v43, v3;
	_ =	sdelay $0x1  }
0x22e: {  	[tilespmem:s18+$0x30] =	vst v3;
	v3 =	vld [tilespmem:s18+$0x40]  }
0x22f: {  	v44 =	vld [tilespmem:s15+$0x5C40];
	_ =	sdelay $0x4  }
0x230: {  	v3 =	vadd.f32 v44, v3;
	_ =	sdelay $0x1  }
0x231: {  	[tilespmem:s18+$0x40] =	vst v3;
	v3 =	vld [tilespmem:s18+$0x50]  }
0x232: {  	v45 =	vld [tilespmem:s15+$0x5C50];
	_ =	sdelay $0x4  }
0x233: {  	v3 =	vadd.f32 v45, v3;
	_ =	sdelay $0x1  }
0x234: {  	[tilespmem:s18+$0x50] =	vst v3;
	v3 =	vld [tilespmem:s18+$0x60]  }
0x235: {  	v46 =	vld [tilespmem:s15+$0x5C60];
	_ =	sdelay $0x4  }
0x236: {  	v3 =	vadd.f32 v46, v3;
	_ =	sdelay $0x1  }
0x237: {  	[tilespmem:s18+$0x60] =	vst v3;
	v3 =	vld [tilespmem:s18+$0x70]  }
0x238: {  	v47 =	vld [tilespmem:s15+$0x5C70];
	_ =	sdelay $0x4  }
0x239: {  	v3 =	vadd.f32 v47, v3;
	_ =	sdelay $0x1  }
0x23a: {  	[tilespmem:s18+$0x70] =	vst v3  }
0x23b: {  	v3 =	vld [tilespmem:s16+$0x1B000]  }
0x23c: {  	v48 =	vld [tilespmem:s15+$0x6000];
	_ =	sdelay $0x4  }
0x23d: {  	v3 =	vadd.f32 v48, v3;
	_ =	sdelay $0x1  }
0x23e: {  	s18 =	sadd.s32 $0x1B000, s16;
	[tilespmem:s16+$0x1B000] =	vst v3  }
0x23f: {  	v3 =	vld [tilespmem:s18+$0x10]  }
0x240: {  	v49 =	vld [tilespmem:s15+$0x6010];
	_ =	sdelay $0x4  }
0x241: {  	v3 =	vadd.f32 v49, v3;
	_ =	sdelay $0x1  }
0x242: {  	[tilespmem:s18+$0x10] =	vst v3;
	v3 =	vld [tilespmem:s18+$0x20]  }
0x243: {  	v50 =	vld [tilespmem:s15+$0x6020];
	_ =	sdelay $0x4  }
0x244: {  	v3 =	vadd.f32 v50, v3;
	_ =	sdelay $0x1  }
0x245: {  	[tilespmem:s18+$0x20] =	vst v3;
	v3 =	vld [tilespmem:s18+$0x30]  }
0x246: {  	v51 =	vld [tilespmem:s15+$0x6030];
	_ =	sdelay $0x4  }
0x247: {  	v3 =	vadd.f32 v51, v3;
	_ =	sdelay $0x1  }
0x248: {  	[tilespmem:s18+$0x30] =	vst v3;
	v3 =	vld [tilespmem:s18+$0x40]  }
0x249: {  	v52 =	vld [tilespmem:s15+$0x6040];
	_ =	sdelay $0x4  }
0x24a: {  	v3 =	vadd.f32 v52, v3;
	_ =	sdelay $0x1  }
0x24b: {  	[tilespmem:s18+$0x40] =	vst v3;
	v3 =	vld [tilespmem:s18+$0x50]  }
0x24c: {  	v53 =	vld [tilespmem:s15+$0x6050];
	_ =	sdelay $0x4  }
0x24d: {  	v3 =	vadd.f32 v53, v3;
	_ =	sdelay $0x1  }
0x24e: {  	[tilespmem:s18+$0x50] =	vst v3;
	v3 =	vld [tilespmem:s18+$0x60]  }
0x24f: {  	v54 =	vld [tilespmem:s15+$0x6060];
	_ =	sdelay $0x4  }
0x250: {  	v3 =	vadd.f32 v54, v3;
	_ =	sdelay $0x1  }
0x251: {  	[tilespmem:s18+$0x60] =	vst v3;
	v3 =	vld [tilespmem:s18+$0x70]  }
0x252: {  	v55 =	vld [tilespmem:s15+$0x6070];
	_ =	sdelay $0x4  }
0x253: {  	v3 =	vadd.f32 v55, v3;
	_ =	sdelay $0x1  }
0x254: {  	[tilespmem:s18+$0x70] =	vst v3  }
0x255: {  	v3 =	vld [tilespmem:s16+$0x1B400]  }
0x256: {  	v56 =	vld [tilespmem:s15+$0x6400];
	_ =	sdelay $0x4  }
0x257: {  	v3 =	vadd.f32 v56, v3;
	_ =	sdelay $0x1  }
0x258: {  	s18 =	sadd.s32 $0x1B400, s16;
	[tilespmem:s16+$0x1B400] =	vst v3  }
0x259: {  	v3 =	vld [tilespmem:s18+$0x10]  }
0x25a: {  	v57 =	vld [tilespmem:s15+$0x6410];
	_ =	sdelay $0x4  }
0x25b: {  	v3 =	vadd.f32 v57, v3;
	_ =	sdelay $0x1  }
0x25c: {  	[tilespmem:s18+$0x10] =	vst v3;
	v3 =	vld [tilespmem:s18+$0x20]  }
0x25d: {  	v58 =	vld [tilespmem:s15+$0x6420];
	_ =	sdelay $0x4  }
0x25e: {  	v3 =	vadd.f32 v58, v3;
	_ =	sdelay $0x1  }
0x25f: {  	[tilespmem:s18+$0x20] =	vst v3;
	v3 =	vld [tilespmem:s18+$0x30]  }
0x260: {  	v59 =	vld [tilespmem:s15+$0x6430];
	_ =	sdelay $0x4  }
0x261: {  	v3 =	vadd.f32 v59, v3;
	_ =	sdelay $0x1  }
0x262: {  	[tilespmem:s18+$0x30] =	vst v3;
	v3 =	vld [tilespmem:s18+$0x40]  }
0x263: {  	v60 =	vld [tilespmem:s15+$0x6440];
	_ =	sdelay $0x4  }
0x264: {  	v3 =	vadd.f32 v60, v3;
	_ =	sdelay $0x1  }
0x265: {  	[tilespmem:s18+$0x40] =	vst v3;
	v3 =	vld [tilespmem:s18+$0x50]  }
0x266: {  	v61 =	vld [tilespmem:s15+$0x6450];
	_ =	sdelay $0x4  }
0x267: {  	v3 =	vadd.f32 v61, v3;
	_ =	sdelay $0x1  }
0x268: {  	[tilespmem:s18+$0x50] =	vst v3;
	v3 =	vld [tilespmem:s18+$0x60]  }
0x269: {  	v62 =	vld [tilespmem:s15+$0x6460];
	_ =	sdelay $0x4  }
0x26a: {  	v3 =	vadd.f32 v62, v3;
	_ =	sdelay $0x1  }
0x26b: {  	[tilespmem:s18+$0x60] =	vst v3;
	v3 =	vld [tilespmem:s18+$0x70]  }
0x26c: {  	v63 =	vld [tilespmem:s15+$0x6470];
	_ =	sdelay $0x1  }
0x26d: {  	p0 =	sne.s32 s0, $0xF  }
.Ltmp2:
0x26e: {  	_ = 	snop;
	(pc) =	sbr.rel @p0 .LBB2_7-.Ltmp2, $3  }
0x26f: {  	_ = 	snop  }
0x270: {  	v3 =	vadd.f32 v63, v3;
	_ =	sdelay $0x1  }
0x271: {  	s12 =	sadd.s32 $0x1, s12;
	s0 =	sadd.s32 $0x1, s0;
	s31 =	sadd.s32 $0x80, s31;
	[tilespmem:s18+$0x70] =	vst v3  }
0x272: {  	s0 =	sadd.s32 s5, s29  }
0x273: {  	s0 =	sshrl.u32 s0, $0x3  }
0x274: {  	s0 =	smul.u32 $0x300, s0  }
0x275: {  	p0 =	seq.s32 s25, $0x32  }
.Ltmp3:
0x276: {  	s0 =	sadd.s32 s4, s0;
	(pc) =	sbr.rel @p0 .LBB2_10-.Ltmp3, $4  }
0x277: {  	[hbm4b:s0+s6] =	stream.linear.scatter [tilespmem:s28], [sflag:$0x6], $0x3000, $0x38;
	[tilespmem:$0x1D000] =	vst v63  }
0x278: {  	_ =	swait.ge [sflag:s10], $0x3000  }
0x279: {  	[sflag:s10] =	ssyncset.done $0x0  }
0x27a: {  	[sflag:s10] =	ssyncadd.s32 $0xFFFFD000  }
0x27b: {  	v3 =	vld [tilespmem:s30+$0x200];
	_ =	sdelay $0x4  }
0x27c: {  	v4 =	vshrl.u32 v3, $0x3  }
0x27d: {  	v4 =	vmul.u32 $0x30, v4  }
0x27e: {  	v3 =	vand.u32 $0x7, v3  }
0x27f: {  	v3 =	vor.u32 v3, v4  }
0x280: {  	v4 =	vperm.xlane v3, v0;
	_ =	sdelay $0x1  }
0x281: {  	v4 =	vadd.s32 v1, v4;
	_ =	sdelay $0x3  }
0x282: {  	v3 =	vperm.xlane v3, v2  }
0x283: {  	[tilespmem:s20], [sflag:$0x2] =	stream.indirect_vreg.gather [hbm4b:s1+s6], $0x80, v4, vm0, $0xb8;
	[tilespmem:$0x1D000] =	vst v63  }
0x284: {  	s0 =	simm.s32 $0x17800;
	v3 =	vadd.s32 v1, v3  }
0x285: {  	[tilespmem:s0], [sflag:$0x2] =	stream.indirect_vreg.gather [hbm4b:s8+s6], $0x80, v4, vm0, $0xb8;
	[tilespmem:$0x1D000] =	vst v63  }
0x286: {  	s18 =	simm.s32 $0x18000  }
0x287: {  	[tilespmem:s18], [sflag:$0x2] =	stream.indirect_vreg.gather [hbm4b:s9+s6], $0x80, v4, vm0, $0xb8;
	[tilespmem:$0x1D000] =	vst v63  }
0x288: {  	s29 =	simm.s32 $0x18800;
	s30 =	simm.s32 $0x19000  }
0x289: {  	[tilespmem:s29], [sflag:$0x2] =	stream.indirect_vreg.gather [hbm4b:s1+s6], $0x80, v3, vm0, $0xb8;
	[tilespmem:$0x1D000] =	vst v63  }
.Ltmp4:
0x28a: {  	s31 =	simm.s32 $0x19800;
	s25 =	sadd.s32 $0x1, s25;
	(pc) =	sbr.rel .LBB2_2-.Ltmp4, $4  }
0x28b: {  	s24 =	sadd.s32 $0x30, s24;
	s23 =	sadd.s32 $0x1800, s23;
	s2 =	sadd.s32 $0x30, s2  }
0x28c: {  	[tilespmem:s30], [sflag:$0x2] =	stream.indirect_vreg.gather [hbm4b:s8+s6], $0x80, v3, vm0, $0xb8;
	[tilespmem:$0x1D000] =	vst v63  }
0x28d: {  	s11 =	sadd.s32 $0x1800, s11;
	s21 =	sadd.s32 $0x30, s21;
	s22 =	sadd.s32 $0x1800, s22  }
0x28e: {  	[tilespmem:s31], [sflag:$0x2] =	stream.indirect_vreg.gather [hbm4b:s9+s6], $0x80, v3, vm0, $0xb8;
	[tilespmem:$0x1D000] =	vst v63  }
.LBB2_10:
0x28f: {  	_ =	swait.ge [sflag:s26], $0x3000  }
0x290: {  	[sflag:s26] =	ssyncset.done $0x0  }
0x291: {  	s0 =	simm.s32 $0x0;
	s2 =	simm.s32 $0x0;
	[sflag:s26] =	ssyncadd.s32 $0xFFFFD000  }
.LBB2_11:
0x292: {  	s11 =	sor.u32 $0x990, s2  }
0x293: {  	s12 =	sand.u32 $0xFFFF, s11  }
0x294: {  	s12 =	smul.u32 $0x1A99, s12;
	_ =	sdelay $0x1  }
0x295: {  	s12 =	sshrl.u32 s12, $0x13  }
0x296: {  	s12 =	smul.u32 $0x4D, s12;
	_ =	sdelay $0x1  }
0x297: {  	s11 =	ssub.s32 s11, s12  }
0x298: {  	s15 =	sshrl.u32 s2, $0x3;
	s12 =	sand.u32 $0xFFF8, s11  }
0x299: {  	s15 =	smul.u32 $0x6000, s15;
	s12 =	sshrl.u32 s12, $0x3  }
0x29a: {  	s16 =	smul.u32 $0x6000, s12  }
0x29b: {  	s22 =	sand.u32 $0x380, s0;
	s15 =	sshra.s32 s15, $0x2;
	s11 =	sshll.u32 s11, $0x7  }
0x29c: {  	s11 =	sand.u32 $0x380, s11;
	s12 =	sor.u32 s22, s15;
	s23 =	sshrl.u32 s16, $0x2  }
0x29d: {  	v3 =	vld [tilespmem:s12+$0x14000];
	s11 =	sor.u32 s11, s23  }
0x29e: {  	v4 =	vld [tilespmem:s11+$0x5000];
	_ =	sdelay $0x4  }
0x29f: {  	v3 =	vadd.f32 v4, v3;
	_ =	sdelay $0x1  }
0x2a0: {  	s24 =	sadd.s32 $0x14000, s12;
	[tilespmem:s12+$0x14000] =	vst v3  }
0x2a1: {  	v3 =	vld [tilespmem:s24+$0x10]  }
0x2a2: {  	v17 =	vld [tilespmem:s11+$0x5010];
	_ =	sdelay $0x4  }
0x2a3: {  	v3 =	vadd.f32 v17, v3;
	_ =	sdelay $0x1  }
0x2a4: {  	[tilespmem:s24+$0x10] =	vst v3;
	v3 =	vld [tilespmem:s24+$0x20]  }
0x2a5: {  	v18 =	vld [tilespmem:s11+$0x5020];
	_ =	sdelay $0x4  }
0x2a6: {  	v3 =	vadd.f32 v18, v3;
	_ =	sdelay $0x1  }
0x2a7: {  	[tilespmem:s24+$0x20] =	vst v3;
	v3 =	vld [tilespmem:s24+$0x30]  }
0x2a8: {  	v19 =	vld [tilespmem:s11+$0x5030];
	_ =	sdelay $0x4  }
0x2a9: {  	v3 =	vadd.f32 v19, v3;
	_ =	sdelay $0x1  }
0x2aa: {  	[tilespmem:s24+$0x30] =	vst v3;
	v3 =	vld [tilespmem:s24+$0x40]  }
0x2ab: {  	v20 =	vld [tilespmem:s11+$0x5040];
	_ =	sdelay $0x4  }
0x2ac: {  	v3 =	vadd.f32 v20, v3;
	_ =	sdelay $0x1  }
0x2ad: {  	[tilespmem:s24+$0x40] =	vst v3;
	v3 =	vld [tilespmem:s24+$0x50]  }
0x2ae: {  	v21 =	vld [tilespmem:s11+$0x5050];
	_ =	sdelay $0x4  }
0x2af: {  	v3 =	vadd.f32 v21, v3;
	_ =	sdelay $0x1  }
0x2b0: {  	[tilespmem:s24+$0x50] =	vst v3;
	v3 =	vld [tilespmem:s24+$0x60]  }
0x2b1: {  	v22 =	vld [tilespmem:s11+$0x5060];
	_ =	sdelay $0x4  }
0x2b2: {  	v3 =	vadd.f32 v22, v3;
	_ =	sdelay $0x1  }
0x2b3: {  	[tilespmem:s24+$0x60] =	vst v3;
	v3 =	vld [tilespmem:s24+$0x70]  }
0x2b4: {  	v23 =	vld [tilespmem:s11+$0x5070];
	_ =	sdelay $0x4  }
0x2b5: {  	v3 =	vadd.f32 v23, v3;
	_ =	sdelay $0x1  }
0x2b6: {  	[tilespmem:s24+$0x70] =	vst v3;
	v3 =	vld [tilespmem:s24+$0x400]  }
0x2b7: {  	v24 =	vld [tilespmem:s11+$0x5400];
	_ =	sdelay $0x4  }
0x2b8: {  	v3 =	vadd.f32 v24, v3;
	_ =	sdelay $0x1  }
0x2b9: {  	[tilespmem:s24+$0x400] =	vst v3;
	v3 =	vld [tilespmem:s24+$0x410]  }
0x2ba: {  	v25 =	vld [tilespmem:s11+$0x5410];
	_ =	sdelay $0x4  }
0x2bb: {  	v3 =	vadd.f32 v25, v3;
	_ =	sdelay $0x1  }
0x2bc: {  	[tilespmem:s24+$0x410] =	vst v3;
	v3 =	vld [tilespmem:s24+$0x420]  }
0x2bd: {  	v26 =	vld [tilespmem:s11+$0x5420];
	_ =	sdelay $0x4  }
0x2be: {  	v3 =	vadd.f32 v26, v3;
	_ =	sdelay $0x1  }
0x2bf: {  	[tilespmem:s24+$0x420] =	vst v3;
	v3 =	vld [tilespmem:s24+$0x430]  }
0x2c0: {  	v27 =	vld [tilespmem:s11+$0x5430];
	_ =	sdelay $0x4  }
0x2c1: {  	v3 =	vadd.f32 v27, v3;
	_ =	sdelay $0x1  }
0x2c2: {  	[tilespmem:s24+$0x430] =	vst v3;
	v3 =	vld [tilespmem:s24+$0x440]  }
0x2c3: {  	v28 =	vld [tilespmem:s11+$0x5440];
	_ =	sdelay $0x4  }
0x2c4: {  	v3 =	vadd.f32 v28, v3;
	_ =	sdelay $0x1  }
0x2c5: {  	[tilespmem:s24+$0x440] =	vst v3;
	v3 =	vld [tilespmem:s24+$0x450]  }
0x2c6: {  	v29 =	vld [tilespmem:s11+$0x5450];
	_ =	sdelay $0x4  }
0x2c7: {  	v3 =	vadd.f32 v29, v3;
	_ =	sdelay $0x1  }
0x2c8: {  	[tilespmem:s24+$0x450] =	vst v3;
	v3 =	vld [tilespmem:s24+$0x460]  }
0x2c9: {  	v30 =	vld [tilespmem:s11+$0x5460];
	_ =	sdelay $0x4  }
0x2ca: {  	v3 =	vadd.f32 v30, v3;
	_ =	sdelay $0x1  }
0x2cb: {  	[tilespmem:s24+$0x460] =	vst v3;
	v3 =	vld [tilespmem:s24+$0x470]  }
0x2cc: {  	v31 =	vld [tilespmem:s11+$0x5470];
	_ =	sdelay $0x4  }
0x2cd: {  	v3 =	vadd.f32 v31, v3;
	_ =	sdelay $0x1  }
0x2ce: {  	[tilespmem:s24+$0x470] =	vst v3  }
0x2cf: {  	v3 =	vld [tilespmem:s12+$0x14800]  }
0x2d0: {  	v32 =	vld [tilespmem:s11+$0x5800];
	_ =	sdelay $0x4  }
0x2d1: {  	v3 =	vadd.f32 v32, v3;
	_ =	sdelay $0x1  }
0x2d2: {  	s25 =	sadd.s32 $0x14800, s12;
	[tilespmem:s12+$0x14800] =	vst v3  }
0x2d3: {  	v3 =	vld [tilespmem:s25+$0x10]  }
0x2d4: {  	v33 =	vld [tilespmem:s11+$0x5810];
	_ =	sdelay $0x4  }
0x2d5: {  	v3 =	vadd.f32 v33, v3;
	_ =	sdelay $0x1  }
0x2d6: {  	[tilespmem:s25+$0x10] =	vst v3;
	v3 =	vld [tilespmem:s25+$0x20]  }
0x2d7: {  	v34 =	vld [tilespmem:s11+$0x5820];
	_ =	sdelay $0x4  }
0x2d8: {  	v3 =	vadd.f32 v34, v3;
	_ =	sdelay $0x1  }
0x2d9: {  	[tilespmem:s25+$0x20] =	vst v3;
	v3 =	vld [tilespmem:s25+$0x30]  }
0x2da: {  	v35 =	vld [tilespmem:s11+$0x5830];
	_ =	sdelay $0x4  }
0x2db: {  	v3 =	vadd.f32 v35, v3;
	_ =	sdelay $0x1  }
0x2dc: {  	[tilespmem:s25+$0x30] =	vst v3;
	v3 =	vld [tilespmem:s25+$0x40]  }
0x2dd: {  	v36 =	vld [tilespmem:s11+$0x5840];
	_ =	sdelay $0x4  }
0x2de: {  	v3 =	vadd.f32 v36, v3;
	_ =	sdelay $0x1  }
0x2df: {  	[tilespmem:s25+$0x40] =	vst v3;
	v3 =	vld [tilespmem:s25+$0x50]  }
0x2e0: {  	v37 =	vld [tilespmem:s11+$0x5850];
	_ =	sdelay $0x4  }
0x2e1: {  	v3 =	vadd.f32 v37, v3;
	_ =	sdelay $0x1  }
0x2e2: {  	[tilespmem:s25+$0x50] =	vst v3;
	v3 =	vld [tilespmem:s25+$0x60]  }
0x2e3: {  	v38 =	vld [tilespmem:s11+$0x5860];
	_ =	sdelay $0x4  }
0x2e4: {  	v3 =	vadd.f32 v38, v3;
	_ =	sdelay $0x1  }
0x2e5: {  	[tilespmem:s25+$0x60] =	vst v3;
	v3 =	vld [tilespmem:s25+$0x70]  }
0x2e6: {  	v39 =	vld [tilespmem:s11+$0x5870];
	_ =	sdelay $0x4  }
0x2e7: {  	v3 =	vadd.f32 v39, v3;
	_ =	sdelay $0x1  }
0x2e8: {  	[tilespmem:s25+$0x70] =	vst v3  }
0x2e9: {  	v3 =	vld [tilespmem:s12+$0x14C00]  }
0x2ea: {  	v40 =	vld [tilespmem:s11+$0x5C00];
	_ =	sdelay $0x4  }
0x2eb: {  	v3 =	vadd.f32 v40, v3;
	_ =	sdelay $0x1  }
0x2ec: {  	s29 =	sadd.s32 $0x14C00, s12;
	[tilespmem:s12+$0x14C00] =	vst v3  }
0x2ed: {  	v3 =	vld [tilespmem:s29+$0x10]  }
0x2ee: {  	v41 =	vld [tilespmem:s11+$0x5C10];
	_ =	sdelay $0x4  }
0x2ef: {  	v3 =	vadd.f32 v41, v3;
	_ =	sdelay $0x1  }
0x2f0: {  	[tilespmem:s29+$0x10] =	vst v3;
	v3 =	vld [tilespmem:s29+$0x20]  }
0x2f1: {  	v42 =	vld [tilespmem:s11+$0x5C20];
	_ =	sdelay $0x4  }
0x2f2: {  	v3 =	vadd.f32 v42, v3;
	_ =	sdelay $0x1  }
0x2f3: {  	[tilespmem:s29+$0x20] =	vst v3;
	v3 =	vld [tilespmem:s29+$0x30]  }
0x2f4: {  	v43 =	vld [tilespmem:s11+$0x5C30];
	_ =	sdelay $0x4  }
0x2f5: {  	v3 =	vadd.f32 v43, v3;
	_ =	sdelay $0x1  }
0x2f6: {  	[tilespmem:s29+$0x30] =	vst v3;
	v3 =	vld [tilespmem:s29+$0x40]  }
0x2f7: {  	v44 =	vld [tilespmem:s11+$0x5C40];
	_ =	sdelay $0x4  }
0x2f8: {  	v3 =	vadd.f32 v44, v3;
	_ =	sdelay $0x1  }
0x2f9: {  	[tilespmem:s29+$0x40] =	vst v3;
	v3 =	vld [tilespmem:s29+$0x50]  }
0x2fa: {  	v45 =	vld [tilespmem:s11+$0x5C50];
	_ =	sdelay $0x4  }
0x2fb: {  	v3 =	vadd.f32 v45, v3;
	_ =	sdelay $0x1  }
0x2fc: {  	[tilespmem:s29+$0x50] =	vst v3;
	v3 =	vld [tilespmem:s29+$0x60]  }
0x2fd: {  	v46 =	vld [tilespmem:s11+$0x5C60];
	_ =	sdelay $0x4  }
0x2fe: {  	v3 =	vadd.f32 v46, v3;
	_ =	sdelay $0x1  }
0x2ff: {  	[tilespmem:s29+$0x60] =	vst v3;
	v3 =	vld [tilespmem:s29+$0x70]  }
0x300: {  	v47 =	vld [tilespmem:s11+$0x5C70];
	_ =	sdelay $0x4  }
0x301: {  	v3 =	vadd.f32 v47, v3;
	_ =	sdelay $0x1  }
0x302: {  	[tilespmem:s29+$0x70] =	vst v3  }
0x303: {  	v3 =	vld [tilespmem:s12+$0x15000]  }
0x304: {  	v48 =	vld [tilespmem:s11+$0x6000];
	_ =	sdelay $0x4  }
0x305: {  	v3 =	vadd.f32 v48, v3;
	_ =	sdelay $0x1  }
0x306: {  	s30 =	sadd.s32 $0x15000, s12;
	[tilespmem:s12+$0x15000] =	vst v3  }
0x307: {  	v3 =	vld [tilespmem:s30+$0x10]  }
0x308: {  	v49 =	vld [tilespmem:s11+$0x6010];
	_ =	sdelay $0x4  }
0x309: {  	v3 =	vadd.f32 v49, v3;
	_ =	sdelay $0x1  }
0x30a: {  	[tilespmem:s30+$0x10] =	vst v3;
	v3 =	vld [tilespmem:s30+$0x20]  }
0x30b: {  	v50 =	vld [tilespmem:s11+$0x6020];
	_ =	sdelay $0x4  }
0x30c: {  	v3 =	vadd.f32 v50, v3;
	_ =	sdelay $0x1  }
0x30d: {  	[tilespmem:s30+$0x20] =	vst v3;
	v3 =	vld [tilespmem:s30+$0x30]  }
0x30e: {  	v51 =	vld [tilespmem:s11+$0x6030];
	_ =	sdelay $0x4  }
0x30f: {  	v3 =	vadd.f32 v51, v3;
	_ =	sdelay $0x1  }
0x310: {  	[tilespmem:s30+$0x30] =	vst v3;
	v3 =	vld [tilespmem:s30+$0x40]  }
0x311: {  	v52 =	vld [tilespmem:s11+$0x6040];
	_ =	sdelay $0x4  }
0x312: {  	v3 =	vadd.f32 v52, v3;
	_ =	sdelay $0x1  }
0x313: {  	[tilespmem:s30+$0x40] =	vst v3;
	v3 =	vld [tilespmem:s30+$0x50]  }
0x314: {  	v53 =	vld [tilespmem:s11+$0x6050];
	_ =	sdelay $0x4  }
0x315: {  	v3 =	vadd.f32 v53, v3;
	_ =	sdelay $0x1  }
0x316: {  	[tilespmem:s30+$0x50] =	vst v3;
	v3 =	vld [tilespmem:s30+$0x60]  }
0x317: {  	v54 =	vld [tilespmem:s11+$0x6060];
	_ =	sdelay $0x4  }
0x318: {  	v3 =	vadd.f32 v54, v3;
	_ =	sdelay $0x1  }
0x319: {  	[tilespmem:s30+$0x60] =	vst v3;
	v3 =	vld [tilespmem:s30+$0x70]  }
0x31a: {  	v55 =	vld [tilespmem:s11+$0x6070];
	_ =	sdelay $0x4  }
0x31b: {  	v3 =	vadd.f32 v55, v3;
	_ =	sdelay $0x1  }
0x31c: {  	[tilespmem:s30+$0x70] =	vst v3  }
0x31d: {  	v3 =	vld [tilespmem:s12+$0x15400]  }
0x31e: {  	v56 =	vld [tilespmem:s11+$0x6400];
	_ =	sdelay $0x4  }
0x31f: {  	v3 =	vadd.f32 v56, v3;
	_ =	sdelay $0x1  }
0x320: {  	s31 =	sadd.s32 $0x15400, s12;
	[tilespmem:s12+$0x15400] =	vst v3  }
0x321: {  	v3 =	vld [tilespmem:s31+$0x10]  }
0x322: {  	v57 =	vld [tilespmem:s11+$0x6410];
	_ =	sdelay $0x4  }
0x323: {  	v3 =	vadd.f32 v57, v3;
	_ =	sdelay $0x1  }
0x324: {  	[tilespmem:s31+$0x10] =	vst v3;
	v3 =	vld [tilespmem:s31+$0x20]  }
0x325: {  	v58 =	vld [tilespmem:s11+$0x6420];
	_ =	sdelay $0x4  }
0x326: {  	v3 =	vadd.f32 v58, v3;
	_ =	sdelay $0x1  }
0x327: {  	[tilespmem:s31+$0x20] =	vst v3;
	v3 =	vld [tilespmem:s31+$0x30]  }
0x328: {  	v59 =	vld [tilespmem:s11+$0x6430];
	_ =	sdelay $0x4  }
0x329: {  	v3 =	vadd.f32 v59, v3;
	_ =	sdelay $0x1  }
0x32a: {  	[tilespmem:s31+$0x30] =	vst v3;
	v3 =	vld [tilespmem:s31+$0x40]  }
0x32b: {  	v60 =	vld [tilespmem:s11+$0x6440];
	_ =	sdelay $0x4  }
0x32c: {  	v3 =	vadd.f32 v60, v3;
	_ =	sdelay $0x1  }
0x32d: {  	[tilespmem:s31+$0x40] =	vst v3;
	v3 =	vld [tilespmem:s31+$0x50]  }
0x32e: {  	v61 =	vld [tilespmem:s11+$0x6450];
	_ =	sdelay $0x4  }
0x32f: {  	v3 =	vadd.f32 v61, v3;
	_ =	sdelay $0x1  }
0x330: {  	[tilespmem:s31+$0x50] =	vst v3;
	v3 =	vld [tilespmem:s31+$0x60]  }
0x331: {  	v62 =	vld [tilespmem:s11+$0x6460];
	_ =	sdelay $0x4  }
0x332: {  	v3 =	vadd.f32 v62, v3;
	_ =	sdelay $0x1  }
0x333: {  	[tilespmem:s31+$0x60] =	vst v3;
	v3 =	vld [tilespmem:s31+$0x70]  }
0x334: {  	v63 =	vld [tilespmem:s11+$0x6470];
	_ =	sdelay $0x1  }
0x335: {  	p0 =	sne.s32 s2, $0xF  }
.Ltmp5:
0x336: {  	_ = 	snop;
	(pc) =	sbr.rel @p0 .LBB2_11-.Ltmp5, $3  }
0x337: {  	_ = 	snop  }
0x338: {  	v3 =	vadd.f32 v63, v3;
	_ =	sdelay $0x1  }
0x339: {  	s0 =	sadd.s32 $0x80, s0;
	s2 =	sadd.s32 $0x1, s2;
	[tilespmem:s31+$0x70] =	vst v3  }
0x33a: {  	s0 =	rddreg [dreg:$0x6];
	s30 =	simm.s32 $0x6  }
0x33b: {  	[hbm4b:s0+s6] =	stream.linear.scatter [tilespmem:s14], [sflag:$0x4], $0x3000, $0x38;
	[tilespmem:$0x1D000] =	vst v63  }
0x33c: {  	_ =	swait.ge [sflag:s30], $0x3000  }
0x33d: {  	[sflag:s30] =	ssyncset.done $0x0  }
0x33e: {  	[sflag:s30] =	ssyncadd.s32 $0xFFFFD000  }
0x33f: {  	_ =	swait.ge [sflag:s13], $0x3000  }
0x340: {  	s2 =	rddreg [dreg:$0x8]  }
0x341: {  	s31 =	rddreg [dreg:$0x7];
	s2 =	sadd.s32 $0x1, s2  }
0x342: {  	p0 =	sne.s32 s2, s31  }
.Ltmp6:
0x343: {  	_ = 	snop;
	(pc) =	sbr.rel @p0 .LBB2_1-.Ltmp6, $3  }
0x344: {  	_ =	sdelay $0x1  }
0x345: {  	[sflag:s13] =	ssyncset.done $0x0  }
0x346: {  	[sflag:s13] =	ssyncadd.s32 $0xFFFFD000  }
0x347: {  	_ =	sfence.sel $0x180000  }
0x348: {  	[bflag:$0x0] =	sbarrier.arrive $0xFFFF  }
0x349: {  	_ =	strace $0x90000047  }
0x34a: {  	s0 =	stileid.u32;
	[bflag:$0x2] =	sbarrier.arrive $0xFFFF  }
0x34b: {  	p0 =	sne.s32 s0, $0x0;
	s0 =	rddreg [dreg:$0x4]  }
0x34c: {  	s0 =	sadd.s32 @!p0 $0x100000, s0  }
0x34d: {  	[sflag:s0] =	ssyncadd.tile.s32 @!p0 $0x1;
	_ =	shalt  }
.Lfunc_end2:
_tile_overlayer_lowered:
.L_overlay_start_2:
0x34e: {  	(tag) =	ssettag $0x2  }
0x34f: {  	s0 =	rddreg [dreg:$0x0];
	s2 =	stileid.u32  }
0x350: {  	s1 =	rddreg [dreg:$0x1];
	p0 =	sne.s32 s2, $0x0  }
0x351: {  	s3 =	rddreg [dreg:$0x2];
	[bflag:$0x3] =	sbarrier.arrive $0xFFFF;
	s2 =	simm.s32 @!p0 $0x1C07  }
0x352: {  	[timem:s3], [sflag:s2] =	dma.local @!p0 [hbm:s0], s1  }
0x353: {  	s0 =	simm.s32 @!p0 $0x7  }
0x354: {  	_ =	swait.ge @!p0 [sflag:s0], s1  }
0x355: {  	s1 =	ssub.s32 @!p0 $0x0, s1;
	[sflag:s0] =	ssyncset.done @!p0 $0x0  }
0x356: {  	[sflag:s0] =	ssyncadd.s32 @!p0 s1  }
0x357: {  	[bflag:$0x3] =	sbarrier.arrive $0xFFFF  }
0x358: {  	_ =	shalt  }

</sc_bundles>
